<compile_context>
chip_gen: v7x
topology: tpu7x:2x2x1
jax: 0.10.2.dev20260603
libtpu: 0.0.44.dev20260713+nightly
codegen_flags: <defaults>
</compile_context>

<pallas_src>
import functools

import jax
import jax.numpy as jnp
from jax import lax
from jax.experimental import pallas as pl
from jax.experimental.pallas import tpu as pltpu
from jax.experimental.pallas import tpu_sc as plsc

B_, L_, D_, H_, E_ = 2, 8192, 768, 768, 64
S_ = B_ * L_
CAP = 256
ZROW = E_ * CAP
RPAD = (E_ + 2) * CAP
TB = 1024
NB = S_ // TB
NW = 32
TW = S_ // NW
CH = 32
NCH = TW // CH
NBUF = 4
GW = 128
CNBUF = 5


def _gating_body(x_ref, wg_ref, pos_ref, gate_ref, cnt_ref, laux_ref,
                 cnt_acc, me_acc):
    i = pl.program_id(0)

    @pl.when(i == 0)
    def _():
        cnt_acc[...] = jnp.zeros_like(cnt_acc)
        me_acc[...] = jnp.zeros_like(me_acc)

    x = x_ref[...]
    logits = jnp.dot(x, wg_ref[...], preferred_element_type=jnp.float32)
    m = jnp.max(logits, axis=-1, keepdims=True)
    ex = jnp.exp(logits - m)
    gates = ex / jnp.sum(ex, axis=-1, keepdims=True)
    idx = jnp.argmax(gates, axis=-1).astype(jnp.int32)
    gmax = jnp.max(gates, axis=-1)

    eiota = lax.broadcasted_iota(jnp.int32, (TB, E_), 1)
    mask1 = (eiota == idx[:, None]).astype(jnp.float32)

    riota = lax.broadcasted_iota(jnp.int32, (TB, TB), 0)
    ciota = lax.broadcasted_iota(jnp.int32, (TB, TB), 1)
    tri = (ciota <= riota).astype(jnp.bfloat16)
    incl = jnp.dot(tri, mask1.astype(jnp.bfloat16),
                   preferred_element_type=jnp.float32)

    prior = cnt_acc[...]
    loc = jnp.sum((incl - 1.0 + prior) * mask1, axis=1)
    within = loc < float(CAP)
    locc = jnp.minimum(loc, float(CAP - 1)).astype(jnp.int32)
    pos = idx * CAP + locc
    pos_ref[...] = jnp.where(within, pos, ZROW)
    gate_ref[...] = jnp.broadcast_to(gmax[:, None], (TB, GW))

    cnt_new = prior + jnp.sum(mask1, axis=0, keepdims=True)
    cnt_acc[...] = cnt_new
    me_new = me_acc[...] + jnp.sum(gates, axis=0, keepdims=True)
    me_acc[...] = me_new

    @pl.when(i == NB - 1)
    def _():
        cnt_ref[...] = cnt_new[0].astype(jnp.int32)
        me = me_new / float(S_)
        ce = cnt_new / float(S_)
        laux_ref[...] = jnp.sum(me * ce).reshape(1, 1) * float(E_)


def _gating(x, wg):
    return pl.pallas_call(
        _gating_body,
        grid=(NB,),
        in_specs=[
            pl.BlockSpec((TB, D_), lambda i: (i, 0)),
            pl.BlockSpec((D_, E_), lambda i: (0, 0)),
        ],
        out_specs=[
            pl.BlockSpec((TB,), lambda i: (i,)),
            pl.BlockSpec((TB, GW), lambda i: (i, 0)),
            pl.BlockSpec((E_,), lambda i: (0,)),
            pl.BlockSpec((1, 1), lambda i: (0, 0)),
        ],
        out_shape=[
            jax.ShapeDtypeStruct((S_,), jnp.int32),
            jax.ShapeDtypeStruct((S_, GW), jnp.float32),
            jax.ShapeDtypeStruct((E_,), jnp.int32),
            jax.ShapeDtypeStruct((1, 1), jnp.float32),
        ],
        scratch_shapes=[
            pltpu.VMEM((1, E_), jnp.float32),
            pltpu.VMEM((1, E_), jnp.float32),
        ],
        compiler_params=pltpu.CompilerParams(
            dimension_semantics=("arbitrary",)),
    )(x, wg)


def _dispatch_body(x_hbm, pos_hbm, gate_hbm, disp_hbm, scale_hbm,
                   idx_v, gb0, gb1, gb2, gb3, xb0, xb1, xb2, xb3,
                   sem_in, sem_sc):
    nc = plsc.get_sparse_core_info().num_cores
    wid = lax.axis_index("s") * nc + lax.axis_index("c")
    base = wid * TW
    pltpu.sync_copy(pos_hbm.at[wid], idx_v)

    xb = [xb0, xb1, xb2, xb3]
    gb = [gb0, gb1, gb2, gb3]
    LOOK = NBUF - 2

    def start_in(j):
        b = j % NBUF
        return (
            pltpu.async_copy(x_hbm.at[pl.ds(base + CH * j, CH)], xb[b], sem_in),
            pltpu.async_copy(gate_hbm.at[pl.ds(base + CH * j, CH)], gb[b], sem_in),
        )

    hin = {j: start_in(j) for j in range(min(LOOK + 1, NCH))}
    hsc = {}
    sc_waited = 0
    for j in range(NCH):
        b = j % NBUF
        for h in hin[j]:
            h.wait()
        hsc[j] = (
            pltpu.async_copy(xb[b], disp_hbm.at[idx_v.at[j]], sem_sc),
            pltpu.async_copy(gb[b], scale_hbm.at[idx_v.at[j]], sem_sc),
        )
        jn = j + LOOK + 1
        if jn < NCH:
            while sc_waited < jn - NBUF + 1:
                for h in hsc[sc_waited]:
                    h.wait()
                sc_waited += 1
            hin[jn] = start_in(jn)
    while sc_waited < NCH:
        for h in hsc[sc_waited]:
            h.wait()
        sc_waited += 1


def _dispatch(x, pos3, gate):
    mesh = plsc.VectorSubcoreMesh(core_axis_name="c", subcore_axis_name="s")
    fn = functools.partial(
        pl.kernel,
        mesh=mesh,
        out_type=[
            jax.ShapeDtypeStruct((RPAD, D_), jnp.float32),
            jax.ShapeDtypeStruct((RPAD, GW), jnp.float32),
        ],
        scratch_types=(
            [pltpu.VMEM((NCH, CH), jnp.int32)]
            + [pltpu.VMEM((CH, GW), jnp.float32) for _ in range(NBUF)]
            + [pltpu.VMEM((CH, D_), jnp.float32) for _ in range(NBUF)]
            + [pltpu.SemaphoreType.DMA, pltpu.SemaphoreType.DMA]
        ),
    )(_dispatch_body)
    return fn(x, pos3, gate)


def _mlp_body(d_ref, w1_ref, b1_ref, w2_ref, b2_ref, s_ref, o_ref):
    e = pl.program_id(0)

    @pl.when(e < E_ // 2)
    def _():
        sv = s_ref[...]
        for k in range(2):
            d = d_ref[k * CAP:(k + 1) * CAP, :]
            h = jnp.dot(d, w1_ref[k], preferred_element_type=jnp.float32)
            h = jnp.maximum(h + b1_ref[k], 0.0)
            o = jnp.dot(h, w2_ref[k], preferred_element_type=jnp.float32)
            o = o + b2_ref[k]
            o_ref[k * CAP:(k + 1) * CAP, :] = o * sv[k * CAP:(k + 1) * CAP, 0:1]

    @pl.when(e == E_ // 2)
    def _():
        o_ref[...] = jnp.zeros_like(o_ref)


def _mlp(disp, w1, b1, w2, b2, scale):
    ew3 = lambda e: (jnp.minimum(e, E_ // 2 - 1), 0, 0)
    return pl.pallas_call(
        _mlp_body,
        grid=(E_ // 2 + 1,),
        in_specs=[
            pl.BlockSpec((2 * CAP, D_), lambda e: (e, 0)),
            pl.BlockSpec((2, D_, H_), ew3),
            pl.BlockSpec((2, 1, H_), ew3),
            pl.BlockSpec((2, H_, D_), ew3),
            pl.BlockSpec((2, 1, D_), ew3),
            pl.BlockSpec((2 * CAP, GW), lambda e: (e, 0)),
        ],
        out_specs=pl.BlockSpec((2 * CAP, D_), lambda e: (e, 0)),
        out_shape=jax.ShapeDtypeStruct((RPAD, D_), jnp.float32),
        compiler_params=pltpu.CompilerParams(
            dimension_semantics=("parallel",)),
    )(disp, w1, b1.reshape(E_, 1, H_), w2, b2.reshape(E_, 1, D_), scale)


def _combine_body(eo_hbm, pos_hbm, out_hbm, idx_v, buf0, buf1, buf2, buf3,
                  buf4, sem_g, sem_o):
    nc = plsc.get_sparse_core_info().num_cores
    wid = lax.axis_index("s") * nc + lax.axis_index("c")
    base = wid * TW
    pltpu.sync_copy(pos_hbm.at[wid], idx_v)

    buf = [buf0, buf1, buf2, buf3, buf4]
    LOOK = CNBUF - 2

    def start_g(j):
        return pltpu.async_copy(eo_hbm.at[idx_v.at[j]], buf[j % CNBUF], sem_g)

    hg = {j: start_g(j) for j in range(min(LOOK + 1, NCH))}
    ho = {}
    o_waited = 0
    for j in range(NCH):
        b = j % CNBUF
        hg[j].wait()
        ho[j] = pltpu.async_copy(buf[b], out_hbm.at[pl.ds(base + CH * j, CH)],
                                 sem_o)
        jn = j + LOOK + 1
        if jn < NCH:
            while o_waited < jn - CNBUF + 1:
                ho[o_waited].wait()
                o_waited += 1
            hg[jn] = start_g(jn)
    while o_waited < NCH:
        ho[o_waited].wait()
        o_waited += 1


def _combine(eo, pos3):
    mesh = plsc.VectorSubcoreMesh(core_axis_name="c", subcore_axis_name="s")
    fn = functools.partial(
        pl.kernel,
        mesh=mesh,
        out_type=jax.ShapeDtypeStruct((S_, D_), jnp.float32),
        scratch_types=(
            [pltpu.VMEM((NCH, CH), jnp.int32)]
            + [pltpu.VMEM((CH, D_), jnp.float32) for _ in range(CNBUF)]
            + [pltpu.SemaphoreType.DMA, pltpu.SemaphoreType.DMA]
        ),
    )(_combine_body)
    return fn(eo, pos3)


def kernel(hidden_states, wg, w1, b1, w2, b2):
    x = hidden_states.reshape(S_, D_)
    pos, gate, counts, laux = _gating(x, wg)
    pos3 = pos.reshape(NW, NCH, CH)
    disp, scale = _dispatch(x, pos3, gate)
    eo = _mlp(disp, w1, b1, w2, b2, scale)
    out = _combine(eo, pos3)
    return out.reshape(B_, L_, D_), laux.reshape(()), counts

# --- scband reference (transcript-rebuilt; emitter-appended) ---
"""Pipeline reference for scband-micro-batch-pipe-mo-e-12670153523445 (READ-ONLY COPY).

The authoritative reference and input builder live on the scoring server;
editing this copy changes nothing except your own understanding.
"""

import jax, jax.numpy as jnp
import numpy as np

B, L, D, H, E, K = 2, 8192, 768, 768, 64, 1
CAPACITY_FACTOR, MIN_CAPACITY = 1.0, 4


def setup_inputs(seed: int = 0) -> dict:
    key = jax.random.key(seed)
    ks = jax.random.split(key, 5)
    return {
        "hidden_states": jax.random.normal(ks[0], (B, L, D), dtype=jnp.float32),
        "wg": jax.random.normal(ks[1], (D, E), dtype=jnp.float32) * 0.02,
        "w1": jax.random.normal(ks[2], (E, D, H), dtype=jnp.float32) * 0.02,
        "b1": jnp.zeros((E, H), dtype=jnp.float32),
        "w2": jax.random.normal(ks[3], (E, H, D), dtype=jnp.float32) * 0.02,
        "b2": jnp.zeros((E, D), dtype=jnp.float32),
    }


def _moe_forward(hidden_states, wg, w1, b1, w2, b2):
    S = B * L
    capacity = max(int(CAPACITY_FACTOR * K * S / E), MIN_CAPACITY)
    x = hidden_states.reshape(S, D)
    # --- top-1 gate (DeepSpeed top1gating, fix_capacity) ---
    logits = x @ wg
    gates = jax.nn.softmax(logits, axis=-1)
    idx = jnp.argmax(gates, axis=-1)
    mask1 = jax.nn.one_hot(idx, E, dtype=jnp.float32)
    me = jnp.mean(gates, axis=0)
    ce = jnp.mean(mask1, axis=0)
    l_aux = jnp.sum(me * ce) * E
    exp_counts = jnp.sum(mask1, axis=0).astype(jnp.int32)
    # position of each token within its expert's buffer
    locations = jnp.cumsum(mask1, axis=0) - 1.0
    loc_s = jnp.sum(locations * mask1, axis=1).astype(jnp.int32)
    within = (loc_s < capacity).astype(jnp.float32)  # capacity drop
    gate_s = jnp.sum(gates * mask1, axis=1)
    pos = idx.astype(jnp.int32) * capacity + jnp.clip(loc_s, 0, capacity - 1)
    # --- dispatch (scatter-add into expert buffers) ---
    dispatched = jnp.zeros((E * capacity, D), dtype=jnp.float32).at[pos].add(x * within[:, None])
    dispatched = dispatched.reshape(E, capacity, D)
    # --- experts (per-expert MLP, ConExperts) ---
    h = jax.nn.relu(jnp.einsum('ecd,edh->ech', dispatched, w1) + b1[:, None, :])
    eo = jnp.einsum('ech,ehd->ecd', h, w2) + b2[:, None, :]
    # --- combine (gather back, weighted by gate prob) ---
    eo_flat = eo.reshape(E * capacity, D)
    out = jnp.take(eo_flat, pos, axis=0) * (gate_s * within)[:, None]
    return out.reshape(B, L, D), l_aux, exp_counts


def reference(hidden_states, wg, w1, b1, w2, b2):
    return _moe_forward(hidden_states, wg, w1, b1, w2, b2)

if __name__ == "__main__":
    import jax
    _d = setup_inputs()
    print(jax.jit(kernel)(*tuple(_d.values())))

</pallas_src>

<mosaic_0001>
#map = affine_map<(d0, d1) -> (0, 0)>
#map1 = affine_map<(d0, d1) -> (0, 0, 0)>
module attributes {stable_mosaic.version = 14 : i64} {
  func.func @_dispatch_body(%arg0: i32, %arg1: i32, %arg2: memref<16384x768xf32, #tpu.memory_space<hbm>>, %arg3: memref<32x16x32xi32, #tpu.memory_space<hbm>>, %arg4: memref<16384x128xf32, #tpu.memory_space<hbm>>, %arg5: memref<16896x768xf32, #tpu.memory_space<hbm>>, %arg6: memref<16896x128xf32, #tpu.memory_space<hbm>>, %arg7: memref<16x32xi32, #tpu.memory_space<vmem>>, %arg8: memref<32x128xf32, #tpu.memory_space<vmem>>, %arg9: memref<32x128xf32, #tpu.memory_space<vmem>>, %arg10: memref<32x128xf32, #tpu.memory_space<vmem>>, %arg11: memref<32x128xf32, #tpu.memory_space<vmem>>, %arg12: memref<32x768xf32, #tpu.memory_space<vmem>>, %arg13: memref<32x768xf32, #tpu.memory_space<vmem>>, %arg14: memref<32x768xf32, #tpu.memory_space<vmem>>, %arg15: memref<32x768xf32, #tpu.memory_space<vmem>>, %arg16: memref<!tpu.dma_semaphore, #tpu.memory_space<semaphore_mem>>, %arg17: memref<!tpu.dma_semaphore, #tpu.memory_space<semaphore_mem>>) attributes {dimension_semantics = [#tpu.dimension_semantics<core_parallel>, #tpu.dimension_semantics<subcore_parallel>], iteration_bounds = array<i64: 2, 16>, scalar_prefetch = 0 : i64, scratch_operands = 11 : i64, tpu.core_type = #tpu.core_type<sc_vector_subcore>, window_params = [{transform_indices = #map}, {transform_indices = #map1}, {transform_indices = #map}, {transform_indices = #map}, {transform_indices = #map}]} {
    %mul3A = arith.constant 2 : i32
    %mul3A_0 = arith.muli %arg1, %mul3A : i32
    %add3A = arith.addi %mul3A_0, %arg0 : i32
    %mul3A_1 = arith.constant 512 : i32
    %mul3A_2 = arith.muli %add3A, %mul3A_1 : i32
    "tpu.region"() ({
      %run_scoped3A = tpu.sem_alloc : memref<!tpu.dma_semaphore, #tpu.memory_space<semaphore_mem>>
      %dma_start3A_769 = arith.constant 0 : i32
      %dma_start3A_770 = arith.constant 0 : i32
      %dma_start3A_771 = tpu.memref_slice %arg3[%add3A, %dma_start3A_769, %dma_start3A_770] : memref<32x16x32xi32, #tpu.memory_space<hbm>> -> memref<1x16x32xi32, #tpu.memory_space<hbm>>
      %dma_start3A_772 = tpu.memref_squeeze %dma_start3A_771 : memref<1x16x32xi32, #tpu.memory_space<hbm>> -> memref<16x32xi32, #tpu.memory_space<hbm>>
      %dma_start3A_773 = arith.constant 0 : i32
      %dma_start3A_774 = arith.constant 0 : i32
      %dma_start3A_775 = tpu.memref_slice %arg3[%add3A, %dma_start3A_773, %dma_start3A_774] : memref<32x16x32xi32, #tpu.memory_space<hbm>> -> memref<1x16x32xi32, #tpu.memory_space<hbm>>
      %dma_start3A_776 = tpu.memref_squeeze %dma_start3A_775 : memref<1x16x32xi32, #tpu.memory_space<hbm>> -> memref<16x32xi32, #tpu.memory_space<hbm>>
      tpu.enqueue_dma source(%dma_start3A_776 : memref<16x32xi32, #tpu.memory_space<hbm>>) target(%arg7 : memref<16x32xi32, #tpu.memory_space<vmem>>) target_semaphore(%run_scoped3A : memref<!tpu.dma_semaphore, #tpu.memory_space<semaphore_mem>>)
      %dma_wait3A_777 = arith.constant 0 : i32
      %dma_wait3A_778 = arith.constant 0 : i32
      %dma_wait3A_779 = tpu.memref_slice %arg3[%add3A, %dma_wait3A_777, %dma_wait3A_778] : memref<32x16x32xi32, #tpu.memory_space<hbm>> -> memref<1x16x32xi32, #tpu.memory_space<hbm>>
      %dma_wait3A_780 = tpu.memref_squeeze %dma_wait3A_779 : memref<1x16x32xi32, #tpu.memory_space<hbm>> -> memref<16x32xi32, #tpu.memory_space<hbm>>
      %dma_wait3A_781 = arith.constant 0 : i32
      %dma_wait3A_782 = arith.constant 0 : i32
      %dma_wait3A_783 = tpu.memref_slice %arg3[%add3A, %dma_wait3A_781, %dma_wait3A_782] : memref<32x16x32xi32, #tpu.memory_space<hbm>> -> memref<1x16x32xi32, #tpu.memory_space<hbm>>
      %dma_wait3A_784 = tpu.memref_squeeze %dma_wait3A_783 : memref<1x16x32xi32, #tpu.memory_space<hbm>> -> memref<16x32xi32, #tpu.memory_space<hbm>>
      tpu.wait_dma2 semaphore(%run_scoped3A : memref<!tpu.dma_semaphore, #tpu.memory_space<semaphore_mem>>) src(%dma_wait3A_784 : memref<16x32xi32, #tpu.memory_space<hbm>>) dst(%arg7 : memref<16x32xi32, #tpu.memory_space<vmem>>)
      tpu.yield
    }) : () -> ()
    %add3A_3 = arith.constant 0 : i32
    %add3A_4 = arith.addi %mul3A_2, %add3A_3 : i32
    %dma_start3A = arith.constant 0 : i32
    %dma_start3A_5 = tpu.memref_slice %arg2[%add3A_4, %dma_start3A] : memref<16384x768xf32, #tpu.memory_space<hbm>> -> memref<32x768xf32, #tpu.memory_space<hbm>>
    %dma_start3A_6 = arith.constant 0 : i32
    %dma_start3A_7 = tpu.memref_slice %arg2[%add3A_4, %dma_start3A_6] : memref<16384x768xf32, #tpu.memory_space<hbm>> -> memref<32x768xf32, #tpu.memory_space<hbm>>
    tpu.enqueue_dma source(%dma_start3A_7 : memref<32x768xf32, #tpu.memory_space<hbm>>) target(%arg12 : memref<32x768xf32, #tpu.memory_space<vmem>>) target_semaphore(%arg16 : memref<!tpu.dma_semaphore, #tpu.memory_space<semaphore_mem>>)
    %add3A_8 = arith.constant 0 : i32
    %add3A_9 = arith.addi %mul3A_2, %add3A_8 : i32
    %dma_start3A_10 = arith.constant 0 : i32
    %dma_start3A_11 = tpu.memref_slice %arg4[%add3A_9, %dma_start3A_10] : memref<16384x128xf32, #tpu.memory_space<hbm>> -> memref<32x128xf32, #tpu.memory_space<hbm>>
    %dma_start3A_12 = arith.constant 0 : i32
    %dma_start3A_13 = tpu.memref_slice %arg4[%add3A_9, %dma_start3A_12] : memref<16384x128xf32, #tpu.memory_space<hbm>> -> memref<32x128xf32, #tpu.memory_space<hbm>>
    tpu.enqueue_dma source(%dma_start3A_13 : memref<32x128xf32, #tpu.memory_space<hbm>>) target(%arg8 : memref<32x128xf32, #tpu.memory_space<vmem>>) target_semaphore(%arg16 : memref<!tpu.dma_semaphore, #tpu.memory_space<semaphore_mem>>)
    %add3A_14 = arith.constant 32 : i32
    %add3A_15 = arith.addi %mul3A_2, %add3A_14 : i32
    %dma_start3A_16 = arith.constant 0 : i32
    %dma_start3A_17 = tpu.memref_slice %arg2[%add3A_15, %dma_start3A_16] : memref<16384x768xf32, #tpu.memory_space<hbm>> -> memref<32x768xf32, #tpu.memory_space<hbm>>
    %dma_start3A_18 = arith.constant 0 : i32
    %dma_start3A_19 = tpu.memref_slice %arg2[%add3A_15, %dma_start3A_18] : memref<16384x768xf32, #tpu.memory_space<hbm>> -> memref<32x768xf32, #tpu.memory_space<hbm>>
    tpu.enqueue_dma source(%dma_start3A_19 : memref<32x768xf32, #tpu.memory_space<hbm>>) target(%arg13 : memref<32x768xf32, #tpu.memory_space<vmem>>) target_semaphore(%arg16 : memref<!tpu.dma_semaphore, #tpu.memory_space<semaphore_mem>>)
    %add3A_20 = arith.constant 32 : i32
    %add3A_21 = arith.addi %mul3A_2, %add3A_20 : i32
    %dma_start3A_22 = arith.constant 0 : i32
    %dma_start3A_23 = tpu.memref_slice %arg4[%add3A_21, %dma_start3A_22] : memref<16384x128xf32, #tpu.memory_space<hbm>> -> memref<32x128xf32, #tpu.memory_space<hbm>>
    %dma_start3A_24 = arith.constant 0 : i32
    %dma_start3A_25 = tpu.memref_slice %arg4[%add3A_21, %dma_start3A_24] : memref<16384x128xf32, #tpu.memory_space<hbm>> -> memref<32x128xf32, #tpu.memory_space<hbm>>
    tpu.enqueue_dma source(%dma_start3A_25 : memref<32x128xf32, #tpu.memory_space<hbm>>) target(%arg9 : memref<32x128xf32, #tpu.memory_space<vmem>>) target_semaphore(%arg16 : memref<!tpu.dma_semaphore, #tpu.memory_space<semaphore_mem>>)
    %add3A_26 = arith.constant 64 : i32
    %add3A_27 = arith.addi %mul3A_2, %add3A_26 : i32
    %dma_start3A_28 = arith.constant 0 : i32
    %dma_start3A_29 = tpu.memref_slice %arg2[%add3A_27, %dma_start3A_28] : memref<16384x768xf32, #tpu.memory_space<hbm>> -> memref<32x768xf32, #tpu.memory_space<hbm>>
    %dma_start3A_30 = arith.constant 0 : i32
    %dma_start3A_31 = tpu.memref_slice %arg2[%add3A_27, %dma_start3A_30] : memref<16384x768xf32, #tpu.memory_space<hbm>> -> memref<32x768xf32, #tpu.memory_space<hbm>>
    tpu.enqueue_dma source(%dma_start3A_31 : memref<32x768xf32, #tpu.memory_space<hbm>>) target(%arg14 : memref<32x768xf32, #tpu.memory_space<vmem>>) target_semaphore(%arg16 : memref<!tpu.dma_semaphore, #tpu.memory_space<semaphore_mem>>)
    %add3A_32 = arith.constant 64 : i32
    %add3A_33 = arith.addi %mul3A_2, %add3A_32 : i32
    %dma_start3A_34 = arith.constant 0 : i32
    %dma_start3A_35 = tpu.memref_slice %arg4[%add3A_33, %dma_start3A_34] : memref<16384x128xf32, #tpu.memory_space<hbm>> -> memref<32x128xf32, #tpu.memory_space<hbm>>
    %dma_start3A_36 = arith.constant 0 : i32
    %dma_start3A_37 = tpu.memref_slice %arg4[%add3A_33, %dma_start3A_36] : memref<16384x128xf32, #tpu.memory_space<hbm>> -> memref<32x128xf32, #tpu.memory_space<hbm>>
    tpu.enqueue_dma source(%dma_start3A_37 : memref<32x128xf32, #tpu.memory_space<hbm>>) target(%arg10 : memref<32x128xf32, #tpu.memory_space<vmem>>) target_semaphore(%arg16 : memref<!tpu.dma_semaphore, #tpu.memory_space<semaphore_mem>>)
    %dma_wait3A = arith.constant 0 : i32
    %dma_wait3A_38 = tpu.memref_slice %arg2[%add3A_4, %dma_wait3A] : memref<16384x768xf32, #tpu.memory_space<hbm>> -> memref<32x768xf32, #tpu.memory_space<hbm>>
    %dma_wait3A_39 = arith.constant 0 : i32
    %dma_wait3A_40 = tpu.memref_slice %arg2[%add3A_4, %dma_wait3A_39] : memref<16384x768xf32, #tpu.memory_space<hbm>> -> memref<32x768xf32, #tpu.memory_space<hbm>>
    tpu.wait_dma2 semaphore(%arg16 : memref<!tpu.dma_semaphore, #tpu.memory_space<semaphore_mem>>) src(%dma_wait3A_40 : memref<32x768xf32, #tpu.memory_space<hbm>>) dst(%arg12 : memref<32x768xf32, #tpu.memory_space<vmem>>)
    %dma_wait3A_41 = arith.constant 0 : i32
    %dma_wait3A_42 = tpu.memref_slice %arg4[%add3A_9, %dma_wait3A_41] : memref<16384x128xf32, #tpu.memory_space<hbm>> -> memref<32x128xf32, #tpu.memory_space<hbm>>
    %dma_wait3A_43 = arith.constant 0 : i32
    %dma_wait3A_44 = tpu.memref_slice %arg4[%add3A_9, %dma_wait3A_43] : memref<16384x128xf32, #tpu.memory_space<hbm>> -> memref<32x128xf32, #tpu.memory_space<hbm>>
    tpu.wait_dma2 semaphore(%arg16 : memref<!tpu.dma_semaphore, #tpu.memory_space<semaphore_mem>>) src(%dma_wait3A_44 : memref<32x128xf32, #tpu.memory_space<hbm>>) dst(%arg8 : memref<32x128xf32, #tpu.memory_space<vmem>>)
    %dma_start3A_45 = arith.constant 0 : i32
    %dma_start3A_46 = arith.constant 0 : i32
    %dma_start3A_47 = tpu.memref_slice %arg7[%dma_start3A_45, %dma_start3A_46] : memref<16x32xi32, #tpu.memory_space<vmem>> -> memref<1x32xi32, #tpu.memory_space<vmem>>
    %dma_start3A_48 = tpu.memref_squeeze %dma_start3A_47 : memref<1x32xi32, #tpu.memory_space<vmem>> -> memref<32xi32, #tpu.memory_space<vmem>>
    %dma_start3A_49 = arith.constant 0 : i32
    %dma_start3A_50 = arith.constant 0 : i32
    %dma_start3A_51 = tpu.memref_slice %arg5[%dma_start3A_49, %dma_start3A_50] : memref<16896x768xf32, #tpu.memory_space<hbm>> -> memref<16896x768xf32, #tpu.memory_space<hbm>>
    tpu.enqueue_indirect_dma source(%arg12 : memref<32x768xf32, #tpu.memory_space<vmem>>) target(%dma_start3A_51 : memref<16896x768xf32, #tpu.memory_space<hbm>>) offsets(%dma_start3A_48 : memref<32xi32, #tpu.memory_space<vmem>>) semaphore(%arg17 : memref<!tpu.dma_semaphore, #tpu.memory_space<semaphore_mem>>)
    %dma_start3A_52 = arith.constant 0 : i32
    %dma_start3A_53 = arith.constant 0 : i32
    %dma_start3A_54 = tpu.memref_slice %arg7[%dma_start3A_52, %dma_start3A_53] : memref<16x32xi32, #tpu.memory_space<vmem>> -> memref<1x32xi32, #tpu.memory_space<vmem>>
    %dma_start3A_55 = tpu.memref_squeeze %dma_start3A_54 : memref<1x32xi32, #tpu.memory_space<vmem>> -> memref<32xi32, #tpu.memory_space<vmem>>
    %dma_start3A_56 = arith.constant 0 : i32
    %dma_start3A_57 = arith.constant 0 : i32
    %dma_start3A_58 = tpu.memref_slice %arg6[%dma_start3A_56, %dma_start3A_57] : memref<16896x128xf32, #tpu.memory_space<hbm>> -> memref<16896x128xf32, #tpu.memory_space<hbm>>
    tpu.enqueue_indirect_dma source(%arg8 : memref<32x128xf32, #tpu.memory_space<vmem>>) target(%dma_start3A_58 : memref<16896x128xf32, #tpu.memory_space<hbm>>) offsets(%dma_start3A_55 : memref<32xi32, #tpu.memory_space<vmem>>) semaphore(%arg17 : memref<!tpu.dma_semaphore, #tpu.memory_space<semaphore_mem>>)
    %add3A_59 = arith.constant 96 : i32
    %add3A_60 = arith.addi %mul3A_2, %add3A_59 : i32
    %dma_start3A_61 = arith.constant 0 : i32
    %dma_start3A_62 = tpu.memref_slice %arg2[%add3A_60, %dma_start3A_61] : memref<16384x768xf32, #tpu.memory_space<hbm>> -> memref<32x768xf32, #tpu.memory_space<hbm>>
    %dma_start3A_63 = arith.constant 0 : i32
    %dma_start3A_64 = tpu.memref_slice %arg2[%add3A_60, %dma_start3A_63] : memref<16384x768xf32, #tpu.memory_space<hbm>> -> memref<32x768xf32, #tpu.memory_space<hbm>>
    tpu.enqueue_dma source(%dma_start3A_64 : memref<32x768xf32, #tpu.memory_space<hbm>>) target(%arg15 : memref<32x768xf32, #tpu.memory_space<vmem>>) target_semaphore(%arg16 : memref<!tpu.dma_semaphore, #tpu.memory_space<semaphore_mem>>)
    %add3A_65 = arith.constant 96 : i32
    %add3A_66 = arith.addi %mul3A_2, %add3A_65 : i32
    %dma_start3A_67 = arith.constant 0 : i32
    %dma_start3A_68 = tpu.memref_slice %arg4[%add3A_66, %dma_start3A_67] : memref<16384x128xf32, #tpu.memory_space<hbm>> -> memref<32x128xf32, #tpu.memory_space<hbm>>
    %dma_start3A_69 = arith.constant 0 : i32
    %dma_start3A_70 = tpu.memref_slice %arg4[%add3A_66, %dma_start3A_69] : memref<16384x128xf32, #tpu.memory_space<hbm>> -> memref<32x128xf32, #tpu.memory_space<hbm>>
    tpu.enqueue_dma source(%dma_start3A_70 : memref<32x128xf32, #tpu.memory_space<hbm>>) target(%arg11 : memref<32x128xf32, #tpu.memory_space<vmem>>) target_semaphore(%arg16 : memref<!tpu.dma_semaphore, #tpu.memory_space<semaphore_mem>>)
    %dma_wait3A_71 = arith.constant 0 : i32
    %dma_wait3A_72 = tpu.memref_slice %arg2[%add3A_15, %dma_wait3A_71] : memref<16384x768xf32, #tpu.memory_space<hbm>> -> memref<32x768xf32, #tpu.memory_space<hbm>>
    %dma_wait3A_73 = arith.constant 0 : i32
    %dma_wait3A_74 = tpu.memref_slice %arg2[%add3A_15, %dma_wait3A_73] : memref<16384x768xf32, #tpu.memory_space<hbm>> -> memref<32x768xf32, #tpu.memory_space<hbm>>
    tpu.wait_dma2 semaphore(%arg16 : memref<!tpu.dma_semaphore, #tpu.memory_space<semaphore_mem>>) src(%dma_wait3A_74 : memref<32x768xf32, #tpu.memory_space<hbm>>) dst(%arg13 : memref<32x768xf32, #tpu.memory_space<vmem>>)
    %dma_wait3A_75 = arith.constant 0 : i32
    %dma_wait3A_76 = tpu.memref_slice %arg4[%add3A_21, %dma_wait3A_75] : memref<16384x128xf32, #tpu.memory_space<hbm>> -> memref<32x128xf32, #tpu.memory_space<hbm>>
    %dma_wait3A_77 = arith.constant 0 : i32
    %dma_wait3A_78 = tpu.memref_slice %arg4[%add3A_21, %dma_wait3A_77] : memref<16384x128xf32, #tpu.memory_space<hbm>> -> memref<32x128xf32, #tpu.memory_space<hbm>>
    tpu.wait_dma2 semaphore(%arg16 : memref<!tpu.dma_semaphore, #tpu.memory_space<semaphore_mem>>) src(%dma_wait3A_78 : memref<32x128xf32, #tpu.memory_space<hbm>>) dst(%arg9 : memref<32x128xf32, #tpu.memory_space<vmem>>)
    %dma_start3A_79 = arith.constant 1 : i32
    %dma_start3A_80 = arith.constant 0 : i32
    %dma_start3A_81 = tpu.memref_slice %arg7[%dma_start3A_79, %dma_start3A_80] : memref<16x32xi32, #tpu.memory_space<vmem>> -> memref<1x32xi32, #tpu.memory_space<vmem>>
    %dma_start3A_82 = tpu.memref_squeeze %dma_start3A_81 : memref<1x32xi32, #tpu.memory_space<vmem>> -> memref<32xi32, #tpu.memory_space<vmem>>
    %dma_start3A_83 = arith.constant 0 : i32
    %dma_start3A_84 = arith.constant 0 : i32
    %dma_start3A_85 = tpu.memref_slice %arg5[%dma_start3A_83, %dma_start3A_84] : memref<16896x768xf32, #tpu.memory_space<hbm>> -> memref<16896x768xf32, #tpu.memory_space<hbm>>
    tpu.enqueue_indirect_dma source(%arg13 : memref<32x768xf32, #tpu.memory_space<vmem>>) target(%dma_start3A_85 : memref<16896x768xf32, #tpu.memory_space<hbm>>) offsets(%dma_start3A_82 : memref<32xi32, #tpu.memory_space<vmem>>) semaphore(%arg17 : memref<!tpu.dma_semaphore, #tpu.memory_space<semaphore_mem>>)
    %dma_start3A_86 = arith.constant 1 : i32
    %dma_start3A_87 = arith.constant 0 : i32
    %dma_start3A_88 = tpu.memref_slice %arg7[%dma_start3A_86, %dma_start3A_87] : memref<16x32xi32, #tpu.memory_space<vmem>> -> memref<1x32xi32, #tpu.memory_space<vmem>>
    %dma_start3A_89 = tpu.memref_squeeze %dma_start3A_88 : memref<1x32xi32, #tpu.memory_space<vmem>> -> memref<32xi32, #tpu.memory_space<vmem>>
    %dma_start3A_90 = arith.constant 0 : i32
    %dma_start3A_91 = arith.constant 0 : i32
    %dma_start3A_92 = tpu.memref_slice %arg6[%dma_start3A_90, %dma_start3A_91] : memref<16896x128xf32, #tpu.memory_space<hbm>> -> memref<16896x128xf32, #tpu.memory_space<hbm>>
    tpu.enqueue_indirect_dma source(%arg9 : memref<32x128xf32, #tpu.memory_space<vmem>>) target(%dma_start3A_92 : memref<16896x128xf32, #tpu.memory_space<hbm>>) offsets(%dma_start3A_89 : memref<32xi32, #tpu.memory_space<vmem>>) semaphore(%arg17 : memref<!tpu.dma_semaphore, #tpu.memory_space<semaphore_mem>>)
    %dma_wait3A_93 = arith.constant 0 : i32
    %dma_wait3A_94 = arith.constant 0 : i32
    %dma_wait3A_95 = tpu.memref_slice %arg7[%dma_wait3A_93, %dma_wait3A_94] : memref<16x32xi32, #tpu.memory_space<vmem>> -> memref<1x32xi32, #tpu.memory_space<vmem>>
    %dma_wait3A_96 = tpu.memref_squeeze %dma_wait3A_95 : memref<1x32xi32, #tpu.memory_space<vmem>> -> memref<32xi32, #tpu.memory_space<vmem>>
    %dma_wait3A_97 = arith.constant 0 : i32
    %dma_wait3A_98 = arith.constant 0 : i32
    %dma_wait3A_99 = tpu.memref_slice %arg5[%dma_wait3A_97, %dma_wait3A_98] : memref<16896x768xf32, #tpu.memory_space<hbm>> -> memref<16896x768xf32, #tpu.memory_space<hbm>>
    tpu.wait_indirect_dma semaphore(%arg17 : memref<!tpu.dma_semaphore, #tpu.memory_space<semaphore_mem>>) src(%arg12 : memref<32x768xf32, #tpu.memory_space<vmem>>) dst(%dma_wait3A_99 : memref<16896x768xf32, #tpu.memory_space<hbm>>)
    %dma_wait3A_100 = arith.constant 0 : i32
    %dma_wait3A_101 = arith.constant 0 : i32
    %dma_wait3A_102 = tpu.memref_slice %arg7[%dma_wait3A_100, %dma_wait3A_101] : memref<16x32xi32, #tpu.memory_space<vmem>> -> memref<1x32xi32, #tpu.memory_space<vmem>>
    %dma_wait3A_103 = tpu.memref_squeeze %dma_wait3A_102 : memref<1x32xi32, #tpu.memory_space<vmem>> -> memref<32xi32, #tpu.memory_space<vmem>>
    %dma_wait3A_104 = arith.constant 0 : i32
    %dma_wait3A_105 = arith.constant 0 : i32
    %dma_wait3A_106 = tpu.memref_slice %arg6[%dma_wait3A_104, %dma_wait3A_105] : memref<16896x128xf32, #tpu.memory_space<hbm>> -> memref<16896x128xf32, #tpu.memory_space<hbm>>
    tpu.wait_indirect_dma semaphore(%arg17 : memref<!tpu.dma_semaphore, #tpu.memory_space<semaphore_mem>>) src(%arg8 : memref<32x128xf32, #tpu.memory_space<vmem>>) dst(%dma_wait3A_106 : memref<16896x128xf32, #tpu.memory_space<hbm>>)
    %add3A_107 = arith.constant 128 : i32
    %add3A_108 = arith.addi %mul3A_2, %add3A_107 : i32
    %dma_start3A_109 = arith.constant 0 : i32
    %dma_start3A_110 = tpu.memref_slice %arg2[%add3A_108, %dma_start3A_109] : memref<16384x768xf32, #tpu.memory_space<hbm>> -> memref<32x768xf32, #tpu.memory_space<hbm>>
    %dma_start3A_111 = arith.constant 0 : i32
    %dma_start3A_112 = tpu.memref_slice %arg2[%add3A_108, %dma_start3A_111] : memref<16384x768xf32, #tpu.memory_space<hbm>> -> memref<32x768xf32, #tpu.memory_space<hbm>>
    tpu.enqueue_dma source(%dma_start3A_112 : memref<32x768xf32, #tpu.memory_space<hbm>>) target(%arg12 : memref<32x768xf32, #tpu.memory_space<vmem>>) target_semaphore(%arg16 : memref<!tpu.dma_semaphore, #tpu.memory_space<semaphore_mem>>)
    %add3A_113 = arith.constant 128 : i32
    %add3A_114 = arith.addi %mul3A_2, %add3A_113 : i32
    %dma_start3A_115 = arith.constant 0 : i32
    %dma_start3A_116 = tpu.memref_slice %arg4[%add3A_114, %dma_start3A_115] : memref<16384x128xf32, #tpu.memory_space<hbm>> -> memref<32x128xf32, #tpu.memory_space<hbm>>
    %dma_start3A_117 = arith.constant 0 : i32
    %dma_start3A_118 = tpu.memref_slice %arg4[%add3A_114, %dma_start3A_117] : memref<16384x128xf32, #tpu.memory_space<hbm>> -> memref<32x128xf32, #tpu.memory_space<hbm>>
    tpu.enqueue_dma source(%dma_start3A_118 : memref<32x128xf32, #tpu.memory_space<hbm>>) target(%arg8 : memref<32x128xf32, #tpu.memory_space<vmem>>) target_semaphore(%arg16 : memref<!tpu.dma_semaphore, #tpu.memory_space<semaphore_mem>>)
    %dma_wait3A_119 = arith.constant 0 : i32
    %dma_wait3A_120 = tpu.memref_slice %arg2[%add3A_27, %dma_wait3A_119] : memref<16384x768xf32, #tpu.memory_space<hbm>> -> memref<32x768xf32, #tpu.memory_space<hbm>>
    %dma_wait3A_121 = arith.constant 0 : i32
    %dma_wait3A_122 = tpu.memref_slice %arg2[%add3A_27, %dma_wait3A_121] : memref<16384x768xf32, #tpu.memory_space<hbm>> -> memref<32x768xf32, #tpu.memory_space<hbm>>
    tpu.wait_dma2 semaphore(%arg16 : memref<!tpu.dma_semaphore, #tpu.memory_space<semaphore_mem>>) src(%dma_wait3A_122 : memref<32x768xf32, #tpu.memory_space<hbm>>) dst(%arg14 : memref<32x768xf32, #tpu.memory_space<vmem>>)
    %dma_wait3A_123 = arith.constant 0 : i32
    %dma_wait3A_124 = tpu.memref_slice %arg4[%add3A_33, %dma_wait3A_123] : memref<16384x128xf32, #tpu.memory_space<hbm>> -> memref<32x128xf32, #tpu.memory_space<hbm>>
    %dma_wait3A_125 = arith.constant 0 : i32
    %dma_wait3A_126 = tpu.memref_slice %arg4[%add3A_33, %dma_wait3A_125] : memref<16384x128xf32, #tpu.memory_space<hbm>> -> memref<32x128xf32, #tpu.memory_space<hbm>>
    tpu.wait_dma2 semaphore(%arg16 : memref<!tpu.dma_semaphore, #tpu.memory_space<semaphore_mem>>) src(%dma_wait3A_126 : memref<32x128xf32, #tpu.memory_space<hbm>>) dst(%arg10 : memref<32x128xf32, #tpu.memory_space<vmem>>)
    %dma_start3A_127 = arith.constant 2 : i32
    %dma_start3A_128 = arith.constant 0 : i32
    %dma_start3A_129 = tpu.memref_slice %arg7[%dma_start3A_127, %dma_start3A_128] : memref<16x32xi32, #tpu.memory_space<vmem>> -> memref<1x32xi32, #tpu.memory_space<vmem>>
    %dma_start3A_130 = tpu.memref_squeeze %dma_start3A_129 : memref<1x32xi32, #tpu.memory_space<vmem>> -> memref<32xi32, #tpu.memory_space<vmem>>
    %dma_start3A_131 = arith.constant 0 : i32
    %dma_start3A_132 = arith.constant 0 : i32
    %dma_start3A_133 = tpu.memref_slice %arg5[%dma_start3A_131, %dma_start3A_132] : memref<16896x768xf32, #tpu.memory_space<hbm>> -> memref<16896x768xf32, #tpu.memory_space<hbm>>
    tpu.enqueue_indirect_dma source(%arg14 : memref<32x768xf32, #tpu.memory_space<vmem>>) target(%dma_start3A_133 : memref<16896x768xf32, #tpu.memory_space<hbm>>) offsets(%dma_start3A_130 : memref<32xi32, #tpu.memory_space<vmem>>) semaphore(%arg17 : memref<!tpu.dma_semaphore, #tpu.memory_space<semaphore_mem>>)
    %dma_start3A_134 = arith.constant 2 : i32
    %dma_start3A_135 = arith.constant 0 : i32
    %dma_start3A_136 = tpu.memref_slice %arg7[%dma_start3A_134, %dma_start3A_135] : memref<16x32xi32, #tpu.memory_space<vmem>> -> memref<1x32xi32, #tpu.memory_space<vmem>>
    %dma_start3A_137 = tpu.memref_squeeze %dma_start3A_136 : memref<1x32xi32, #tpu.memory_space<vmem>> -> memref<32xi32, #tpu.memory_space<vmem>>
    %dma_start3A_138 = arith.constant 0 : i32
    %dma_start3A_139 = arith.constant 0 : i32
    %dma_start3A_140 = tpu.memref_slice %arg6[%dma_start3A_138, %dma_start3A_139] : memref<16896x128xf32, #tpu.memory_space<hbm>> -> memref<16896x128xf32, #tpu.memory_space<hbm>>
    tpu.enqueue_indirect_dma source(%arg10 : memref<32x128xf32, #tpu.memory_space<vmem>>) target(%dma_start3A_140 : memref<16896x128xf32, #tpu.memory_space<hbm>>) offsets(%dma_start3A_137 : memref<32xi32, #tpu.memory_space<vmem>>) semaphore(%arg17 : memref<!tpu.dma_semaphore, #tpu.memory_space<semaphore_mem>>)
    %dma_wait3A_141 = arith.constant 1 : i32
    %dma_wait3A_142 = arith.constant 0 : i32
    %dma_wait3A_143 = tpu.memref_slice %arg7[%dma_wait3A_141, %dma_wait3A_142] : memref<16x32xi32, #tpu.memory_space<vmem>> -> memref<1x32xi32, #tpu.memory_space<vmem>>
    %dma_wait3A_144 = tpu.memref_squeeze %dma_wait3A_143 : memref<1x32xi32, #tpu.memory_space<vmem>> -> memref<32xi32, #tpu.memory_space<vmem>>
    %dma_wait3A_145 = arith.constant 0 : i32
    %dma_wait3A_146 = arith.constant 0 : i32
    %dma_wait3A_147 = tpu.memref_slice %arg5[%dma_wait3A_145, %dma_wait3A_146] : memref<16896x768xf32, #tpu.memory_space<hbm>> -> memref<16896x768xf32, #tpu.memory_space<hbm>>
    tpu.wait_indirect_dma semaphore(%arg17 : memref<!tpu.dma_semaphore, #tpu.memory_space<semaphore_mem>>) src(%arg13 : memref<32x768xf32, #tpu.memory_space<vmem>>) dst(%dma_wait3A_147 : memref<16896x768xf32, #tpu.memory_space<hbm>>)
    %dma_wait3A_148 = arith.constant 1 : i32
    %dma_wait3A_149 = arith.constant 0 : i32
    %dma_wait3A_150 = tpu.memref_slice %arg7[%dma_wait3A_148, %dma_wait3A_149] : memref<16x32xi32, #tpu.memory_space<vmem>> -> memref<1x32xi32, #tpu.memory_space<vmem>>
    %dma_wait3A_151 = tpu.memref_squeeze %dma_wait3A_150 : memref<1x32xi32, #tpu.memory_space<vmem>> -> memref<32xi32, #tpu.memory_space<vmem>>
    %dma_wait3A_152 = arith.constant 0 : i32
    %dma_wait3A_153 = arith.constant 0 : i32
    %dma_wait3A_154 = tpu.memref_slice %arg6[%dma_wait3A_152, %dma_wait3A_153] : memref<16896x128xf32, #tpu.memory_space<hbm>> -> memref<16896x128xf32, #tpu.memory_space<hbm>>
    tpu.wait_indirect_dma semaphore(%arg17 : memref<!tpu.dma_semaphore, #tpu.memory_space<semaphore_mem>>) src(%arg9 : memref<32x128xf32, #tpu.memory_space<vmem>>) dst(%dma_wait3A_154 : memref<16896x128xf32, #tpu.memory_space<hbm>>)
    %add3A_155 = arith.constant 160 : i32
    %add3A_156 = arith.addi %mul3A_2, %add3A_155 : i32
    %dma_start3A_157 = arith.constant 0 : i32
    %dma_start3A_158 = tpu.memref_slice %arg2[%add3A_156, %dma_start3A_157] : memref<16384x768xf32, #tpu.memory_space<hbm>> -> memref<32x768xf32, #tpu.memory_space<hbm>>
    %dma_start3A_159 = arith.constant 0 : i32
    %dma_start3A_160 = tpu.memref_slice %arg2[%add3A_156, %dma_start3A_159] : memref<16384x768xf32, #tpu.memory_space<hbm>> -> memref<32x768xf32, #tpu.memory_space<hbm>>
    tpu.enqueue_dma source(%dma_start3A_160 : memref<32x768xf32, #tpu.memory_space<hbm>>) target(%arg13 : memref<32x768xf32, #tpu.memory_space<vmem>>) target_semaphore(%arg16 : memref<!tpu.dma_semaphore, #tpu.memory_space<semaphore_mem>>)
    %add3A_161 = arith.constant 160 : i32
    %add3A_162 = arith.addi %mul3A_2, %add3A_161 : i32
    %dma_start3A_163 = arith.constant 0 : i32
    %dma_start3A_164 = tpu.memref_slice %arg4[%add3A_162, %dma_start3A_163] : memref<16384x128xf32, #tpu.memory_space<hbm>> -> memref<32x128xf32, #tpu.memory_space<hbm>>
    %dma_start3A_165 = arith.constant 0 : i32
    %dma_start3A_166 = tpu.memref_slice %arg4[%add3A_162, %dma_start3A_165] : memref<16384x128xf32, #tpu.memory_space<hbm>> -> memref<32x128xf32, #tpu.memory_space<hbm>>
    tpu.enqueue_dma source(%dma_start3A_166 : memref<32x128xf32, #tpu.memory_space<hbm>>) target(%arg9 : memref<32x128xf32, #tpu.memory_space<vmem>>) target_semaphore(%arg16 : memref<!tpu.dma_semaphore, #tpu.memory_space<semaphore_mem>>)
    %dma_wait3A_167 = arith.constant 0 : i32
    %dma_wait3A_168 = tpu.memref_slice %arg2[%add3A_60, %dma_wait3A_167] : memref<16384x768xf32, #tpu.memory_space<hbm>> -> memref<32x768xf32, #tpu.memory_space<hbm>>
    %dma_wait3A_169 = arith.constant 0 : i32
    %dma_wait3A_170 = tpu.memref_slice %arg2[%add3A_60, %dma_wait3A_169] : memref<16384x768xf32, #tpu.memory_space<hbm>> -> memref<32x768xf32, #tpu.memory_space<hbm>>
    tpu.wait_dma2 semaphore(%arg16 : memref<!tpu.dma_semaphore, #tpu.memory_space<semaphore_mem>>) src(%dma_wait3A_170 : memref<32x768xf32, #tpu.memory_space<hbm>>) dst(%arg15 : memref<32x768xf32, #tpu.memory_space<vmem>>)
    %dma_wait3A_171 = arith.constant 0 : i32
    %dma_wait3A_172 = tpu.memref_slice %arg4[%add3A_66, %dma_wait3A_171] : memref<16384x128xf32, #tpu.memory_space<hbm>> -> memref<32x128xf32, #tpu.memory_space<hbm>>
    %dma_wait3A_173 = arith.constant 0 : i32
    %dma_wait3A_174 = tpu.memref_slice %arg4[%add3A_66, %dma_wait3A_173] : memref<16384x128xf32, #tpu.memory_space<hbm>> -> memref<32x128xf32, #tpu.memory_space<hbm>>
    tpu.wait_dma2 semaphore(%arg16 : memref<!tpu.dma_semaphore, #tpu.memory_space<semaphore_mem>>) src(%dma_wait3A_174 : memref<32x128xf32, #tpu.memory_space<hbm>>) dst(%arg11 : memref<32x128xf32, #tpu.memory_space<vmem>>)
    %dma_start3A_175 = arith.constant 3 : i32
    %dma_start3A_176 = arith.constant 0 : i32
    %dma_start3A_177 = tpu.memref_slice %arg7[%dma_start3A_175, %dma_start3A_176] : memref<16x32xi32, #tpu.memory_space<vmem>> -> memref<1x32xi32, #tpu.memory_space<vmem>>
    %dma_start3A_178 = tpu.memref_squeeze %dma_start3A_177 : memref<1x32xi32, #tpu.memory_space<vmem>> -> memref<32xi32, #tpu.memory_space<vmem>>
    %dma_start3A_179 = arith.constant 0 : i32
    %dma_start3A_180 = arith.constant 0 : i32
    %dma_start3A_181 = tpu.memref_slice %arg5[%dma_start3A_179, %dma_start3A_180] : memref<16896x768xf32, #tpu.memory_space<hbm>> -> memref<16896x768xf32, #tpu.memory_space<hbm>>
    tpu.enqueue_indirect_dma source(%arg15 : memref<32x768xf32, #tpu.memory_space<vmem>>) target(%dma_start3A_181 : memref<16896x768xf32, #tpu.memory_space<hbm>>) offsets(%dma_start3A_178 : memref<32xi32, #tpu.memory_space<vmem>>) semaphore(%arg17 : memref<!tpu.dma_semaphore, #tpu.memory_space<semaphore_mem>>)
    %dma_start3A_182 = arith.constant 3 : i32
    %dma_start3A_183 = arith.constant 0 : i32
    %dma_start3A_184 = tpu.memref_slice %arg7[%dma_start3A_182, %dma_start3A_183] : memref<16x32xi32, #tpu.memory_space<vmem>> -> memref<1x32xi32, #tpu.memory_space<vmem>>
    %dma_start3A_185 = tpu.memref_squeeze %dma_start3A_184 : memref<1x32xi32, #tpu.memory_space<vmem>> -> memref<32xi32, #tpu.memory_space<vmem>>
    %dma_start3A_186 = arith.constant 0 : i32
    %dma_start3A_187 = arith.constant 0 : i32
    %dma_start3A_188 = tpu.memref_slice %arg6[%dma_start3A_186, %dma_start3A_187] : memref<16896x128xf32, #tpu.memory_space<hbm>> -> memref<16896x128xf32, #tpu.memory_space<hbm>>
    tpu.enqueue_indirect_dma source(%arg11 : memref<32x128xf32, #tpu.memory_space<vmem>>) target(%dma_start3A_188 : memref<16896x128xf32, #tpu.memory_space<hbm>>) offsets(%dma_start3A_185 : memref<32xi32, #tpu.memory_space<vmem>>) semaphore(%arg17 : memref<!tpu.dma_semaphore, #tpu.memory_space<semaphore_mem>>)
    %dma_wait3A_189 = arith.constant 2 : i32
    %dma_wait3A_190 = arith.constant 0 : i32
    %dma_wait3A_191 = tpu.memref_slice %arg7[%dma_wait3A_189, %dma_wait3A_190] : memref<16x32xi32, #tpu.memory_space<vmem>> -> memref<1x32xi32, #tpu.memory_space<vmem>>
    %dma_wait3A_192 = tpu.memref_squeeze %dma_wait3A_191 : memref<1x32xi32, #tpu.memory_space<vmem>> -> memref<32xi32, #tpu.memory_space<vmem>>
    %dma_wait3A_193 = arith.constant 0 : i32
    %dma_wait3A_194 = arith.constant 0 : i32
    %dma_wait3A_195 = tpu.memref_slice %arg5[%dma_wait3A_193, %dma_wait3A_194] : memref<16896x768xf32, #tpu.memory_space<hbm>> -> memref<16896x768xf32, #tpu.memory_space<hbm>>
    tpu.wait_indirect_dma semaphore(%arg17 : memref<!tpu.dma_semaphore, #tpu.memory_space<semaphore_mem>>) src(%arg14 : memref<32x768xf32, #tpu.memory_space<vmem>>) dst(%dma_wait3A_195 : memref<16896x768xf32, #tpu.memory_space<hbm>>)
    %dma_wait3A_196 = arith.constant 2 : i32
    %dma_wait3A_197 = arith.constant 0 : i32
    %dma_wait3A_198 = tpu.memref_slice %arg7[%dma_wait3A_196, %dma_wait3A_197] : memref<16x32xi32, #tpu.memory_space<vmem>> -> memref<1x32xi32, #tpu.memory_space<vmem>>
    %dma_wait3A_199 = tpu.memref_squeeze %dma_wait3A_198 : memref<1x32xi32, #tpu.memory_space<vmem>> -> memref<32xi32, #tpu.memory_space<vmem>>
    %dma_wait3A_200 = arith.constant 0 : i32
    %dma_wait3A_201 = arith.constant 0 : i32
    %dma_wait3A_202 = tpu.memref_slice %arg6[%dma_wait3A_200, %dma_wait3A_201] : memref<16896x128xf32, #tpu.memory_space<hbm>> -> memref<16896x128xf32, #tpu.memory_space<hbm>>
    tpu.wait_indirect_dma semaphore(%arg17 : memref<!tpu.dma_semaphore, #tpu.memory_space<semaphore_mem>>) src(%arg10 : memref<32x128xf32, #tpu.memory_space<vmem>>) dst(%dma_wait3A_202 : memref<16896x128xf32, #tpu.memory_space<hbm>>)
    %add3A_203 = arith.constant 192 : i32
    %add3A_204 = arith.addi %mul3A_2, %add3A_203 : i32
    %dma_start3A_205 = arith.constant 0 : i32
    %dma_start3A_206 = tpu.memref_slice %arg2[%add3A_204, %dma_start3A_205] : memref<16384x768xf32, #tpu.memory_space<hbm>> -> memref<32x768xf32, #tpu.memory_space<hbm>>
    %dma_start3A_207 = arith.constant 0 : i32
    %dma_start3A_208 = tpu.memref_slice %arg2[%add3A_204, %dma_start3A_207] : memref<16384x768xf32, #tpu.memory_space<hbm>> -> memref<32x768xf32, #tpu.memory_space<hbm>>
    tpu.enqueue_dma source(%dma_start3A_208 : memref<32x768xf32, #tpu.memory_space<hbm>>) target(%arg14 : memref<32x768xf32, #tpu.memory_space<vmem>>) target_semaphore(%arg16 : memref<!tpu.dma_semaphore, #tpu.memory_space<semaphore_mem>>)
    %add3A_209 = arith.constant 192 : i32
    %add3A_210 = arith.addi %mul3A_2, %add3A_209 : i32
    %dma_start3A_211 = arith.constant 0 : i32
    %dma_start3A_212 = tpu.memref_slice %arg4[%add3A_210, %dma_start3A_211] : memref<16384x128xf32, #tpu.memory_space<hbm>> -> memref<32x128xf32, #tpu.memory_space<hbm>>
    %dma_start3A_213 = arith.constant 0 : i32
    %dma_start3A_214 = tpu.memref_slice %arg4[%add3A_210, %dma_start3A_213] : memref<16384x128xf32, #tpu.memory_space<hbm>> -> memref<32x128xf32, #tpu.memory_space<hbm>>
    tpu.enqueue_dma source(%dma_start3A_214 : memref<32x128xf32, #tpu.memory_space<hbm>>) target(%arg10 : memref<32x128xf32, #tpu.memory_space<vmem>>) target_semaphore(%arg16 : memref<!tpu.dma_semaphore, #tpu.memory_space<semaphore_mem>>)
    %dma_wait3A_215 = arith.constant 0 : i32
    %dma_wait3A_216 = tpu.memref_slice %arg2[%add3A_108, %dma_wait3A_215] : memref<16384x768xf32, #tpu.memory_space<hbm>> -> memref<32x768xf32, #tpu.memory_space<hbm>>
    %dma_wait3A_217 = arith.constant 0 : i32
    %dma_wait3A_218 = tpu.memref_slice %arg2[%add3A_108, %dma_wait3A_217] : memref<16384x768xf32, #tpu.memory_space<hbm>> -> memref<32x768xf32, #tpu.memory_space<hbm>>
    tpu.wait_dma2 semaphore(%arg16 : memref<!tpu.dma_semaphore, #tpu.memory_space<semaphore_mem>>) src(%dma_wait3A_218 : memref<32x768xf32, #tpu.memory_space<hbm>>) dst(%arg12 : memref<32x768xf32, #tpu.memory_space<vmem>>)
    %dma_wait3A_219 = arith.constant 0 : i32
    %dma_wait3A_220 = tpu.memref_slice %arg4[%add3A_114, %dma_wait3A_219] : memref<16384x128xf32, #tpu.memory_space<hbm>> -> memref<32x128xf32, #tpu.memory_space<hbm>>
    %dma_wait3A_221 = arith.constant 0 : i32
    %dma_wait3A_222 = tpu.memref_slice %arg4[%add3A_114, %dma_wait3A_221] : memref<16384x128xf32, #tpu.memory_space<hbm>> -> memref<32x128xf32, #tpu.memory_space<hbm>>
    tpu.wait_dma2 semaphore(%arg16 : memref<!tpu.dma_semaphore, #tpu.memory_space<semaphore_mem>>) src(%dma_wait3A_222 : memref<32x128xf32, #tpu.memory_space<hbm>>) dst(%arg8 : memref<32x128xf32, #tpu.memory_space<vmem>>)
    %dma_start3A_223 = arith.constant 4 : i32
    %dma_start3A_224 = arith.constant 0 : i32
    %dma_start3A_225 = tpu.memref_slice %arg7[%dma_start3A_223, %dma_start3A_224] : memref<16x32xi32, #tpu.memory_space<vmem>> -> memref<1x32xi32, #tpu.memory_space<vmem>>
    %dma_start3A_226 = tpu.memref_squeeze %dma_start3A_225 : memref<1x32xi32, #tpu.memory_space<vmem>> -> memref<32xi32, #tpu.memory_space<vmem>>
    %dma_start3A_227 = arith.constant 0 : i32
    %dma_start3A_228 = arith.constant 0 : i32
    %dma_start3A_229 = tpu.memref_slice %arg5[%dma_start3A_227, %dma_start3A_228] : memref<16896x768xf32, #tpu.memory_space<hbm>> -> memref<16896x768xf32, #tpu.memory_space<hbm>>
    tpu.enqueue_indirect_dma source(%arg12 : memref<32x768xf32, #tpu.memory_space<vmem>>) target(%dma_start3A_229 : memref<16896x768xf32, #tpu.memory_space<hbm>>) offsets(%dma_start3A_226 : memref<32xi32, #tpu.memory_space<vmem>>) semaphore(%arg17 : memref<!tpu.dma_semaphore, #tpu.memory_space<semaphore_mem>>)
    %dma_start3A_230 = arith.constant 4 : i32
    %dma_start3A_231 = arith.constant 0 : i32
    %dma_start3A_232 = tpu.memref_slice %arg7[%dma_start3A_230, %dma_start3A_231] : memref<16x32xi32, #tpu.memory_space<vmem>> -> memref<1x32xi32, #tpu.memory_space<vmem>>
    %dma_start3A_233 = tpu.memref_squeeze %dma_start3A_232 : memref<1x32xi32, #tpu.memory_space<vmem>> -> memref<32xi32, #tpu.memory_space<vmem>>
    %dma_start3A_234 = arith.constant 0 : i32
    %dma_start3A_235 = arith.constant 0 : i32
    %dma_start3A_236 = tpu.memref_slice %arg6[%dma_start3A_234, %dma_start3A_235] : memref<16896x128xf32, #tpu.memory_space<hbm>> -> memref<16896x128xf32, #tpu.memory_space<hbm>>
    tpu.enqueue_indirect_dma source(%arg8 : memref<32x128xf32, #tpu.memory_space<vmem>>) target(%dma_start3A_236 : memref<16896x128xf32, #tpu.memory_space<hbm>>) offsets(%dma_start3A_233 : memref<32xi32, #tpu.memory_space<vmem>>) semaphore(%arg17 : memref<!tpu.dma_semaphore, #tpu.memory_space<semaphore_mem>>)
    %dma_wait3A_237 = arith.constant 3 : i32
    %dma_wait3A_238 = arith.constant 0 : i32
    %dma_wait3A_239 = tpu.memref_slice %arg7[%dma_wait3A_237, %dma_wait3A_238] : memref<16x32xi32, #tpu.memory_space<vmem>> -> memref<1x32xi32, #tpu.memory_space<vmem>>
    %dma_wait3A_240 = tpu.memref_squeeze %dma_wait3A_239 : memref<1x32xi32, #tpu.memory_space<vmem>> -> memref<32xi32, #tpu.memory_space<vmem>>
    %dma_wait3A_241 = arith.constant 0 : i32
    %dma_wait3A_242 = arith.constant 0 : i32
    %dma_wait3A_243 = tpu.memref_slice %arg5[%dma_wait3A_241, %dma_wait3A_242] : memref<16896x768xf32, #tpu.memory_space<hbm>> -> memref<16896x768xf32, #tpu.memory_space<hbm>>
    tpu.wait_indirect_dma semaphore(%arg17 : memref<!tpu.dma_semaphore, #tpu.memory_space<semaphore_mem>>) src(%arg15 : memref<32x768xf32, #tpu.memory_space<vmem>>) dst(%dma_wait3A_243 : memref<16896x768xf32, #tpu.memory_space<hbm>>)
    %dma_wait3A_244 = arith.constant 3 : i32
    %dma_wait3A_245 = arith.constant 0 : i32
    %dma_wait3A_246 = tpu.memref_slice %arg7[%dma_wait3A_244, %dma_wait3A_245] : memref<16x32xi32, #tpu.memory_space<vmem>> -> memref<1x32xi32, #tpu.memory_space<vmem>>
    %dma_wait3A_247 = tpu.memref_squeeze %dma_wait3A_246 : memref<1x32xi32, #tpu.memory_space<vmem>> -> memref<32xi32, #tpu.memory_space<vmem>>
    %dma_wait3A_248 = arith.constant 0 : i32
    %dma_wait3A_249 = arith.constant 0 : i32
    %dma_wait3A_250 = tpu.memref_slice %arg6[%dma_wait3A_248, %dma_wait3A_249] : memref<16896x128xf32, #tpu.memory_space<hbm>> -> memref<16896x128xf32, #tpu.memory_space<hbm>>
    tpu.wait_indirect_dma semaphore(%arg17 : memref<!tpu.dma_semaphore, #tpu.memory_space<semaphore_mem>>) src(%arg11 : memref<32x128xf32, #tpu.memory_space<vmem>>) dst(%dma_wait3A_250 : memref<16896x128xf32, #tpu.memory_space<hbm>>)
    %add3A_251 = arith.constant 224 : i32
    %add3A_252 = arith.addi %mul3A_2, %add3A_251 : i32
    %dma_start3A_253 = arith.constant 0 : i32
    %dma_start3A_254 = tpu.memref_slice %arg2[%add3A_252, %dma_start3A_253] : memref<16384x768xf32, #tpu.memory_space<hbm>> -> memref<32x768xf32, #tpu.memory_space<hbm>>
    %dma_start3A_255 = arith.constant 0 : i32
    %dma_start3A_256 = tpu.memref_slice %arg2[%add3A_252, %dma_start3A_255] : memref<16384x768xf32, #tpu.memory_space<hbm>> -> memref<32x768xf32, #tpu.memory_space<hbm>>
    tpu.enqueue_dma source(%dma_start3A_256 : memref<32x768xf32, #tpu.memory_space<hbm>>) target(%arg15 : memref<32x768xf32, #tpu.memory_space<vmem>>) target_semaphore(%arg16 : memref<!tpu.dma_semaphore, #tpu.memory_space<semaphore_mem>>)
    %add3A_257 = arith.constant 224 : i32
    %add3A_258 = arith.addi %mul3A_2, %add3A_257 : i32
    %dma_start3A_259 = arith.constant 0 : i32
    %dma_start3A_260 = tpu.memref_slice %arg4[%add3A_258, %dma_start3A_259] : memref<16384x128xf32, #tpu.memory_space<hbm>> -> memref<32x128xf32, #tpu.memory_space<hbm>>
    %dma_start3A_261 = arith.constant 0 : i32
    %dma_start3A_262 = tpu.memref_slice %arg4[%add3A_258, %dma_start3A_261] : memref<16384x128xf32, #tpu.memory_space<hbm>> -> memref<32x128xf32, #tpu.memory_space<hbm>>
    tpu.enqueue_dma source(%dma_start3A_262 : memref<32x128xf32, #tpu.memory_space<hbm>>) target(%arg11 : memref<32x128xf32, #tpu.memory_space<vmem>>) target_semaphore(%arg16 : memref<!tpu.dma_semaphore, #tpu.memory_space<semaphore_mem>>)
    %dma_wait3A_263 = arith.constant 0 : i32
    %dma_wait3A_264 = tpu.memref_slice %arg2[%add3A_156, %dma_wait3A_263] : memref<16384x768xf32, #tpu.memory_space<hbm>> -> memref<32x768xf32, #tpu.memory_space<hbm>>
    %dma_wait3A_265 = arith.constant 0 : i32
    %dma_wait3A_266 = tpu.memref_slice %arg2[%add3A_156, %dma_wait3A_265] : memref<16384x768xf32, #tpu.memory_space<hbm>> -> memref<32x768xf32, #tpu.memory_space<hbm>>
    tpu.wait_dma2 semaphore(%arg16 : memref<!tpu.dma_semaphore, #tpu.memory_space<semaphore_mem>>) src(%dma_wait3A_266 : memref<32x768xf32, #tpu.memory_space<hbm>>) dst(%arg13 : memref<32x768xf32, #tpu.memory_space<vmem>>)
    %dma_wait3A_267 = arith.constant 0 : i32
    %dma_wait3A_268 = tpu.memref_slice %arg4[%add3A_162, %dma_wait3A_267] : memref<16384x128xf32, #tpu.memory_space<hbm>> -> memref<32x128xf32, #tpu.memory_space<hbm>>
    %dma_wait3A_269 = arith.constant 0 : i32
    %dma_wait3A_270 = tpu.memref_slice %arg4[%add3A_162, %dma_wait3A_269] : memref<16384x128xf32, #tpu.memory_space<hbm>> -> memref<32x128xf32, #tpu.memory_space<hbm>>
    tpu.wait_dma2 semaphore(%arg16 : memref<!tpu.dma_semaphore, #tpu.memory_space<semaphore_mem>>) src(%dma_wait3A_270 : memref<32x128xf32, #tpu.memory_space<hbm>>) dst(%arg9 : memref<32x128xf32, #tpu.memory_space<vmem>>)
    %dma_start3A_271 = arith.constant 5 : i32
    %dma_start3A_272 = arith.constant 0 : i32
    %dma_start3A_273 = tpu.memref_slice %arg7[%dma_start3A_271, %dma_start3A_272] : memref<16x32xi32, #tpu.memory_space<vmem>> -> memref<1x32xi32, #tpu.memory_space<vmem>>
    %dma_start3A_274 = tpu.memref_squeeze %dma_start3A_273 : memref<1x32xi32, #tpu.memory_space<vmem>> -> memref<32xi32, #tpu.memory_space<vmem>>
    %dma_start3A_275 = arith.constant 0 : i32
    %dma_start3A_276 = arith.constant 0 : i32
    %dma_start3A_277 = tpu.memref_slice %arg5[%dma_start3A_275, %dma_start3A_276] : memref<16896x768xf32, #tpu.memory_space<hbm>> -> memref<16896x768xf32, #tpu.memory_space<hbm>>
    tpu.enqueue_indirect_dma source(%arg13 : memref<32x768xf32, #tpu.memory_space<vmem>>) target(%dma_start3A_277 : memref<16896x768xf32, #tpu.memory_space<hbm>>) offsets(%dma_start3A_274 : memref<32xi32, #tpu.memory_space<vmem>>) semaphore(%arg17 : memref<!tpu.dma_semaphore, #tpu.memory_space<semaphore_mem>>)
    %dma_start3A_278 = arith.constant 5 : i32
    %dma_start3A_279 = arith.constant 0 : i32
    %dma_start3A_280 = tpu.memref_slice %arg7[%dma_start3A_278, %dma_start3A_279] : memref<16x32xi32, #tpu.memory_space<vmem>> -> memref<1x32xi32, #tpu.memory_space<vmem>>
    %dma_start3A_281 = tpu.memref_squeeze %dma_start3A_280 : memref<1x32xi32, #tpu.memory_space<vmem>> -> memref<32xi32, #tpu.memory_space<vmem>>
    %dma_start3A_282 = arith.constant 0 : i32
    %dma_start3A_283 = arith.constant 0 : i32
    %dma_start3A_284 = tpu.memref_slice %arg6[%dma_start3A_282, %dma_start3A_283] : memref<16896x128xf32, #tpu.memory_space<hbm>> -> memref<16896x128xf32, #tpu.memory_space<hbm>>
    tpu.enqueue_indirect_dma source(%arg9 : memref<32x128xf32, #tpu.memory_space<vmem>>) target(%dma_start3A_284 : memref<16896x128xf32, #tpu.memory_space<hbm>>) offsets(%dma_start3A_281 : memref<32xi32, #tpu.memory_space<vmem>>) semaphore(%arg17 : memref<!tpu.dma_semaphore, #tpu.memory_space<semaphore_mem>>)
    %dma_wait3A_285 = arith.constant 4 : i32
    %dma_wait3A_286 = arith.constant 0 : i32
    %dma_wait3A_287 = tpu.memref_slice %arg7[%dma_wait3A_285, %dma_wait3A_286] : memref<16x32xi32, #tpu.memory_space<vmem>> -> memref<1x32xi32, #tpu.memory_space<vmem>>
    %dma_wait3A_288 = tpu.memref_squeeze %dma_wait3A_287 : memref<1x32xi32, #tpu.memory_space<vmem>> -> memref<32xi32, #tpu.memory_space<vmem>>
    %dma_wait3A_289 = arith.constant 0 : i32
    %dma_wait3A_290 = arith.constant 0 : i32
    %dma_wait3A_291 = tpu.memref_slice %arg5[%dma_wait3A_289, %dma_wait3A_290] : memref<16896x768xf32, #tpu.memory_space<hbm>> -> memref<16896x768xf32, #tpu.memory_space<hbm>>
    tpu.wait_indirect_dma semaphore(%arg17 : memref<!tpu.dma_semaphore, #tpu.memory_space<semaphore_mem>>) src(%arg12 : memref<32x768xf32, #tpu.memory_space<vmem>>) dst(%dma_wait3A_291 : memref<16896x768xf32, #tpu.memory_space<hbm>>)
    %dma_wait3A_292 = arith.constant 4 : i32
    %dma_wait3A_293 = arith.constant 0 : i32
    %dma_wait3A_294 = tpu.memref_slice %arg7[%dma_wait3A_292, %dma_wait3A_293] : memref<16x32xi32, #tpu.memory_space<vmem>> -> memref<1x32xi32, #tpu.memory_space<vmem>>
    %dma_wait3A_295 = tpu.memref_squeeze %dma_wait3A_294 : memref<1x32xi32, #tpu.memory_space<vmem>> -> memref<32xi32, #tpu.memory_space<vmem>>
    %dma_wait3A_296 = arith.constant 0 : i32
    %dma_wait3A_297 = arith.constant 0 : i32
    %dma_wait3A_298 = tpu.memref_slice %arg6[%dma_wait3A_296, %dma_wait3A_297] : memref<16896x128xf32, #tpu.memory_space<hbm>> -> memref<16896x128xf32, #tpu.memory_space<hbm>>
    tpu.wait_indirect_dma semaphore(%arg17 : memref<!tpu.dma_semaphore, #tpu.memory_space<semaphore_mem>>) src(%arg8 : memref<32x128xf32, #tpu.memory_space<vmem>>) dst(%dma_wait3A_298 : memref<16896x128xf32, #tpu.memory_space<hbm>>)
    %add3A_299 = arith.constant 256 : i32
    %add3A_300 = arith.addi %mul3A_2, %add3A_299 : i32
    %dma_start3A_301 = arith.constant 0 : i32
    %dma_start3A_302 = tpu.memref_slice %arg2[%add3A_300, %dma_start3A_301] : memref<16384x768xf32, #tpu.memory_space<hbm>> -> memref<32x768xf32, #tpu.memory_space<hbm>>
    %dma_start3A_303 = arith.constant 0 : i32
    %dma_start3A_304 = tpu.memref_slice %arg2[%add3A_300, %dma_start3A_303] : memref<16384x768xf32, #tpu.memory_space<hbm>> -> memref<32x768xf32, #tpu.memory_space<hbm>>
    tpu.enqueue_dma source(%dma_start3A_304 : memref<32x768xf32, #tpu.memory_space<hbm>>) target(%arg12 : memref<32x768xf32, #tpu.memory_space<vmem>>) target_semaphore(%arg16 : memref<!tpu.dma_semaphore, #tpu.memory_space<semaphore_mem>>)
    %add3A_305 = arith.constant 256 : i32
    %add3A_306 = arith.addi %mul3A_2, %add3A_305 : i32
    %dma_start3A_307 = arith.constant 0 : i32
    %dma_start3A_308 = tpu.memref_slice %arg4[%add3A_306, %dma_start3A_307] : memref<16384x128xf32, #tpu.memory_space<hbm>> -> memref<32x128xf32, #tpu.memory_space<hbm>>
    %dma_start3A_309 = arith.constant 0 : i32
    %dma_start3A_310 = tpu.memref_slice %arg4[%add3A_306, %dma_start3A_309] : memref<16384x128xf32, #tpu.memory_space<hbm>> -> memref<32x128xf32, #tpu.memory_space<hbm>>
    tpu.enqueue_dma source(%dma_start3A_310 : memref<32x128xf32, #tpu.memory_space<hbm>>) target(%arg8 : memref<32x128xf32, #tpu.memory_space<vmem>>) target_semaphore(%arg16 : memref<!tpu.dma_semaphore, #tpu.memory_space<semaphore_mem>>)
    %dma_wait3A_311 = arith.constant 0 : i32
    %dma_wait3A_312 = tpu.memref_slice %arg2[%add3A_204, %dma_wait3A_311] : memref<16384x768xf32, #tpu.memory_space<hbm>> -> memref<32x768xf32, #tpu.memory_space<hbm>>
    %dma_wait3A_313 = arith.constant 0 : i32
    %dma_wait3A_314 = tpu.memref_slice %arg2[%add3A_204, %dma_wait3A_313] : memref<16384x768xf32, #tpu.memory_space<hbm>> -> memref<32x768xf32, #tpu.memory_space<hbm>>
    tpu.wait_dma2 semaphore(%arg16 : memref<!tpu.dma_semaphore, #tpu.memory_space<semaphore_mem>>) src(%dma_wait3A_314 : memref<32x768xf32, #tpu.memory_space<hbm>>) dst(%arg14 : memref<32x768xf32, #tpu.memory_space<vmem>>)
    %dma_wait3A_315 = arith.constant 0 : i32
    %dma_wait3A_316 = tpu.memref_slice %arg4[%add3A_210, %dma_wait3A_315] : memref<16384x128xf32, #tpu.memory_space<hbm>> -> memref<32x128xf32, #tpu.memory_space<hbm>>
    %dma_wait3A_317 = arith.constant 0 : i32
    %dma_wait3A_318 = tpu.memref_slice %arg4[%add3A_210, %dma_wait3A_317] : memref<16384x128xf32, #tpu.memory_space<hbm>> -> memref<32x128xf32, #tpu.memory_space<hbm>>
    tpu.wait_dma2 semaphore(%arg16 : memref<!tpu.dma_semaphore, #tpu.memory_space<semaphore_mem>>) src(%dma_wait3A_318 : memref<32x128xf32, #tpu.memory_space<hbm>>) dst(%arg10 : memref<32x128xf32, #tpu.memory_space<vmem>>)
    %dma_start3A_319 = arith.constant 6 : i32
    %dma_start3A_320 = arith.constant 0 : i32
    %dma_start3A_321 = tpu.memref_slice %arg7[%dma_start3A_319, %dma_start3A_320] : memref<16x32xi32, #tpu.memory_space<vmem>> -> memref<1x32xi32, #tpu.memory_space<vmem>>
    %dma_start3A_322 = tpu.memref_squeeze %dma_start3A_321 : memref<1x32xi32, #tpu.memory_space<vmem>> -> memref<32xi32, #tpu.memory_space<vmem>>
    %dma_start3A_323 = arith.constant 0 : i32
    %dma_start3A_324 = arith.constant 0 : i32
    %dma_start3A_325 = tpu.memref_slice %arg5[%dma_start3A_323, %dma_start3A_324] : memref<16896x768xf32, #tpu.memory_space<hbm>> -> memref<16896x768xf32, #tpu.memory_space<hbm>>
    tpu.enqueue_indirect_dma source(%arg14 : memref<32x768xf32, #tpu.memory_space<vmem>>) target(%dma_start3A_325 : memref<16896x768xf32, #tpu.memory_space<hbm>>) offsets(%dma_start3A_322 : memref<32xi32, #tpu.memory_space<vmem>>) semaphore(%arg17 : memref<!tpu.dma_semaphore, #tpu.memory_space<semaphore_mem>>)
    %dma_start3A_326 = arith.constant 6 : i32
    %dma_start3A_327 = arith.constant 0 : i32
    %dma_start3A_328 = tpu.memref_slice %arg7[%dma_start3A_326, %dma_start3A_327] : memref<16x32xi32, #tpu.memory_space<vmem>> -> memref<1x32xi32, #tpu.memory_space<vmem>>
    %dma_start3A_329 = tpu.memref_squeeze %dma_start3A_328 : memref<1x32xi32, #tpu.memory_space<vmem>> -> memref<32xi32, #tpu.memory_space<vmem>>
    %dma_start3A_330 = arith.constant 0 : i32
    %dma_start3A_331 = arith.constant 0 : i32
    %dma_start3A_332 = tpu.memref_slice %arg6[%dma_start3A_330, %dma_start3A_331] : memref<16896x128xf32, #tpu.memory_space<hbm>> -> memref<16896x128xf32, #tpu.memory_space<hbm>>
    tpu.enqueue_indirect_dma source(%arg10 : memref<32x128xf32, #tpu.memory_space<vmem>>) target(%dma_start3A_332 : memref<16896x128xf32, #tpu.memory_space<hbm>>) offsets(%dma_start3A_329 : memref<32xi32, #tpu.memory_space<vmem>>) semaphore(%arg17 : memref<!tpu.dma_semaphore, #tpu.memory_space<semaphore_mem>>)
    %dma_wait3A_333 = arith.constant 5 : i32
    %dma_wait3A_334 = arith.constant 0 : i32
    %dma_wait3A_335 = tpu.memref_slice %arg7[%dma_wait3A_333, %dma_wait3A_334] : memref<16x32xi32, #tpu.memory_space<vmem>> -> memref<1x32xi32, #tpu.memory_space<vmem>>
    %dma_wait3A_336 = tpu.memref_squeeze %dma_wait3A_335 : memref<1x32xi32, #tpu.memory_space<vmem>> -> memref<32xi32, #tpu.memory_space<vmem>>
    %dma_wait3A_337 = arith.constant 0 : i32
    %dma_wait3A_338 = arith.constant 0 : i32
    %dma_wait3A_339 = tpu.memref_slice %arg5[%dma_wait3A_337, %dma_wait3A_338] : memref<16896x768xf32, #tpu.memory_space<hbm>> -> memref<16896x768xf32, #tpu.memory_space<hbm>>
    tpu.wait_indirect_dma semaphore(%arg17 : memref<!tpu.dma_semaphore, #tpu.memory_space<semaphore_mem>>) src(%arg13 : memref<32x768xf32, #tpu.memory_space<vmem>>) dst(%dma_wait3A_339 : memref<16896x768xf32, #tpu.memory_space<hbm>>)
    %dma_wait3A_340 = arith.constant 5 : i32
    %dma_wait3A_341 = arith.constant 0 : i32
    %dma_wait3A_342 = tpu.memref_slice %arg7[%dma_wait3A_340, %dma_wait3A_341] : memref<16x32xi32, #tpu.memory_space<vmem>> -> memref<1x32xi32, #tpu.memory_space<vmem>>
    %dma_wait3A_343 = tpu.memref_squeeze %dma_wait3A_342 : memref<1x32xi32, #tpu.memory_space<vmem>> -> memref<32xi32, #tpu.memory_space<vmem>>
    %dma_wait3A_344 = arith.constant 0 : i32
    %dma_wait3A_345 = arith.constant 0 : i32
    %dma_wait3A_346 = tpu.memref_slice %arg6[%dma_wait3A_344, %dma_wait3A_345] : memref<16896x128xf32, #tpu.memory_space<hbm>> -> memref<16896x128xf32, #tpu.memory_space<hbm>>
    tpu.wait_indirect_dma semaphore(%arg17 : memref<!tpu.dma_semaphore, #tpu.memory_space<semaphore_mem>>) src(%arg9 : memref<32x128xf32, #tpu.memory_space<vmem>>) dst(%dma_wait3A_346 : memref<16896x128xf32, #tpu.memory_space<hbm>>)
    %add3A_347 = arith.constant 288 : i32
    %add3A_348 = arith.addi %mul3A_2, %add3A_347 : i32
    %dma_start3A_349 = arith.constant 0 : i32
    %dma_start3A_350 = tpu.memref_slice %arg2[%add3A_348, %dma_start3A_349] : memref<16384x768xf32, #tpu.memory_space<hbm>> -> memref<32x768xf32, #tpu.memory_space<hbm>>
    %dma_start3A_351 = arith.constant 0 : i32
    %dma_start3A_352 = tpu.memref_slice %arg2[%add3A_348, %dma_start3A_351] : memref<16384x768xf32, #tpu.memory_space<hbm>> -> memref<32x768xf32, #tpu.memory_space<hbm>>
    tpu.enqueue_dma source(%dma_start3A_352 : memref<32x768xf32, #tpu.memory_space<hbm>>) target(%arg13 : memref<32x768xf32, #tpu.memory_space<vmem>>) target_semaphore(%arg16 : memref<!tpu.dma_semaphore, #tpu.memory_space<semaphore_mem>>)
    %add3A_353 = arith.constant 288 : i32
    %add3A_354 = arith.addi %mul3A_2, %add3A_353 : i32
    %dma_start3A_355 = arith.constant 0 : i32
    %dma_start3A_356 = tpu.memref_slice %arg4[%add3A_354, %dma_start3A_355] : memref<16384x128xf32, #tpu.memory_space<hbm>> -> memref<32x128xf32, #tpu.memory_space<hbm>>
    %dma_start3A_357 = arith.constant 0 : i32
    %dma_start3A_358 = tpu.memref_slice %arg4[%add3A_354, %dma_start3A_357] : memref<16384x128xf32, #tpu.memory_space<hbm>> -> memref<32x128xf32, #tpu.memory_space<hbm>>
    tpu.enqueue_dma source(%dma_start3A_358 : memref<32x128xf32, #tpu.memory_space<hbm>>) target(%arg9 : memref<32x128xf32, #tpu.memory_space<vmem>>) target_semaphore(%arg16 : memref<!tpu.dma_semaphore, #tpu.memory_space<semaphore_mem>>)
    %dma_wait3A_359 = arith.constant 0 : i32
    %dma_wait3A_360 = tpu.memref_slice %arg2[%add3A_252, %dma_wait3A_359] : memref<16384x768xf32, #tpu.memory_space<hbm>> -> memref<32x768xf32, #tpu.memory_space<hbm>>
    %dma_wait3A_361 = arith.constant 0 : i32
    %dma_wait3A_362 = tpu.memref_slice %arg2[%add3A_252, %dma_wait3A_361] : memref<16384x768xf32, #tpu.memory_space<hbm>> -> memref<32x768xf32, #tpu.memory_space<hbm>>
    tpu.wait_dma2 semaphore(%arg16 : memref<!tpu.dma_semaphore, #tpu.memory_space<semaphore_mem>>) src(%dma_wait3A_362 : memref<32x768xf32, #tpu.memory_space<hbm>>) dst(%arg15 : memref<32x768xf32, #tpu.memory_space<vmem>>)
    %dma_wait3A_363 = arith.constant 0 : i32
    %dma_wait3A_364 = tpu.memref_slice %arg4[%add3A_258, %dma_wait3A_363] : memref<16384x128xf32, #tpu.memory_space<hbm>> -> memref<32x128xf32, #tpu.memory_space<hbm>>
    %dma_wait3A_365 = arith.constant 0 : i32
    %dma_wait3A_366 = tpu.memref_slice %arg4[%add3A_258, %dma_wait3A_365] : memref<16384x128xf32, #tpu.memory_space<hbm>> -> memref<32x128xf32, #tpu.memory_space<hbm>>
    tpu.wait_dma2 semaphore(%arg16 : memref<!tpu.dma_semaphore, #tpu.memory_space<semaphore_mem>>) src(%dma_wait3A_366 : memref<32x128xf32, #tpu.memory_space<hbm>>) dst(%arg11 : memref<32x128xf32, #tpu.memory_space<vmem>>)
    %dma_start3A_367 = arith.constant 7 : i32
    %dma_start3A_368 = arith.constant 0 : i32
    %dma_start3A_369 = tpu.memref_slice %arg7[%dma_start3A_367, %dma_start3A_368] : memref<16x32xi32, #tpu.memory_space<vmem>> -> memref<1x32xi32, #tpu.memory_space<vmem>>
    %dma_start3A_370 = tpu.memref_squeeze %dma_start3A_369 : memref<1x32xi32, #tpu.memory_space<vmem>> -> memref<32xi32, #tpu.memory_space<vmem>>
    %dma_start3A_371 = arith.constant 0 : i32
    %dma_start3A_372 = arith.constant 0 : i32
    %dma_start3A_373 = tpu.memref_slice %arg5[%dma_start3A_371, %dma_start3A_372] : memref<16896x768xf32, #tpu.memory_space<hbm>> -> memref<16896x768xf32, #tpu.memory_space<hbm>>
    tpu.enqueue_indirect_dma source(%arg15 : memref<32x768xf32, #tpu.memory_space<vmem>>) target(%dma_start3A_373 : memref<16896x768xf32, #tpu.memory_space<hbm>>) offsets(%dma_start3A_370 : memref<32xi32, #tpu.memory_space<vmem>>) semaphore(%arg17 : memref<!tpu.dma_semaphore, #tpu.memory_space<semaphore_mem>>)
    %dma_start3A_374 = arith.constant 7 : i32
    %dma_start3A_375 = arith.constant 0 : i32
    %dma_start3A_376 = tpu.memref_slice %arg7[%dma_start3A_374, %dma_start3A_375] : memref<16x32xi32, #tpu.memory_space<vmem>> -> memref<1x32xi32, #tpu.memory_space<vmem>>
    %dma_start3A_377 = tpu.memref_squeeze %dma_start3A_376 : memref<1x32xi32, #tpu.memory_space<vmem>> -> memref<32xi32, #tpu.memory_space<vmem>>
    %dma_start3A_378 = arith.constant 0 : i32
    %dma_start3A_379 = arith.constant 0 : i32
    %dma_start3A_380 = tpu.memref_slice %arg6[%dma_start3A_378, %dma_start3A_379] : memref<16896x128xf32, #tpu.memory_space<hbm>> -> memref<16896x128xf32, #tpu.memory_space<hbm>>
    tpu.enqueue_indirect_dma source(%arg11 : memref<32x128xf32, #tpu.memory_space<vmem>>) target(%dma_start3A_380 : memref<16896x128xf32, #tpu.memory_space<hbm>>) offsets(%dma_start3A_377 : memref<32xi32, #tpu.memory_space<vmem>>) semaphore(%arg17 : memref<!tpu.dma_semaphore, #tpu.memory_space<semaphore_mem>>)
    %dma_wait3A_381 = arith.constant 6 : i32
    %dma_wait3A_382 = arith.constant 0 : i32
    %dma_wait3A_383 = tpu.memref_slice %arg7[%dma_wait3A_381, %dma_wait3A_382] : memref<16x32xi32, #tpu.memory_space<vmem>> -> memref<1x32xi32, #tpu.memory_space<vmem>>
    %dma_wait3A_384 = tpu.memref_squeeze %dma_wait3A_383 : memref<1x32xi32, #tpu.memory_space<vmem>> -> memref<32xi32, #tpu.memory_space<vmem>>
    %dma_wait3A_385 = arith.constant 0 : i32
    %dma_wait3A_386 = arith.constant 0 : i32
    %dma_wait3A_387 = tpu.memref_slice %arg5[%dma_wait3A_385, %dma_wait3A_386] : memref<16896x768xf32, #tpu.memory_space<hbm>> -> memref<16896x768xf32, #tpu.memory_space<hbm>>
    tpu.wait_indirect_dma semaphore(%arg17 : memref<!tpu.dma_semaphore, #tpu.memory_space<semaphore_mem>>) src(%arg14 : memref<32x768xf32, #tpu.memory_space<vmem>>) dst(%dma_wait3A_387 : memref<16896x768xf32, #tpu.memory_space<hbm>>)
    %dma_wait3A_388 = arith.constant 6 : i32
    %dma_wait3A_389 = arith.constant 0 : i32
    %dma_wait3A_390 = tpu.memref_slice %arg7[%dma_wait3A_388, %dma_wait3A_389] : memref<16x32xi32, #tpu.memory_space<vmem>> -> memref<1x32xi32, #tpu.memory_space<vmem>>
    %dma_wait3A_391 = tpu.memref_squeeze %dma_wait3A_390 : memref<1x32xi32, #tpu.memory_space<vmem>> -> memref<32xi32, #tpu.memory_space<vmem>>
    %dma_wait3A_392 = arith.constant 0 : i32
    %dma_wait3A_393 = arith.constant 0 : i32
    %dma_wait3A_394 = tpu.memref_slice %arg6[%dma_wait3A_392, %dma_wait3A_393] : memref<16896x128xf32, #tpu.memory_space<hbm>> -> memref<16896x128xf32, #tpu.memory_space<hbm>>
    tpu.wait_indirect_dma semaphore(%arg17 : memref<!tpu.dma_semaphore, #tpu.memory_space<semaphore_mem>>) src(%arg10 : memref<32x128xf32, #tpu.memory_space<vmem>>) dst(%dma_wait3A_394 : memref<16896x128xf32, #tpu.memory_space<hbm>>)
    %add3A_395 = arith.constant 320 : i32
    %add3A_396 = arith.addi %mul3A_2, %add3A_395 : i32
    %dma_start3A_397 = arith.constant 0 : i32
    %dma_start3A_398 = tpu.memref_slice %arg2[%add3A_396, %dma_start3A_397] : memref<16384x768xf32, #tpu.memory_space<hbm>> -> memref<32x768xf32, #tpu.memory_space<hbm>>
    %dma_start3A_399 = arith.constant 0 : i32
    %dma_start3A_400 = tpu.memref_slice %arg2[%add3A_396, %dma_start3A_399] : memref<16384x768xf32, #tpu.memory_space<hbm>> -> memref<32x768xf32, #tpu.memory_space<hbm>>
    tpu.enqueue_dma source(%dma_start3A_400 : memref<32x768xf32, #tpu.memory_space<hbm>>) target(%arg14 : memref<32x768xf32, #tpu.memory_space<vmem>>) target_semaphore(%arg16 : memref<!tpu.dma_semaphore, #tpu.memory_space<semaphore_mem>>)
    %add3A_401 = arith.constant 320 : i32
    %add3A_402 = arith.addi %mul3A_2, %add3A_401 : i32
    %dma_start3A_403 = arith.constant 0 : i32
    %dma_start3A_404 = tpu.memref_slice %arg4[%add3A_402, %dma_start3A_403] : memref<16384x128xf32, #tpu.memory_space<hbm>> -> memref<32x128xf32, #tpu.memory_space<hbm>>
    %dma_start3A_405 = arith.constant 0 : i32
    %dma_start3A_406 = tpu.memref_slice %arg4[%add3A_402, %dma_start3A_405] : memref<16384x128xf32, #tpu.memory_space<hbm>> -> memref<32x128xf32, #tpu.memory_space<hbm>>
    tpu.enqueue_dma source(%dma_start3A_406 : memref<32x128xf32, #tpu.memory_space<hbm>>) target(%arg10 : memref<32x128xf32, #tpu.memory_space<vmem>>) target_semaphore(%arg16 : memref<!tpu.dma_semaphore, #tpu.memory_space<semaphore_mem>>)
    %dma_wait3A_407 = arith.constant 0 : i32
    %dma_wait3A_408 = tpu.memref_slice %arg2[%add3A_300, %dma_wait3A_407] : memref<16384x768xf32, #tpu.memory_space<hbm>> -> memref<32x768xf32, #tpu.memory_space<hbm>>
    %dma_wait3A_409 = arith.constant 0 : i32
    %dma_wait3A_410 = tpu.memref_slice %arg2[%add3A_300, %dma_wait3A_409] : memref<16384x768xf32, #tpu.memory_space<hbm>> -> memref<32x768xf32, #tpu.memory_space<hbm>>
    tpu.wait_dma2 semaphore(%arg16 : memref<!tpu.dma_semaphore, #tpu.memory_space<semaphore_mem>>) src(%dma_wait3A_410 : memref<32x768xf32, #tpu.memory_space<hbm>>) dst(%arg12 : memref<32x768xf32, #tpu.memory_space<vmem>>)
    %dma_wait3A_411 = arith.constant 0 : i32
    %dma_wait3A_412 = tpu.memref_slice %arg4[%add3A_306, %dma_wait3A_411] : memref<16384x128xf32, #tpu.memory_space<hbm>> -> memref<32x128xf32, #tpu.memory_space<hbm>>
    %dma_wait3A_413 = arith.constant 0 : i32
    %dma_wait3A_414 = tpu.memref_slice %arg4[%add3A_306, %dma_wait3A_413] : memref<16384x128xf32, #tpu.memory_space<hbm>> -> memref<32x128xf32, #tpu.memory_space<hbm>>
    tpu.wait_dma2 semaphore(%arg16 : memref<!tpu.dma_semaphore, #tpu.memory_space<semaphore_mem>>) src(%dma_wait3A_414 : memref<32x128xf32, #tpu.memory_space<hbm>>) dst(%arg8 : memref<32x128xf32, #tpu.memory_space<vmem>>)
    %dma_start3A_415 = arith.constant 8 : i32
    %dma_start3A_416 = arith.constant 0 : i32
    %dma_start3A_417 = tpu.memref_slice %arg7[%dma_start3A_415, %dma_start3A_416] : memref<16x32xi32, #tpu.memory_space<vmem>> -> memref<1x32xi32, #tpu.memory_space<vmem>>
    %dma_start3A_418 = tpu.memref_squeeze %dma_start3A_417 : memref<1x32xi32, #tpu.memory_space<vmem>> -> memref<32xi32, #tpu.memory_space<vmem>>
    %dma_start3A_419 = arith.constant 0 : i32
    %dma_start3A_420 = arith.constant 0 : i32
    %dma_start3A_421 = tpu.memref_slice %arg5[%dma_start3A_419, %dma_start3A_420] : memref<16896x768xf32, #tpu.memory_space<hbm>> -> memref<16896x768xf32, #tpu.memory_space<hbm>>
    tpu.enqueue_indirect_dma source(%arg12 : memref<32x768xf32, #tpu.memory_space<vmem>>) target(%dma_start3A_421 : memref<16896x768xf32, #tpu.memory_space<hbm>>) offsets(%dma_start3A_418 : memref<32xi32, #tpu.memory_space<vmem>>) semaphore(%arg17 : memref<!tpu.dma_semaphore, #tpu.memory_space<semaphore_mem>>)
    %dma_start3A_422 = arith.constant 8 : i32
    %dma_start3A_423 = arith.constant 0 : i32
    %dma_start3A_424 = tpu.memref_slice %arg7[%dma_start3A_422, %dma_start3A_423] : memref<16x32xi32, #tpu.memory_space<vmem>> -> memref<1x32xi32, #tpu.memory_space<vmem>>
    %dma_start3A_425 = tpu.memref_squeeze %dma_start3A_424 : memref<1x32xi32, #tpu.memory_space<vmem>> -> memref<32xi32, #tpu.memory_space<vmem>>
    %dma_start3A_426 = arith.constant 0 : i32
    %dma_start3A_427 = arith.constant 0 : i32
    %dma_start3A_428 = tpu.memref_slice %arg6[%dma_start3A_426, %dma_start3A_427] : memref<16896x128xf32, #tpu.memory_space<hbm>> -> memref<16896x128xf32, #tpu.memory_space<hbm>>
    tpu.enqueue_indirect_dma source(%arg8 : memref<32x128xf32, #tpu.memory_space<vmem>>) target(%dma_start3A_428 : memref<16896x128xf32, #tpu.memory_space<hbm>>) offsets(%dma_start3A_425 : memref<32xi32, #tpu.memory_space<vmem>>) semaphore(%arg17 : memref<!tpu.dma_semaphore, #tpu.memory_space<semaphore_mem>>)
    %dma_wait3A_429 = arith.constant 7 : i32
    %dma_wait3A_430 = arith.constant 0 : i32
    %dma_wait3A_431 = tpu.memref_slice %arg7[%dma_wait3A_429, %dma_wait3A_430] : memref<16x32xi32, #tpu.memory_space<vmem>> -> memref<1x32xi32, #tpu.memory_space<vmem>>
    %dma_wait3A_432 = tpu.memref_squeeze %dma_wait3A_431 : memref<1x32xi32, #tpu.memory_space<vmem>> -> memref<32xi32, #tpu.memory_space<vmem>>
    %dma_wait3A_433 = arith.constant 0 : i32
    %dma_wait3A_434 = arith.constant 0 : i32
    %dma_wait3A_435 = tpu.memref_slice %arg5[%dma_wait3A_433, %dma_wait3A_434] : memref<16896x768xf32, #tpu.memory_space<hbm>> -> memref<16896x768xf32, #tpu.memory_space<hbm>>
    tpu.wait_indirect_dma semaphore(%arg17 : memref<!tpu.dma_semaphore, #tpu.memory_space<semaphore_mem>>) src(%arg15 : memref<32x768xf32, #tpu.memory_space<vmem>>) dst(%dma_wait3A_435 : memref<16896x768xf32, #tpu.memory_space<hbm>>)
    %dma_wait3A_436 = arith.constant 7 : i32
    %dma_wait3A_437 = arith.constant 0 : i32
    %dma_wait3A_438 = tpu.memref_slice %arg7[%dma_wait3A_436, %dma_wait3A_437] : memref<16x32xi32, #tpu.memory_space<vmem>> -> memref<1x32xi32, #tpu.memory_space<vmem>>
    %dma_wait3A_439 = tpu.memref_squeeze %dma_wait3A_438 : memref<1x32xi32, #tpu.memory_space<vmem>> -> memref<32xi32, #tpu.memory_space<vmem>>
    %dma_wait3A_440 = arith.constant 0 : i32
    %dma_wait3A_441 = arith.constant 0 : i32
    %dma_wait3A_442 = tpu.memref_slice %arg6[%dma_wait3A_440, %dma_wait3A_441] : memref<16896x128xf32, #tpu.memory_space<hbm>> -> memref<16896x128xf32, #tpu.memory_space<hbm>>
    tpu.wait_indirect_dma semaphore(%arg17 : memref<!tpu.dma_semaphore, #tpu.memory_space<semaphore_mem>>) src(%arg11 : memref<32x128xf32, #tpu.memory_space<vmem>>) dst(%dma_wait3A_442 : memref<16896x128xf32, #tpu.memory_space<hbm>>)
    %add3A_443 = arith.constant 352 : i32
    %add3A_444 = arith.addi %mul3A_2, %add3A_443 : i32
    %dma_start3A_445 = arith.constant 0 : i32
    %dma_start3A_446 = tpu.memref_slice %arg2[%add3A_444, %dma_start3A_445] : memref<16384x768xf32, #tpu.memory_space<hbm>> -> memref<32x768xf32, #tpu.memory_space<hbm>>
    %dma_start3A_447 = arith.constant 0 : i32
    %dma_start3A_448 = tpu.memref_slice %arg2[%add3A_444, %dma_start3A_447] : memref<16384x768xf32, #tpu.memory_space<hbm>> -> memref<32x768xf32, #tpu.memory_space<hbm>>
    tpu.enqueue_dma source(%dma_start3A_448 : memref<32x768xf32, #tpu.memory_space<hbm>>) target(%arg15 : memref<32x768xf32, #tpu.memory_space<vmem>>) target_semaphore(%arg16 : memref<!tpu.dma_semaphore, #tpu.memory_space<semaphore_mem>>)
    %add3A_449 = arith.constant 352 : i32
    %add3A_450 = arith.addi %mul3A_2, %add3A_449 : i32
    %dma_start3A_451 = arith.constant 0 : i32
    %dma_start3A_452 = tpu.memref_slice %arg4[%add3A_450, %dma_start3A_451] : memref<16384x128xf32, #tpu.memory_space<hbm>> -> memref<32x128xf32, #tpu.memory_space<hbm>>
    %dma_start3A_453 = arith.constant 0 : i32
    %dma_start3A_454 = tpu.memref_slice %arg4[%add3A_450, %dma_start3A_453] : memref<16384x128xf32, #tpu.memory_space<hbm>> -> memref<32x128xf32, #tpu.memory_space<hbm>>
    tpu.enqueue_dma source(%dma_start3A_454 : memref<32x128xf32, #tpu.memory_space<hbm>>) target(%arg11 : memref<32x128xf32, #tpu.memory_space<vmem>>) target_semaphore(%arg16 : memref<!tpu.dma_semaphore, #tpu.memory_space<semaphore_mem>>)
    %dma_wait3A_455 = arith.constant 0 : i32
    %dma_wait3A_456 = tpu.memref_slice %arg2[%add3A_348, %dma_wait3A_455] : memref<16384x768xf32, #tpu.memory_space<hbm>> -> memref<32x768xf32, #tpu.memory_space<hbm>>
    %dma_wait3A_457 = arith.constant 0 : i32
    %dma_wait3A_458 = tpu.memref_slice %arg2[%add3A_348, %dma_wait3A_457] : memref<16384x768xf32, #tpu.memory_space<hbm>> -> memref<32x768xf32, #tpu.memory_space<hbm>>
    tpu.wait_dma2 semaphore(%arg16 : memref<!tpu.dma_semaphore, #tpu.memory_space<semaphore_mem>>) src(%dma_wait3A_458 : memref<32x768xf32, #tpu.memory_space<hbm>>) dst(%arg13 : memref<32x768xf32, #tpu.memory_space<vmem>>)
    %dma_wait3A_459 = arith.constant 0 : i32
    %dma_wait3A_460 = tpu.memref_slice %arg4[%add3A_354, %dma_wait3A_459] : memref<16384x128xf32, #tpu.memory_space<hbm>> -> memref<32x128xf32, #tpu.memory_space<hbm>>
    %dma_wait3A_461 = arith.constant 0 : i32
    %dma_wait3A_462 = tpu.memref_slice %arg4[%add3A_354, %dma_wait3A_461] : memref<16384x128xf32, #tpu.memory_space<hbm>> -> memref<32x128xf32, #tpu.memory_space<hbm>>
    tpu.wait_dma2 semaphore(%arg16 : memref<!tpu.dma_semaphore, #tpu.memory_space<semaphore_mem>>) src(%dma_wait3A_462 : memref<32x128xf32, #tpu.memory_space<hbm>>) dst(%arg9 : memref<32x128xf32, #tpu.memory_space<vmem>>)
    %dma_start3A_463 = arith.constant 9 : i32
    %dma_start3A_464 = arith.constant 0 : i32
    %dma_start3A_465 = tpu.memref_slice %arg7[%dma_start3A_463, %dma_start3A_464] : memref<16x32xi32, #tpu.memory_space<vmem>> -> memref<1x32xi32, #tpu.memory_space<vmem>>
    %dma_start3A_466 = tpu.memref_squeeze %dma_start3A_465 : memref<1x32xi32, #tpu.memory_space<vmem>> -> memref<32xi32, #tpu.memory_space<vmem>>
    %dma_start3A_467 = arith.constant 0 : i32
    %dma_start3A_468 = arith.constant 0 : i32
    %dma_start3A_469 = tpu.memref_slice %arg5[%dma_start3A_467, %dma_start3A_468] : memref<16896x768xf32, #tpu.memory_space<hbm>> -> memref<16896x768xf32, #tpu.memory_space<hbm>>
    tpu.enqueue_indirect_dma source(%arg13 : memref<32x768xf32, #tpu.memory_space<vmem>>) target(%dma_start3A_469 : memref<16896x768xf32, #tpu.memory_space<hbm>>) offsets(%dma_start3A_466 : memref<32xi32, #tpu.memory_space<vmem>>) semaphore(%arg17 : memref<!tpu.dma_semaphore, #tpu.memory_space<semaphore_mem>>)
    %dma_start3A_470 = arith.constant 9 : i32
    %dma_start3A_471 = arith.constant 0 : i32
    %dma_start3A_472 = tpu.memref_slice %arg7[%dma_start3A_470, %dma_start3A_471] : memref<16x32xi32, #tpu.memory_space<vmem>> -> memref<1x32xi32, #tpu.memory_space<vmem>>
    %dma_start3A_473 = tpu.memref_squeeze %dma_start3A_472 : memref<1x32xi32, #tpu.memory_space<vmem>> -> memref<32xi32, #tpu.memory_space<vmem>>
    %dma_start3A_474 = arith.constant 0 : i32
    %dma_start3A_475 = arith.constant 0 : i32
    %dma_start3A_476 = tpu.memref_slice %arg6[%dma_start3A_474, %dma_start3A_475] : memref<16896x128xf32, #tpu.memory_space<hbm>> -> memref<16896x128xf32, #tpu.memory_space<hbm>>
    tpu.enqueue_indirect_dma source(%arg9 : memref<32x128xf32, #tpu.memory_space<vmem>>) target(%dma_start3A_476 : memref<16896x128xf32, #tpu.memory_space<hbm>>) offsets(%dma_start3A_473 : memref<32xi32, #tpu.memory_space<vmem>>) semaphore(%arg17 : memref<!tpu.dma_semaphore, #tpu.memory_space<semaphore_mem>>)
    %dma_wait3A_477 = arith.constant 8 : i32
    %dma_wait3A_478 = arith.constant 0 : i32
    %dma_wait3A_479 = tpu.memref_slice %arg7[%dma_wait3A_477, %dma_wait3A_478] : memref<16x32xi32, #tpu.memory_space<vmem>> -> memref<1x32xi32, #tpu.memory_space<vmem>>
    %dma_wait3A_480 = tpu.memref_squeeze %dma_wait3A_479 : memref<1x32xi32, #tpu.memory_space<vmem>> -> memref<32xi32, #tpu.memory_space<vmem>>
    %dma_wait3A_481 = arith.constant 0 : i32
    %dma_wait3A_482 = arith.constant 0 : i32
    %dma_wait3A_483 = tpu.memref_slice %arg5[%dma_wait3A_481, %dma_wait3A_482] : memref<16896x768xf32, #tpu.memory_space<hbm>> -> memref<16896x768xf32, #tpu.memory_space<hbm>>
    tpu.wait_indirect_dma semaphore(%arg17 : memref<!tpu.dma_semaphore, #tpu.memory_space<semaphore_mem>>) src(%arg12 : memref<32x768xf32, #tpu.memory_space<vmem>>) dst(%dma_wait3A_483 : memref<16896x768xf32, #tpu.memory_space<hbm>>)
    %dma_wait3A_484 = arith.constant 8 : i32
    %dma_wait3A_485 = arith.constant 0 : i32
    %dma_wait3A_486 = tpu.memref_slice %arg7[%dma_wait3A_484, %dma_wait3A_485] : memref<16x32xi32, #tpu.memory_space<vmem>> -> memref<1x32xi32, #tpu.memory_space<vmem>>
    %dma_wait3A_487 = tpu.memref_squeeze %dma_wait3A_486 : memref<1x32xi32, #tpu.memory_space<vmem>> -> memref<32xi32, #tpu.memory_space<vmem>>
    %dma_wait3A_488 = arith.constant 0 : i32
    %dma_wait3A_489 = arith.constant 0 : i32
    %dma_wait3A_490 = tpu.memref_slice %arg6[%dma_wait3A_488, %dma_wait3A_489] : memref<16896x128xf32, #tpu.memory_space<hbm>> -> memref<16896x128xf32, #tpu.memory_space<hbm>>
    tpu.wait_indirect_dma semaphore(%arg17 : memref<!tpu.dma_semaphore, #tpu.memory_space<semaphore_mem>>) src(%arg8 : memref<32x128xf32, #tpu.memory_space<vmem>>) dst(%dma_wait3A_490 : memref<16896x128xf32, #tpu.memory_space<hbm>>)
    %add3A_491 = arith.constant 384 : i32
    %add3A_492 = arith.addi %mul3A_2, %add3A_491 : i32
    %dma_start3A_493 = arith.constant 0 : i32
    %dma_start3A_494 = tpu.memref_slice %arg2[%add3A_492, %dma_start3A_493] : memref<16384x768xf32, #tpu.memory_space<hbm>> -> memref<32x768xf32, #tpu.memory_space<hbm>>
    %dma_start3A_495 = arith.constant 0 : i32
    %dma_start3A_496 = tpu.memref_slice %arg2[%add3A_492, %dma_start3A_495] : memref<16384x768xf32, #tpu.memory_space<hbm>> -> memref<32x768xf32, #tpu.memory_space<hbm>>
    tpu.enqueue_dma source(%dma_start3A_496 : memref<32x768xf32, #tpu.memory_space<hbm>>) target(%arg12 : memref<32x768xf32, #tpu.memory_space<vmem>>) target_semaphore(%arg16 : memref<!tpu.dma_semaphore, #tpu.memory_space<semaphore_mem>>)
    %add3A_497 = arith.constant 384 : i32
    %add3A_498 = arith.addi %mul3A_2, %add3A_497 : i32
    %dma_start3A_499 = arith.constant 0 : i32
    %dma_start3A_500 = tpu.memref_slice %arg4[%add3A_498, %dma_start3A_499] : memref<16384x128xf32, #tpu.memory_space<hbm>> -> memref<32x128xf32, #tpu.memory_space<hbm>>
    %dma_start3A_501 = arith.constant 0 : i32
    %dma_start3A_502 = tpu.memref_slice %arg4[%add3A_498, %dma_start3A_501] : memref<16384x128xf32, #tpu.memory_space<hbm>> -> memref<32x128xf32, #tpu.memory_space<hbm>>
    tpu.enqueue_dma source(%dma_start3A_502 : memref<32x128xf32, #tpu.memory_space<hbm>>) target(%arg8 : memref<32x128xf32, #tpu.memory_space<vmem>>) target_semaphore(%arg16 : memref<!tpu.dma_semaphore, #tpu.memory_space<semaphore_mem>>)
    %dma_wait3A_503 = arith.constant 0 : i32
    %dma_wait3A_504 = tpu.memref_slice %arg2[%add3A_396, %dma_wait3A_503] : memref<16384x768xf32, #tpu.memory_space<hbm>> -> memref<32x768xf32, #tpu.memory_space<hbm>>
    %dma_wait3A_505 = arith.constant 0 : i32
    %dma_wait3A_506 = tpu.memref_slice %arg2[%add3A_396, %dma_wait3A_505] : memref<16384x768xf32, #tpu.memory_space<hbm>> -> memref<32x768xf32, #tpu.memory_space<hbm>>
    tpu.wait_dma2 semaphore(%arg16 : memref<!tpu.dma_semaphore, #tpu.memory_space<semaphore_mem>>) src(%dma_wait3A_506 : memref<32x768xf32, #tpu.memory_space<hbm>>) dst(%arg14 : memref<32x768xf32, #tpu.memory_space<vmem>>)
    %dma_wait3A_507 = arith.constant 0 : i32
    %dma_wait3A_508 = tpu.memref_slice %arg4[%add3A_402, %dma_wait3A_507] : memref<16384x128xf32, #tpu.memory_space<hbm>> -> memref<32x128xf32, #tpu.memory_space<hbm>>
    %dma_wait3A_509 = arith.constant 0 : i32
    %dma_wait3A_510 = tpu.memref_slice %arg4[%add3A_402, %dma_wait3A_509] : memref<16384x128xf32, #tpu.memory_space<hbm>> -> memref<32x128xf32, #tpu.memory_space<hbm>>
    tpu.wait_dma2 semaphore(%arg16 : memref<!tpu.dma_semaphore, #tpu.memory_space<semaphore_mem>>) src(%dma_wait3A_510 : memref<32x128xf32, #tpu.memory_space<hbm>>) dst(%arg10 : memref<32x128xf32, #tpu.memory_space<vmem>>)
    %dma_start3A_511 = arith.constant 10 : i32
    %dma_start3A_512 = arith.constant 0 : i32
    %dma_start3A_513 = tpu.memref_slice %arg7[%dma_start3A_511, %dma_start3A_512] : memref<16x32xi32, #tpu.memory_space<vmem>> -> memref<1x32xi32, #tpu.memory_space<vmem>>
    %dma_start3A_514 = tpu.memref_squeeze %dma_start3A_513 : memref<1x32xi32, #tpu.memory_space<vmem>> -> memref<32xi32, #tpu.memory_space<vmem>>
    %dma_start3A_515 = arith.constant 0 : i32
    %dma_start3A_516 = arith.constant 0 : i32
    %dma_start3A_517 = tpu.memref_slice %arg5[%dma_start3A_515, %dma_start3A_516] : memref<16896x768xf32, #tpu.memory_space<hbm>> -> memref<16896x768xf32, #tpu.memory_space<hbm>>
    tpu.enqueue_indirect_dma source(%arg14 : memref<32x768xf32, #tpu.memory_space<vmem>>) target(%dma_start3A_517 : memref<16896x768xf32, #tpu.memory_space<hbm>>) offsets(%dma_start3A_514 : memref<32xi32, #tpu.memory_space<vmem>>) semaphore(%arg17 : memref<!tpu.dma_semaphore, #tpu.memory_space<semaphore_mem>>)
    %dma_start3A_518 = arith.constant 10 : i32
    %dma_start3A_519 = arith.constant 0 : i32
    %dma_start3A_520 = tpu.memref_slice %arg7[%dma_start3A_518, %dma_start3A_519] : memref<16x32xi32, #tpu.memory_space<vmem>> -> memref<1x32xi32, #tpu.memory_space<vmem>>
    %dma_start3A_521 = tpu.memref_squeeze %dma_start3A_520 : memref<1x32xi32, #tpu.memory_space<vmem>> -> memref<32xi32, #tpu.memory_space<vmem>>
    %dma_start3A_522 = arith.constant 0 : i32
    %dma_start3A_523 = arith.constant 0 : i32
    %dma_start3A_524 = tpu.memref_slice %arg6[%dma_start3A_522, %dma_start3A_523] : memref<16896x128xf32, #tpu.memory_space<hbm>> -> memref<16896x128xf32, #tpu.memory_space<hbm>>
    tpu.enqueue_indirect_dma source(%arg10 : memref<32x128xf32, #tpu.memory_space<vmem>>) target(%dma_start3A_524 : memref<16896x128xf32, #tpu.memory_space<hbm>>) offsets(%dma_start3A_521 : memref<32xi32, #tpu.memory_space<vmem>>) semaphore(%arg17 : memref<!tpu.dma_semaphore, #tpu.memory_space<semaphore_mem>>)
    %dma_wait3A_525 = arith.constant 9 : i32
    %dma_wait3A_526 = arith.constant 0 : i32
    %dma_wait3A_527 = tpu.memref_slice %arg7[%dma_wait3A_525, %dma_wait3A_526] : memref<16x32xi32, #tpu.memory_space<vmem>> -> memref<1x32xi32, #tpu.memory_space<vmem>>
    %dma_wait3A_528 = tpu.memref_squeeze %dma_wait3A_527 : memref<1x32xi32, #tpu.memory_space<vmem>> -> memref<32xi32, #tpu.memory_space<vmem>>
    %dma_wait3A_529 = arith.constant 0 : i32
    %dma_wait3A_530 = arith.constant 0 : i32
    %dma_wait3A_531 = tpu.memref_slice %arg5[%dma_wait3A_529, %dma_wait3A_530] : memref<16896x768xf32, #tpu.memory_space<hbm>> -> memref<16896x768xf32, #tpu.memory_space<hbm>>
    tpu.wait_indirect_dma semaphore(%arg17 : memref<!tpu.dma_semaphore, #tpu.memory_space<semaphore_mem>>) src(%arg13 : memref<32x768xf32, #tpu.memory_space<vmem>>) dst(%dma_wait3A_531 : memref<16896x768xf32, #tpu.memory_space<hbm>>)
    %dma_wait3A_532 = arith.constant 9 : i32
    %dma_wait3A_533 = arith.constant 0 : i32
    %dma_wait3A_534 = tpu.memref_slice %arg7[%dma_wait3A_532, %dma_wait3A_533] : memref<16x32xi32, #tpu.memory_space<vmem>> -> memref<1x32xi32, #tpu.memory_space<vmem>>
    %dma_wait3A_535 = tpu.memref_squeeze %dma_wait3A_534 : memref<1x32xi32, #tpu.memory_space<vmem>> -> memref<32xi32, #tpu.memory_space<vmem>>
    %dma_wait3A_536 = arith.constant 0 : i32
    %dma_wait3A_537 = arith.constant 0 : i32
    %dma_wait3A_538 = tpu.memref_slice %arg6[%dma_wait3A_536, %dma_wait3A_537] : memref<16896x128xf32, #tpu.memory_space<hbm>> -> memref<16896x128xf32, #tpu.memory_space<hbm>>
    tpu.wait_indirect_dma semaphore(%arg17 : memref<!tpu.dma_semaphore, #tpu.memory_space<semaphore_mem>>) src(%arg9 : memref<32x128xf32, #tpu.memory_space<vmem>>) dst(%dma_wait3A_538 : memref<16896x128xf32, #tpu.memory_space<hbm>>)
    %add3A_539 = arith.constant 416 : i32
    %add3A_540 = arith.addi %mul3A_2, %add3A_539 : i32
    %dma_start3A_541 = arith.constant 0 : i32
    %dma_start3A_542 = tpu.memref_slice %arg2[%add3A_540, %dma_start3A_541] : memref<16384x768xf32, #tpu.memory_space<hbm>> -> memref<32x768xf32, #tpu.memory_space<hbm>>
    %dma_start3A_543 = arith.constant 0 : i32
    %dma_start3A_544 = tpu.memref_slice %arg2[%add3A_540, %dma_start3A_543] : memref<16384x768xf32, #tpu.memory_space<hbm>> -> memref<32x768xf32, #tpu.memory_space<hbm>>
    tpu.enqueue_dma source(%dma_start3A_544 : memref<32x768xf32, #tpu.memory_space<hbm>>) target(%arg13 : memref<32x768xf32, #tpu.memory_space<vmem>>) target_semaphore(%arg16 : memref<!tpu.dma_semaphore, #tpu.memory_space<semaphore_mem>>)
    %add3A_545 = arith.constant 416 : i32
    %add3A_546 = arith.addi %mul3A_2, %add3A_545 : i32
    %dma_start3A_547 = arith.constant 0 : i32
    %dma_start3A_548 = tpu.memref_slice %arg4[%add3A_546, %dma_start3A_547] : memref<16384x128xf32, #tpu.memory_space<hbm>> -> memref<32x128xf32, #tpu.memory_space<hbm>>
    %dma_start3A_549 = arith.constant 0 : i32
    %dma_start3A_550 = tpu.memref_slice %arg4[%add3A_546, %dma_start3A_549] : memref<16384x128xf32, #tpu.memory_space<hbm>> -> memref<32x128xf32, #tpu.memory_space<hbm>>
    tpu.enqueue_dma source(%dma_start3A_550 : memref<32x128xf32, #tpu.memory_space<hbm>>) target(%arg9 : memref<32x128xf32, #tpu.memory_space<vmem>>) target_semaphore(%arg16 : memref<!tpu.dma_semaphore, #tpu.memory_space<semaphore_mem>>)
    %dma_wait3A_551 = arith.constant 0 : i32
    %dma_wait3A_552 = tpu.memref_slice %arg2[%add3A_444, %dma_wait3A_551] : memref<16384x768xf32, #tpu.memory_space<hbm>> -> memref<32x768xf32, #tpu.memory_space<hbm>>
    %dma_wait3A_553 = arith.constant 0 : i32
    %dma_wait3A_554 = tpu.memref_slice %arg2[%add3A_444, %dma_wait3A_553] : memref<16384x768xf32, #tpu.memory_space<hbm>> -> memref<32x768xf32, #tpu.memory_space<hbm>>
    tpu.wait_dma2 semaphore(%arg16 : memref<!tpu.dma_semaphore, #tpu.memory_space<semaphore_mem>>) src(%dma_wait3A_554 : memref<32x768xf32, #tpu.memory_space<hbm>>) dst(%arg15 : memref<32x768xf32, #tpu.memory_space<vmem>>)
    %dma_wait3A_555 = arith.constant 0 : i32
    %dma_wait3A_556 = tpu.memref_slice %arg4[%add3A_450, %dma_wait3A_555] : memref<16384x128xf32, #tpu.memory_space<hbm>> -> memref<32x128xf32, #tpu.memory_space<hbm>>
    %dma_wait3A_557 = arith.constant 0 : i32
    %dma_wait3A_558 = tpu.memref_slice %arg4[%add3A_450, %dma_wait3A_557] : memref<16384x128xf32, #tpu.memory_space<hbm>> -> memref<32x128xf32, #tpu.memory_space<hbm>>
    tpu.wait_dma2 semaphore(%arg16 : memref<!tpu.dma_semaphore, #tpu.memory_space<semaphore_mem>>) src(%dma_wait3A_558 : memref<32x128xf32, #tpu.memory_space<hbm>>) dst(%arg11 : memref<32x128xf32, #tpu.memory_space<vmem>>)
    %dma_start3A_559 = arith.constant 11 : i32
    %dma_start3A_560 = arith.constant 0 : i32
    %dma_start3A_561 = tpu.memref_slice %arg7[%dma_start3A_559, %dma_start3A_560] : memref<16x32xi32, #tpu.memory_space<vmem>> -> memref<1x32xi32, #tpu.memory_space<vmem>>
    %dma_start3A_562 = tpu.memref_squeeze %dma_start3A_561 : memref<1x32xi32, #tpu.memory_space<vmem>> -> memref<32xi32, #tpu.memory_space<vmem>>
    %dma_start3A_563 = arith.constant 0 : i32
    %dma_start3A_564 = arith.constant 0 : i32
    %dma_start3A_565 = tpu.memref_slice %arg5[%dma_start3A_563, %dma_start3A_564] : memref<16896x768xf32, #tpu.memory_space<hbm>> -> memref<16896x768xf32, #tpu.memory_space<hbm>>
    tpu.enqueue_indirect_dma source(%arg15 : memref<32x768xf32, #tpu.memory_space<vmem>>) target(%dma_start3A_565 : memref<16896x768xf32, #tpu.memory_space<hbm>>) offsets(%dma_start3A_562 : memref<32xi32, #tpu.memory_space<vmem>>) semaphore(%arg17 : memref<!tpu.dma_semaphore, #tpu.memory_space<semaphore_mem>>)
    %dma_start3A_566 = arith.constant 11 : i32
    %dma_start3A_567 = arith.constant 0 : i32
    %dma_start3A_568 = tpu.memref_slice %arg7[%dma_start3A_566, %dma_start3A_567] : memref<16x32xi32, #tpu.memory_space<vmem>> -> memref<1x32xi32, #tpu.memory_space<vmem>>
    %dma_start3A_569 = tpu.memref_squeeze %dma_start3A_568 : memref<1x32xi32, #tpu.memory_space<vmem>> -> memref<32xi32, #tpu.memory_space<vmem>>
    %dma_start3A_570 = arith.constant 0 : i32
    %dma_start3A_571 = arith.constant 0 : i32
    %dma_start3A_572 = tpu.memref_slice %arg6[%dma_start3A_570, %dma_start3A_571] : memref<16896x128xf32, #tpu.memory_space<hbm>> -> memref<16896x128xf32, #tpu.memory_space<hbm>>
    tpu.enqueue_indirect_dma source(%arg11 : memref<32x128xf32, #tpu.memory_space<vmem>>) target(%dma_start3A_572 : memref<16896x128xf32, #tpu.memory_space<hbm>>) offsets(%dma_start3A_569 : memref<32xi32, #tpu.memory_space<vmem>>) semaphore(%arg17 : memref<!tpu.dma_semaphore, #tpu.memory_space<semaphore_mem>>)
    %dma_wait3A_573 = arith.constant 10 : i32
    %dma_wait3A_574 = arith.constant 0 : i32
    %dma_wait3A_575 = tpu.memref_slice %arg7[%dma_wait3A_573, %dma_wait3A_574] : memref<16x32xi32, #tpu.memory_space<vmem>> -> memref<1x32xi32, #tpu.memory_space<vmem>>
    %dma_wait3A_576 = tpu.memref_squeeze %dma_wait3A_575 : memref<1x32xi32, #tpu.memory_space<vmem>> -> memref<32xi32, #tpu.memory_space<vmem>>
    %dma_wait3A_577 = arith.constant 0 : i32
    %dma_wait3A_578 = arith.constant 0 : i32
    %dma_wait3A_579 = tpu.memref_slice %arg5[%dma_wait3A_577, %dma_wait3A_578] : memref<16896x768xf32, #tpu.memory_space<hbm>> -> memref<16896x768xf32, #tpu.memory_space<hbm>>
    tpu.wait_indirect_dma semaphore(%arg17 : memref<!tpu.dma_semaphore, #tpu.memory_space<semaphore_mem>>) src(%arg14 : memref<32x768xf32, #tpu.memory_space<vmem>>) dst(%dma_wait3A_579 : memref<16896x768xf32, #tpu.memory_space<hbm>>)
    %dma_wait3A_580 = arith.constant 10 : i32
    %dma_wait3A_581 = arith.constant 0 : i32
    %dma_wait3A_582 = tpu.memref_slice %arg7[%dma_wait3A_580, %dma_wait3A_581] : memref<16x32xi32, #tpu.memory_space<vmem>> -> memref<1x32xi32, #tpu.memory_space<vmem>>
    %dma_wait3A_583 = tpu.memref_squeeze %dma_wait3A_582 : memref<1x32xi32, #tpu.memory_space<vmem>> -> memref<32xi32, #tpu.memory_space<vmem>>
    %dma_wait3A_584 = arith.constant 0 : i32
    %dma_wait3A_585 = arith.constant 0 : i32
    %dma_wait3A_586 = tpu.memref_slice %arg6[%dma_wait3A_584, %dma_wait3A_585] : memref<16896x128xf32, #tpu.memory_space<hbm>> -> memref<16896x128xf32, #tpu.memory_space<hbm>>
    tpu.wait_indirect_dma semaphore(%arg17 : memref<!tpu.dma_semaphore, #tpu.memory_space<semaphore_mem>>) src(%arg10 : memref<32x128xf32, #tpu.memory_space<vmem>>) dst(%dma_wait3A_586 : memref<16896x128xf32, #tpu.memory_space<hbm>>)
    %add3A_587 = arith.constant 448 : i32
    %add3A_588 = arith.addi %mul3A_2, %add3A_587 : i32
    %dma_start3A_589 = arith.constant 0 : i32
    %dma_start3A_590 = tpu.memref_slice %arg2[%add3A_588, %dma_start3A_589] : memref<16384x768xf32, #tpu.memory_space<hbm>> -> memref<32x768xf32, #tpu.memory_space<hbm>>
    %dma_start3A_591 = arith.constant 0 : i32
    %dma_start3A_592 = tpu.memref_slice %arg2[%add3A_588, %dma_start3A_591] : memref<16384x768xf32, #tpu.memory_space<hbm>> -> memref<32x768xf32, #tpu.memory_space<hbm>>
    tpu.enqueue_dma source(%dma_start3A_592 : memref<32x768xf32, #tpu.memory_space<hbm>>) target(%arg14 : memref<32x768xf32, #tpu.memory_space<vmem>>) target_semaphore(%arg16 : memref<!tpu.dma_semaphore, #tpu.memory_space<semaphore_mem>>)
    %add3A_593 = arith.constant 448 : i32
    %add3A_594 = arith.addi %mul3A_2, %add3A_593 : i32
    %dma_start3A_595 = arith.constant 0 : i32
    %dma_start3A_596 = tpu.memref_slice %arg4[%add3A_594, %dma_start3A_595] : memref<16384x128xf32, #tpu.memory_space<hbm>> -> memref<32x128xf32, #tpu.memory_space<hbm>>
    %dma_start3A_597 = arith.constant 0 : i32
    %dma_start3A_598 = tpu.memref_slice %arg4[%add3A_594, %dma_start3A_597] : memref<16384x128xf32, #tpu.memory_space<hbm>> -> memref<32x128xf32, #tpu.memory_space<hbm>>
    tpu.enqueue_dma source(%dma_start3A_598 : memref<32x128xf32, #tpu.memory_space<hbm>>) target(%arg10 : memref<32x128xf32, #tpu.memory_space<vmem>>) target_semaphore(%arg16 : memref<!tpu.dma_semaphore, #tpu.memory_space<semaphore_mem>>)
    %dma_wait3A_599 = arith.constant 0 : i32
    %dma_wait3A_600 = tpu.memref_slice %arg2[%add3A_492, %dma_wait3A_599] : memref<16384x768xf32, #tpu.memory_space<hbm>> -> memref<32x768xf32, #tpu.memory_space<hbm>>
    %dma_wait3A_601 = arith.constant 0 : i32
    %dma_wait3A_602 = tpu.memref_slice %arg2[%add3A_492, %dma_wait3A_601] : memref<16384x768xf32, #tpu.memory_space<hbm>> -> memref<32x768xf32, #tpu.memory_space<hbm>>
    tpu.wait_dma2 semaphore(%arg16 : memref<!tpu.dma_semaphore, #tpu.memory_space<semaphore_mem>>) src(%dma_wait3A_602 : memref<32x768xf32, #tpu.memory_space<hbm>>) dst(%arg12 : memref<32x768xf32, #tpu.memory_space<vmem>>)
    %dma_wait3A_603 = arith.constant 0 : i32
    %dma_wait3A_604 = tpu.memref_slice %arg4[%add3A_498, %dma_wait3A_603] : memref<16384x128xf32, #tpu.memory_space<hbm>> -> memref<32x128xf32, #tpu.memory_space<hbm>>
    %dma_wait3A_605 = arith.constant 0 : i32
    %dma_wait3A_606 = tpu.memref_slice %arg4[%add3A_498, %dma_wait3A_605] : memref<16384x128xf32, #tpu.memory_space<hbm>> -> memref<32x128xf32, #tpu.memory_space<hbm>>
    tpu.wait_dma2 semaphore(%arg16 : memref<!tpu.dma_semaphore, #tpu.memory_space<semaphore_mem>>) src(%dma_wait3A_606 : memref<32x128xf32, #tpu.memory_space<hbm>>) dst(%arg8 : memref<32x128xf32, #tpu.memory_space<vmem>>)
    %dma_start3A_607 = arith.constant 12 : i32
    %dma_start3A_608 = arith.constant 0 : i32
    %dma_start3A_609 = tpu.memref_slice %arg7[%dma_start3A_607, %dma_start3A_608] : memref<16x32xi32, #tpu.memory_space<vmem>> -> memref<1x32xi32, #tpu.memory_space<vmem>>
    %dma_start3A_610 = tpu.memref_squeeze %dma_start3A_609 : memref<1x32xi32, #tpu.memory_space<vmem>> -> memref<32xi32, #tpu.memory_space<vmem>>
    %dma_start3A_611 = arith.constant 0 : i32
    %dma_start3A_612 = arith.constant 0 : i32
    %dma_start3A_613 = tpu.memref_slice %arg5[%dma_start3A_611, %dma_start3A_612] : memref<16896x768xf32, #tpu.memory_space<hbm>> -> memref<16896x768xf32, #tpu.memory_space<hbm>>
    tpu.enqueue_indirect_dma source(%arg12 : memref<32x768xf32, #tpu.memory_space<vmem>>) target(%dma_start3A_613 : memref<16896x768xf32, #tpu.memory_space<hbm>>) offsets(%dma_start3A_610 : memref<32xi32, #tpu.memory_space<vmem>>) semaphore(%arg17 : memref<!tpu.dma_semaphore, #tpu.memory_space<semaphore_mem>>)
    %dma_start3A_614 = arith.constant 12 : i32
    %dma_start3A_615 = arith.constant 0 : i32
    %dma_start3A_616 = tpu.memref_slice %arg7[%dma_start3A_614, %dma_start3A_615] : memref<16x32xi32, #tpu.memory_space<vmem>> -> memref<1x32xi32, #tpu.memory_space<vmem>>
    %dma_start3A_617 = tpu.memref_squeeze %dma_start3A_616 : memref<1x32xi32, #tpu.memory_space<vmem>> -> memref<32xi32, #tpu.memory_space<vmem>>
    %dma_start3A_618 = arith.constant 0 : i32
    %dma_start3A_619 = arith.constant 0 : i32
    %dma_start3A_620 = tpu.memref_slice %arg6[%dma_start3A_618, %dma_start3A_619] : memref<16896x128xf32, #tpu.memory_space<hbm>> -> memref<16896x128xf32, #tpu.memory_space<hbm>>
    tpu.enqueue_indirect_dma source(%arg8 : memref<32x128xf32, #tpu.memory_space<vmem>>) target(%dma_start3A_620 : memref<16896x128xf32, #tpu.memory_space<hbm>>) offsets(%dma_start3A_617 : memref<32xi32, #tpu.memory_space<vmem>>) semaphore(%arg17 : memref<!tpu.dma_semaphore, #tpu.memory_space<semaphore_mem>>)
    %dma_wait3A_621 = arith.constant 11 : i32
    %dma_wait3A_622 = arith.constant 0 : i32
    %dma_wait3A_623 = tpu.memref_slice %arg7[%dma_wait3A_621, %dma_wait3A_622] : memref<16x32xi32, #tpu.memory_space<vmem>> -> memref<1x32xi32, #tpu.memory_space<vmem>>
    %dma_wait3A_624 = tpu.memref_squeeze %dma_wait3A_623 : memref<1x32xi32, #tpu.memory_space<vmem>> -> memref<32xi32, #tpu.memory_space<vmem>>
    %dma_wait3A_625 = arith.constant 0 : i32
    %dma_wait3A_626 = arith.constant 0 : i32
    %dma_wait3A_627 = tpu.memref_slice %arg5[%dma_wait3A_625, %dma_wait3A_626] : memref<16896x768xf32, #tpu.memory_space<hbm>> -> memref<16896x768xf32, #tpu.memory_space<hbm>>
    tpu.wait_indirect_dma semaphore(%arg17 : memref<!tpu.dma_semaphore, #tpu.memory_space<semaphore_mem>>) src(%arg15 : memref<32x768xf32, #tpu.memory_space<vmem>>) dst(%dma_wait3A_627 : memref<16896x768xf32, #tpu.memory_space<hbm>>)
    %dma_wait3A_628 = arith.constant 11 : i32
    %dma_wait3A_629 = arith.constant 0 : i32
    %dma_wait3A_630 = tpu.memref_slice %arg7[%dma_wait3A_628, %dma_wait3A_629] : memref<16x32xi32, #tpu.memory_space<vmem>> -> memref<1x32xi32, #tpu.memory_space<vmem>>
    %dma_wait3A_631 = tpu.memref_squeeze %dma_wait3A_630 : memref<1x32xi32, #tpu.memory_space<vmem>> -> memref<32xi32, #tpu.memory_space<vmem>>
    %dma_wait3A_632 = arith.constant 0 : i32
    %dma_wait3A_633 = arith.constant 0 : i32
    %dma_wait3A_634 = tpu.memref_slice %arg6[%dma_wait3A_632, %dma_wait3A_633] : memref<16896x128xf32, #tpu.memory_space<hbm>> -> memref<16896x128xf32, #tpu.memory_space<hbm>>
    tpu.wait_indirect_dma semaphore(%arg17 : memref<!tpu.dma_semaphore, #tpu.memory_space<semaphore_mem>>) src(%arg11 : memref<32x128xf32, #tpu.memory_space<vmem>>) dst(%dma_wait3A_634 : memref<16896x128xf32, #tpu.memory_space<hbm>>)
    %add3A_635 = arith.constant 480 : i32
    %add3A_636 = arith.addi %mul3A_2, %add3A_635 : i32
    %dma_start3A_637 = arith.constant 0 : i32
    %dma_start3A_638 = tpu.memref_slice %arg2[%add3A_636, %dma_start3A_637] : memref<16384x768xf32, #tpu.memory_space<hbm>> -> memref<32x768xf32, #tpu.memory_space<hbm>>
    %dma_start3A_639 = arith.constant 0 : i32
    %dma_start3A_640 = tpu.memref_slice %arg2[%add3A_636, %dma_start3A_639] : memref<16384x768xf32, #tpu.memory_space<hbm>> -> memref<32x768xf32, #tpu.memory_space<hbm>>
    tpu.enqueue_dma source(%dma_start3A_640 : memref<32x768xf32, #tpu.memory_space<hbm>>) target(%arg15 : memref<32x768xf32, #tpu.memory_space<vmem>>) target_semaphore(%arg16 : memref<!tpu.dma_semaphore, #tpu.memory_space<semaphore_mem>>)
    %add3A_641 = arith.constant 480 : i32
    %add3A_642 = arith.addi %mul3A_2, %add3A_641 : i32
    %dma_start3A_643 = arith.constant 0 : i32
    %dma_start3A_644 = tpu.memref_slice %arg4[%add3A_642, %dma_start3A_643] : memref<16384x128xf32, #tpu.memory_space<hbm>> -> memref<32x128xf32, #tpu.memory_space<hbm>>
    %dma_start3A_645 = arith.constant 0 : i32
    %dma_start3A_646 = tpu.memref_slice %arg4[%add3A_642, %dma_start3A_645] : memref<16384x128xf32, #tpu.memory_space<hbm>> -> memref<32x128xf32, #tpu.memory_space<hbm>>
    tpu.enqueue_dma source(%dma_start3A_646 : memref<32x128xf32, #tpu.memory_space<hbm>>) target(%arg11 : memref<32x128xf32, #tpu.memory_space<vmem>>) target_semaphore(%arg16 : memref<!tpu.dma_semaphore, #tpu.memory_space<semaphore_mem>>)
    %dma_wait3A_647 = arith.constant 0 : i32
    %dma_wait3A_648 = tpu.memref_slice %arg2[%add3A_540, %dma_wait3A_647] : memref<16384x768xf32, #tpu.memory_space<hbm>> -> memref<32x768xf32, #tpu.memory_space<hbm>>
    %dma_wait3A_649 = arith.constant 0 : i32
    %dma_wait3A_650 = tpu.memref_slice %arg2[%add3A_540, %dma_wait3A_649] : memref<16384x768xf32, #tpu.memory_space<hbm>> -> memref<32x768xf32, #tpu.memory_space<hbm>>
    tpu.wait_dma2 semaphore(%arg16 : memref<!tpu.dma_semaphore, #tpu.memory_space<semaphore_mem>>) src(%dma_wait3A_650 : memref<32x768xf32, #tpu.memory_space<hbm>>) dst(%arg13 : memref<32x768xf32, #tpu.memory_space<vmem>>)
    %dma_wait3A_651 = arith.constant 0 : i32
    %dma_wait3A_652 = tpu.memref_slice %arg4[%add3A_546, %dma_wait3A_651] : memref<16384x128xf32, #tpu.memory_space<hbm>> -> memref<32x128xf32, #tpu.memory_space<hbm>>
    %dma_wait3A_653 = arith.constant 0 : i32
    %dma_wait3A_654 = tpu.memref_slice %arg4[%add3A_546, %dma_wait3A_653] : memref<16384x128xf32, #tpu.memory_space<hbm>> -> memref<32x128xf32, #tpu.memory_space<hbm>>
    tpu.wait_dma2 semaphore(%arg16 : memref<!tpu.dma_semaphore, #tpu.memory_space<semaphore_mem>>) src(%dma_wait3A_654 : memref<32x128xf32, #tpu.memory_space<hbm>>) dst(%arg9 : memref<32x128xf32, #tpu.memory_space<vmem>>)
    %dma_start3A_655 = arith.constant 13 : i32
    %dma_start3A_656 = arith.constant 0 : i32
    %dma_start3A_657 = tpu.memref_slice %arg7[%dma_start3A_655, %dma_start3A_656] : memref<16x32xi32, #tpu.memory_space<vmem>> -> memref<1x32xi32, #tpu.memory_space<vmem>>
    %dma_start3A_658 = tpu.memref_squeeze %dma_start3A_657 : memref<1x32xi32, #tpu.memory_space<vmem>> -> memref<32xi32, #tpu.memory_space<vmem>>
    %dma_start3A_659 = arith.constant 0 : i32
    %dma_start3A_660 = arith.constant 0 : i32
    %dma_start3A_661 = tpu.memref_slice %arg5[%dma_start3A_659, %dma_start3A_660] : memref<16896x768xf32, #tpu.memory_space<hbm>> -> memref<16896x768xf32, #tpu.memory_space<hbm>>
    tpu.enqueue_indirect_dma source(%arg13 : memref<32x768xf32, #tpu.memory_space<vmem>>) target(%dma_start3A_661 : memref<16896x768xf32, #tpu.memory_space<hbm>>) offsets(%dma_start3A_658 : memref<32xi32, #tpu.memory_space<vmem>>) semaphore(%arg17 : memref<!tpu.dma_semaphore, #tpu.memory_space<semaphore_mem>>)
    %dma_start3A_662 = arith.constant 13 : i32
    %dma_start3A_663 = arith.constant 0 : i32
    %dma_start3A_664 = tpu.memref_slice %arg7[%dma_start3A_662, %dma_start3A_663] : memref<16x32xi32, #tpu.memory_space<vmem>> -> memref<1x32xi32, #tpu.memory_space<vmem>>
    %dma_start3A_665 = tpu.memref_squeeze %dma_start3A_664 : memref<1x32xi32, #tpu.memory_space<vmem>> -> memref<32xi32, #tpu.memory_space<vmem>>
    %dma_start3A_666 = arith.constant 0 : i32
    %dma_start3A_667 = arith.constant 0 : i32
    %dma_start3A_668 = tpu.memref_slice %arg6[%dma_start3A_666, %dma_start3A_667] : memref<16896x128xf32, #tpu.memory_space<hbm>> -> memref<16896x128xf32, #tpu.memory_space<hbm>>
    tpu.enqueue_indirect_dma source(%arg9 : memref<32x128xf32, #tpu.memory_space<vmem>>) target(%dma_start3A_668 : memref<16896x128xf32, #tpu.memory_space<hbm>>) offsets(%dma_start3A_665 : memref<32xi32, #tpu.memory_space<vmem>>) semaphore(%arg17 : memref<!tpu.dma_semaphore, #tpu.memory_space<semaphore_mem>>)
    %dma_wait3A_669 = arith.constant 0 : i32
    %dma_wait3A_670 = tpu.memref_slice %arg2[%add3A_588, %dma_wait3A_669] : memref<16384x768xf32, #tpu.memory_space<hbm>> -> memref<32x768xf32, #tpu.memory_space<hbm>>
    %dma_wait3A_671 = arith.constant 0 : i32
    %dma_wait3A_672 = tpu.memref_slice %arg2[%add3A_588, %dma_wait3A_671] : memref<16384x768xf32, #tpu.memory_space<hbm>> -> memref<32x768xf32, #tpu.memory_space<hbm>>
    tpu.wait_dma2 semaphore(%arg16 : memref<!tpu.dma_semaphore, #tpu.memory_space<semaphore_mem>>) src(%dma_wait3A_672 : memref<32x768xf32, #tpu.memory_space<hbm>>) dst(%arg14 : memref<32x768xf32, #tpu.memory_space<vmem>>)
    %dma_wait3A_673 = arith.constant 0 : i32
    %dma_wait3A_674 = tpu.memref_slice %arg4[%add3A_594, %dma_wait3A_673] : memref<16384x128xf32, #tpu.memory_space<hbm>> -> memref<32x128xf32, #tpu.memory_space<hbm>>
    %dma_wait3A_675 = arith.constant 0 : i32
    %dma_wait3A_676 = tpu.memref_slice %arg4[%add3A_594, %dma_wait3A_675] : memref<16384x128xf32, #tpu.memory_space<hbm>> -> memref<32x128xf32, #tpu.memory_space<hbm>>
    tpu.wait_dma2 semaphore(%arg16 : memref<!tpu.dma_semaphore, #tpu.memory_space<semaphore_mem>>) src(%dma_wait3A_676 : memref<32x128xf32, #tpu.memory_space<hbm>>) dst(%arg10 : memref<32x128xf32, #tpu.memory_space<vmem>>)
    %dma_start3A_677 = arith.constant 14 : i32
    %dma_start3A_678 = arith.constant 0 : i32
    %dma_start3A_679 = tpu.memref_slice %arg7[%dma_start3A_677, %dma_start3A_678] : memref<16x32xi32, #tpu.memory_space<vmem>> -> memref<1x32xi32, #tpu.memory_space<vmem>>
    %dma_start3A_680 = tpu.memref_squeeze %dma_start3A_679 : memref<1x32xi32, #tpu.memory_space<vmem>> -> memref<32xi32, #tpu.memory_space<vmem>>
    %dma_start3A_681 = arith.constant 0 : i32
    %dma_start3A_682 = arith.constant 0 : i32
    %dma_start3A_683 = tpu.memref_slice %arg5[%dma_start3A_681, %dma_start3A_682] : memref<16896x768xf32, #tpu.memory_space<hbm>> -> memref<16896x768xf32, #tpu.memory_space<hbm>>
    tpu.enqueue_indirect_dma source(%arg14 : memref<32x768xf32, #tpu.memory_space<vmem>>) target(%dma_start3A_683 : memref<16896x768xf32, #tpu.memory_space<hbm>>) offsets(%dma_start3A_680 : memref<32xi32, #tpu.memory_space<vmem>>) semaphore(%arg17 : memref<!tpu.dma_semaphore, #tpu.memory_space<semaphore_mem>>)
    %dma_start3A_684 = arith.constant 14 : i32
    %dma_start3A_685 = arith.constant 0 : i32
    %dma_start3A_686 = tpu.memref_slice %arg7[%dma_start3A_684, %dma_start3A_685] : memref<16x32xi32, #tpu.memory_space<vmem>> -> memref<1x32xi32, #tpu.memory_space<vmem>>
    %dma_start3A_687 = tpu.memref_squeeze %dma_start3A_686 : memref<1x32xi32, #tpu.memory_space<vmem>> -> memref<32xi32, #tpu.memory_space<vmem>>
    %dma_start3A_688 = arith.constant 0 : i32
    %dma_start3A_689 = arith.constant 0 : i32
    %dma_start3A_690 = tpu.memref_slice %arg6[%dma_start3A_688, %dma_start3A_689] : memref<16896x128xf32, #tpu.memory_space<hbm>> -> memref<16896x128xf32, #tpu.memory_space<hbm>>
    tpu.enqueue_indirect_dma source(%arg10 : memref<32x128xf32, #tpu.memory_space<vmem>>) target(%dma_start3A_690 : memref<16896x128xf32, #tpu.memory_space<hbm>>) offsets(%dma_start3A_687 : memref<32xi32, #tpu.memory_space<vmem>>) semaphore(%arg17 : memref<!tpu.dma_semaphore, #tpu.memory_space<semaphore_mem>>)
    %dma_wait3A_691 = arith.constant 0 : i32
    %dma_wait3A_692 = tpu.memref_slice %arg2[%add3A_636, %dma_wait3A_691] : memref<16384x768xf32, #tpu.memory_space<hbm>> -> memref<32x768xf32, #tpu.memory_space<hbm>>
    %dma_wait3A_693 = arith.constant 0 : i32
    %dma_wait3A_694 = tpu.memref_slice %arg2[%add3A_636, %dma_wait3A_693] : memref<16384x768xf32, #tpu.memory_space<hbm>> -> memref<32x768xf32, #tpu.memory_space<hbm>>
    tpu.wait_dma2 semaphore(%arg16 : memref<!tpu.dma_semaphore, #tpu.memory_space<semaphore_mem>>) src(%dma_wait3A_694 : memref<32x768xf32, #tpu.memory_space<hbm>>) dst(%arg15 : memref<32x768xf32, #tpu.memory_space<vmem>>)
    %dma_wait3A_695 = arith.constant 0 : i32
    %dma_wait3A_696 = tpu.memref_slice %arg4[%add3A_642, %dma_wait3A_695] : memref<16384x128xf32, #tpu.memory_space<hbm>> -> memref<32x128xf32, #tpu.memory_space<hbm>>
    %dma_wait3A_697 = arith.constant 0 : i32
    %dma_wait3A_698 = tpu.memref_slice %arg4[%add3A_642, %dma_wait3A_697] : memref<16384x128xf32, #tpu.memory_space<hbm>> -> memref<32x128xf32, #tpu.memory_space<hbm>>
    tpu.wait_dma2 semaphore(%arg16 : memref<!tpu.dma_semaphore, #tpu.memory_space<semaphore_mem>>) src(%dma_wait3A_698 : memref<32x128xf32, #tpu.memory_space<hbm>>) dst(%arg11 : memref<32x128xf32, #tpu.memory_space<vmem>>)
    %dma_start3A_699 = arith.constant 15 : i32
    %dma_start3A_700 = arith.constant 0 : i32
    %dma_start3A_701 = tpu.memref_slice %arg7[%dma_start3A_699, %dma_start3A_700] : memref<16x32xi32, #tpu.memory_space<vmem>> -> memref<1x32xi32, #tpu.memory_space<vmem>>
    %dma_start3A_702 = tpu.memref_squeeze %dma_start3A_701 : memref<1x32xi32, #tpu.memory_space<vmem>> -> memref<32xi32, #tpu.memory_space<vmem>>
    %dma_start3A_703 = arith.constant 0 : i32
    %dma_start3A_704 = arith.constant 0 : i32
    %dma_start3A_705 = tpu.memref_slice %arg5[%dma_start3A_703, %dma_start3A_704] : memref<16896x768xf32, #tpu.memory_space<hbm>> -> memref<16896x768xf32, #tpu.memory_space<hbm>>
    tpu.enqueue_indirect_dma source(%arg15 : memref<32x768xf32, #tpu.memory_space<vmem>>) target(%dma_start3A_705 : memref<16896x768xf32, #tpu.memory_space<hbm>>) offsets(%dma_start3A_702 : memref<32xi32, #tpu.memory_space<vmem>>) semaphore(%arg17 : memref<!tpu.dma_semaphore, #tpu.memory_space<semaphore_mem>>)
    %dma_start3A_706 = arith.constant 15 : i32
    %dma_start3A_707 = arith.constant 0 : i32
    %dma_start3A_708 = tpu.memref_slice %arg7[%dma_start3A_706, %dma_start3A_707] : memref<16x32xi32, #tpu.memory_space<vmem>> -> memref<1x32xi32, #tpu.memory_space<vmem>>
    %dma_start3A_709 = tpu.memref_squeeze %dma_start3A_708 : memref<1x32xi32, #tpu.memory_space<vmem>> -> memref<32xi32, #tpu.memory_space<vmem>>
    %dma_start3A_710 = arith.constant 0 : i32
    %dma_start3A_711 = arith.constant 0 : i32
    %dma_start3A_712 = tpu.memref_slice %arg6[%dma_start3A_710, %dma_start3A_711] : memref<16896x128xf32, #tpu.memory_space<hbm>> -> memref<16896x128xf32, #tpu.memory_space<hbm>>
    tpu.enqueue_indirect_dma source(%arg11 : memref<32x128xf32, #tpu.memory_space<vmem>>) target(%dma_start3A_712 : memref<16896x128xf32, #tpu.memory_space<hbm>>) offsets(%dma_start3A_709 : memref<32xi32, #tpu.memory_space<vmem>>) semaphore(%arg17 : memref<!tpu.dma_semaphore, #tpu.memory_space<semaphore_mem>>)
    %dma_wait3A_713 = arith.constant 12 : i32
    %dma_wait3A_714 = arith.constant 0 : i32
    %dma_wait3A_715 = tpu.memref_slice %arg7[%dma_wait3A_713, %dma_wait3A_714] : memref<16x32xi32, #tpu.memory_space<vmem>> -> memref<1x32xi32, #tpu.memory_space<vmem>>
    %dma_wait3A_716 = tpu.memref_squeeze %dma_wait3A_715 : memref<1x32xi32, #tpu.memory_space<vmem>> -> memref<32xi32, #tpu.memory_space<vmem>>
    %dma_wait3A_717 = arith.constant 0 : i32
    %dma_wait3A_718 = arith.constant 0 : i32
    %dma_wait3A_719 = tpu.memref_slice %arg5[%dma_wait3A_717, %dma_wait3A_718] : memref<16896x768xf32, #tpu.memory_space<hbm>> -> memref<16896x768xf32, #tpu.memory_space<hbm>>
    tpu.wait_indirect_dma semaphore(%arg17 : memref<!tpu.dma_semaphore, #tpu.memory_space<semaphore_mem>>) src(%arg12 : memref<32x768xf32, #tpu.memory_space<vmem>>) dst(%dma_wait3A_719 : memref<16896x768xf32, #tpu.memory_space<hbm>>)
    %dma_wait3A_720 = arith.constant 12 : i32
    %dma_wait3A_721 = arith.constant 0 : i32
    %dma_wait3A_722 = tpu.memref_slice %arg7[%dma_wait3A_720, %dma_wait3A_721] : memref<16x32xi32, #tpu.memory_space<vmem>> -> memref<1x32xi32, #tpu.memory_space<vmem>>
    %dma_wait3A_723 = tpu.memref_squeeze %dma_wait3A_722 : memref<1x32xi32, #tpu.memory_space<vmem>> -> memref<32xi32, #tpu.memory_space<vmem>>
    %dma_wait3A_724 = arith.constant 0 : i32
    %dma_wait3A_725 = arith.constant 0 : i32
    %dma_wait3A_726 = tpu.memref_slice %arg6[%dma_wait3A_724, %dma_wait3A_725] : memref<16896x128xf32, #tpu.memory_space<hbm>> -> memref<16896x128xf32, #tpu.memory_space<hbm>>
    tpu.wait_indirect_dma semaphore(%arg17 : memref<!tpu.dma_semaphore, #tpu.memory_space<semaphore_mem>>) src(%arg8 : memref<32x128xf32, #tpu.memory_space<vmem>>) dst(%dma_wait3A_726 : memref<16896x128xf32, #tpu.memory_space<hbm>>)
    %dma_wait3A_727 = arith.constant 13 : i32
    %dma_wait3A_728 = arith.constant 0 : i32
    %dma_wait3A_729 = tpu.memref_slice %arg7[%dma_wait3A_727, %dma_wait3A_728] : memref<16x32xi32, #tpu.memory_space<vmem>> -> memref<1x32xi32, #tpu.memory_space<vmem>>
    %dma_wait3A_730 = tpu.memref_squeeze %dma_wait3A_729 : memref<1x32xi32, #tpu.memory_space<vmem>> -> memref<32xi32, #tpu.memory_space<vmem>>
    %dma_wait3A_731 = arith.constant 0 : i32
    %dma_wait3A_732 = arith.constant 0 : i32
    %dma_wait3A_733 = tpu.memref_slice %arg5[%dma_wait3A_731, %dma_wait3A_732] : memref<16896x768xf32, #tpu.memory_space<hbm>> -> memref<16896x768xf32, #tpu.memory_space<hbm>>
    tpu.wait_indirect_dma semaphore(%arg17 : memref<!tpu.dma_semaphore, #tpu.memory_space<semaphore_mem>>) src(%arg13 : memref<32x768xf32, #tpu.memory_space<vmem>>) dst(%dma_wait3A_733 : memref<16896x768xf32, #tpu.memory_space<hbm>>)
    %dma_wait3A_734 = arith.constant 13 : i32
    %dma_wait3A_735 = arith.constant 0 : i32
    %dma_wait3A_736 = tpu.memref_slice %arg7[%dma_wait3A_734, %dma_wait3A_735] : memref<16x32xi32, #tpu.memory_space<vmem>> -> memref<1x32xi32, #tpu.memory_space<vmem>>
    %dma_wait3A_737 = tpu.memref_squeeze %dma_wait3A_736 : memref<1x32xi32, #tpu.memory_space<vmem>> -> memref<32xi32, #tpu.memory_space<vmem>>
    %dma_wait3A_738 = arith.constant 0 : i32
    %dma_wait3A_739 = arith.constant 0 : i32
    %dma_wait3A_740 = tpu.memref_slice %arg6[%dma_wait3A_738, %dma_wait3A_739] : memref<16896x128xf32, #tpu.memory_space<hbm>> -> memref<16896x128xf32, #tpu.memory_space<hbm>>
    tpu.wait_indirect_dma semaphore(%arg17 : memref<!tpu.dma_semaphore, #tpu.memory_space<semaphore_mem>>) src(%arg9 : memref<32x128xf32, #tpu.memory_space<vmem>>) dst(%dma_wait3A_740 : memref<16896x128xf32, #tpu.memory_space<hbm>>)
    %dma_wait3A_741 = arith.constant 14 : i32
    %dma_wait3A_742 = arith.constant 0 : i32
    %dma_wait3A_743 = tpu.memref_slice %arg7[%dma_wait3A_741, %dma_wait3A_742] : memref<16x32xi32, #tpu.memory_space<vmem>> -> memref<1x32xi32, #tpu.memory_space<vmem>>
    %dma_wait3A_744 = tpu.memref_squeeze %dma_wait3A_743 : memref<1x32xi32, #tpu.memory_space<vmem>> -> memref<32xi32, #tpu.memory_space<vmem>>
    %dma_wait3A_745 = arith.constant 0 : i32
    %dma_wait3A_746 = arith.constant 0 : i32
    %dma_wait3A_747 = tpu.memref_slice %arg5[%dma_wait3A_745, %dma_wait3A_746] : memref<16896x768xf32, #tpu.memory_space<hbm>> -> memref<16896x768xf32, #tpu.memory_space<hbm>>
    tpu.wait_indirect_dma semaphore(%arg17 : memref<!tpu.dma_semaphore, #tpu.memory_space<semaphore_mem>>) src(%arg14 : memref<32x768xf32, #tpu.memory_space<vmem>>) dst(%dma_wait3A_747 : memref<16896x768xf32, #tpu.memory_space<hbm>>)
    %dma_wait3A_748 = arith.constant 14 : i32
    %dma_wait3A_749 = arith.constant 0 : i32
    %dma_wait3A_750 = tpu.memref_slice %arg7[%dma_wait3A_748, %dma_wait3A_749] : memref<16x32xi32, #tpu.memory_space<vmem>> -> memref<1x32xi32, #tpu.memory_space<vmem>>
    %dma_wait3A_751 = tpu.memref_squeeze %dma_wait3A_750 : memref<1x32xi32, #tpu.memory_space<vmem>> -> memref<32xi32, #tpu.memory_space<vmem>>
    %dma_wait3A_752 = arith.constant 0 : i32
    %dma_wait3A_753 = arith.constant 0 : i32
    %dma_wait3A_754 = tpu.memref_slice %arg6[%dma_wait3A_752, %dma_wait3A_753] : memref<16896x128xf32, #tpu.memory_space<hbm>> -> memref<16896x128xf32, #tpu.memory_space<hbm>>
    tpu.wait_indirect_dma semaphore(%arg17 : memref<!tpu.dma_semaphore, #tpu.memory_space<semaphore_mem>>) src(%arg10 : memref<32x128xf32, #tpu.memory_space<vmem>>) dst(%dma_wait3A_754 : memref<16896x128xf32, #tpu.memory_space<hbm>>)
    %dma_wait3A_755 = arith.constant 15 : i32
    %dma_wait3A_756 = arith.constant 0 : i32
    %dma_wait3A_757 = tpu.memref_slice %arg7[%dma_wait3A_755, %dma_wait3A_756] : memref<16x32xi32, #tpu.memory_space<vmem>> -> memref<1x32xi32, #tpu.memory_space<vmem>>
    %dma_wait3A_758 = tpu.memref_squeeze %dma_wait3A_757 : memref<1x32xi32, #tpu.memory_space<vmem>> -> memref<32xi32, #tpu.memory_space<vmem>>
    %dma_wait3A_759 = arith.constant 0 : i32
    %dma_wait3A_760 = arith.constant 0 : i32
    %dma_wait3A_761 = tpu.memref_slice %arg5[%dma_wait3A_759, %dma_wait3A_760] : memref<16896x768xf32, #tpu.memory_space<hbm>> -> memref<16896x768xf32, #tpu.memory_space<hbm>>
    tpu.wait_indirect_dma semaphore(%arg17 : memref<!tpu.dma_semaphore, #tpu.memory_space<semaphore_mem>>) src(%arg15 : memref<32x768xf32, #tpu.memory_space<vmem>>) dst(%dma_wait3A_761 : memref<16896x768xf32, #tpu.memory_space<hbm>>)
    %dma_wait3A_762 = arith.constant 15 : i32
    %dma_wait3A_763 = arith.constant 0 : i32
    %dma_wait3A_764 = tpu.memref_slice %arg7[%dma_wait3A_762, %dma_wait3A_763] : memref<16x32xi32, #tpu.memory_space<vmem>> -> memref<1x32xi32, #tpu.memory_space<vmem>>
    %dma_wait3A_765 = tpu.memref_squeeze %dma_wait3A_764 : memref<1x32xi32, #tpu.memory_space<vmem>> -> memref<32xi32, #tpu.memory_space<vmem>>
    %dma_wait3A_766 = arith.constant 0 : i32
    %dma_wait3A_767 = arith.constant 0 : i32
    %dma_wait3A_768 = tpu.memref_slice %arg6[%dma_wait3A_766, %dma_wait3A_767] : memref<16896x128xf32, #tpu.memory_space<hbm>> -> memref<16896x128xf32, #tpu.memory_space<hbm>>
    tpu.wait_indirect_dma semaphore(%arg17 : memref<!tpu.dma_semaphore, #tpu.memory_space<semaphore_mem>>) src(%arg11 : memref<32x128xf32, #tpu.memory_space<vmem>>) dst(%dma_wait3A_768 : memref<16896x128xf32, #tpu.memory_space<hbm>>)
    return
  }
}

#map = affine_map<(d0, d1) -> (0, 0)>
#map1 = affine_map<(d0, d1) -> (0, 0, 0)>
module attributes {stable_mosaic.version = 14 : i64} {
  func.func @_combine_body(%arg0: i32, %arg1: i32, %arg2: memref<16896x768xf32, #tpu.memory_space<hbm>>, %arg3: memref<32x16x32xi32, #tpu.memory_space<hbm>>, %arg4: memref<16384x768xf32, #tpu.memory_space<hbm>>, %arg5: memref<16x32xi32, #tpu.memory_space<vmem>>, %arg6: memref<32x768xf32, #tpu.memory_space<vmem>>, %arg7: memref<32x768xf32, #tpu.memory_space<vmem>>, %arg8: memref<32x768xf32, #tpu.memory_space<vmem>>, %arg9: memref<32x768xf32, #tpu.memory_space<vmem>>, %arg10: memref<32x768xf32, #tpu.memory_space<vmem>>, %arg11: memref<!tpu.dma_semaphore, #tpu.memory_space<semaphore_mem>>, %arg12: memref<!tpu.dma_semaphore, #tpu.memory_space<semaphore_mem>>) attributes {dimension_semantics = [#tpu.dimension_semantics<core_parallel>, #tpu.dimension_semantics<subcore_parallel>], iteration_bounds = array<i64: 2, 16>, scalar_prefetch = 0 : i64, scratch_operands = 8 : i64, tpu.core_type = #tpu.core_type<sc_vector_subcore>, window_params = [{transform_indices = #map}, {transform_indices = #map1}, {transform_indices = #map}]} {
    %mul3A = arith.constant 2 : i32
    %mul3A_0 = arith.muli %arg1, %mul3A : i32
    %add3A = arith.addi %mul3A_0, %arg0 : i32
    %mul3A_1 = arith.constant 512 : i32
    %mul3A_2 = arith.muli %add3A, %mul3A_1 : i32
    "tpu.region"() ({
      %run_scoped3A = tpu.sem_alloc : memref<!tpu.dma_semaphore, #tpu.memory_space<semaphore_mem>>
      %dma_start3A_385 = arith.constant 0 : i32
      %dma_start3A_386 = arith.constant 0 : i32
      %dma_start3A_387 = tpu.memref_slice %arg3[%add3A, %dma_start3A_385, %dma_start3A_386] : memref<32x16x32xi32, #tpu.memory_space<hbm>> -> memref<1x16x32xi32, #tpu.memory_space<hbm>>
      %dma_start3A_388 = tpu.memref_squeeze %dma_start3A_387 : memref<1x16x32xi32, #tpu.memory_space<hbm>> -> memref<16x32xi32, #tpu.memory_space<hbm>>
      %dma_start3A_389 = arith.constant 0 : i32
      %dma_start3A_390 = arith.constant 0 : i32
      %dma_start3A_391 = tpu.memref_slice %arg3[%add3A, %dma_start3A_389, %dma_start3A_390] : memref<32x16x32xi32, #tpu.memory_space<hbm>> -> memref<1x16x32xi32, #tpu.memory_space<hbm>>
      %dma_start3A_392 = tpu.memref_squeeze %dma_start3A_391 : memref<1x16x32xi32, #tpu.memory_space<hbm>> -> memref<16x32xi32, #tpu.memory_space<hbm>>
      tpu.enqueue_dma source(%dma_start3A_392 : memref<16x32xi32, #tpu.memory_space<hbm>>) target(%arg5 : memref<16x32xi32, #tpu.memory_space<vmem>>) target_semaphore(%run_scoped3A : memref<!tpu.dma_semaphore, #tpu.memory_space<semaphore_mem>>)
      %dma_wait3A_393 = arith.constant 0 : i32
      %dma_wait3A_394 = arith.constant 0 : i32
      %dma_wait3A_395 = tpu.memref_slice %arg3[%add3A, %dma_wait3A_393, %dma_wait3A_394] : memref<32x16x32xi32, #tpu.memory_space<hbm>> -> memref<1x16x32xi32, #tpu.memory_space<hbm>>
      %dma_wait3A_396 = tpu.memref_squeeze %dma_wait3A_395 : memref<1x16x32xi32, #tpu.memory_space<hbm>> -> memref<16x32xi32, #tpu.memory_space<hbm>>
      %dma_wait3A_397 = arith.constant 0 : i32
      %dma_wait3A_398 = arith.constant 0 : i32
      %dma_wait3A_399 = tpu.memref_slice %arg3[%add3A, %dma_wait3A_397, %dma_wait3A_398] : memref<32x16x32xi32, #tpu.memory_space<hbm>> -> memref<1x16x32xi32, #tpu.memory_space<hbm>>
      %dma_wait3A_400 = tpu.memref_squeeze %dma_wait3A_399 : memref<1x16x32xi32, #tpu.memory_space<hbm>> -> memref<16x32xi32, #tpu.memory_space<hbm>>
      tpu.wait_dma2 semaphore(%run_scoped3A : memref<!tpu.dma_semaphore, #tpu.memory_space<semaphore_mem>>) src(%dma_wait3A_400 : memref<16x32xi32, #tpu.memory_space<hbm>>) dst(%arg5 : memref<16x32xi32, #tpu.memory_space<vmem>>)
      tpu.yield
    }) : () -> ()
    %dma_start3A = arith.constant 0 : i32
    %dma_start3A_3 = arith.constant 0 : i32
    %dma_start3A_4 = tpu.memref_slice %arg5[%dma_start3A, %dma_start3A_3] : memref<16x32xi32, #tpu.memory_space<vmem>> -> memref<1x32xi32, #tpu.memory_space<vmem>>
    %dma_start3A_5 = tpu.memref_squeeze %dma_start3A_4 : memref<1x32xi32, #tpu.memory_space<vmem>> -> memref<32xi32, #tpu.memory_space<vmem>>
    %dma_start3A_6 = arith.constant 0 : i32
    %dma_start3A_7 = arith.constant 0 : i32
    %dma_start3A_8 = tpu.memref_slice %arg2[%dma_start3A_6, %dma_start3A_7] : memref<16896x768xf32, #tpu.memory_space<hbm>> -> memref<16896x768xf32, #tpu.memory_space<hbm>>
    tpu.enqueue_indirect_dma source(%dma_start3A_8 : memref<16896x768xf32, #tpu.memory_space<hbm>>) target(%arg6 : memref<32x768xf32, #tpu.memory_space<vmem>>) offsets(%dma_start3A_5 : memref<32xi32, #tpu.memory_space<vmem>>) semaphore(%arg11 : memref<!tpu.dma_semaphore, #tpu.memory_space<semaphore_mem>>)
    %dma_start3A_9 = arith.constant 1 : i32
    %dma_start3A_10 = arith.constant 0 : i32
    %dma_start3A_11 = tpu.memref_slice %arg5[%dma_start3A_9, %dma_start3A_10] : memref<16x32xi32, #tpu.memory_space<vmem>> -> memref<1x32xi32, #tpu.memory_space<vmem>>
    %dma_start3A_12 = tpu.memref_squeeze %dma_start3A_11 : memref<1x32xi32, #tpu.memory_space<vmem>> -> memref<32xi32, #tpu.memory_space<vmem>>
    %dma_start3A_13 = arith.constant 0 : i32
    %dma_start3A_14 = arith.constant 0 : i32
    %dma_start3A_15 = tpu.memref_slice %arg2[%dma_start3A_13, %dma_start3A_14] : memref<16896x768xf32, #tpu.memory_space<hbm>> -> memref<16896x768xf32, #tpu.memory_space<hbm>>
    tpu.enqueue_indirect_dma source(%dma_start3A_15 : memref<16896x768xf32, #tpu.memory_space<hbm>>) target(%arg7 : memref<32x768xf32, #tpu.memory_space<vmem>>) offsets(%dma_start3A_12 : memref<32xi32, #tpu.memory_space<vmem>>) semaphore(%arg11 : memref<!tpu.dma_semaphore, #tpu.memory_space<semaphore_mem>>)
    %dma_start3A_16 = arith.constant 2 : i32
    %dma_start3A_17 = arith.constant 0 : i32
    %dma_start3A_18 = tpu.memref_slice %arg5[%dma_start3A_16, %dma_start3A_17] : memref<16x32xi32, #tpu.memory_space<vmem>> -> memref<1x32xi32, #tpu.memory_space<vmem>>
    %dma_start3A_19 = tpu.memref_squeeze %dma_start3A_18 : memref<1x32xi32, #tpu.memory_space<vmem>> -> memref<32xi32, #tpu.memory_space<vmem>>
    %dma_start3A_20 = arith.constant 0 : i32
    %dma_start3A_21 = arith.constant 0 : i32
    %dma_start3A_22 = tpu.memref_slice %arg2[%dma_start3A_20, %dma_start3A_21] : memref<16896x768xf32, #tpu.memory_space<hbm>> -> memref<16896x768xf32, #tpu.memory_space<hbm>>
    tpu.enqueue_indirect_dma source(%dma_start3A_22 : memref<16896x768xf32, #tpu.memory_space<hbm>>) target(%arg8 : memref<32x768xf32, #tpu.memory_space<vmem>>) offsets(%dma_start3A_19 : memref<32xi32, #tpu.memory_space<vmem>>) semaphore(%arg11 : memref<!tpu.dma_semaphore, #tpu.memory_space<semaphore_mem>>)
    %dma_start3A_23 = arith.constant 3 : i32
    %dma_start3A_24 = arith.constant 0 : i32
    %dma_start3A_25 = tpu.memref_slice %arg5[%dma_start3A_23, %dma_start3A_24] : memref<16x32xi32, #tpu.memory_space<vmem>> -> memref<1x32xi32, #tpu.memory_space<vmem>>
    %dma_start3A_26 = tpu.memref_squeeze %dma_start3A_25 : memref<1x32xi32, #tpu.memory_space<vmem>> -> memref<32xi32, #tpu.memory_space<vmem>>
    %dma_start3A_27 = arith.constant 0 : i32
    %dma_start3A_28 = arith.constant 0 : i32
    %dma_start3A_29 = tpu.memref_slice %arg2[%dma_start3A_27, %dma_start3A_28] : memref<16896x768xf32, #tpu.memory_space<hbm>> -> memref<16896x768xf32, #tpu.memory_space<hbm>>
    tpu.enqueue_indirect_dma source(%dma_start3A_29 : memref<16896x768xf32, #tpu.memory_space<hbm>>) target(%arg9 : memref<32x768xf32, #tpu.memory_space<vmem>>) offsets(%dma_start3A_26 : memref<32xi32, #tpu.memory_space<vmem>>) semaphore(%arg11 : memref<!tpu.dma_semaphore, #tpu.memory_space<semaphore_mem>>)
    %dma_wait3A = arith.constant 0 : i32
    %dma_wait3A_30 = arith.constant 0 : i32
    %dma_wait3A_31 = tpu.memref_slice %arg5[%dma_wait3A, %dma_wait3A_30] : memref<16x32xi32, #tpu.memory_space<vmem>> -> memref<1x32xi32, #tpu.memory_space<vmem>>
    %dma_wait3A_32 = tpu.memref_squeeze %dma_wait3A_31 : memref<1x32xi32, #tpu.memory_space<vmem>> -> memref<32xi32, #tpu.memory_space<vmem>>
    %dma_wait3A_33 = arith.constant 0 : i32
    %dma_wait3A_34 = arith.constant 0 : i32
    %dma_wait3A_35 = tpu.memref_slice %arg2[%dma_wait3A_33, %dma_wait3A_34] : memref<16896x768xf32, #tpu.memory_space<hbm>> -> memref<16896x768xf32, #tpu.memory_space<hbm>>
    tpu.wait_indirect_dma semaphore(%arg11 : memref<!tpu.dma_semaphore, #tpu.memory_space<semaphore_mem>>) src(%dma_wait3A_35 : memref<16896x768xf32, #tpu.memory_space<hbm>>) dst(%arg6 : memref<32x768xf32, #tpu.memory_space<vmem>>)
    %add3A_36 = arith.constant 0 : i32
    %add3A_37 = arith.addi %mul3A_2, %add3A_36 : i32
    %dma_start3A_38 = arith.constant 0 : i32
    %dma_start3A_39 = tpu.memref_slice %arg4[%add3A_37, %dma_start3A_38] : memref<16384x768xf32, #tpu.memory_space<hbm>> -> memref<32x768xf32, #tpu.memory_space<hbm>>
    %dma_start3A_40 = arith.constant 0 : i32
    %dma_start3A_41 = tpu.memref_slice %arg4[%add3A_37, %dma_start3A_40] : memref<16384x768xf32, #tpu.memory_space<hbm>> -> memref<32x768xf32, #tpu.memory_space<hbm>>
    tpu.enqueue_dma source(%arg6 : memref<32x768xf32, #tpu.memory_space<vmem>>) target(%dma_start3A_41 : memref<32x768xf32, #tpu.memory_space<hbm>>) target_semaphore(%arg12 : memref<!tpu.dma_semaphore, #tpu.memory_space<semaphore_mem>>)
    %dma_start3A_42 = arith.constant 4 : i32
    %dma_start3A_43 = arith.constant 0 : i32
    %dma_start3A_44 = tpu.memref_slice %arg5[%dma_start3A_42, %dma_start3A_43] : memref<16x32xi32, #tpu.memory_space<vmem>> -> memref<1x32xi32, #tpu.memory_space<vmem>>
    %dma_start3A_45 = tpu.memref_squeeze %dma_start3A_44 : memref<1x32xi32, #tpu.memory_space<vmem>> -> memref<32xi32, #tpu.memory_space<vmem>>
    %dma_start3A_46 = arith.constant 0 : i32
    %dma_start3A_47 = arith.constant 0 : i32
    %dma_start3A_48 = tpu.memref_slice %arg2[%dma_start3A_46, %dma_start3A_47] : memref<16896x768xf32, #tpu.memory_space<hbm>> -> memref<16896x768xf32, #tpu.memory_space<hbm>>
    tpu.enqueue_indirect_dma source(%dma_start3A_48 : memref<16896x768xf32, #tpu.memory_space<hbm>>) target(%arg10 : memref<32x768xf32, #tpu.memory_space<vmem>>) offsets(%dma_start3A_45 : memref<32xi32, #tpu.memory_space<vmem>>) semaphore(%arg11 : memref<!tpu.dma_semaphore, #tpu.memory_space<semaphore_mem>>)
    %dma_wait3A_49 = arith.constant 1 : i32
    %dma_wait3A_50 = arith.constant 0 : i32
    %dma_wait3A_51 = tpu.memref_slice %arg5[%dma_wait3A_49, %dma_wait3A_50] : memref<16x32xi32, #tpu.memory_space<vmem>> -> memref<1x32xi32, #tpu.memory_space<vmem>>
    %dma_wait3A_52 = tpu.memref_squeeze %dma_wait3A_51 : memref<1x32xi32, #tpu.memory_space<vmem>> -> memref<32xi32, #tpu.memory_space<vmem>>
    %dma_wait3A_53 = arith.constant 0 : i32
    %dma_wait3A_54 = arith.constant 0 : i32
    %dma_wait3A_55 = tpu.memref_slice %arg2[%dma_wait3A_53, %dma_wait3A_54] : memref<16896x768xf32, #tpu.memory_space<hbm>> -> memref<16896x768xf32, #tpu.memory_space<hbm>>
    tpu.wait_indirect_dma semaphore(%arg11 : memref<!tpu.dma_semaphore, #tpu.memory_space<semaphore_mem>>) src(%dma_wait3A_55 : memref<16896x768xf32, #tpu.memory_space<hbm>>) dst(%arg7 : memref<32x768xf32, #tpu.memory_space<vmem>>)
    %add3A_56 = arith.constant 32 : i32
    %add3A_57 = arith.addi %mul3A_2, %add3A_56 : i32
    %dma_start3A_58 = arith.constant 0 : i32
    %dma_start3A_59 = tpu.memref_slice %arg4[%add3A_57, %dma_start3A_58] : memref<16384x768xf32, #tpu.memory_space<hbm>> -> memref<32x768xf32, #tpu.memory_space<hbm>>
    %dma_start3A_60 = arith.constant 0 : i32
    %dma_start3A_61 = tpu.memref_slice %arg4[%add3A_57, %dma_start3A_60] : memref<16384x768xf32, #tpu.memory_space<hbm>> -> memref<32x768xf32, #tpu.memory_space<hbm>>
    tpu.enqueue_dma source(%arg7 : memref<32x768xf32, #tpu.memory_space<vmem>>) target(%dma_start3A_61 : memref<32x768xf32, #tpu.memory_space<hbm>>) target_semaphore(%arg12 : memref<!tpu.dma_semaphore, #tpu.memory_space<semaphore_mem>>)
    %dma_wait3A_62 = arith.constant 0 : i32
    %dma_wait3A_63 = tpu.memref_slice %arg4[%add3A_37, %dma_wait3A_62] : memref<16384x768xf32, #tpu.memory_space<hbm>> -> memref<32x768xf32, #tpu.memory_space<hbm>>
    %dma_wait3A_64 = arith.constant 0 : i32
    %dma_wait3A_65 = tpu.memref_slice %arg4[%add3A_37, %dma_wait3A_64] : memref<16384x768xf32, #tpu.memory_space<hbm>> -> memref<32x768xf32, #tpu.memory_space<hbm>>
    tpu.wait_dma2 semaphore(%arg12 : memref<!tpu.dma_semaphore, #tpu.memory_space<semaphore_mem>>) src(%arg6 : memref<32x768xf32, #tpu.memory_space<vmem>>) dst(%dma_wait3A_65 : memref<32x768xf32, #tpu.memory_space<hbm>>)
    %dma_start3A_66 = arith.constant 5 : i32
    %dma_start3A_67 = arith.constant 0 : i32
    %dma_start3A_68 = tpu.memref_slice %arg5[%dma_start3A_66, %dma_start3A_67] : memref<16x32xi32, #tpu.memory_space<vmem>> -> memref<1x32xi32, #tpu.memory_space<vmem>>
    %dma_start3A_69 = tpu.memref_squeeze %dma_start3A_68 : memref<1x32xi32, #tpu.memory_space<vmem>> -> memref<32xi32, #tpu.memory_space<vmem>>
    %dma_start3A_70 = arith.constant 0 : i32
    %dma_start3A_71 = arith.constant 0 : i32
    %dma_start3A_72 = tpu.memref_slice %arg2[%dma_start3A_70, %dma_start3A_71] : memref<16896x768xf32, #tpu.memory_space<hbm>> -> memref<16896x768xf32, #tpu.memory_space<hbm>>
    tpu.enqueue_indirect_dma source(%dma_start3A_72 : memref<16896x768xf32, #tpu.memory_space<hbm>>) target(%arg6 : memref<32x768xf32, #tpu.memory_space<vmem>>) offsets(%dma_start3A_69 : memref<32xi32, #tpu.memory_space<vmem>>) semaphore(%arg11 : memref<!tpu.dma_semaphore, #tpu.memory_space<semaphore_mem>>)
    %dma_wait3A_73 = arith.constant 2 : i32
    %dma_wait3A_74 = arith.constant 0 : i32
    %dma_wait3A_75 = tpu.memref_slice %arg5[%dma_wait3A_73, %dma_wait3A_74] : memref<16x32xi32, #tpu.memory_space<vmem>> -> memref<1x32xi32, #tpu.memory_space<vmem>>
    %dma_wait3A_76 = tpu.memref_squeeze %dma_wait3A_75 : memref<1x32xi32, #tpu.memory_space<vmem>> -> memref<32xi32, #tpu.memory_space<vmem>>
    %dma_wait3A_77 = arith.constant 0 : i32
    %dma_wait3A_78 = arith.constant 0 : i32
    %dma_wait3A_79 = tpu.memref_slice %arg2[%dma_wait3A_77, %dma_wait3A_78] : memref<16896x768xf32, #tpu.memory_space<hbm>> -> memref<16896x768xf32, #tpu.memory_space<hbm>>
    tpu.wait_indirect_dma semaphore(%arg11 : memref<!tpu.dma_semaphore, #tpu.memory_space<semaphore_mem>>) src(%dma_wait3A_79 : memref<16896x768xf32, #tpu.memory_space<hbm>>) dst(%arg8 : memref<32x768xf32, #tpu.memory_space<vmem>>)
    %add3A_80 = arith.constant 64 : i32
    %add3A_81 = arith.addi %mul3A_2, %add3A_80 : i32
    %dma_start3A_82 = arith.constant 0 : i32
    %dma_start3A_83 = tpu.memref_slice %arg4[%add3A_81, %dma_start3A_82] : memref<16384x768xf32, #tpu.memory_space<hbm>> -> memref<32x768xf32, #tpu.memory_space<hbm>>
    %dma_start3A_84 = arith.constant 0 : i32
    %dma_start3A_85 = tpu.memref_slice %arg4[%add3A_81, %dma_start3A_84] : memref<16384x768xf32, #tpu.memory_space<hbm>> -> memref<32x768xf32, #tpu.memory_space<hbm>>
    tpu.enqueue_dma source(%arg8 : memref<32x768xf32, #tpu.memory_space<vmem>>) target(%dma_start3A_85 : memref<32x768xf32, #tpu.memory_space<hbm>>) target_semaphore(%arg12 : memref<!tpu.dma_semaphore, #tpu.memory_space<semaphore_mem>>)
    %dma_wait3A_86 = arith.constant 0 : i32
    %dma_wait3A_87 = tpu.memref_slice %arg4[%add3A_57, %dma_wait3A_86] : memref<16384x768xf32, #tpu.memory_space<hbm>> -> memref<32x768xf32, #tpu.memory_space<hbm>>
    %dma_wait3A_88 = arith.constant 0 : i32
    %dma_wait3A_89 = tpu.memref_slice %arg4[%add3A_57, %dma_wait3A_88] : memref<16384x768xf32, #tpu.memory_space<hbm>> -> memref<32x768xf32, #tpu.memory_space<hbm>>
    tpu.wait_dma2 semaphore(%arg12 : memref<!tpu.dma_semaphore, #tpu.memory_space<semaphore_mem>>) src(%arg7 : memref<32x768xf32, #tpu.memory_space<vmem>>) dst(%dma_wait3A_89 : memref<32x768xf32, #tpu.memory_space<hbm>>)
    %dma_start3A_90 = arith.constant 6 : i32
    %dma_start3A_91 = arith.constant 0 : i32
    %dma_start3A_92 = tpu.memref_slice %arg5[%dma_start3A_90, %dma_start3A_91] : memref<16x32xi32, #tpu.memory_space<vmem>> -> memref<1x32xi32, #tpu.memory_space<vmem>>
    %dma_start3A_93 = tpu.memref_squeeze %dma_start3A_92 : memref<1x32xi32, #tpu.memory_space<vmem>> -> memref<32xi32, #tpu.memory_space<vmem>>
    %dma_start3A_94 = arith.constant 0 : i32
    %dma_start3A_95 = arith.constant 0 : i32
    %dma_start3A_96 = tpu.memref_slice %arg2[%dma_start3A_94, %dma_start3A_95] : memref<16896x768xf32, #tpu.memory_space<hbm>> -> memref<16896x768xf32, #tpu.memory_space<hbm>>
    tpu.enqueue_indirect_dma source(%dma_start3A_96 : memref<16896x768xf32, #tpu.memory_space<hbm>>) target(%arg7 : memref<32x768xf32, #tpu.memory_space<vmem>>) offsets(%dma_start3A_93 : memref<32xi32, #tpu.memory_space<vmem>>) semaphore(%arg11 : memref<!tpu.dma_semaphore, #tpu.memory_space<semaphore_mem>>)
    %dma_wait3A_97 = arith.constant 3 : i32
    %dma_wait3A_98 = arith.constant 0 : i32
    %dma_wait3A_99 = tpu.memref_slice %arg5[%dma_wait3A_97, %dma_wait3A_98] : memref<16x32xi32, #tpu.memory_space<vmem>> -> memref<1x32xi32, #tpu.memory_space<vmem>>
    %dma_wait3A_100 = tpu.memref_squeeze %dma_wait3A_99 : memref<1x32xi32, #tpu.memory_space<vmem>> -> memref<32xi32, #tpu.memory_space<vmem>>
    %dma_wait3A_101 = arith.constant 0 : i32
    %dma_wait3A_102 = arith.constant 0 : i32
    %dma_wait3A_103 = tpu.memref_slice %arg2[%dma_wait3A_101, %dma_wait3A_102] : memref<16896x768xf32, #tpu.memory_space<hbm>> -> memref<16896x768xf32, #tpu.memory_space<hbm>>
    tpu.wait_indirect_dma semaphore(%arg11 : memref<!tpu.dma_semaphore, #tpu.memory_space<semaphore_mem>>) src(%dma_wait3A_103 : memref<16896x768xf32, #tpu.memory_space<hbm>>) dst(%arg9 : memref<32x768xf32, #tpu.memory_space<vmem>>)
    %add3A_104 = arith.constant 96 : i32
    %add3A_105 = arith.addi %mul3A_2, %add3A_104 : i32
    %dma_start3A_106 = arith.constant 0 : i32
    %dma_start3A_107 = tpu.memref_slice %arg4[%add3A_105, %dma_start3A_106] : memref<16384x768xf32, #tpu.memory_space<hbm>> -> memref<32x768xf32, #tpu.memory_space<hbm>>
    %dma_start3A_108 = arith.constant 0 : i32
    %dma_start3A_109 = tpu.memref_slice %arg4[%add3A_105, %dma_start3A_108] : memref<16384x768xf32, #tpu.memory_space<hbm>> -> memref<32x768xf32, #tpu.memory_space<hbm>>
    tpu.enqueue_dma source(%arg9 : memref<32x768xf32, #tpu.memory_space<vmem>>) target(%dma_start3A_109 : memref<32x768xf32, #tpu.memory_space<hbm>>) target_semaphore(%arg12 : memref<!tpu.dma_semaphore, #tpu.memory_space<semaphore_mem>>)
    %dma_wait3A_110 = arith.constant 0 : i32
    %dma_wait3A_111 = tpu.memref_slice %arg4[%add3A_81, %dma_wait3A_110] : memref<16384x768xf32, #tpu.memory_space<hbm>> -> memref<32x768xf32, #tpu.memory_space<hbm>>
    %dma_wait3A_112 = arith.constant 0 : i32
    %dma_wait3A_113 = tpu.memref_slice %arg4[%add3A_81, %dma_wait3A_112] : memref<16384x768xf32, #tpu.memory_space<hbm>> -> memref<32x768xf32, #tpu.memory_space<hbm>>
    tpu.wait_dma2 semaphore(%arg12 : memref<!tpu.dma_semaphore, #tpu.memory_space<semaphore_mem>>) src(%arg8 : memref<32x768xf32, #tpu.memory_space<vmem>>) dst(%dma_wait3A_113 : memref<32x768xf32, #tpu.memory_space<hbm>>)
    %dma_start3A_114 = arith.constant 7 : i32
    %dma_start3A_115 = arith.constant 0 : i32
    %dma_start3A_116 = tpu.memref_slice %arg5[%dma_start3A_114, %dma_start3A_115] : memref<16x32xi32, #tpu.memory_space<vmem>> -> memref<1x32xi32, #tpu.memory_space<vmem>>
    %dma_start3A_117 = tpu.memref_squeeze %dma_start3A_116 : memref<1x32xi32, #tpu.memory_space<vmem>> -> memref<32xi32, #tpu.memory_space<vmem>>
    %dma_start3A_118 = arith.constant 0 : i32
    %dma_start3A_119 = arith.constant 0 : i32
    %dma_start3A_120 = tpu.memref_slice %arg2[%dma_start3A_118, %dma_start3A_119] : memref<16896x768xf32, #tpu.memory_space<hbm>> -> memref<16896x768xf32, #tpu.memory_space<hbm>>
    tpu.enqueue_indirect_dma source(%dma_start3A_120 : memref<16896x768xf32, #tpu.memory_space<hbm>>) target(%arg8 : memref<32x768xf32, #tpu.memory_space<vmem>>) offsets(%dma_start3A_117 : memref<32xi32, #tpu.memory_space<vmem>>) semaphore(%arg11 : memref<!tpu.dma_semaphore, #tpu.memory_space<semaphore_mem>>)
    %dma_wait3A_121 = arith.constant 4 : i32
    %dma_wait3A_122 = arith.constant 0 : i32
    %dma_wait3A_123 = tpu.memref_slice %arg5[%dma_wait3A_121, %dma_wait3A_122] : memref<16x32xi32, #tpu.memory_space<vmem>> -> memref<1x32xi32, #tpu.memory_space<vmem>>
    %dma_wait3A_124 = tpu.memref_squeeze %dma_wait3A_123 : memref<1x32xi32, #tpu.memory_space<vmem>> -> memref<32xi32, #tpu.memory_space<vmem>>
    %dma_wait3A_125 = arith.constant 0 : i32
    %dma_wait3A_126 = arith.constant 0 : i32
    %dma_wait3A_127 = tpu.memref_slice %arg2[%dma_wait3A_125, %dma_wait3A_126] : memref<16896x768xf32, #tpu.memory_space<hbm>> -> memref<16896x768xf32, #tpu.memory_space<hbm>>
    tpu.wait_indirect_dma semaphore(%arg11 : memref<!tpu.dma_semaphore, #tpu.memory_space<semaphore_mem>>) src(%dma_wait3A_127 : memref<16896x768xf32, #tpu.memory_space<hbm>>) dst(%arg10 : memref<32x768xf32, #tpu.memory_space<vmem>>)
    %add3A_128 = arith.constant 128 : i32
    %add3A_129 = arith.addi %mul3A_2, %add3A_128 : i32
    %dma_start3A_130 = arith.constant 0 : i32
    %dma_start3A_131 = tpu.memref_slice %arg4[%add3A_129, %dma_start3A_130] : memref<16384x768xf32, #tpu.memory_space<hbm>> -> memref<32x768xf32, #tpu.memory_space<hbm>>
    %dma_start3A_132 = arith.constant 0 : i32
    %dma_start3A_133 = tpu.memref_slice %arg4[%add3A_129, %dma_start3A_132] : memref<16384x768xf32, #tpu.memory_space<hbm>> -> memref<32x768xf32, #tpu.memory_space<hbm>>
    tpu.enqueue_dma source(%arg10 : memref<32x768xf32, #tpu.memory_space<vmem>>) target(%dma_start3A_133 : memref<32x768xf32, #tpu.memory_space<hbm>>) target_semaphore(%arg12 : memref<!tpu.dma_semaphore, #tpu.memory_space<semaphore_mem>>)
    %dma_wait3A_134 = arith.constant 0 : i32
    %dma_wait3A_135 = tpu.memref_slice %arg4[%add3A_105, %dma_wait3A_134] : memref<16384x768xf32, #tpu.memory_space<hbm>> -> memref<32x768xf32, #tpu.memory_space<hbm>>
    %dma_wait3A_136 = arith.constant 0 : i32
    %dma_wait3A_137 = tpu.memref_slice %arg4[%add3A_105, %dma_wait3A_136] : memref<16384x768xf32, #tpu.memory_space<hbm>> -> memref<32x768xf32, #tpu.memory_space<hbm>>
    tpu.wait_dma2 semaphore(%arg12 : memref<!tpu.dma_semaphore, #tpu.memory_space<semaphore_mem>>) src(%arg9 : memref<32x768xf32, #tpu.memory_space<vmem>>) dst(%dma_wait3A_137 : memref<32x768xf32, #tpu.memory_space<hbm>>)
    %dma_start3A_138 = arith.constant 8 : i32
    %dma_start3A_139 = arith.constant 0 : i32
    %dma_start3A_140 = tpu.memref_slice %arg5[%dma_start3A_138, %dma_start3A_139] : memref<16x32xi32, #tpu.memory_space<vmem>> -> memref<1x32xi32, #tpu.memory_space<vmem>>
    %dma_start3A_141 = tpu.memref_squeeze %dma_start3A_140 : memref<1x32xi32, #tpu.memory_space<vmem>> -> memref<32xi32, #tpu.memory_space<vmem>>
    %dma_start3A_142 = arith.constant 0 : i32
    %dma_start3A_143 = arith.constant 0 : i32
    %dma_start3A_144 = tpu.memref_slice %arg2[%dma_start3A_142, %dma_start3A_143] : memref<16896x768xf32, #tpu.memory_space<hbm>> -> memref<16896x768xf32, #tpu.memory_space<hbm>>
    tpu.enqueue_indirect_dma source(%dma_start3A_144 : memref<16896x768xf32, #tpu.memory_space<hbm>>) target(%arg9 : memref<32x768xf32, #tpu.memory_space<vmem>>) offsets(%dma_start3A_141 : memref<32xi32, #tpu.memory_space<vmem>>) semaphore(%arg11 : memref<!tpu.dma_semaphore, #tpu.memory_space<semaphore_mem>>)
    %dma_wait3A_145 = arith.constant 5 : i32
    %dma_wait3A_146 = arith.constant 0 : i32
    %dma_wait3A_147 = tpu.memref_slice %arg5[%dma_wait3A_145, %dma_wait3A_146] : memref<16x32xi32, #tpu.memory_space<vmem>> -> memref<1x32xi32, #tpu.memory_space<vmem>>
    %dma_wait3A_148 = tpu.memref_squeeze %dma_wait3A_147 : memref<1x32xi32, #tpu.memory_space<vmem>> -> memref<32xi32, #tpu.memory_space<vmem>>
    %dma_wait3A_149 = arith.constant 0 : i32
    %dma_wait3A_150 = arith.constant 0 : i32
    %dma_wait3A_151 = tpu.memref_slice %arg2[%dma_wait3A_149, %dma_wait3A_150] : memref<16896x768xf32, #tpu.memory_space<hbm>> -> memref<16896x768xf32, #tpu.memory_space<hbm>>
    tpu.wait_indirect_dma semaphore(%arg11 : memref<!tpu.dma_semaphore, #tpu.memory_space<semaphore_mem>>) src(%dma_wait3A_151 : memref<16896x768xf32, #tpu.memory_space<hbm>>) dst(%arg6 : memref<32x768xf32, #tpu.memory_space<vmem>>)
    %add3A_152 = arith.constant 160 : i32
    %add3A_153 = arith.addi %mul3A_2, %add3A_152 : i32
    %dma_start3A_154 = arith.constant 0 : i32
    %dma_start3A_155 = tpu.memref_slice %arg4[%add3A_153, %dma_start3A_154] : memref<16384x768xf32, #tpu.memory_space<hbm>> -> memref<32x768xf32, #tpu.memory_space<hbm>>
    %dma_start3A_156 = arith.constant 0 : i32
    %dma_start3A_157 = tpu.memref_slice %arg4[%add3A_153, %dma_start3A_156] : memref<16384x768xf32, #tpu.memory_space<hbm>> -> memref<32x768xf32, #tpu.memory_space<hbm>>
    tpu.enqueue_dma source(%arg6 : memref<32x768xf32, #tpu.memory_space<vmem>>) target(%dma_start3A_157 : memref<32x768xf32, #tpu.memory_space<hbm>>) target_semaphore(%arg12 : memref<!tpu.dma_semaphore, #tpu.memory_space<semaphore_mem>>)
    %dma_wait3A_158 = arith.constant 0 : i32
    %dma_wait3A_159 = tpu.memref_slice %arg4[%add3A_129, %dma_wait3A_158] : memref<16384x768xf32, #tpu.memory_space<hbm>> -> memref<32x768xf32, #tpu.memory_space<hbm>>
    %dma_wait3A_160 = arith.constant 0 : i32
    %dma_wait3A_161 = tpu.memref_slice %arg4[%add3A_129, %dma_wait3A_160] : memref<16384x768xf32, #tpu.memory_space<hbm>> -> memref<32x768xf32, #tpu.memory_space<hbm>>
    tpu.wait_dma2 semaphore(%arg12 : memref<!tpu.dma_semaphore, #tpu.memory_space<semaphore_mem>>) src(%arg10 : memref<32x768xf32, #tpu.memory_space<vmem>>) dst(%dma_wait3A_161 : memref<32x768xf32, #tpu.memory_space<hbm>>)
    %dma_start3A_162 = arith.constant 9 : i32
    %dma_start3A_163 = arith.constant 0 : i32
    %dma_start3A_164 = tpu.memref_slice %arg5[%dma_start3A_162, %dma_start3A_163] : memref<16x32xi32, #tpu.memory_space<vmem>> -> memref<1x32xi32, #tpu.memory_space<vmem>>
    %dma_start3A_165 = tpu.memref_squeeze %dma_start3A_164 : memref<1x32xi32, #tpu.memory_space<vmem>> -> memref<32xi32, #tpu.memory_space<vmem>>
    %dma_start3A_166 = arith.constant 0 : i32
    %dma_start3A_167 = arith.constant 0 : i32
    %dma_start3A_168 = tpu.memref_slice %arg2[%dma_start3A_166, %dma_start3A_167] : memref<16896x768xf32, #tpu.memory_space<hbm>> -> memref<16896x768xf32, #tpu.memory_space<hbm>>
    tpu.enqueue_indirect_dma source(%dma_start3A_168 : memref<16896x768xf32, #tpu.memory_space<hbm>>) target(%arg10 : memref<32x768xf32, #tpu.memory_space<vmem>>) offsets(%dma_start3A_165 : memref<32xi32, #tpu.memory_space<vmem>>) semaphore(%arg11 : memref<!tpu.dma_semaphore, #tpu.memory_space<semaphore_mem>>)
    %dma_wait3A_169 = arith.constant 6 : i32
    %dma_wait3A_170 = arith.constant 0 : i32
    %dma_wait3A_171 = tpu.memref_slice %arg5[%dma_wait3A_169, %dma_wait3A_170] : memref<16x32xi32, #tpu.memory_space<vmem>> -> memref<1x32xi32, #tpu.memory_space<vmem>>
    %dma_wait3A_172 = tpu.memref_squeeze %dma_wait3A_171 : memref<1x32xi32, #tpu.memory_space<vmem>> -> memref<32xi32, #tpu.memory_space<vmem>>
    %dma_wait3A_173 = arith.constant 0 : i32
    %dma_wait3A_174 = arith.constant 0 : i32
    %dma_wait3A_175 = tpu.memref_slice %arg2[%dma_wait3A_173, %dma_wait3A_174] : memref<16896x768xf32, #tpu.memory_space<hbm>> -> memref<16896x768xf32, #tpu.memory_space<hbm>>
    tpu.wait_indirect_dma semaphore(%arg11 : memref<!tpu.dma_semaphore, #tpu.memory_space<semaphore_mem>>) src(%dma_wait3A_175 : memref<16896x768xf32, #tpu.memory_space<hbm>>) dst(%arg7 : memref<32x768xf32, #tpu.memory_space<vmem>>)
    %add3A_176 = arith.constant 192 : i32
    %add3A_177 = arith.addi %mul3A_2, %add3A_176 : i32
    %dma_start3A_178 = arith.constant 0 : i32
    %dma_start3A_179 = tpu.memref_slice %arg4[%add3A_177, %dma_start3A_178] : memref<16384x768xf32, #tpu.memory_space<hbm>> -> memref<32x768xf32, #tpu.memory_space<hbm>>
    %dma_start3A_180 = arith.constant 0 : i32
    %dma_start3A_181 = tpu.memref_slice %arg4[%add3A_177, %dma_start3A_180] : memref<16384x768xf32, #tpu.memory_space<hbm>> -> memref<32x768xf32, #tpu.memory_space<hbm>>
    tpu.enqueue_dma source(%arg7 : memref<32x768xf32, #tpu.memory_space<vmem>>) target(%dma_start3A_181 : memref<32x768xf32, #tpu.memory_space<hbm>>) target_semaphore(%arg12 : memref<!tpu.dma_semaphore, #tpu.memory_space<semaphore_mem>>)
    %dma_wait3A_182 = arith.constant 0 : i32
    %dma_wait3A_183 = tpu.memref_slice %arg4[%add3A_153, %dma_wait3A_182] : memref<16384x768xf32, #tpu.memory_space<hbm>> -> memref<32x768xf32, #tpu.memory_space<hbm>>
    %dma_wait3A_184 = arith.constant 0 : i32
    %dma_wait3A_185 = tpu.memref_slice %arg4[%add3A_153, %dma_wait3A_184] : memref<16384x768xf32, #tpu.memory_space<hbm>> -> memref<32x768xf32, #tpu.memory_space<hbm>>
    tpu.wait_dma2 semaphore(%arg12 : memref<!tpu.dma_semaphore, #tpu.memory_space<semaphore_mem>>) src(%arg6 : memref<32x768xf32, #tpu.memory_space<vmem>>) dst(%dma_wait3A_185 : memref<32x768xf32, #tpu.memory_space<hbm>>)
    %dma_start3A_186 = arith.constant 10 : i32
    %dma_start3A_187 = arith.constant 0 : i32
    %dma_start3A_188 = tpu.memref_slice %arg5[%dma_start3A_186, %dma_start3A_187] : memref<16x32xi32, #tpu.memory_space<vmem>> -> memref<1x32xi32, #tpu.memory_space<vmem>>
    %dma_start3A_189 = tpu.memref_squeeze %dma_start3A_188 : memref<1x32xi32, #tpu.memory_space<vmem>> -> memref<32xi32, #tpu.memory_space<vmem>>
    %dma_start3A_190 = arith.constant 0 : i32
    %dma_start3A_191 = arith.constant 0 : i32
    %dma_start3A_192 = tpu.memref_slice %arg2[%dma_start3A_190, %dma_start3A_191] : memref<16896x768xf32, #tpu.memory_space<hbm>> -> memref<16896x768xf32, #tpu.memory_space<hbm>>
    tpu.enqueue_indirect_dma source(%dma_start3A_192 : memref<16896x768xf32, #tpu.memory_space<hbm>>) target(%arg6 : memref<32x768xf32, #tpu.memory_space<vmem>>) offsets(%dma_start3A_189 : memref<32xi32, #tpu.memory_space<vmem>>) semaphore(%arg11 : memref<!tpu.dma_semaphore, #tpu.memory_space<semaphore_mem>>)
    %dma_wait3A_193 = arith.constant 7 : i32
    %dma_wait3A_194 = arith.constant 0 : i32
    %dma_wait3A_195 = tpu.memref_slice %arg5[%dma_wait3A_193, %dma_wait3A_194] : memref<16x32xi32, #tpu.memory_space<vmem>> -> memref<1x32xi32, #tpu.memory_space<vmem>>
    %dma_wait3A_196 = tpu.memref_squeeze %dma_wait3A_195 : memref<1x32xi32, #tpu.memory_space<vmem>> -> memref<32xi32, #tpu.memory_space<vmem>>
    %dma_wait3A_197 = arith.constant 0 : i32
    %dma_wait3A_198 = arith.constant 0 : i32
    %dma_wait3A_199 = tpu.memref_slice %arg2[%dma_wait3A_197, %dma_wait3A_198] : memref<16896x768xf32, #tpu.memory_space<hbm>> -> memref<16896x768xf32, #tpu.memory_space<hbm>>
    tpu.wait_indirect_dma semaphore(%arg11 : memref<!tpu.dma_semaphore, #tpu.memory_space<semaphore_mem>>) src(%dma_wait3A_199 : memref<16896x768xf32, #tpu.memory_space<hbm>>) dst(%arg8 : memref<32x768xf32, #tpu.memory_space<vmem>>)
    %add3A_200 = arith.constant 224 : i32
    %add3A_201 = arith.addi %mul3A_2, %add3A_200 : i32
    %dma_start3A_202 = arith.constant 0 : i32
    %dma_start3A_203 = tpu.memref_slice %arg4[%add3A_201, %dma_start3A_202] : memref<16384x768xf32, #tpu.memory_space<hbm>> -> memref<32x768xf32, #tpu.memory_space<hbm>>
    %dma_start3A_204 = arith.constant 0 : i32
    %dma_start3A_205 = tpu.memref_slice %arg4[%add3A_201, %dma_start3A_204] : memref<16384x768xf32, #tpu.memory_space<hbm>> -> memref<32x768xf32, #tpu.memory_space<hbm>>
    tpu.enqueue_dma source(%arg8 : memref<32x768xf32, #tpu.memory_space<vmem>>) target(%dma_start3A_205 : memref<32x768xf32, #tpu.memory_space<hbm>>) target_semaphore(%arg12 : memref<!tpu.dma_semaphore, #tpu.memory_space<semaphore_mem>>)
    %dma_wait3A_206 = arith.constant 0 : i32
    %dma_wait3A_207 = tpu.memref_slice %arg4[%add3A_177, %dma_wait3A_206] : memref<16384x768xf32, #tpu.memory_space<hbm>> -> memref<32x768xf32, #tpu.memory_space<hbm>>
    %dma_wait3A_208 = arith.constant 0 : i32
    %dma_wait3A_209 = tpu.memref_slice %arg4[%add3A_177, %dma_wait3A_208] : memref<16384x768xf32, #tpu.memory_space<hbm>> -> memref<32x768xf32, #tpu.memory_space<hbm>>
    tpu.wait_dma2 semaphore(%arg12 : memref<!tpu.dma_semaphore, #tpu.memory_space<semaphore_mem>>) src(%arg7 : memref<32x768xf32, #tpu.memory_space<vmem>>) dst(%dma_wait3A_209 : memref<32x768xf32, #tpu.memory_space<hbm>>)
    %dma_start3A_210 = arith.constant 11 : i32
    %dma_start3A_211 = arith.constant 0 : i32
    %dma_start3A_212 = tpu.memref_slice %arg5[%dma_start3A_210, %dma_start3A_211] : memref<16x32xi32, #tpu.memory_space<vmem>> -> memref<1x32xi32, #tpu.memory_space<vmem>>
    %dma_start3A_213 = tpu.memref_squeeze %dma_start3A_212 : memref<1x32xi32, #tpu.memory_space<vmem>> -> memref<32xi32, #tpu.memory_space<vmem>>
    %dma_start3A_214 = arith.constant 0 : i32
    %dma_start3A_215 = arith.constant 0 : i32
    %dma_start3A_216 = tpu.memref_slice %arg2[%dma_start3A_214, %dma_start3A_215] : memref<16896x768xf32, #tpu.memory_space<hbm>> -> memref<16896x768xf32, #tpu.memory_space<hbm>>
    tpu.enqueue_indirect_dma source(%dma_start3A_216 : memref<16896x768xf32, #tpu.memory_space<hbm>>) target(%arg7 : memref<32x768xf32, #tpu.memory_space<vmem>>) offsets(%dma_start3A_213 : memref<32xi32, #tpu.memory_space<vmem>>) semaphore(%arg11 : memref<!tpu.dma_semaphore, #tpu.memory_space<semaphore_mem>>)
    %dma_wait3A_217 = arith.constant 8 : i32
    %dma_wait3A_218 = arith.constant 0 : i32
    %dma_wait3A_219 = tpu.memref_slice %arg5[%dma_wait3A_217, %dma_wait3A_218] : memref<16x32xi32, #tpu.memory_space<vmem>> -> memref<1x32xi32, #tpu.memory_space<vmem>>
    %dma_wait3A_220 = tpu.memref_squeeze %dma_wait3A_219 : memref<1x32xi32, #tpu.memory_space<vmem>> -> memref<32xi32, #tpu.memory_space<vmem>>
    %dma_wait3A_221 = arith.constant 0 : i32
    %dma_wait3A_222 = arith.constant 0 : i32
    %dma_wait3A_223 = tpu.memref_slice %arg2[%dma_wait3A_221, %dma_wait3A_222] : memref<16896x768xf32, #tpu.memory_space<hbm>> -> memref<16896x768xf32, #tpu.memory_space<hbm>>
    tpu.wait_indirect_dma semaphore(%arg11 : memref<!tpu.dma_semaphore, #tpu.memory_space<semaphore_mem>>) src(%dma_wait3A_223 : memref<16896x768xf32, #tpu.memory_space<hbm>>) dst(%arg9 : memref<32x768xf32, #tpu.memory_space<vmem>>)
    %add3A_224 = arith.constant 256 : i32
    %add3A_225 = arith.addi %mul3A_2, %add3A_224 : i32
    %dma_start3A_226 = arith.constant 0 : i32
    %dma_start3A_227 = tpu.memref_slice %arg4[%add3A_225, %dma_start3A_226] : memref<16384x768xf32, #tpu.memory_space<hbm>> -> memref<32x768xf32, #tpu.memory_space<hbm>>
    %dma_start3A_228 = arith.constant 0 : i32
    %dma_start3A_229 = tpu.memref_slice %arg4[%add3A_225, %dma_start3A_228] : memref<16384x768xf32, #tpu.memory_space<hbm>> -> memref<32x768xf32, #tpu.memory_space<hbm>>
    tpu.enqueue_dma source(%arg9 : memref<32x768xf32, #tpu.memory_space<vmem>>) target(%dma_start3A_229 : memref<32x768xf32, #tpu.memory_space<hbm>>) target_semaphore(%arg12 : memref<!tpu.dma_semaphore, #tpu.memory_space<semaphore_mem>>)
    %dma_wait3A_230 = arith.constant 0 : i32
    %dma_wait3A_231 = tpu.memref_slice %arg4[%add3A_201, %dma_wait3A_230] : memref<16384x768xf32, #tpu.memory_space<hbm>> -> memref<32x768xf32, #tpu.memory_space<hbm>>
    %dma_wait3A_232 = arith.constant 0 : i32
    %dma_wait3A_233 = tpu.memref_slice %arg4[%add3A_201, %dma_wait3A_232] : memref<16384x768xf32, #tpu.memory_space<hbm>> -> memref<32x768xf32, #tpu.memory_space<hbm>>
    tpu.wait_dma2 semaphore(%arg12 : memref<!tpu.dma_semaphore, #tpu.memory_space<semaphore_mem>>) src(%arg8 : memref<32x768xf32, #tpu.memory_space<vmem>>) dst(%dma_wait3A_233 : memref<32x768xf32, #tpu.memory_space<hbm>>)
    %dma_start3A_234 = arith.constant 12 : i32
    %dma_start3A_235 = arith.constant 0 : i32
    %dma_start3A_236 = tpu.memref_slice %arg5[%dma_start3A_234, %dma_start3A_235] : memref<16x32xi32, #tpu.memory_space<vmem>> -> memref<1x32xi32, #tpu.memory_space<vmem>>
    %dma_start3A_237 = tpu.memref_squeeze %dma_start3A_236 : memref<1x32xi32, #tpu.memory_space<vmem>> -> memref<32xi32, #tpu.memory_space<vmem>>
    %dma_start3A_238 = arith.constant 0 : i32
    %dma_start3A_239 = arith.constant 0 : i32
    %dma_start3A_240 = tpu.memref_slice %arg2[%dma_start3A_238, %dma_start3A_239] : memref<16896x768xf32, #tpu.memory_space<hbm>> -> memref<16896x768xf32, #tpu.memory_space<hbm>>
    tpu.enqueue_indirect_dma source(%dma_start3A_240 : memref<16896x768xf32, #tpu.memory_space<hbm>>) target(%arg8 : memref<32x768xf32, #tpu.memory_space<vmem>>) offsets(%dma_start3A_237 : memref<32xi32, #tpu.memory_space<vmem>>) semaphore(%arg11 : memref<!tpu.dma_semaphore, #tpu.memory_space<semaphore_mem>>)
    %dma_wait3A_241 = arith.constant 9 : i32
    %dma_wait3A_242 = arith.constant 0 : i32
    %dma_wait3A_243 = tpu.memref_slice %arg5[%dma_wait3A_241, %dma_wait3A_242] : memref<16x32xi32, #tpu.memory_space<vmem>> -> memref<1x32xi32, #tpu.memory_space<vmem>>
    %dma_wait3A_244 = tpu.memref_squeeze %dma_wait3A_243 : memref<1x32xi32, #tpu.memory_space<vmem>> -> memref<32xi32, #tpu.memory_space<vmem>>
    %dma_wait3A_245 = arith.constant 0 : i32
    %dma_wait3A_246 = arith.constant 0 : i32
    %dma_wait3A_247 = tpu.memref_slice %arg2[%dma_wait3A_245, %dma_wait3A_246] : memref<16896x768xf32, #tpu.memory_space<hbm>> -> memref<16896x768xf32, #tpu.memory_space<hbm>>
    tpu.wait_indirect_dma semaphore(%arg11 : memref<!tpu.dma_semaphore, #tpu.memory_space<semaphore_mem>>) src(%dma_wait3A_247 : memref<16896x768xf32, #tpu.memory_space<hbm>>) dst(%arg10 : memref<32x768xf32, #tpu.memory_space<vmem>>)
    %add3A_248 = arith.constant 288 : i32
    %add3A_249 = arith.addi %mul3A_2, %add3A_248 : i32
    %dma_start3A_250 = arith.constant 0 : i32
    %dma_start3A_251 = tpu.memref_slice %arg4[%add3A_249, %dma_start3A_250] : memref<16384x768xf32, #tpu.memory_space<hbm>> -> memref<32x768xf32, #tpu.memory_space<hbm>>
    %dma_start3A_252 = arith.constant 0 : i32
    %dma_start3A_253 = tpu.memref_slice %arg4[%add3A_249, %dma_start3A_252] : memref<16384x768xf32, #tpu.memory_space<hbm>> -> memref<32x768xf32, #tpu.memory_space<hbm>>
    tpu.enqueue_dma source(%arg10 : memref<32x768xf32, #tpu.memory_space<vmem>>) target(%dma_start3A_253 : memref<32x768xf32, #tpu.memory_space<hbm>>) target_semaphore(%arg12 : memref<!tpu.dma_semaphore, #tpu.memory_space<semaphore_mem>>)
    %dma_wait3A_254 = arith.constant 0 : i32
    %dma_wait3A_255 = tpu.memref_slice %arg4[%add3A_225, %dma_wait3A_254] : memref<16384x768xf32, #tpu.memory_space<hbm>> -> memref<32x768xf32, #tpu.memory_space<hbm>>
    %dma_wait3A_256 = arith.constant 0 : i32
    %dma_wait3A_257 = tpu.memref_slice %arg4[%add3A_225, %dma_wait3A_256] : memref<16384x768xf32, #tpu.memory_space<hbm>> -> memref<32x768xf32, #tpu.memory_space<hbm>>
    tpu.wait_dma2 semaphore(%arg12 : memref<!tpu.dma_semaphore, #tpu.memory_space<semaphore_mem>>) src(%arg9 : memref<32x768xf32, #tpu.memory_space<vmem>>) dst(%dma_wait3A_257 : memref<32x768xf32, #tpu.memory_space<hbm>>)
    %dma_start3A_258 = arith.constant 13 : i32
    %dma_start3A_259 = arith.constant 0 : i32
    %dma_start3A_260 = tpu.memref_slice %arg5[%dma_start3A_258, %dma_start3A_259] : memref<16x32xi32, #tpu.memory_space<vmem>> -> memref<1x32xi32, #tpu.memory_space<vmem>>
    %dma_start3A_261 = tpu.memref_squeeze %dma_start3A_260 : memref<1x32xi32, #tpu.memory_space<vmem>> -> memref<32xi32, #tpu.memory_space<vmem>>
    %dma_start3A_262 = arith.constant 0 : i32
    %dma_start3A_263 = arith.constant 0 : i32
    %dma_start3A_264 = tpu.memref_slice %arg2[%dma_start3A_262, %dma_start3A_263] : memref<16896x768xf32, #tpu.memory_space<hbm>> -> memref<16896x768xf32, #tpu.memory_space<hbm>>
    tpu.enqueue_indirect_dma source(%dma_start3A_264 : memref<16896x768xf32, #tpu.memory_space<hbm>>) target(%arg9 : memref<32x768xf32, #tpu.memory_space<vmem>>) offsets(%dma_start3A_261 : memref<32xi32, #tpu.memory_space<vmem>>) semaphore(%arg11 : memref<!tpu.dma_semaphore, #tpu.memory_space<semaphore_mem>>)
    %dma_wait3A_265 = arith.constant 10 : i32
    %dma_wait3A_266 = arith.constant 0 : i32
    %dma_wait3A_267 = tpu.memref_slice %arg5[%dma_wait3A_265, %dma_wait3A_266] : memref<16x32xi32, #tpu.memory_space<vmem>> -> memref<1x32xi32, #tpu.memory_space<vmem>>
    %dma_wait3A_268 = tpu.memref_squeeze %dma_wait3A_267 : memref<1x32xi32, #tpu.memory_space<vmem>> -> memref<32xi32, #tpu.memory_space<vmem>>
    %dma_wait3A_269 = arith.constant 0 : i32
    %dma_wait3A_270 = arith.constant 0 : i32
    %dma_wait3A_271 = tpu.memref_slice %arg2[%dma_wait3A_269, %dma_wait3A_270] : memref<16896x768xf32, #tpu.memory_space<hbm>> -> memref<16896x768xf32, #tpu.memory_space<hbm>>
    tpu.wait_indirect_dma semaphore(%arg11 : memref<!tpu.dma_semaphore, #tpu.memory_space<semaphore_mem>>) src(%dma_wait3A_271 : memref<16896x768xf32, #tpu.memory_space<hbm>>) dst(%arg6 : memref<32x768xf32, #tpu.memory_space<vmem>>)
    %add3A_272 = arith.constant 320 : i32
    %add3A_273 = arith.addi %mul3A_2, %add3A_272 : i32
    %dma_start3A_274 = arith.constant 0 : i32
    %dma_start3A_275 = tpu.memref_slice %arg4[%add3A_273, %dma_start3A_274] : memref<16384x768xf32, #tpu.memory_space<hbm>> -> memref<32x768xf32, #tpu.memory_space<hbm>>
    %dma_start3A_276 = arith.constant 0 : i32
    %dma_start3A_277 = tpu.memref_slice %arg4[%add3A_273, %dma_start3A_276] : memref<16384x768xf32, #tpu.memory_space<hbm>> -> memref<32x768xf32, #tpu.memory_space<hbm>>
    tpu.enqueue_dma source(%arg6 : memref<32x768xf32, #tpu.memory_space<vmem>>) target(%dma_start3A_277 : memref<32x768xf32, #tpu.memory_space<hbm>>) target_semaphore(%arg12 : memref<!tpu.dma_semaphore, #tpu.memory_space<semaphore_mem>>)
    %dma_wait3A_278 = arith.constant 0 : i32
    %dma_wait3A_279 = tpu.memref_slice %arg4[%add3A_249, %dma_wait3A_278] : memref<16384x768xf32, #tpu.memory_space<hbm>> -> memref<32x768xf32, #tpu.memory_space<hbm>>
    %dma_wait3A_280 = arith.constant 0 : i32
    %dma_wait3A_281 = tpu.memref_slice %arg4[%add3A_249, %dma_wait3A_280] : memref<16384x768xf32, #tpu.memory_space<hbm>> -> memref<32x768xf32, #tpu.memory_space<hbm>>
    tpu.wait_dma2 semaphore(%arg12 : memref<!tpu.dma_semaphore, #tpu.memory_space<semaphore_mem>>) src(%arg10 : memref<32x768xf32, #tpu.memory_space<vmem>>) dst(%dma_wait3A_281 : memref<32x768xf32, #tpu.memory_space<hbm>>)
    %dma_start3A_282 = arith.constant 14 : i32
    %dma_start3A_283 = arith.constant 0 : i32
    %dma_start3A_284 = tpu.memref_slice %arg5[%dma_start3A_282, %dma_start3A_283] : memref<16x32xi32, #tpu.memory_space<vmem>> -> memref<1x32xi32, #tpu.memory_space<vmem>>
    %dma_start3A_285 = tpu.memref_squeeze %dma_start3A_284 : memref<1x32xi32, #tpu.memory_space<vmem>> -> memref<32xi32, #tpu.memory_space<vmem>>
    %dma_start3A_286 = arith.constant 0 : i32
    %dma_start3A_287 = arith.constant 0 : i32
    %dma_start3A_288 = tpu.memref_slice %arg2[%dma_start3A_286, %dma_start3A_287] : memref<16896x768xf32, #tpu.memory_space<hbm>> -> memref<16896x768xf32, #tpu.memory_space<hbm>>
    tpu.enqueue_indirect_dma source(%dma_start3A_288 : memref<16896x768xf32, #tpu.memory_space<hbm>>) target(%arg10 : memref<32x768xf32, #tpu.memory_space<vmem>>) offsets(%dma_start3A_285 : memref<32xi32, #tpu.memory_space<vmem>>) semaphore(%arg11 : memref<!tpu.dma_semaphore, #tpu.memory_space<semaphore_mem>>)
    %dma_wait3A_289 = arith.constant 11 : i32
    %dma_wait3A_290 = arith.constant 0 : i32
    %dma_wait3A_291 = tpu.memref_slice %arg5[%dma_wait3A_289, %dma_wait3A_290] : memref<16x32xi32, #tpu.memory_space<vmem>> -> memref<1x32xi32, #tpu.memory_space<vmem>>
    %dma_wait3A_292 = tpu.memref_squeeze %dma_wait3A_291 : memref<1x32xi32, #tpu.memory_space<vmem>> -> memref<32xi32, #tpu.memory_space<vmem>>
    %dma_wait3A_293 = arith.constant 0 : i32
    %dma_wait3A_294 = arith.constant 0 : i32
    %dma_wait3A_295 = tpu.memref_slice %arg2[%dma_wait3A_293, %dma_wait3A_294] : memref<16896x768xf32, #tpu.memory_space<hbm>> -> memref<16896x768xf32, #tpu.memory_space<hbm>>
    tpu.wait_indirect_dma semaphore(%arg11 : memref<!tpu.dma_semaphore, #tpu.memory_space<semaphore_mem>>) src(%dma_wait3A_295 : memref<16896x768xf32, #tpu.memory_space<hbm>>) dst(%arg7 : memref<32x768xf32, #tpu.memory_space<vmem>>)
    %add3A_296 = arith.constant 352 : i32
    %add3A_297 = arith.addi %mul3A_2, %add3A_296 : i32
    %dma_start3A_298 = arith.constant 0 : i32
    %dma_start3A_299 = tpu.memref_slice %arg4[%add3A_297, %dma_start3A_298] : memref<16384x768xf32, #tpu.memory_space<hbm>> -> memref<32x768xf32, #tpu.memory_space<hbm>>
    %dma_start3A_300 = arith.constant 0 : i32
    %dma_start3A_301 = tpu.memref_slice %arg4[%add3A_297, %dma_start3A_300] : memref<16384x768xf32, #tpu.memory_space<hbm>> -> memref<32x768xf32, #tpu.memory_space<hbm>>
    tpu.enqueue_dma source(%arg7 : memref<32x768xf32, #tpu.memory_space<vmem>>) target(%dma_start3A_301 : memref<32x768xf32, #tpu.memory_space<hbm>>) target_semaphore(%arg12 : memref<!tpu.dma_semaphore, #tpu.memory_space<semaphore_mem>>)
    %dma_wait3A_302 = arith.constant 0 : i32
    %dma_wait3A_303 = tpu.memref_slice %arg4[%add3A_273, %dma_wait3A_302] : memref<16384x768xf32, #tpu.memory_space<hbm>> -> memref<32x768xf32, #tpu.memory_space<hbm>>
    %dma_wait3A_304 = arith.constant 0 : i32
    %dma_wait3A_305 = tpu.memref_slice %arg4[%add3A_273, %dma_wait3A_304] : memref<16384x768xf32, #tpu.memory_space<hbm>> -> memref<32x768xf32, #tpu.memory_space<hbm>>
    tpu.wait_dma2 semaphore(%arg12 : memref<!tpu.dma_semaphore, #tpu.memory_space<semaphore_mem>>) src(%arg6 : memref<32x768xf32, #tpu.memory_space<vmem>>) dst(%dma_wait3A_305 : memref<32x768xf32, #tpu.memory_space<hbm>>)
    %dma_start3A_306 = arith.constant 15 : i32
    %dma_start3A_307 = arith.constant 0 : i32
    %dma_start3A_308 = tpu.memref_slice %arg5[%dma_start3A_306, %dma_start3A_307] : memref<16x32xi32, #tpu.memory_space<vmem>> -> memref<1x32xi32, #tpu.memory_space<vmem>>
    %dma_start3A_309 = tpu.memref_squeeze %dma_start3A_308 : memref<1x32xi32, #tpu.memory_space<vmem>> -> memref<32xi32, #tpu.memory_space<vmem>>
    %dma_start3A_310 = arith.constant 0 : i32
    %dma_start3A_311 = arith.constant 0 : i32
    %dma_start3A_312 = tpu.memref_slice %arg2[%dma_start3A_310, %dma_start3A_311] : memref<16896x768xf32, #tpu.memory_space<hbm>> -> memref<16896x768xf32, #tpu.memory_space<hbm>>
    tpu.enqueue_indirect_dma source(%dma_start3A_312 : memref<16896x768xf32, #tpu.memory_space<hbm>>) target(%arg6 : memref<32x768xf32, #tpu.memory_space<vmem>>) offsets(%dma_start3A_309 : memref<32xi32, #tpu.memory_space<vmem>>) semaphore(%arg11 : memref<!tpu.dma_semaphore, #tpu.memory_space<semaphore_mem>>)
    %dma_wait3A_313 = arith.constant 12 : i32
    %dma_wait3A_314 = arith.constant 0 : i32
    %dma_wait3A_315 = tpu.memref_slice %arg5[%dma_wait3A_313, %dma_wait3A_314] : memref<16x32xi32, #tpu.memory_space<vmem>> -> memref<1x32xi32, #tpu.memory_space<vmem>>
    %dma_wait3A_316 = tpu.memref_squeeze %dma_wait3A_315 : memref<1x32xi32, #tpu.memory_space<vmem>> -> memref<32xi32, #tpu.memory_space<vmem>>
    %dma_wait3A_317 = arith.constant 0 : i32
    %dma_wait3A_318 = arith.constant 0 : i32
    %dma_wait3A_319 = tpu.memref_slice %arg2[%dma_wait3A_317, %dma_wait3A_318] : memref<16896x768xf32, #tpu.memory_space<hbm>> -> memref<16896x768xf32, #tpu.memory_space<hbm>>
    tpu.wait_indirect_dma semaphore(%arg11 : memref<!tpu.dma_semaphore, #tpu.memory_space<semaphore_mem>>) src(%dma_wait3A_319 : memref<16896x768xf32, #tpu.memory_space<hbm>>) dst(%arg8 : memref<32x768xf32, #tpu.memory_space<vmem>>)
    %add3A_320 = arith.constant 384 : i32
    %add3A_321 = arith.addi %mul3A_2, %add3A_320 : i32
    %dma_start3A_322 = arith.constant 0 : i32
    %dma_start3A_323 = tpu.memref_slice %arg4[%add3A_321, %dma_start3A_322] : memref<16384x768xf32, #tpu.memory_space<hbm>> -> memref<32x768xf32, #tpu.memory_space<hbm>>
    %dma_start3A_324 = arith.constant 0 : i32
    %dma_start3A_325 = tpu.memref_slice %arg4[%add3A_321, %dma_start3A_324] : memref<16384x768xf32, #tpu.memory_space<hbm>> -> memref<32x768xf32, #tpu.memory_space<hbm>>
    tpu.enqueue_dma source(%arg8 : memref<32x768xf32, #tpu.memory_space<vmem>>) target(%dma_start3A_325 : memref<32x768xf32, #tpu.memory_space<hbm>>) target_semaphore(%arg12 : memref<!tpu.dma_semaphore, #tpu.memory_space<semaphore_mem>>)
    %dma_wait3A_326 = arith.constant 13 : i32
    %dma_wait3A_327 = arith.constant 0 : i32
    %dma_wait3A_328 = tpu.memref_slice %arg5[%dma_wait3A_326, %dma_wait3A_327] : memref<16x32xi32, #tpu.memory_space<vmem>> -> memref<1x32xi32, #tpu.memory_space<vmem>>
    %dma_wait3A_329 = tpu.memref_squeeze %dma_wait3A_328 : memref<1x32xi32, #tpu.memory_space<vmem>> -> memref<32xi32, #tpu.memory_space<vmem>>
    %dma_wait3A_330 = arith.constant 0 : i32
    %dma_wait3A_331 = arith.constant 0 : i32
    %dma_wait3A_332 = tpu.memref_slice %arg2[%dma_wait3A_330, %dma_wait3A_331] : memref<16896x768xf32, #tpu.memory_space<hbm>> -> memref<16896x768xf32, #tpu.memory_space<hbm>>
    tpu.wait_indirect_dma semaphore(%arg11 : memref<!tpu.dma_semaphore, #tpu.memory_space<semaphore_mem>>) src(%dma_wait3A_332 : memref<16896x768xf32, #tpu.memory_space<hbm>>) dst(%arg9 : memref<32x768xf32, #tpu.memory_space<vmem>>)
    %add3A_333 = arith.constant 416 : i32
    %add3A_334 = arith.addi %mul3A_2, %add3A_333 : i32
    %dma_start3A_335 = arith.constant 0 : i32
    %dma_start3A_336 = tpu.memref_slice %arg4[%add3A_334, %dma_start3A_335] : memref<16384x768xf32, #tpu.memory_space<hbm>> -> memref<32x768xf32, #tpu.memory_space<hbm>>
    %dma_start3A_337 = arith.constant 0 : i32
    %dma_start3A_338 = tpu.memref_slice %arg4[%add3A_334, %dma_start3A_337] : memref<16384x768xf32, #tpu.memory_space<hbm>> -> memref<32x768xf32, #tpu.memory_space<hbm>>
    tpu.enqueue_dma source(%arg9 : memref<32x768xf32, #tpu.memory_space<vmem>>) target(%dma_start3A_338 : memref<32x768xf32, #tpu.memory_space<hbm>>) target_semaphore(%arg12 : memref<!tpu.dma_semaphore, #tpu.memory_space<semaphore_mem>>)
    %dma_wait3A_339 = arith.constant 14 : i32
    %dma_wait3A_340 = arith.constant 0 : i32
    %dma_wait3A_341 = tpu.memref_slice %arg5[%dma_wait3A_339, %dma_wait3A_340] : memref<16x32xi32, #tpu.memory_space<vmem>> -> memref<1x32xi32, #tpu.memory_space<vmem>>
    %dma_wait3A_342 = tpu.memref_squeeze %dma_wait3A_341 : memref<1x32xi32, #tpu.memory_space<vmem>> -> memref<32xi32, #tpu.memory_space<vmem>>
    %dma_wait3A_343 = arith.constant 0 : i32
    %dma_wait3A_344 = arith.constant 0 : i32
    %dma_wait3A_345 = tpu.memref_slice %arg2[%dma_wait3A_343, %dma_wait3A_344] : memref<16896x768xf32, #tpu.memory_space<hbm>> -> memref<16896x768xf32, #tpu.memory_space<hbm>>
    tpu.wait_indirect_dma semaphore(%arg11 : memref<!tpu.dma_semaphore, #tpu.memory_space<semaphore_mem>>) src(%dma_wait3A_345 : memref<16896x768xf32, #tpu.memory_space<hbm>>) dst(%arg10 : memref<32x768xf32, #tpu.memory_space<vmem>>)
    %add3A_346 = arith.constant 448 : i32
    %add3A_347 = arith.addi %mul3A_2, %add3A_346 : i32
    %dma_start3A_348 = arith.constant 0 : i32
    %dma_start3A_349 = tpu.memref_slice %arg4[%add3A_347, %dma_start3A_348] : memref<16384x768xf32, #tpu.memory_space<hbm>> -> memref<32x768xf32, #tpu.memory_space<hbm>>
    %dma_start3A_350 = arith.constant 0 : i32
    %dma_start3A_351 = tpu.memref_slice %arg4[%add3A_347, %dma_start3A_350] : memref<16384x768xf32, #tpu.memory_space<hbm>> -> memref<32x768xf32, #tpu.memory_space<hbm>>
    tpu.enqueue_dma source(%arg10 : memref<32x768xf32, #tpu.memory_space<vmem>>) target(%dma_start3A_351 : memref<32x768xf32, #tpu.memory_space<hbm>>) target_semaphore(%arg12 : memref<!tpu.dma_semaphore, #tpu.memory_space<semaphore_mem>>)
    %dma_wait3A_352 = arith.constant 15 : i32
    %dma_wait3A_353 = arith.constant 0 : i32
    %dma_wait3A_354 = tpu.memref_slice %arg5[%dma_wait3A_352, %dma_wait3A_353] : memref<16x32xi32, #tpu.memory_space<vmem>> -> memref<1x32xi32, #tpu.memory_space<vmem>>
    %dma_wait3A_355 = tpu.memref_squeeze %dma_wait3A_354 : memref<1x32xi32, #tpu.memory_space<vmem>> -> memref<32xi32, #tpu.memory_space<vmem>>
    %dma_wait3A_356 = arith.constant 0 : i32
    %dma_wait3A_357 = arith.constant 0 : i32
    %dma_wait3A_358 = tpu.memref_slice %arg2[%dma_wait3A_356, %dma_wait3A_357] : memref<16896x768xf32, #tpu.memory_space<hbm>> -> memref<16896x768xf32, #tpu.memory_space<hbm>>
    tpu.wait_indirect_dma semaphore(%arg11 : memref<!tpu.dma_semaphore, #tpu.memory_space<semaphore_mem>>) src(%dma_wait3A_358 : memref<16896x768xf32, #tpu.memory_space<hbm>>) dst(%arg6 : memref<32x768xf32, #tpu.memory_space<vmem>>)
    %add3A_359 = arith.constant 480 : i32
    %add3A_360 = arith.addi %mul3A_2, %add3A_359 : i32
    %dma_start3A_361 = arith.constant 0 : i32
    %dma_start3A_362 = tpu.memref_slice %arg4[%add3A_360, %dma_start3A_361] : memref<16384x768xf32, #tpu.memory_space<hbm>> -> memref<32x768xf32, #tpu.memory_space<hbm>>
    %dma_start3A_363 = arith.constant 0 : i32
    %dma_start3A_364 = tpu.memref_slice %arg4[%add3A_360, %dma_start3A_363] : memref<16384x768xf32, #tpu.memory_space<hbm>> -> memref<32x768xf32, #tpu.memory_space<hbm>>
    tpu.enqueue_dma source(%arg6 : memref<32x768xf32, #tpu.memory_space<vmem>>) target(%dma_start3A_364 : memref<32x768xf32, #tpu.memory_space<hbm>>) target_semaphore(%arg12 : memref<!tpu.dma_semaphore, #tpu.memory_space<semaphore_mem>>)
    %dma_wait3A_365 = arith.constant 0 : i32
    %dma_wait3A_366 = tpu.memref_slice %arg4[%add3A_297, %dma_wait3A_365] : memref<16384x768xf32, #tpu.memory_space<hbm>> -> memref<32x768xf32, #tpu.memory_space<hbm>>
    %dma_wait3A_367 = arith.constant 0 : i32
    %dma_wait3A_368 = tpu.memref_slice %arg4[%add3A_297, %dma_wait3A_367] : memref<16384x768xf32, #tpu.memory_space<hbm>> -> memref<32x768xf32, #tpu.memory_space<hbm>>
    tpu.wait_dma2 semaphore(%arg12 : memref<!tpu.dma_semaphore, #tpu.memory_space<semaphore_mem>>) src(%arg7 : memref<32x768xf32, #tpu.memory_space<vmem>>) dst(%dma_wait3A_368 : memref<32x768xf32, #tpu.memory_space<hbm>>)
    %dma_wait3A_369 = arith.constant 0 : i32
    %dma_wait3A_370 = tpu.memref_slice %arg4[%add3A_321, %dma_wait3A_369] : memref<16384x768xf32, #tpu.memory_space<hbm>> -> memref<32x768xf32, #tpu.memory_space<hbm>>
    %dma_wait3A_371 = arith.constant 0 : i32
    %dma_wait3A_372 = tpu.memref_slice %arg4[%add3A_321, %dma_wait3A_371] : memref<16384x768xf32, #tpu.memory_space<hbm>> -> memref<32x768xf32, #tpu.memory_space<hbm>>
    tpu.wait_dma2 semaphore(%arg12 : memref<!tpu.dma_semaphore, #tpu.memory_space<semaphore_mem>>) src(%arg8 : memref<32x768xf32, #tpu.memory_space<vmem>>) dst(%dma_wait3A_372 : memref<32x768xf32, #tpu.memory_space<hbm>>)
    %dma_wait3A_373 = arith.constant 0 : i32
    %dma_wait3A_374 = tpu.memref_slice %arg4[%add3A_334, %dma_wait3A_373] : memref<16384x768xf32, #tpu.memory_space<hbm>> -> memref<32x768xf32, #tpu.memory_space<hbm>>
    %dma_wait3A_375 = arith.constant 0 : i32
    %dma_wait3A_376 = tpu.memref_slice %arg4[%add3A_334, %dma_wait3A_375] : memref<16384x768xf32, #tpu.memory_space<hbm>> -> memref<32x768xf32, #tpu.memory_space<hbm>>
    tpu.wait_dma2 semaphore(%arg12 : memref<!tpu.dma_semaphore, #tpu.memory_space<semaphore_mem>>) src(%arg9 : memref<32x768xf32, #tpu.memory_space<vmem>>) dst(%dma_wait3A_376 : memref<32x768xf32, #tpu.memory_space<hbm>>)
    %dma_wait3A_377 = arith.constant 0 : i32
    %dma_wait3A_378 = tpu.memref_slice %arg4[%add3A_347, %dma_wait3A_377] : memref<16384x768xf32, #tpu.memory_space<hbm>> -> memref<32x768xf32, #tpu.memory_space<hbm>>
    %dma_wait3A_379 = arith.constant 0 : i32
    %dma_wait3A_380 = tpu.memref_slice %arg4[%add3A_347, %dma_wait3A_379] : memref<16384x768xf32, #tpu.memory_space<hbm>> -> memref<32x768xf32, #tpu.memory_space<hbm>>
    tpu.wait_dma2 semaphore(%arg12 : memref<!tpu.dma_semaphore, #tpu.memory_space<semaphore_mem>>) src(%arg10 : memref<32x768xf32, #tpu.memory_space<vmem>>) dst(%dma_wait3A_380 : memref<32x768xf32, #tpu.memory_space<hbm>>)
    %dma_wait3A_381 = arith.constant 0 : i32
    %dma_wait3A_382 = tpu.memref_slice %arg4[%add3A_360, %dma_wait3A_381] : memref<16384x768xf32, #tpu.memory_space<hbm>> -> memref<32x768xf32, #tpu.memory_space<hbm>>
    %dma_wait3A_383 = arith.constant 0 : i32
    %dma_wait3A_384 = tpu.memref_slice %arg4[%add3A_360, %dma_wait3A_383] : memref<16384x768xf32, #tpu.memory_space<hbm>> -> memref<32x768xf32, #tpu.memory_space<hbm>>
    tpu.wait_dma2 semaphore(%arg12 : memref<!tpu.dma_semaphore, #tpu.memory_space<semaphore_mem>>) src(%arg6 : memref<32x768xf32, #tpu.memory_space<vmem>>) dst(%dma_wait3A_384 : memref<32x768xf32, #tpu.memory_space<hbm>>)
    return
  }
}

module attributes {stable_mosaic.version = 14 : i64} {
  func.func @_gating_body(%arg0: i32, %arg1: memref<1024x768xf32, #tpu.memory_space<vmem>>, %arg2: memref<768x64xf32, #tpu.memory_space<vmem>>, %arg3: memref<1024xi32, #tpu.memory_space<vmem>>, %arg4: memref<1024x128xf32, #tpu.memory_space<vmem>>, %arg5: memref<64xi32, #tpu.memory_space<vmem>>, %arg6: memref<1x1xf32, #tpu.memory_space<vmem>>, %arg7: memref<1x64xf32, #tpu.memory_space<vmem>>, %arg8: memref<1x64xf32, #tpu.memory_space<vmem>>) attributes {dimension_semantics = [#tpu.dimension_semantics<arbitrary>], iteration_bounds = array<i64: 16>, scalar_prefetch = 0 : i64, scratch_operands = 2 : i64, tpu.core_type = #tpu.core_type<tc>, window_params = [{transform_indices = @transform_0, window_bounds = array<i64: 1024, 768>}, {pipeline_mode = #tpu.pipeline_mode<synchronous>, transform_indices = @transform_1, window_bounds = array<i64: 768, 64>}, {transform_indices = @transform_2, window_bounds = array<i64: 1024>}, {transform_indices = @transform_3, window_bounds = array<i64: 1024, 128>}, {pipeline_mode = #tpu.pipeline_mode<synchronous>, transform_indices = @transform_4, window_bounds = array<i64: 64>}, {pipeline_mode = #tpu.pipeline_mode<synchronous>, transform_indices = @transform_5, window_bounds = array<i64: 1, 1>}]} {
    %eq3A = arith.constant 0 : i32
    %eq3A_0 = arith.cmpi eq, %arg0, %eq3A : i32
    %convert_element_type3A = arith.extui %eq3A_0 : i1 to i32
    %cond3A = arith.constant 0 : i32
    %cond3A_1 = arith.cmpi ne, %convert_element_type3A, %cond3A : i32
    scf.if %cond3A_1 {
      %broadcast_in_dim3A_76 = arith.constant 0.000000e+00 : f32
      %broadcast_in_dim3A_77 = vector.broadcast %broadcast_in_dim3A_76 : f32 to vector<1x64xf32>
      %swap3A_78 = arith.constant 0 : index
      %swap3A_79 = arith.constant 0 : index
      %swap3A_80 = vector.load %arg7[%swap3A_78, %swap3A_79] : memref<1x64xf32, #tpu.memory_space<vmem>>, vector<1x64xf32>
      tpu.vector_store %arg7[%swap3A_78, %swap3A_79], %broadcast_in_dim3A_77 {strides = array<i32>} : memref<1x64xf32, #tpu.memory_space<vmem>>, vector<1x64xf32>,
      %broadcast_in_dim3A_81 = arith.constant 0.000000e+00 : f32
      %broadcast_in_dim3A_82 = vector.broadcast %broadcast_in_dim3A_81 : f32 to vector<1x64xf32>
      %swap3A_83 = arith.constant 0 : index
      %swap3A_84 = arith.constant 0 : index
      %swap3A_85 = vector.load %arg8[%swap3A_83, %swap3A_84] : memref<1x64xf32, #tpu.memory_space<vmem>>, vector<1x64xf32>
      tpu.vector_store %arg8[%swap3A_83, %swap3A_84], %broadcast_in_dim3A_82 {strides = array<i32>} : memref<1x64xf32, #tpu.memory_space<vmem>>, vector<1x64xf32>,
    } else {
    }
    %get3A = arith.constant 0 : index
    %get3A_2 = arith.constant 0 : index
    %get3A_3 = vector.load %arg1[%get3A, %get3A_2] : memref<1024x768xf32, #tpu.memory_space<vmem>>, vector<1024x768xf32>
    %get3A_4 = arith.constant 0 : index
    %get3A_5 = arith.constant 0 : index
    %get3A_6 = vector.load %arg2[%get3A_4, %get3A_5] : memref<768x64xf32, #tpu.memory_space<vmem>>, vector<768x64xf32>
    %dot_general3A = arith.constant dense<0.000000e+00> : vector<1024x64xf32>
    %dot_general3A_7 = tpu.matmul %get3A_3, %get3A_6, %dot_general3A {dimension_numbers = #tpu.dot_dimension_numbers<[1], [0], [0], [1], [0, 0, 1, 1], [], []>, transpose_lhs_hint = false} : vector<1024x768xf32>, vector<768x64xf32>, vector<1024x64xf32> -> vector<1024x64xf32>
    %reduce_max3A = arith.constant dense<0xFF800000> : vector<1024xf32>
    %reduce_max3A_8 = vector.multi_reduction <maximumf>, %dot_general3A_7, %reduce_max3A [1] : vector<1024x64xf32> to vector<1024xf32>
    %broadcast_in_dim3A = vector.shape_cast %reduce_max3A_8 : vector<1024xf32> to vector<1024x1xf32>
    %sub3A = vector.broadcast %broadcast_in_dim3A : vector<1024x1xf32> to vector<1024x64xf32>
    %sub3A_9 = arith.subf %dot_general3A_7, %sub3A : vector<1024x64xf32>
    %exp3A = math.exp %sub3A_9 : vector<1024x64xf32>
    %reduce_sum3A = arith.constant dense<0.000000e+00> : vector<1024xf32>
    %reduce_sum3A_10 = vector.multi_reduction <add>, %exp3A, %reduce_sum3A [1] : vector<1024x64xf32> to vector<1024xf32>
    %broadcast_in_dim3A_11 = vector.shape_cast %reduce_sum3A_10 : vector<1024xf32> to vector<1024x1xf32>
    %div3A = vector.broadcast %broadcast_in_dim3A_11 : vector<1024x1xf32> to vector<1024x64xf32>
    %div3A_12 = arith.divf %exp3A, %div3A : vector<1024x64xf32>
    %argmax3A = tpu.reduce_index %div3A_12 {axis = 1 : i32, kind = #tpu.reduction_kind<arg_max>} : vector<1024x64xf32> -> vector<1024xi32>
    %reduce_max3A_13 = arith.constant dense<0xFF800000> : vector<1024xf32>
    %reduce_max3A_14 = vector.multi_reduction <maximumf>, %div3A_12, %reduce_max3A_13 [1] : vector<1024x64xf32> to vector<1024xf32>
    %iota3A = tpu.iota {dimensions = array<i32: 1>} : vector<1024x64xi32>
    %broadcast_in_dim3A_15 = vector.shape_cast %argmax3A : vector<1024xi32> to vector<1024x1xi32>
    %eq3A_16 = vector.broadcast %broadcast_in_dim3A_15 : vector<1024x1xi32> to vector<1024x64xi32>
    %eq3A_17 = arith.cmpi eq, %iota3A, %eq3A_16 : vector<1024x64xi32>
    %convert_element_type3A_18 = arith.extui %eq3A_17 : vector<1024x64xi1> to vector<1024x64xi32>
    %convert_element_type3A_19 = arith.sitofp %convert_element_type3A_18 : vector<1024x64xi32> to vector<1024x64xf32>
    %iota3A_20 = tpu.iota {dimensions = array<i32: 0>} : vector<1024x1024xi32>
    %iota3A_21 = tpu.iota {dimensions = array<i32: 1>} : vector<1024x1024xi32>
    %le3A = arith.cmpi sle, %iota3A_21, %iota3A_20 : vector<1024x1024xi32>
    %convert_element_type3A_22 = arith.extui %le3A : vector<1024x1024xi1> to vector<1024x1024xi32>
    %convert_element_type3A_23 = arith.sitofp %convert_element_type3A_22 : vector<1024x1024xi32> to vector<1024x1024xf32>
    %convert_element_type3A_24 = arith.truncf %convert_element_type3A_23 : vector<1024x1024xf32> to vector<1024x1024xbf16>
    %convert_element_type3A_25 = arith.truncf %convert_element_type3A_19 : vector<1024x64xf32> to vector<1024x64xbf16>
    %dot_general3A_26 = arith.constant dense<0.000000e+00> : vector<1024x64xf32>
    %dot_general3A_27 = tpu.matmul %convert_element_type3A_24, %convert_element_type3A_25, %dot_general3A_26 {dimension_numbers = #tpu.dot_dimension_numbers<[1], [0], [0], [1], [0, 0, 1, 1], [], []>, transpose_lhs_hint = false} : vector<1024x1024xbf16>, vector<1024x64xbf16>, vector<1024x64xf32> -> vector<1024x64xf32>
    %get3A_28 = arith.constant 0 : index
    %get3A_29 = arith.constant 0 : index
    %get3A_30 = vector.load %arg7[%get3A_28, %get3A_29] : memref<1x64xf32, #tpu.memory_space<vmem>>, vector<1x64xf32>
    %sub3A_31 = arith.constant 1.000000e+00 : f32
    %sub3A_32 = vector.broadcast %sub3A_31 : f32 to vector<1024x64xf32>
    %sub3A_33 = arith.subf %dot_general3A_27, %sub3A_32 : vector<1024x64xf32>
    %add3A = vector.broadcast %get3A_30 : vector<1x64xf32> to vector<1024x64xf32>
    %add3A_34 = arith.addf %sub3A_33, %add3A : vector<1024x64xf32>
    %mul3A = arith.mulf %add3A_34, %convert_element_type3A_19 : vector<1024x64xf32>
    %reduce_sum3A_35 = arith.constant dense<0.000000e+00> : vector<1024xf32>
    %reduce_sum3A_36 = vector.multi_reduction <add>, %mul3A, %reduce_sum3A_35 [1] : vector<1024x64xf32> to vector<1024xf32>
    %lt3A = arith.constant 2.560000e+02 : f32
    %lt3A_37 = vector.broadcast %lt3A : f32 to vector<1024xf32>
    %lt3A_38 = arith.cmpf olt, %reduce_sum3A_36, %lt3A_37 : vector<1024xf32>
    %min3A = arith.constant 2.550000e+02 : f32
    %min3A_39 = vector.broadcast %min3A : f32 to vector<1024xf32>
    %min3A_40 = arith.minimumf %reduce_sum3A_36, %min3A_39 : vector<1024xf32>
    %convert_element_type3A_41 = arith.fptosi %min3A_40 : vector<1024xf32> to vector<1024xi32>
    %mul3A_42 = arith.constant 256 : i32
    %mul3A_43 = vector.broadcast %mul3A_42 : i32 to vector<1024xi32>
    %mul3A_44 = arith.muli %argmax3A, %mul3A_43 : vector<1024xi32>
    %add3A_45 = arith.addi %mul3A_44, %convert_element_type3A_41 : vector<1024xi32>
    %jit3A = arith.constant 16384 : i32
    %broadcast_in_dim3A_46 = vector.broadcast %jit3A : i32 to vector<1024xi32>
    %select_n3A = arith.select %lt3A_38, %add3A_45, %broadcast_in_dim3A_46 : vector<1024xi1>, vector<1024xi32>
    %swap3A = arith.constant 0 : index
    %swap3A_47 = vector.load %arg3[%swap3A] : memref<1024xi32, #tpu.memory_space<vmem>>, vector<1024xi32>
    tpu.vector_store %arg3[%swap3A], %select_n3A {strides = array<i32>} : memref<1024xi32, #tpu.memory_space<vmem>>, vector<1024xi32>,
    %broadcast_in_dim3A_48 = vector.shape_cast %reduce_max3A_14 : vector<1024xf32> to vector<1024x1xf32>
    %broadcast_in_dim3A_49 = vector.shape_cast %broadcast_in_dim3A_48 : vector<1024x1xf32> to vector<1024x1xf32>
    %broadcast_in_dim3A_50 = vector.broadcast %broadcast_in_dim3A_49 : vector<1024x1xf32> to vector<1024x128xf32>
    %swap3A_51 = arith.constant 0 : index
    %swap3A_52 = arith.constant 0 : index
    %swap3A_53 = vector.load %arg4[%swap3A_51, %swap3A_52] : memref<1024x128xf32, #tpu.memory_space<vmem>>, vector<1024x128xf32>
    tpu.vector_store %arg4[%swap3A_51, %swap3A_52], %broadcast_in_dim3A_50 {strides = array<i32>} : memref<1024x128xf32, #tpu.memory_space<vmem>>, vector<1024x128xf32>,
    %reduce_sum3A_54 = arith.constant dense<0.000000e+00> : vector<64xf32>
    %reduce_sum3A_55 = vector.multi_reduction <add>, %convert_element_type3A_19, %reduce_sum3A_54 [0] : vector<1024x64xf32> to vector<64xf32>
    %broadcast_in_dim3A_56 = vector.shape_cast %reduce_sum3A_55 : vector<64xf32> to vector<1x64xf32>
    %add3A_57 = arith.addf %get3A_30, %broadcast_in_dim3A_56 : vector<1x64xf32>
    %swap3A_58 = arith.constant 0 : index
    %swap3A_59 = arith.constant 0 : index
    %swap3A_60 = vector.load %arg7[%swap3A_58, %swap3A_59] : memref<1x64xf32, #tpu.memory_space<vmem>>, vector<1x64xf32>
    tpu.vector_store %arg7[%swap3A_58, %swap3A_59], %add3A_57 {strides = array<i32>} : memref<1x64xf32, #tpu.memory_space<vmem>>, vector<1x64xf32>,
    %get3A_61 = arith.constant 0 : index
    %get3A_62 = arith.constant 0 : index
    %get3A_63 = vector.load %arg8[%get3A_61, %get3A_62] : memref<1x64xf32, #tpu.memory_space<vmem>>, vector<1x64xf32>
    %reduce_sum3A_64 = arith.constant dense<0.000000e+00> : vector<64xf32>
    %reduce_sum3A_65 = vector.multi_reduction <add>, %div3A_12, %reduce_sum3A_64 [0] : vector<1024x64xf32> to vector<64xf32>
    %broadcast_in_dim3A_66 = vector.shape_cast %reduce_sum3A_65 : vector<64xf32> to vector<1x64xf32>
    %add3A_67 = arith.addf %get3A_63, %broadcast_in_dim3A_66 : vector<1x64xf32>
    %swap3A_68 = arith.constant 0 : index
    %swap3A_69 = arith.constant 0 : index
    %swap3A_70 = vector.load %arg8[%swap3A_68, %swap3A_69] : memref<1x64xf32, #tpu.memory_space<vmem>>, vector<1x64xf32>
    tpu.vector_store %arg8[%swap3A_68, %swap3A_69], %add3A_67 {strides = array<i32>} : memref<1x64xf32, #tpu.memory_space<vmem>>, vector<1x64xf32>,
    %eq3A_71 = arith.constant 15 : i32
    %eq3A_72 = arith.cmpi eq, %arg0, %eq3A_71 : i32
    %convert_element_type3A_73 = arith.extui %eq3A_72 : i1 to i32
    %cond3A_74 = arith.constant 0 : i32
    %cond3A_75 = arith.cmpi ne, %convert_element_type3A_73, %cond3A_74 : i32
    scf.if %cond3A_75 {
      %squeeze3A = vector.shape_cast %add3A_57 : vector<1x64xf32> to vector<64xf32>
      %convert_element_type3A_76 = arith.fptosi %squeeze3A : vector<64xf32> to vector<64xi32>
      %swap3A_77 = arith.constant 0 : index
      %swap3A_78 = vector.load %arg5[%swap3A_77] : memref<64xi32, #tpu.memory_space<vmem>>, vector<64xi32>
      tpu.vector_store %arg5[%swap3A_77], %convert_element_type3A_76 {strides = array<i32>} : memref<64xi32, #tpu.memory_space<vmem>>, vector<64xi32>,
      %div3A_79 = arith.constant 1.638400e+04 : f32
      %div3A_80 = vector.broadcast %div3A_79 : f32 to vector<1x64xf32>
      %div3A_81 = arith.divf %add3A_67, %div3A_80 : vector<1x64xf32>
      %div3A_82 = arith.constant 1.638400e+04 : f32
      %div3A_83 = vector.broadcast %div3A_82 : f32 to vector<1x64xf32>
      %div3A_84 = arith.divf %add3A_57, %div3A_83 : vector<1x64xf32>
      %mul3A_85 = arith.mulf %div3A_81, %div3A_84 : vector<1x64xf32>
      %reduce_sum3A_86 = vector.shape_cast %mul3A_85 : vector<1x64xf32> to vector<1x1x64xf32>
      %reduce_sum3A_87 = arith.constant dense<0.000000e+00> : vector<1xf32>
      %reduce_sum3A_88 = vector.multi_reduction <add>, %reduce_sum3A_86, %reduce_sum3A_87 [1, 2] : vector<1x1x64xf32> to vector<1xf32>
      %reduce_sum3A_89 = vector.shape_cast %reduce_sum3A_88 : vector<1xf32> to vector<1x1x1xf32>
      %reduce_sum3A_90 = vector.extract %reduce_sum3A_89[0, 0, 0] : f32 from vector<1x1x1xf32>
      %reshape3A = vector.broadcast %reduce_sum3A_90 : f32 to vector<1x1xf32>
      %mul3A_91 = arith.constant 6.400000e+01 : f32
      %mul3A_92 = vector.broadcast %mul3A_91 : f32 to vector<1x1xf32>
      %mul3A_93 = arith.mulf %reshape3A, %mul3A_92 : vector<1x1xf32>
      %swap3A_94 = arith.constant 0 : index
      %swap3A_95 = arith.constant 0 : index
      %swap3A_96 = vector.load %arg6[%swap3A_94, %swap3A_95] : memref<1x1xf32, #tpu.memory_space<vmem>>, vector<1x1xf32>
      tpu.vector_store %arg6[%swap3A_94, %swap3A_95], %mul3A_93 {strides = array<i32>} : memref<1x1xf32, #tpu.memory_space<vmem>>, vector<1x1xf32>,
    } else {
    }
    return
  }
  func.func @transform_0(%arg0: i32) -> (i32, i32) {
    %c0_i32 = arith.constant 0 : i32
    %c0_i32_0 = arith.constant 0 : i32
    return %arg0, %c0_i32 : i32, i32
  }
  func.func @transform_1(%arg0: i32) -> (i32, i32) {
    %c0_i32 = arith.constant 0 : i32
    %c0_i32_0 = arith.constant 0 : i32
    %c0_i32_1 = arith.constant 0 : i32
    return %c0_i32, %c0_i32_0 : i32, i32
  }
  func.func @transform_2(%arg0: i32) -> i32 {
    %c0_i32 = arith.constant 0 : i32
    return %arg0 : i32
  }
  func.func @transform_3(%arg0: i32) -> (i32, i32) {
    %c0_i32 = arith.constant 0 : i32
    %c0_i32_0 = arith.constant 0 : i32
    return %arg0, %c0_i32 : i32, i32
  }
  func.func @transform_4(%arg0: i32) -> i32 {
    %c0_i32 = arith.constant 0 : i32
    %c0_i32_0 = arith.constant 0 : i32
    return %c0_i32 : i32
  }
  func.func @transform_5(%arg0: i32) -> (i32, i32) {
    %c0_i32 = arith.constant 0 : i32
    %c0_i32_0 = arith.constant 0 : i32
    %c0_i32_1 = arith.constant 0 : i32
    return %c0_i32, %c0_i32_0 : i32, i32
  }
}

module attributes {stable_mosaic.version = 14 : i64} {
  func.func @_mlp_body(%arg0: i32, %arg1: memref<512x768xf32, #tpu.memory_space<vmem>>, %arg2: memref<2x768x768xf32, #tpu.memory_space<vmem>>, %arg3: memref<2x1x768xf32, #tpu.memory_space<vmem>>, %arg4: memref<2x768x768xf32, #tpu.memory_space<vmem>>, %arg5: memref<2x1x768xf32, #tpu.memory_space<vmem>>, %arg6: memref<512x128xf32, #tpu.memory_space<vmem>>, %arg7: memref<512x768xf32, #tpu.memory_space<vmem>>) attributes {dimension_semantics = [#tpu.dimension_semantics<parallel>], iteration_bounds = array<i64: 33>, scalar_prefetch = 0 : i64, scratch_operands = 0 : i64, tpu.core_type = #tpu.core_type<tc>, window_params = [{transform_indices = @transform_0, window_bounds = array<i64: 512, 768>}, {transform_indices = @transform_1, window_bounds = array<i64: 2, 768, 768>}, {transform_indices = @transform_2, window_bounds = array<i64: 2, 1, 768>}, {transform_indices = @transform_3, window_bounds = array<i64: 2, 768, 768>}, {transform_indices = @transform_4, window_bounds = array<i64: 2, 1, 768>}, {transform_indices = @transform_5, window_bounds = array<i64: 512, 128>}, {transform_indices = @transform_6, window_bounds = array<i64: 512, 768>}]} {
    %lt3A = arith.constant 32 : i32
    %lt3A_0 = arith.cmpi slt, %arg0, %lt3A : i32
    %convert_element_type3A = arith.extui %lt3A_0 : i1 to i32
    %cond3A = arith.constant 0 : i32
    %cond3A_1 = arith.cmpi ne, %convert_element_type3A, %cond3A : i32
    scf.if %cond3A_1 {
      %get3A = arith.constant 0 : index
      %get3A_6 = arith.constant 0 : index
      %get3A_7 = vector.load %arg6[%get3A, %get3A_6] : memref<512x128xf32, #tpu.memory_space<vmem>>, vector<512x128xf32>
      %get3A_8 = arith.constant 0 : index
      %get3A_9 = arith.constant 0 : index
      %get3A_10 = vector.load %arg1[%get3A_8, %get3A_9] : memref<512x768xf32, #tpu.memory_space<vmem>>, vector<256x768xf32>
      %get3A_11 = arith.constant 0 : index
      %get3A_12 = arith.constant 0 : index
      %get3A_13 = arith.constant 0 : index
      %get3A_14 = vector.load %arg2[%get3A_11, %get3A_12, %get3A_13] : memref<2x768x768xf32, #tpu.memory_space<vmem>>, vector<1x768x768xf32>
      %get3A_15 = vector.shape_cast %get3A_14 : vector<1x768x768xf32> to vector<768x768xf32>
      %dot_general3A = arith.constant dense<0.000000e+00> : vector<256x768xf32>
      %dot_general3A_16 = tpu.matmul %get3A_10, %get3A_15, %dot_general3A {dimension_numbers = #tpu.dot_dimension_numbers<[1], [0], [0], [1], [0, 0, 1, 1], [], []>, transpose_lhs_hint = false} : vector<256x768xf32>, vector<768x768xf32>, vector<256x768xf32> -> vector<256x768xf32>
      %get3A_17 = arith.constant 0 : index
      %get3A_18 = arith.constant 0 : index
      %get3A_19 = arith.constant 0 : index
      %get3A_20 = vector.load %arg3[%get3A_17, %get3A_18, %get3A_19] : memref<2x1x768xf32, #tpu.memory_space<vmem>>, vector<1x1x768xf32>
      %get3A_21 = vector.shape_cast %get3A_20 : vector<1x1x768xf32> to vector<1x768xf32>
      %add3A = vector.broadcast %get3A_21 : vector<1x768xf32> to vector<256x768xf32>
      %add3A_22 = arith.addf %dot_general3A_16, %add3A : vector<256x768xf32>
      %max3A = arith.constant 0.000000e+00 : f32
      %max3A_23 = vector.broadcast %max3A : f32 to vector<256x768xf32>
      %max3A_24 = arith.maximumf %add3A_22, %max3A_23 : vector<256x768xf32>
      %get3A_25 = arith.constant 0 : index
      %get3A_26 = arith.constant 0 : index
      %get3A_27 = arith.constant 0 : index
      %get3A_28 = vector.load %arg4[%get3A_25, %get3A_26, %get3A_27] : memref<2x768x768xf32, #tpu.memory_space<vmem>>, vector<1x768x768xf32>
      %get3A_29 = vector.shape_cast %get3A_28 : vector<1x768x768xf32> to vector<768x768xf32>
      %dot_general3A_30 = arith.constant dense<0.000000e+00> : vector<256x768xf32>
      %dot_general3A_31 = tpu.matmul %max3A_24, %get3A_29, %dot_general3A_30 {dimension_numbers = #tpu.dot_dimension_numbers<[1], [0], [0], [1], [0, 0, 1, 1], [], []>, transpose_lhs_hint = false} : vector<256x768xf32>, vector<768x768xf32>, vector<256x768xf32> -> vector<256x768xf32>
      %get3A_32 = arith.constant 0 : index
      %get3A_33 = arith.constant 0 : index
      %get3A_34 = arith.constant 0 : index
      %get3A_35 = vector.load %arg5[%get3A_32, %get3A_33, %get3A_34] : memref<2x1x768xf32, #tpu.memory_space<vmem>>, vector<1x1x768xf32>
      %get3A_36 = vector.shape_cast %get3A_35 : vector<1x1x768xf32> to vector<1x768xf32>
      %add3A_37 = vector.broadcast %get3A_36 : vector<1x768xf32> to vector<256x768xf32>
      %add3A_38 = arith.addf %dot_general3A_31, %add3A_37 : vector<256x768xf32>
      %slice3A = vector.extract_strided_slice %get3A_7 {offsets = [0, 0], sizes = [256, 1], strides = [1, 1]} : vector<512x128xf32> to vector<256x1xf32>
      %mul3A = vector.broadcast %slice3A : vector<256x1xf32> to vector<256x768xf32>
      %mul3A_39 = arith.mulf %add3A_38, %mul3A : vector<256x768xf32>
      %swap3A = arith.constant 0 : index
      %swap3A_40 = arith.constant 0 : index
      %swap3A_41 = vector.load %arg7[%swap3A, %swap3A_40] : memref<512x768xf32, #tpu.memory_space<vmem>>, vector<256x768xf32>
      tpu.vector_store %arg7[%swap3A, %swap3A_40], %mul3A_39 {strides = array<i32>} : memref<512x768xf32, #tpu.memory_space<vmem>>, vector<256x768xf32>,
      %get3A_42 = arith.constant 256 : index
      %get3A_43 = arith.constant 0 : index
      %get3A_44 = vector.load %arg1[%get3A_42, %get3A_43] : memref<512x768xf32, #tpu.memory_space<vmem>>, vector<256x768xf32>
      %get3A_45 = arith.constant 1 : index
      %get3A_46 = arith.constant 0 : index
      %get3A_47 = arith.constant 0 : index
      %get3A_48 = vector.load %arg2[%get3A_45, %get3A_46, %get3A_47] : memref<2x768x768xf32, #tpu.memory_space<vmem>>, vector<1x768x768xf32>
      %get3A_49 = vector.shape_cast %get3A_48 : vector<1x768x768xf32> to vector<768x768xf32>
      %dot_general3A_50 = arith.constant dense<0.000000e+00> : vector<256x768xf32>
      %dot_general3A_51 = tpu.matmul %get3A_44, %get3A_49, %dot_general3A_50 {dimension_numbers = #tpu.dot_dimension_numbers<[1], [0], [0], [1], [0, 0, 1, 1], [], []>, transpose_lhs_hint = false} : vector<256x768xf32>, vector<768x768xf32>, vector<256x768xf32> -> vector<256x768xf32>
      %get3A_52 = arith.constant 1 : index
      %get3A_53 = arith.constant 0 : index
      %get3A_54 = arith.constant 0 : index
      %get3A_55 = vector.load %arg3[%get3A_52, %get3A_53, %get3A_54] : memref<2x1x768xf32, #tpu.memory_space<vmem>>, vector<1x1x768xf32>
      %get3A_56 = vector.shape_cast %get3A_55 : vector<1x1x768xf32> to vector<1x768xf32>
      %add3A_57 = vector.broadcast %get3A_56 : vector<1x768xf32> to vector<256x768xf32>
      %add3A_58 = arith.addf %dot_general3A_51, %add3A_57 : vector<256x768xf32>
      %max3A_59 = arith.constant 0.000000e+00 : f32
      %max3A_60 = vector.broadcast %max3A_59 : f32 to vector<256x768xf32>
      %max3A_61 = arith.maximumf %add3A_58, %max3A_60 : vector<256x768xf32>
      %get3A_62 = arith.constant 1 : index
      %get3A_63 = arith.constant 0 : index
      %get3A_64 = arith.constant 0 : index
      %get3A_65 = vector.load %arg4[%get3A_62, %get3A_63, %get3A_64] : memref<2x768x768xf32, #tpu.memory_space<vmem>>, vector<1x768x768xf32>
      %get3A_66 = vector.shape_cast %get3A_65 : vector<1x768x768xf32> to vector<768x768xf32>
      %dot_general3A_67 = arith.constant dense<0.000000e+00> : vector<256x768xf32>
      %dot_general3A_68 = tpu.matmul %max3A_61, %get3A_66, %dot_general3A_67 {dimension_numbers = #tpu.dot_dimension_numbers<[1], [0], [0], [1], [0, 0, 1, 1], [], []>, transpose_lhs_hint = false} : vector<256x768xf32>, vector<768x768xf32>, vector<256x768xf32> -> vector<256x768xf32>
      %get3A_69 = arith.constant 1 : index
      %get3A_70 = arith.constant 0 : index
      %get3A_71 = arith.constant 0 : index
      %get3A_72 = vector.load %arg5[%get3A_69, %get3A_70, %get3A_71] : memref<2x1x768xf32, #tpu.memory_space<vmem>>, vector<1x1x768xf32>
      %get3A_73 = vector.shape_cast %get3A_72 : vector<1x1x768xf32> to vector<1x768xf32>
      %add3A_74 = vector.broadcast %get3A_73 : vector<1x768xf32> to vector<256x768xf32>
      %add3A_75 = arith.addf %dot_general3A_68, %add3A_74 : vector<256x768xf32>
      %slice3A_76 = vector.extract_strided_slice %get3A_7 {offsets = [256, 0], sizes = [256, 1], strides = [1, 1]} : vector<512x128xf32> to vector<256x1xf32>
      %mul3A_77 = vector.broadcast %slice3A_76 : vector<256x1xf32> to vector<256x768xf32>
      %mul3A_78 = arith.mulf %add3A_75, %mul3A_77 : vector<256x768xf32>
      %swap3A_79 = arith.constant 256 : index
      %swap3A_80 = arith.constant 0 : index
      %swap3A_81 = vector.load %arg7[%swap3A_79, %swap3A_80] : memref<512x768xf32, #tpu.memory_space<vmem>>, vector<256x768xf32>
      tpu.vector_store %arg7[%swap3A_79, %swap3A_80], %mul3A_78 {strides = array<i32>} : memref<512x768xf32, #tpu.memory_space<vmem>>, vector<256x768xf32>,
    } else {
    }
    %eq3A = arith.constant 32 : i32
    %eq3A_2 = arith.cmpi eq, %arg0, %eq3A : i32
    %convert_element_type3A_3 = arith.extui %eq3A_2 : i1 to i32
    %cond3A_4 = arith.constant 0 : i32
    %cond3A_5 = arith.cmpi ne, %convert_element_type3A_3, %cond3A_4 : i32
    scf.if %cond3A_5 {
      %broadcast_in_dim3A = arith.constant 0.000000e+00 : f32
      %broadcast_in_dim3A_6 = vector.broadcast %broadcast_in_dim3A : f32 to vector<512x768xf32>
      %swap3A = arith.constant 0 : index
      %swap3A_7 = arith.constant 0 : index
      %swap3A_8 = vector.load %arg7[%swap3A, %swap3A_7] : memref<512x768xf32, #tpu.memory_space<vmem>>, vector<512x768xf32>
      tpu.vector_store %arg7[%swap3A, %swap3A_7], %broadcast_in_dim3A_6 {strides = array<i32>} : memref<512x768xf32, #tpu.memory_space<vmem>>, vector<512x768xf32>,
    } else {
    }
    return
  }
  func.func @transform_0(%arg0: i32) -> (i32, i32) {
    %c0_i32 = arith.constant 0 : i32
    %c0_i32_0 = arith.constant 0 : i32
    return %arg0, %c0_i32 : i32, i32
  }
  func.func @transform_1(%arg0: i32) -> (i32, i32, i32) {
    %min3A = arith.constant 31 : i32
    %min3A_0 = arith.minsi %arg0, %min3A : i32
    %c0_i32 = arith.constant 0 : i32
    %c0_i32_1 = arith.constant 0 : i32
    %c0_i32_2 = arith.constant 0 : i32
    return %min3A_0, %c0_i32, %c0_i32_1 : i32, i32, i32
  }
  func.func @transform_2(%arg0: i32) -> (i32, i32, i32) {
    %min3A = arith.constant 31 : i32
    %min3A_0 = arith.minsi %arg0, %min3A : i32
    %c0_i32 = arith.constant 0 : i32
    %c0_i32_1 = arith.constant 0 : i32
    %c0_i32_2 = arith.constant 0 : i32
    return %min3A_0, %c0_i32, %c0_i32_1 : i32, i32, i32
  }
  func.func @transform_3(%arg0: i32) -> (i32, i32, i32) {
    %min3A = arith.constant 31 : i32
    %min3A_0 = arith.minsi %arg0, %min3A : i32
    %c0_i32 = arith.constant 0 : i32
    %c0_i32_1 = arith.constant 0 : i32
    %c0_i32_2 = arith.constant 0 : i32
    return %min3A_0, %c0_i32, %c0_i32_1 : i32, i32, i32
  }
  func.func @transform_4(%arg0: i32) -> (i32, i32, i32) {
    %min3A = arith.constant 31 : i32
    %min3A_0 = arith.minsi %arg0, %min3A : i32
    %c0_i32 = arith.constant 0 : i32
    %c0_i32_1 = arith.constant 0 : i32
    %c0_i32_2 = arith.constant 0 : i32
    return %min3A_0, %c0_i32, %c0_i32_1 : i32, i32, i32
  }
  func.func @transform_5(%arg0: i32) -> (i32, i32) {
    %c0_i32 = arith.constant 0 : i32
    %c0_i32_0 = arith.constant 0 : i32
    return %arg0, %c0_i32 : i32, i32
  }
  func.func @transform_6(%arg0: i32) -> (i32, i32) {
    %c0_i32 = arith.constant 0 : i32
    %c0_i32_0 = arith.constant 0 : i32
    return %arg0, %c0_i32 : i32, i32
  }
}

</mosaic_0001>

<sc_bundles>
// kernel: kernel.6.cloned.1.call-start
scs
__scs_entry_jumppad:
0x0: {  	(pc) =	sbr.rel $0x88, $3  }
0x1: {  	(tag) =	ssettag $0x0;
	lr =	simm.s32 $0x1  }
0x2: {  	[smem:$0x3F9B] =	sst lr;
	_ =	strace $0xD0000000  }
0x3: {  	_ = 	snop  }
0x4: {  	_ = 	snop  }
0x5: {  	_ = 	snop  }
0x6: {  	_ = 	snop  }
0x7: {  	_ = 	snop  }
__scs_overlays_trampoline_lowered:
0x8: {  	[smem:$0x3FAA] =	sst s0  }
0x9: {  	[smem:$0x3FAB] =	sst s1  }
0xa: {  	[smem:$0x3FAC] =	sst s2  }
0xb: {  	[smem:$0x3FAD] =	sst s3  }
0xc: {  	[smem:$0x3FAE] =	sst s4  }
0xd: {  	[smem:$0x3FAF] =	sst s5  }
0xe: {  	[smem:$0x3FB0] =	sst s6  }
0xf: {  	[smem:$0x3FB1] =	sst s7  }
0x10: {  	[smem:$0x3FB2] =	sst s8  }
0x11: {  	[smem:$0x3FB3] =	sst s9;
	s0 =	simm.s32 @!p0 $0x0  }
0x12: {  	s1 =	sld [smem:$0x3F99];
	s0 =	simm.s32 @p0 $0x1  }
0x13: {  	[smem:$0x3FB4] =	sst s0;
	s0 =	simm.s32 @!p1 $0x0  }
0x14: {  	s2 =	sld [smem:$0x3F98];
	s0 =	simm.s32 @p1 $0x1  }
0x15: {  	[smem:$0x3FB5] =	sst s0;
	s0 =	simm.s32 @!p2 $0x0  }
0x16: {  	s3 =	sld [smem:$0x3FDB];
	s0 =	simm.s32 @p2 $0x1  }
0x17: {  	s4 =	simm.s32 $0x1BF5;
	[smem:$0x3FB7] =	sst s0  }
0x18: {  	s0 =	sld [smem:$0x3F9A];
	_ =	swait.ge [sflag:s4], $0x0  }
0x19: {  	s7 =	sld [smem:$0x3F9B]  }
0x1a: {  	s8 =	sadd.s32 $0xFFFFE003, lr  }
0x1b: {  	s9 =	sadd.s32 $0xFFFFFEF7, lr;
	s5 =	simm.s32 $0xFFFFFFFF;
	p2 =	slt.u32 s8, $0xFFFFF086  }
0x1c: {  	p1 =	slt.u32 s9, $0xF7A;
	s5 =	simm.s32 @!p2 $0x0  }
0x1d: {  	s5 =	simm.s32 @p1 $0x1;
	p0 =	seq.s32 s7, s2  }
0x1e: {  	s7 =	smul.u32 @!p0 $0xF7A, s2;
	p2 =	seq.s32 @!p0 s5, $0x0  }
0x1f: {  	s9 =	smul.u32 $0xF7A, s1;
	s8 =	simm.s32 @!p0 $0x1BF5;
	p2 =	por !p2, p0  }
0x20: {  	[sflag:s8] =	ssyncset.s32 @!p0 $0xFFFFF086;
	s6 =	sadd.s32 @!p0 s3, s7;
	s7 =	simm.s32 @!p0 $0x108  }
0x21: {  	s3 =	sadd.s32 s3, s9;
	s6 =	sadd.s32 @!p0 $0x88, s6;
	s7 =	simm.s32 @p2 $0x1082  }
0x22: {  	[simem:s7], [sflag:s8] =	dma.local @!p0 [hbm:s6], $0xF7A  }
0x23: {  	s9 =	sor.u32 $0xD0000000, s2;
	s6 =	simm.s32 $0x108;
	_ =	swait.ge @!p0 [sflag:s8], $0x0  }
0x24: {  	s3 =	sadd.s32 $0x88, s3;
	s6 =	simm.s32 @!p1 $0x1082;
	[sflag:s4] =	ssyncset.s32 $0xFFFFF086  }
0x25: {  	[simem:s6], [sflag:s4] =	dma.local [hbm:s3], $0xF7A  }
0x26: {  	[smem:$0x3F9B] =	sst s1;
	(tag) =	ssettag s2;
	_ =	strace s9  }
0x27: {  	s1 =	sld [smem:$0x3FAB]  }
0x28: {  	s2 =	sld [smem:$0x3FAC]  }
0x29: {  	s4 =	sld [smem:$0x3FAE]  }
0x2a: {  	p0 =	seq.s32 s5, $0x0;
	s5 =	sld [smem:$0x3FAF]  }
0x2b: {  	s6 =	sld [smem:$0x3FB0]  }
0x2c: {  	s7 =	sld [smem:$0x3FB1]  }
0x2d: {  	s3 =	simm.s32 $0x108;
	s8 =	sld [smem:$0x3FB2]  }
0x2e: {  	s3 =	simm.s32 @!p0 $0x1082;
	s9 =	sld [smem:$0x3FB3]  }
0x2f: {  	lr =	sadd.s32 s0, s3;
	s0 =	sld [smem:$0x3FAA]  }
0x30: {  	s3 =	sld [smem:$0x3FAD]  }
0x31: {  	[smem:$0x3FB6] =	sst s10  }
0x32: {  	s10 =	sld [smem:$0x3FB4];
	_ =	sdelay $0x3  }
0x33: {  	p0 =	seq.s32 s10, $0x1;
	s10 =	sld [smem:$0x3FB6];
	_ =	sdelay $0x3  }
0x34: {  	[smem:$0x3FB6] =	sst s10  }
0x35: {  	s10 =	sld [smem:$0x3FB5];
	_ =	sdelay $0x3  }
0x36: {  	p1 =	seq.s32 s10, $0x1;
	s10 =	sld [smem:$0x3FB6];
	_ =	sdelay $0x3  }
0x37: {  	[smem:$0x3FB6] =	sst s10  }
0x38: {  	s10 =	sld [smem:$0x3FB7]  }
0x39: {  	_ = 	snop;
	(pc) =	sbr.ind lr, $3  }
0x3a: {  	_ = 	snop  }
0x3b: {  	_ = 	snop  }
0x3c: {  	p2 =	seq.s32 s10, $0x1;
	s10 =	sld [smem:$0x3FB6]  }
0x3d: {  	_ =	shalt  }
0x3e: {  	_ =	shalt  }
0x3f: {  	_ =	shalt  }
0x40: {  	_ =	shalt  }
0x41: {  	_ =	shalt  }
0x42: {  	_ =	shalt  }
0x43: {  	_ =	shalt  }
0x44: {  	_ =	shalt  }
0x45: {  	_ =	shalt  }
0x46: {  	_ =	shalt  }
0x47: {  	_ =	shalt  }
0x48: {  	_ =	shalt  }
0x49: {  	_ =	shalt  }
0x4a: {  	_ =	shalt  }
0x4b: {  	_ =	shalt  }
0x4c: {  	_ =	shalt  }
0x4d: {  	_ =	shalt  }
0x4e: {  	_ =	shalt  }
0x4f: {  	_ =	shalt  }
0x50: {  	_ =	shalt  }
0x51: {  	_ =	shalt  }
0x52: {  	_ =	shalt  }
0x53: {  	_ =	shalt  }
0x54: {  	_ =	shalt  }
0x55: {  	_ =	shalt  }
0x56: {  	_ =	shalt  }
0x57: {  	_ =	shalt  }
0x58: {  	_ =	shalt  }
0x59: {  	_ =	shalt  }
0x5a: {  	_ =	shalt  }
0x5b: {  	_ =	shalt  }
0x5c: {  	_ =	shalt  }
0x5d: {  	_ =	shalt  }
0x5e: {  	_ =	shalt  }
0x5f: {  	_ =	shalt  }
0x60: {  	_ =	shalt  }
0x61: {  	_ =	shalt  }
0x62: {  	_ =	shalt  }
0x63: {  	_ =	shalt  }
0x64: {  	_ =	shalt  }
0x65: {  	_ =	shalt  }
0x66: {  	_ =	shalt  }
0x67: {  	_ =	shalt  }
0x68: {  	_ =	shalt  }
0x69: {  	_ =	shalt  }
0x6a: {  	_ =	shalt  }
0x6b: {  	_ =	shalt  }
0x6c: {  	_ =	shalt  }
0x6d: {  	_ =	shalt  }
0x6e: {  	_ =	shalt  }
0x6f: {  	_ =	shalt  }
0x70: {  	_ =	shalt  }
0x71: {  	_ =	shalt  }
0x72: {  	_ =	shalt  }
0x73: {  	_ =	shalt  }
0x74: {  	_ =	shalt  }
0x75: {  	_ =	shalt  }
0x76: {  	_ =	shalt  }
0x77: {  	_ =	shalt  }
0x78: {  	_ =	shalt  }
0x79: {  	_ =	shalt  }
0x7a: {  	_ =	shalt  }
0x7b: {  	_ =	shalt  }
0x7c: {  	_ =	shalt  }
0x7d: {  	_ =	shalt  }
0x7e: {  	_ =	shalt  }
0x7f: {  	_ =	shalt  }
0x80: {  	_ =	shalt  }
0x81: {  	_ =	shalt  }
0x82: {  	_ =	shalt  }
0x83: {  	_ =	shalt  }
0x84: {  	_ =	shalt  }
0x85: {  	_ =	shalt  }
0x86: {  	_ =	shalt  }
0x87: {  	_ =	shalt  }
.Lfunc_end0:
.L_simem_size_0:
called_computation_lowered:
.L_overlay_start_0:
0x88: {  	s2 =	sld [smem:$0x3FD9]  }
0x89: {  	s3 =	sld [smem:$0x3FFE];
	_ =	sdelay $0x1  }
0x8a: {  	s1 =	srdreg.scid  }
0x8b: {  	s0 =	sand.u32 $0x1, s1  }
0x8c: {  	s14 =	sshll.u32 s0, $0xA;
	s2 =	sadd.s32 s3, s2  }
0x8d: {  	s2 =	sadd.s32 s2, s14  }
0x8e: {  	[smem:$0x3FC2] =	sst s2  }
0x8f: {  	_ = 	snop  }
0x90: {  	s2 =	sld [smem:$0x3FD0];
	_ =	sdelay $0x2  }
0x91: {  	s4 =	simm.s32 $0xA;
	s5 =	simm.s32 $0x10;
	s15 =	sld [smem:$0x3FC9]  }
0x92: {  	[smem:s5], [sflag:s4] =	dma.local [hbm:s2], $0x1  }
0x93: {  	_ =	swait.eq [sflag:s4], $0x1  }
0x94: {  	[sflag:s4] =	ssyncset.done $0x0  }
0x95: {  	[sflag:s4] =	ssyncadd.s32 $0xFFFFFFFF  }
0x96: {  	s16 =	sld [smem:$0x10];
	(tm) =	ssettm $0x1  }
0x97: {  	s17 =	sld [smem:$0x3FFB];
	_ =	sdelay $0x3  }
0x98: {  	_ =	strace s17  }
0x99: {  	s4 =	sld [smem:$0x3FFC];
	_ =	sdelay $0x3  }
0x9a: {  	_ =	strace s4  }
0x9b: {  	s4 =	sld [smem:$0x3FFD];
	_ =	sdelay $0x3  }
0x9c: {  	_ =	strace s4  }
0x9d: {  	_ =	strace $0x8FFFFFFF  }
0x9e: {  	s18 =	sld [smem:$0x3FDB];
	_ =	sdelay $0x1  }
0x9f: {  	s19 =	simm.s32 $_scs_section_size  }
0xa0: {  	s6 =	simm.s32 $_size__tile_overlayer_lowered;
	s7 =	simm.s32 $_tile_overlayer_lowered  }
0xa1: {  	s22 =	simm.s32 $0x1BFF;
	s21 =	sshll.u32 s7, $0x1;
	s4 =	sadd.s32 s19, s18  }
0xa2: {  	s8 =	simm.s32 $0x0;
	s20 =	sshll.u32 s6, $0x1;
	s6 =	sadd.s32 s21, s4  }
0xa3: {  	[timem:s8], [sflag:s22] =	dma.local [hbm:s6], s20  }
0xa4: {  	_ =	swait.ge [sflag:s22], s20  }
0xa5: {  	s5 =	ssub.s32 $0x0, s20;
	[sflag:s22] =	ssyncset.done $0x0  }
0xa6: {  	[sflag:s22] =	ssyncadd.s32 s5;
	_ =	sdelay $0x1  }
0xa7: {  	s23 =	simm.s32 $0x1B8B  }
0xa8: {  	_ =	swait.ge [sflag:s23], $0x1  }
0xa9: {  	[sflag:s23] =	ssyncset.done $0x0  }
0xaa: {  	s25 =	simm.s32 $0x1B8E;
	s24 =	sld [smem:$0x3FFE];
	[sflag:s23] =	ssyncadd.s32 $0xFFFFFFFF  }
0xab: {  	s26 =	simm.s32 $execute0_lowered;
	[smem:$0x3FD2] =	sst s25  }
0xac: {  	s6 =	sshll.u32 s26, $0x1;
	_ =	strace $0x80000046;
	[dreg:$0x1] =	wrdreg $0xFFFFFFFF  }
0xad: {  	s28 =	simm.s32 $_size_execute0_lowered;
	s4 =	sadd.s32 s4, s6;
	[dreg:$0x0] =	wrdreg $0x0  }
0xae: {  	s6 =	sshll.u32 s28, $0x1;
	[dreg:$0x2] =	wrdreg s4  }
0xaf: {  	[dreg:$0x3] =	wrdreg s6  }
0xb0: {  	[dreg:$0x4] =	wrdreg $0xC0  }
0xb1: {  	_ =	task [dreg:s8], $0x5FFFF  }
0xb2: {  	[dreg:$0x1] =	wrdreg $0xFFFFFFFF  }
0xb3: {  	[dreg:$0x0] =	wrdreg $0x60  }
0xb4: {  	[dreg:$0x2] =	wrdreg s15  }
0xb5: {  	[dreg:$0x3] =	wrdreg s24  }
0xb6: {  	[dreg:$0x4] =	wrdreg s16  }
0xb7: {  	[dreg:$0x5] =	wrdreg $0x9  }
0xb8: {  	_ =	task.clear_ibuf [dreg:s8], $0x6FFFF;
	_ =	strace $0x90000046  }
0xb9: {  	s29 =	simm.s32 $0x9;
	_ =	strace $0x80000048  }
0xba: {  	_ =	swait.ge [sflag:s29], $0x1  }
0xbb: {  	[sflag:s29] =	ssyncadd.s32 $0xFFFFFFFF  }
0xbc: {  	_ =	strace $0x90000048  }
0xbd: {  	_ =	sfence  }
0xbe: {  	s30 =	sld [smem:$0x0];
	_ =	sdelay $0x2  }
0xbf: {  	s31 =	sshll.u32 s1, $0xD;
	s1 =	sshrl.u32 s1, $0x2  }
0xc0: {  	s3 =	sand.u32 $0x4000, s31;
	s1 =	sadd.s32 s1, s30  }
0xc1: {  	s0 =	sor.u32 s3, s0;
	s1 =	sshll.u32 s1, $0x11  }
0xc2: {  	s0 =	sor.u32 s1, s0  }
0xc3: {  	s0 =	sadd.s32 $0x8F2B, s0  }
0xc4: {  	[sflag:s0] =	ssyncadd.remote.s32 $0x1  }
0xc5: {  	_ =	sfence.sel $0xFFFF  }
0xc6: {  	[dreg:$0x0] =	wrdreg $0xFFFFFFFF;
	(pc) =	sbr.abs _section_cstart, $3  }
0xc7: {  	[dreg:$0x1] =	wrdreg $0xFFFFFFFF  }
0xc8: {  	_ =	task.clear_ibuf [dreg:s8], $0x2FFFF;
	_ =	strace $0x9FFFFFFF  }
0xc9: {  	(tm) =	ssettm $0x7FFFFFFF  }
tec
execute0_lowered:
.L_overlay_start_1:
0x0: {  	(tag) =	ssettag $0x1  }
0x1: {  	s2 =	srdreg.scid;
	s3 =	stileid.u32  }
0x2: {  	s1 =	rddreg [dreg:$0x0];
	s6 =	sand.u32 $0x1, s2;
	s3 =	sshll.u32 s3, $0x1  }
0x3: {  	s0 =	rddreg [dreg:$0x1];
	s4 =	sor.u32 s6, s3;
	s3 =	simm.s32 $0x0  }
0x4: {  	s5 =	sshll.u32 s4, $0x8;
	[smem:$0x7FF] =	sst s3;
	s8 =	smul.u32 $0xC000, s4  }
0x5: {  	s25 =	rddreg [dreg:$0x2];
	s5 =	sadd.s32 s5, s0;
	_ =	strace $0x80000047  }
0x6: {  	s7 =	sadd.s32 $0x41600, s5;
	s5 =	sadd.s32 $0x1600, s0;
	s8 =	sadd.s32 s1, s8  }
0x7: {  	[dreg:$0x4] =	wrdreg s7;
	s7 =	sshll.u32 s4, $0x6;
	s4 =	sshll.u32 s4, $0xD  }
0x8: {  	[dreg:$0x5] =	wrdreg s8;
	s9 =	sor.u32 $0x4, s7;
	s4 =	sadd.s32 s5, s4  }
0x9: {  	s30 =	sor.u32 $0x8, s7;
	s12 =	sor.u32 $0xC, s7;
	s24 =	smul.u32 $0x300, s9  }
0xa: {  	s17 =	sor.u32 $0x10, s7;
	s22 =	sor.u32 $0x14, s7;
	s2 =	smul.u32 $0x300, s30  }
0xb: {  	[dreg:$0x6] =	wrdreg s4;
	s29 =	sshll.u32 s9, $0x7;
	s14 =	smul.u32 $0x300, s12  }
0xc: {  	s11 =	sshll.u32 s30, $0x7;
	s16 =	sshll.u32 s12, $0x7;
	s19 =	smul.u32 $0x300, s17  }
0xd: {  	s21 =	sshll.u32 s17, $0x7;
	s30 =	sor.u32 $0x18, s7;
	s31 =	sadd.s32 s5, s29  }
0xe: {  	s12 =	sor.u32 $0x1C, s7;
	s13 =	sadd.s32 s5, s11;
	[dreg:$0x8] =	wrdreg s31  }
0xf: {  	s17 =	sor.u32 $0x20, s7;
	s18 =	sadd.s32 s5, s16;
	[dreg:$0xa] =	wrdreg s13  }
0x10: {  	s23 =	sadd.s32 s5, s21;
	s29 =	sshll.u32 s22, $0x7;
	[dreg:$0xc] =	wrdreg s18  }
0x11: {  	s11 =	sshll.u32 s30, $0x7;
	s26 =	sadd.s32 s1, s24;
	[dreg:$0xe] =	wrdreg s23  }
0x12: {  	s16 =	sshll.u32 s12, $0x7;
	s10 =	sadd.s32 s1, s2;
	[dreg:$0x7] =	wrdreg s26  }
0x13: {  	s21 =	sshll.u32 s17, $0x7;
	s15 =	sadd.s32 s1, s14;
	[dreg:$0x9] =	wrdreg s10  }
0x14: {  	s20 =	sadd.s32 s1, s19;
	s24 =	smul.u32 $0x300, s22;
	[dreg:$0xb] =	wrdreg s15  }
0x15: {  	s31 =	sadd.s32 s5, s29;
	s2 =	smul.u32 $0x300, s30;
	[dreg:$0xd] =	wrdreg s20  }
0x16: {  	s13 =	sadd.s32 s5, s11;
	s14 =	smul.u32 $0x300, s12;
	[dreg:$0x10] =	wrdreg s31  }
0x17: {  	s18 =	sadd.s32 s5, s16;
	s19 =	smul.u32 $0x300, s17;
	[dreg:$0x12] =	wrdreg s13  }
0x18: {  	s22 =	sor.u32 $0x24, s7;
	s23 =	sadd.s32 s5, s21;
	[dreg:$0x14] =	wrdreg s18  }
0x19: {  	s30 =	sor.u32 $0x28, s7;
	[dreg:$0x16] =	wrdreg s23;
	s26 =	sadd.s32 s1, s24  }
0x1a: {  	s12 =	sor.u32 $0x2C, s7;
	s10 =	sadd.s32 s1, s2;
	[dreg:$0xf] =	wrdreg s26  }
0x1b: {  	s17 =	sor.u32 $0x30, s7;
	s15 =	sadd.s32 s1, s14;
	[dreg:$0x11] =	wrdreg s10  }
0x1c: {  	s29 =	sshll.u32 s22, $0x7;
	s20 =	sadd.s32 s1, s19;
	[dreg:$0x13] =	wrdreg s15  }
0x1d: {  	s11 =	sshll.u32 s30, $0x7;
	s31 =	sadd.s32 s5, s29;
	[dreg:$0x15] =	wrdreg s20  }
0x1e: {  	s16 =	sshll.u32 s12, $0x7;
	s13 =	sadd.s32 s5, s11;
	[dreg:$0x18] =	wrdreg s31  }
0x1f: {  	s21 =	sshll.u32 s17, $0x7;
	s18 =	sadd.s32 s5, s16;
	[dreg:$0x1a] =	wrdreg s13  }
0x20: {  	s8 =	sadd.s32 s5, s21;
	[dreg:$0x1c] =	wrdreg s18  }
0x21: {  	s16 =	simm.s32 $0x180;
	[dreg:$0x1e] =	wrdreg s8  }
0x22: {  	s19 =	smul.u32 $0x300, s17;
	s17 =	simm.s32 $0x200;
	[smem:$0x7F1] =	sst s16  }
0x23: {  	s24 =	smul.u32 $0x300, s22;
	s21 =	simm.s32 $0x400;
	[smem:$0x7F2] =	sst s17  }
0x24: {  	s2 =	smul.u32 $0x300, s30;
	s18 =	simm.s32 $0x280;
	[smem:$0x7F6] =	sst s21  }
0x25: {  	s14 =	smul.u32 $0x300, s12;
	s26 =	sadd.s32 s1, s24;
	[smem:$0x7F3] =	sst s18  }
0x26: {  	s10 =	sadd.s32 s1, s2;
	[dreg:$0x17] =	wrdreg s26  }
0x27: {  	s15 =	sadd.s32 s1, s14;
	[dreg:$0x19] =	wrdreg s10  }
0x28: {  	s22 =	sor.u32 $0x34, s7;
	s20 =	sadd.s32 s1, s19;
	[dreg:$0x1b] =	wrdreg s15  }
0x29: {  	s9 =	sshll.u32 s22, $0x7;
	s14 =	simm.s32 $0x80;
	[dreg:$0x1d] =	wrdreg s20  }
0x2a: {  	s24 =	sor.u32 $0x38, s7;
	s19 =	simm.s32 $0x300;
	[smem:$0x7EF] =	sst s14  }
0x2b: {  	s7 =	sor.u32 $0x3C, s7;
	s26 =	sadd.s32 s5, s9;
	[smem:$0x7F4] =	sst s19  }
0x2c: {  	s10 =	smul.u32 $0x300, s22;
	s15 =	simm.s32 $0x100;
	[smem:$0x7EA] =	sst s26  }
0x2d: {  	s29 =	smul.u32 $0x300, s24;
	s20 =	simm.s32 $0x380;
	[smem:$0x7F0] =	sst s15  }
0x2e: {  	s31 =	sshll.u32 s24, $0x7;
	s22 =	simm.s32 $0x480;
	[smem:$0x7F5] =	sst s20  }
0x2f: {  	s2 =	smul.u32 $0x300, s7;
	s24 =	simm.s32 $0x580;
	[smem:$0x7F7] =	sst s22  }
0x30: {  	s7 =	sshll.u32 s7, $0x7;
	s9 =	sadd.s32 s5, s31;
	[smem:$0x7F9] =	sst s24  }
0x31: {  	s28 =	simm.s32 $0x20;
	s13 =	sadd.s32 s5, s7;
	[smem:$0x7EC] =	sst s9  }
0x32: {  	s6 =	ssub.s32 $0x2, s6;
	s26 =	simm.s32 $0x600;
	[smem:$0x7EE] =	sst s13  }
0x33: {  	s4 =	sadd.s32 $0x43600, s0;
	s31 =	simm.s32 $0x780;
	[smem:$0x7FA] =	sst s26  }
0x34: {  	s11 =	sshrl.u32 s6, $0x1;
	s23 =	sadd.s32 s1, s10;
	[smem:$0x7FD] =	sst s31  }
0x35: {  	s12 =	ssub.s32 s6, s11;
	s30 =	sadd.s32 s1, s29;
	[dreg:$0x1f] =	wrdreg s23  }
0x36: {  	s6 =	sadd.s32 $0x43800, s0;
	s1 =	sadd.s32 s1, s2;
	[smem:$0x7EB] =	sst s30  }
0x37: {  	s21 =	simm.s32 $0x800;
	s29 =	simm.s32 $0x680;
	[smem:$0x7ED] =	sst s1  }
0x38: {  	v2 =	vlaneseq.u32;
	s5 =	sadd.s32 $0x43700, s0;
	s23 =	simm.s32 $0x500;
	[smem:$0x7FB] =	sst s29  }
0x39: {  	vm0 =	vmmov $0xffff;
	v1 =	vshrl.u32 v2, $0x3;
	s7 =	smax.u32 s12, $0x1;
	s30 =	simm.s32 $0x700;
	[smem:$0x7F8] =	sst s23  }
0x3a: {  	v0 =	vand.u32 $0x7, v2;
	v2 =	vor.u32 $0x8, v2;
	v1 =	vmul.u32 $0x8, v1;
	s15 =	simm.s32 $0x1;
	[smem:$0x7FC] =	sst s30;
	s23 =	simm.s32 $0x2  }
.LBB2_1:
0x3b: {  	s17 =	rddreg [dreg:$0x4];
	s18 =	simm.s32 $0x3  }
0x3c: {  	[tilespmem:s3], [sflag:$0x3] =	stream.linear.gather [hbm4b:s17+s3], $0x800, $0x38;
	[tilespmem:$0x1C800] =	vst v63  }
0x3d: {  	_ =	swait.ge [sflag:s18], $0x800  }
0x3e: {  	[sflag:s18] =	ssyncset.done $0x0  }
0x3f: {  	s10 =	simm.s32 $0x4800;
	s8 =	rddreg [dreg:$0x5];
	[sflag:s18] =	ssyncadd.s32 $0xFFFFF800  }
0x40: {  	[tilespmem:s10], [sflag:$0x1] =	stream.linear.gather [hbm4b:s8+s3], $0x6000, $0x38;
	[tilespmem:$0x1C800] =	vst v63  }
0x41: {  	s9 =	rddreg [dreg:$0x6]  }
0x42: {  	[tilespmem:s21], [sflag:$0x1] =	stream.linear.gather [hbm4b:s9+s3], $0x1000, $0x38;
	[tilespmem:$0x1C800] =	vst v63  }
0x43: {  	s0 =	simm.s32 $0xA800;
	s11 =	rddreg [dreg:$0x7]  }
0x44: {  	[tilespmem:s0], [sflag:$0x1] =	stream.linear.gather [hbm4b:s11+s3], $0x6000, $0x38;
	[tilespmem:$0x1C800] =	vst v63  }
0x45: {  	s19 =	simm.s32 $0x1800;
	s12 =	rddreg [dreg:$0x8]  }
0x46: {  	[tilespmem:s19], [sflag:$0x1] =	stream.linear.gather [hbm4b:s12+s3], $0x1000, $0x38;
	[tilespmem:$0x1C800] =	vst v63  }
0x47: {  	s22 =	simm.s32 $0x10800;
	s13 =	rddreg [dreg:$0x9]  }
0x48: {  	[tilespmem:s22], [sflag:$0x1] =	stream.linear.gather [hbm4b:s13+s3], $0x6000, $0x38;
	[tilespmem:$0x1C800] =	vst v63  }
0x49: {  	s24 =	simm.s32 $0x2800;
	s20 =	rddreg [dreg:$0xa]  }
0x4a: {  	[tilespmem:s24], [sflag:$0x1] =	stream.linear.gather [hbm4b:s20+s3], $0x1000, $0x38;
	[tilespmem:$0x1C800] =	vst v63  }
0x4b: {  	_ =	swait.ge [sflag:s15], $0x6000  }
0x4c: {  	[sflag:s15] =	ssyncset.done $0x0  }
0x4d: {  	[sflag:s15] =	ssyncadd.s32 $0xFFFFA000  }
0x4e: {  	_ =	swait.ge [sflag:s15], $0x1000  }
0x4f: {  	[sflag:s15] =	ssyncset.done $0x0  }
0x50: {  	[sflag:s15] =	ssyncadd.s32 $0xFFFFF000  }
0x51: {  	v3 =	vld [tilespmem:$0x0];
	_ =	sdelay $0x4  }
0x52: {  	v4 =	vshrl.u32 v3, $0x3  }
0x53: {  	v4 =	vmul.u32 $0x30, v4  }
0x54: {  	v3 =	vand.u32 $0x7, v3  }
0x55: {  	v3 =	vor.u32 v3, v4  }
0x56: {  	v4 =	vperm.xlane v3, v0;
	_ =	sdelay $0x1  }
0x57: {  	v4 =	vadd.s32 v1, v4;
	_ =	sdelay $0x3  }
0x58: {  	v3 =	vperm.xlane v3, v2  }
0x59: {  	[hbm4b:s4+s3] =	stream.indirect_vreg.scatter [tilespmem:s10], [sflag:$0x2], $0x80, v4, vm0, $0xb8;
	[tilespmem:$0x1C800] =	vst v63  }
0x5a: {  	s26 =	simm.s32 $0x5000;
	v3 =	vadd.s32 v1, v3  }
0x5b: {  	[hbm4b:s5+s3] =	stream.indirect_vreg.scatter [tilespmem:s26], [sflag:$0x2], $0x80, v4, vm0, $0xb8;
	[tilespmem:$0x1C800] =	vst v63  }
0x5c: {  	s29 =	simm.s32 $0x5800  }
0x5d: {  	[hbm4b:s6+s3] =	stream.indirect_vreg.scatter [tilespmem:s29], [sflag:$0x2], $0x80, v4, vm0, $0xb8;
	[tilespmem:$0x1C800] =	vst v63  }
0x5e: {  	s30 =	simm.s32 $0x6000  }
0x5f: {  	[hbm4b:s4+s3] =	stream.indirect_vreg.scatter [tilespmem:s30], [sflag:$0x2], $0x80, v3, vm0, $0xb8;
	[tilespmem:$0x1C800] =	vst v63  }
0x60: {  	s31 =	simm.s32 $0x6800  }
0x61: {  	[hbm4b:s5+s3] =	stream.indirect_vreg.scatter [tilespmem:s31], [sflag:$0x2], $0x80, v3, vm0, $0xb8;
	[tilespmem:$0x1C800] =	vst v63  }
0x62: {  	s1 =	simm.s32 $0x7000  }
0x63: {  	[hbm4b:s6+s3] =	stream.indirect_vreg.scatter [tilespmem:s1], [sflag:$0x2], $0x80, v3, vm0, $0xb8;
	[tilespmem:$0x1C800] =	vst v63  }
0x64: {  	v3 =	vld [tilespmem:$0x10];
	_ =	sdelay $0x4  }
0x65: {  	v33 =	vshrl.u32 v3, $0x3  }
0x66: {  	v4 =	vmul.u32 $0x30, v33  }
0x67: {  	v3 =	vand.u32 $0x7, v3  }
0x68: {  	v3 =	vor.u32 v3, v4  }
0x69: {  	v4 =	vperm.xlane v3, v0;
	_ =	sdelay $0x1  }
0x6a: {  	v4 =	vadd.s32 v1, v4;
	_ =	sdelay $0x3  }
0x6b: {  	s11 =	simm.s32 $0x7800;
	v3 =	vperm.xlane v3, v2  }
0x6c: {  	[hbm4b:s4+s3] =	stream.indirect_vreg.scatter [tilespmem:s11], [sflag:$0x2], $0x80, v4, vm0, $0xb8;
	[tilespmem:$0x1C800] =	vst v63  }
0x6d: {  	s13 =	simm.s32 $0x8000;
	v3 =	vadd.s32 v1, v3  }
0x6e: {  	[hbm4b:s5+s3] =	stream.indirect_vreg.scatter [tilespmem:s13], [sflag:$0x2], $0x80, v4, vm0, $0xb8;
	[tilespmem:$0x1C800] =	vst v63  }
0x6f: {  	s17 =	simm.s32 $0x8800  }
0x70: {  	[hbm4b:s6+s3] =	stream.indirect_vreg.scatter [tilespmem:s17], [sflag:$0x2], $0x80, v4, vm0, $0xb8;
	[tilespmem:$0x1C800] =	vst v63  }
0x71: {  	s18 =	simm.s32 $0x9000  }
0x72: {  	[hbm4b:s4+s3] =	stream.indirect_vreg.scatter [tilespmem:s18], [sflag:$0x2], $0x80, v3, vm0, $0xb8;
	[tilespmem:$0x1C800] =	vst v63  }
0x73: {  	s19 =	simm.s32 $0x9800  }
0x74: {  	[hbm4b:s5+s3] =	stream.indirect_vreg.scatter [tilespmem:s19], [sflag:$0x2], $0x80, v3, vm0, $0xb8;
	[tilespmem:$0x1C800] =	vst v63  }
0x75: {  	s22 =	simm.s32 $0xA000  }
0x76: {  	[hbm4b:s6+s3] =	stream.indirect_vreg.scatter [tilespmem:s22], [sflag:$0x2], $0x80, v3, vm0, $0xb8;
	[tilespmem:$0x1C800] =	vst v63  }
0x77: {  	_ = 	snop  }
0x78: {  	[hbm4b:s25+s28] =	stream.indirect.scatter [tilespmem:s21], [sflag:$0x2], $0x80, s3, s28, $0xb8;
	[tilespmem:$0x1C800] =	vst v63  }
0x79: {  	s26 =	rddreg [dreg:$0xb];
	s30 =	simm.s32 $0x16800  }
0x7a: {  	[tilespmem:s30], [sflag:$0x1] =	stream.linear.gather [hbm4b:s26+s3], $0x6000, $0x38;
	[tilespmem:$0x1C800] =	vst v63  }
0x7b: {  	s29 =	rddreg [dreg:$0xc];
	s31 =	simm.s32 $0x3800  }
0x7c: {  	[tilespmem:s31], [sflag:$0x1] =	stream.linear.gather [hbm4b:s29+s3], $0x1000, $0x38;
	[tilespmem:$0x1C800] =	vst v63  }
0x7d: {  	_ =	swait.ge [sflag:s15], $0x6000  }
0x7e: {  	[sflag:s15] =	ssyncset.done $0x0  }
0x7f: {  	[sflag:s15] =	ssyncadd.s32 $0xFFFFA000  }
0x80: {  	_ =	swait.ge [sflag:s15], $0x1000  }
0x81: {  	[sflag:s15] =	ssyncset.done $0x0  }
0x82: {  	[sflag:s15] =	ssyncadd.s32 $0xFFFFF000  }
0x83: {  	v3 =	vld [tilespmem:$0x80];
	_ =	sdelay $0x4  }
0x84: {  	v34 =	vshrl.u32 v3, $0x3  }
0x85: {  	v4 =	vmul.u32 $0x30, v34  }
0x86: {  	v3 =	vand.u32 $0x7, v3  }
0x87: {  	v3 =	vor.u32 v3, v4  }
0x88: {  	v4 =	vperm.xlane v3, v0;
	_ =	sdelay $0x1  }
0x89: {  	v4 =	vadd.s32 v1, v4;
	_ =	sdelay $0x3  }
0x8a: {  	s16 =	simm.s32 $0xA800;
	v3 =	vperm.xlane v3, v2  }
0x8b: {  	[hbm4b:s4+s3] =	stream.indirect_vreg.scatter [tilespmem:s16], [sflag:$0x2], $0x80, v4, vm0, $0xb8;
	[tilespmem:$0x1C800] =	vst v63  }
0x8c: {  	s17 =	simm.s32 $0xB000;
	v3 =	vadd.s32 v1, v3  }
0x8d: {  	[hbm4b:s5+s3] =	stream.indirect_vreg.scatter [tilespmem:s17], [sflag:$0x2], $0x80, v4, vm0, $0xb8;
	[tilespmem:$0x1C800] =	vst v63  }
0x8e: {  	s18 =	simm.s32 $0xB800  }
0x8f: {  	[hbm4b:s6+s3] =	stream.indirect_vreg.scatter [tilespmem:s18], [sflag:$0x2], $0x80, v4, vm0, $0xb8;
	[tilespmem:$0x1C800] =	vst v63  }
0x90: {  	s19 =	simm.s32 $0xC000  }
0x91: {  	[hbm4b:s4+s3] =	stream.indirect_vreg.scatter [tilespmem:s19], [sflag:$0x2], $0x80, v3, vm0, $0xb8;
	[tilespmem:$0x1C800] =	vst v63  }
0x92: {  	s26 =	simm.s32 $0xC800  }
0x93: {  	[hbm4b:s5+s3] =	stream.indirect_vreg.scatter [tilespmem:s26], [sflag:$0x2], $0x80, v3, vm0, $0xb8;
	[tilespmem:$0x1C800] =	vst v63  }
0x94: {  	s29 =	simm.s32 $0xD000  }
0x95: {  	[hbm4b:s6+s3] =	stream.indirect_vreg.scatter [tilespmem:s29], [sflag:$0x2], $0x80, v3, vm0, $0xb8;
	[tilespmem:$0x1C800] =	vst v63  }
0x96: {  	v3 =	vld [tilespmem:$0x90];
	_ =	sdelay $0x4  }
0x97: {  	v35 =	vshrl.u32 v3, $0x3  }
0x98: {  	v4 =	vmul.u32 $0x30, v35  }
0x99: {  	v3 =	vand.u32 $0x7, v3  }
0x9a: {  	v3 =	vor.u32 v3, v4  }
0x9b: {  	v4 =	vperm.xlane v3, v0;
	_ =	sdelay $0x1  }
0x9c: {  	v4 =	vadd.s32 v1, v4;
	_ =	sdelay $0x3  }
0x9d: {  	s30 =	simm.s32 $0xD800;
	v3 =	vperm.xlane v3, v2  }
0x9e: {  	[hbm4b:s4+s3] =	stream.indirect_vreg.scatter [tilespmem:s30], [sflag:$0x2], $0x80, v4, vm0, $0xb8;
	[tilespmem:$0x1C800] =	vst v63  }
0x9f: {  	s31 =	simm.s32 $0xE000;
	v3 =	vadd.s32 v1, v3  }
0xa0: {  	[hbm4b:s5+s3] =	stream.indirect_vreg.scatter [tilespmem:s31], [sflag:$0x2], $0x80, v4, vm0, $0xb8;
	[tilespmem:$0x1C800] =	vst v63  }
0xa1: {  	s17 =	simm.s32 $0xE800  }
0xa2: {  	[hbm4b:s6+s3] =	stream.indirect_vreg.scatter [tilespmem:s17], [sflag:$0x2], $0x80, v4, vm0, $0xb8;
	[tilespmem:$0x1C800] =	vst v63  }
0xa3: {  	s18 =	simm.s32 $0xF000  }
0xa4: {  	[hbm4b:s4+s3] =	stream.indirect_vreg.scatter [tilespmem:s18], [sflag:$0x2], $0x80, v3, vm0, $0xb8;
	[tilespmem:$0x1C800] =	vst v63  }
0xa5: {  	s19 =	simm.s32 $0xF800  }
0xa6: {  	[hbm4b:s5+s3] =	stream.indirect_vreg.scatter [tilespmem:s19], [sflag:$0x2], $0x80, v3, vm0, $0xb8;
	[tilespmem:$0x1C800] =	vst v63  }
0xa7: {  	s26 =	sld [smem:$0x7EF];
	s30 =	simm.s32 $0x10000  }
0xa8: {  	[hbm4b:s6+s3] =	stream.indirect_vreg.scatter [tilespmem:s30], [sflag:$0x2], $0x80, v3, vm0, $0xb8;
	[tilespmem:$0x1C800] =	vst v63  }
0xa9: {  	s14 =	simm.s32 $0x1800  }
0xaa: {  	[hbm4b:s25+s28] =	stream.indirect.scatter [tilespmem:s14], [sflag:$0x2], $0x80, s26, s28, $0xb8;
	[tilespmem:$0x1C800] =	vst v63  }
0xab: {  	_ =	swait.ge [sflag:s23], $0x6000  }
0xac: {  	[sflag:s23] =	ssyncset.done $0x0  }
0xad: {  	[sflag:s23] =	ssyncadd.s32 $0xFFFFA000  }
0xae: {  	_ =	swait.ge [sflag:s23], $0x1000  }
0xaf: {  	[sflag:s23] =	ssyncset.done $0x0  }
0xb0: {  	s31 =	rddreg [dreg:$0xd];
	[sflag:s23] =	ssyncadd.s32 $0xFFFFF000  }
0xb1: {  	[tilespmem:s10], [sflag:$0x1] =	stream.linear.gather [hbm4b:s31+s3], $0x6000, $0x38;
	[tilespmem:$0x1C800] =	vst v63  }
0xb2: {  	s0 =	rddreg [dreg:$0xe]  }
0xb3: {  	[tilespmem:s21], [sflag:$0x1] =	stream.linear.gather [hbm4b:s0+s3], $0x1000, $0x38;
	[tilespmem:$0x1C800] =	vst v63  }
0xb4: {  	_ =	swait.ge [sflag:s15], $0x6000  }
0xb5: {  	[sflag:s15] =	ssyncset.done $0x0  }
0xb6: {  	[sflag:s15] =	ssyncadd.s32 $0xFFFFA000  }
0xb7: {  	_ =	swait.ge [sflag:s15], $0x1000  }
0xb8: {  	[sflag:s15] =	ssyncset.done $0x0  }
0xb9: {  	[sflag:s15] =	ssyncadd.s32 $0xFFFFF000  }
0xba: {  	v3 =	vld [tilespmem:$0x100];
	_ =	sdelay $0x4  }
0xbb: {  	v36 =	vshrl.u32 v3, $0x3  }
0xbc: {  	v4 =	vmul.u32 $0x30, v36  }
0xbd: {  	v3 =	vand.u32 $0x7, v3  }
0xbe: {  	v3 =	vor.u32 v3, v4  }
0xbf: {  	v4 =	vperm.xlane v3, v0;
	_ =	sdelay $0x1  }
0xc0: {  	v4 =	vadd.s32 v1, v4;
	_ =	sdelay $0x3  }
0xc1: {  	s12 =	simm.s32 $0x10800;
	v3 =	vperm.xlane v3, v2  }
0xc2: {  	[hbm4b:s4+s3] =	stream.indirect_vreg.scatter [tilespmem:s12], [sflag:$0x2], $0x80, v4, vm0, $0xb8;
	[tilespmem:$0x1C800] =	vst v63  }
0xc3: {  	v3 =	vadd.s32 v1, v3;
	s12 =	simm.s32 $0x11000  }
0xc4: {  	[hbm4b:s5+s3] =	stream.indirect_vreg.scatter [tilespmem:s12], [sflag:$0x2], $0x80, v4, vm0, $0xb8;
	[tilespmem:$0x1C800] =	vst v63  }
0xc5: {  	s17 =	simm.s32 $0x11800  }
0xc6: {  	[hbm4b:s6+s3] =	stream.indirect_vreg.scatter [tilespmem:s17], [sflag:$0x2], $0x80, v4, vm0, $0xb8;
	[tilespmem:$0x1C800] =	vst v63  }
0xc7: {  	s18 =	simm.s32 $0x12000  }
0xc8: {  	[hbm4b:s4+s3] =	stream.indirect_vreg.scatter [tilespmem:s18], [sflag:$0x2], $0x80, v3, vm0, $0xb8;
	[tilespmem:$0x1C800] =	vst v63  }
0xc9: {  	s19 =	simm.s32 $0x12800  }
0xca: {  	[hbm4b:s5+s3] =	stream.indirect_vreg.scatter [tilespmem:s19], [sflag:$0x2], $0x80, v3, vm0, $0xb8;
	[tilespmem:$0x1C800] =	vst v63  }
0xcb: {  	s30 =	simm.s32 $0x13000  }
0xcc: {  	[hbm4b:s6+s3] =	stream.indirect_vreg.scatter [tilespmem:s30], [sflag:$0x2], $0x80, v3, vm0, $0xb8;
	[tilespmem:$0x1C800] =	vst v63  }
0xcd: {  	v3 =	vld [tilespmem:$0x110];
	_ =	sdelay $0x4  }
0xce: {  	v37 =	vshrl.u32 v3, $0x3  }
0xcf: {  	v4 =	vmul.u32 $0x30, v37  }
0xd0: {  	v3 =	vand.u32 $0x7, v3  }
0xd1: {  	v3 =	vor.u32 v3, v4  }
0xd2: {  	v4 =	vperm.xlane v3, v0;
	_ =	sdelay $0x1  }
0xd3: {  	v4 =	vadd.s32 v1, v4;
	_ =	sdelay $0x3  }
0xd4: {  	s31 =	simm.s32 $0x13800;
	v3 =	vperm.xlane v3, v2  }
0xd5: {  	[hbm4b:s4+s3] =	stream.indirect_vreg.scatter [tilespmem:s31], [sflag:$0x2], $0x80, v4, vm0, $0xb8;
	[tilespmem:$0x1C800] =	vst v63  }
0xd6: {  	s12 =	simm.s32 $0x14000;
	v3 =	vadd.s32 v1, v3  }
0xd7: {  	[hbm4b:s5+s3] =	stream.indirect_vreg.scatter [tilespmem:s12], [sflag:$0x2], $0x80, v4, vm0, $0xb8;
	[tilespmem:$0x1C800] =	vst v63  }
0xd8: {  	s17 =	simm.s32 $0x14800  }
0xd9: {  	[hbm4b:s6+s3] =	stream.indirect_vreg.scatter [tilespmem:s17], [sflag:$0x2], $0x80, v4, vm0, $0xb8;
	[tilespmem:$0x1C800] =	vst v63  }
0xda: {  	s18 =	simm.s32 $0x15000  }
0xdb: {  	[hbm4b:s4+s3] =	stream.indirect_vreg.scatter [tilespmem:s18], [sflag:$0x2], $0x80, v3, vm0, $0xb8;
	[tilespmem:$0x1C800] =	vst v63  }
0xdc: {  	s19 =	simm.s32 $0x15800  }
0xdd: {  	[hbm4b:s5+s3] =	stream.indirect_vreg.scatter [tilespmem:s19], [sflag:$0x2], $0x80, v3, vm0, $0xb8;
	[tilespmem:$0x1C800] =	vst v63  }
0xde: {  	s31 =	sld [smem:$0x7F0];
	s12 =	simm.s32 $0x16000  }
0xdf: {  	[hbm4b:s6+s3] =	stream.indirect_vreg.scatter [tilespmem:s12], [sflag:$0x2], $0x80, v3, vm0, $0xb8;
	[tilespmem:$0x1C800] =	vst v63  }
0xe0: {  	s0 =	simm.s32 $0x2800  }
0xe1: {  	[hbm4b:s25+s28] =	stream.indirect.scatter [tilespmem:s0], [sflag:$0x2], $0x80, s31, s28, $0xb8;
	[tilespmem:$0x1C800] =	vst v63  }
0xe2: {  	_ =	swait.ge [sflag:s23], $0x6000  }
0xe3: {  	[sflag:s23] =	ssyncset.done $0x0  }
0xe4: {  	[sflag:s23] =	ssyncadd.s32 $0xFFFFA000  }
0xe5: {  	_ =	swait.ge [sflag:s23], $0x1000  }
0xe6: {  	[sflag:s23] =	ssyncset.done $0x0  }
0xe7: {  	s22 =	simm.s32 $0xA800;
	s18 =	rddreg [dreg:$0xf];
	[sflag:s23] =	ssyncadd.s32 $0xFFFFF000  }
0xe8: {  	[tilespmem:s22], [sflag:$0x1] =	stream.linear.gather [hbm4b:s18+s3], $0x6000, $0x38;
	[tilespmem:$0x1C800] =	vst v63  }
0xe9: {  	s14 =	simm.s32 $0x1800;
	s19 =	rddreg [dreg:$0x10]  }
0xea: {  	[tilespmem:s14], [sflag:$0x1] =	stream.linear.gather [hbm4b:s19+s3], $0x1000, $0x38;
	[tilespmem:$0x1C800] =	vst v63  }
0xeb: {  	_ =	swait.ge [sflag:s15], $0x6000  }
0xec: {  	[sflag:s15] =	ssyncset.done $0x0  }
0xed: {  	[sflag:s15] =	ssyncadd.s32 $0xFFFFA000  }
0xee: {  	_ =	swait.ge [sflag:s15], $0x1000  }
0xef: {  	[sflag:s15] =	ssyncset.done $0x0  }
0xf0: {  	[sflag:s15] =	ssyncadd.s32 $0xFFFFF000  }
0xf1: {  	v3 =	vld [tilespmem:$0x180];
	_ =	sdelay $0x4  }
0xf2: {  	v38 =	vshrl.u32 v3, $0x3  }
0xf3: {  	v4 =	vmul.u32 $0x30, v38  }
0xf4: {  	v3 =	vand.u32 $0x7, v3  }
0xf5: {  	v3 =	vor.u32 v3, v4  }
0xf6: {  	v4 =	vperm.xlane v3, v0;
	_ =	sdelay $0x1  }
0xf7: {  	v4 =	vadd.s32 v1, v4;
	_ =	sdelay $0x3  }
0xf8: {  	s13 =	simm.s32 $0x16800;
	v3 =	vperm.xlane v3, v2  }
0xf9: {  	[hbm4b:s4+s3] =	stream.indirect_vreg.scatter [tilespmem:s13], [sflag:$0x2], $0x80, v4, vm0, $0xb8;
	[tilespmem:$0x1C800] =	vst v63  }
0xfa: {  	s22 =	simm.s32 $0x17000;
	v3 =	vadd.s32 v1, v3  }
0xfb: {  	[hbm4b:s5+s3] =	stream.indirect_vreg.scatter [tilespmem:s22], [sflag:$0x2], $0x80, v4, vm0, $0xb8;
	[tilespmem:$0x1C800] =	vst v63  }
0xfc: {  	s31 =	simm.s32 $0x17800  }
0xfd: {  	[hbm4b:s6+s3] =	stream.indirect_vreg.scatter [tilespmem:s31], [sflag:$0x2], $0x80, v4, vm0, $0xb8;
	[tilespmem:$0x1C800] =	vst v63  }
0xfe: {  	s14 =	simm.s32 $0x18000  }
0xff: {  	[hbm4b:s4+s3] =	stream.indirect_vreg.scatter [tilespmem:s14], [sflag:$0x2], $0x80, v3, vm0, $0xb8;
	[tilespmem:$0x1C800] =	vst v63  }
0x100: {  	s17 =	simm.s32 $0x18800  }
0x101: {  	[hbm4b:s5+s3] =	stream.indirect_vreg.scatter [tilespmem:s17], [sflag:$0x2], $0x80, v3, vm0, $0xb8;
	[tilespmem:$0x1C800] =	vst v63  }
0x102: {  	s18 =	simm.s32 $0x19000  }
0x103: {  	[hbm4b:s6+s3] =	stream.indirect_vreg.scatter [tilespmem:s18], [sflag:$0x2], $0x80, v3, vm0, $0xb8;
	[tilespmem:$0x1C800] =	vst v63  }
0x104: {  	v3 =	vld [tilespmem:$0x190];
	_ =	sdelay $0x4  }
0x105: {  	v39 =	vshrl.u32 v3, $0x3  }
0x106: {  	v4 =	vmul.u32 $0x30, v39  }
0x107: {  	v3 =	vand.u32 $0x7, v3  }
0x108: {  	v3 =	vor.u32 v3, v4  }
0x109: {  	v4 =	vperm.xlane v3, v0;
	_ =	sdelay $0x1  }
0x10a: {  	v4 =	vadd.s32 v1, v4;
	_ =	sdelay $0x3  }
0x10b: {  	s19 =	simm.s32 $0x19800;
	v3 =	vperm.xlane v3, v2  }
0x10c: {  	[hbm4b:s4+s3] =	stream.indirect_vreg.scatter [tilespmem:s19], [sflag:$0x2], $0x80, v4, vm0, $0xb8;
	[tilespmem:$0x1C800] =	vst v63  }
0x10d: {  	s22 =	simm.s32 $0x1A000;
	v3 =	vadd.s32 v1, v3  }
0x10e: {  	[hbm4b:s5+s3] =	stream.indirect_vreg.scatter [tilespmem:s22], [sflag:$0x2], $0x80, v4, vm0, $0xb8;
	[tilespmem:$0x1C800] =	vst v63  }
0x10f: {  	s31 =	simm.s32 $0x1A800  }
0x110: {  	[hbm4b:s6+s3] =	stream.indirect_vreg.scatter [tilespmem:s31], [sflag:$0x2], $0x80, v4, vm0, $0xb8;
	[tilespmem:$0x1C800] =	vst v63  }
0x111: {  	s14 =	simm.s32 $0x1B000  }
0x112: {  	[hbm4b:s4+s3] =	stream.indirect_vreg.scatter [tilespmem:s14], [sflag:$0x2], $0x80, v3, vm0, $0xb8;
	[tilespmem:$0x1C800] =	vst v63  }
0x113: {  	s17 =	simm.s32 $0x1B800  }
0x114: {  	[hbm4b:s5+s3] =	stream.indirect_vreg.scatter [tilespmem:s17], [sflag:$0x2], $0x80, v3, vm0, $0xb8;
	[tilespmem:$0x1C800] =	vst v63  }
0x115: {  	s18 =	sld [smem:$0x7F1];
	s19 =	simm.s32 $0x1C000  }
0x116: {  	[hbm4b:s6+s3] =	stream.indirect_vreg.scatter [tilespmem:s19], [sflag:$0x2], $0x80, v3, vm0, $0xb8;
	[tilespmem:$0x1C800] =	vst v63  }
0x117: {  	s12 =	simm.s32 $0x3800  }
0x118: {  	[hbm4b:s25+s28] =	stream.indirect.scatter [tilespmem:s12], [sflag:$0x2], $0x80, s18, s28, $0xb8;
	[tilespmem:$0x1C800] =	vst v63  }
0x119: {  	_ =	swait.ge [sflag:s23], $0x6000  }
0x11a: {  	[sflag:s23] =	ssyncset.done $0x0  }
0x11b: {  	[sflag:s23] =	ssyncadd.s32 $0xFFFFA000  }
0x11c: {  	_ =	swait.ge [sflag:s23], $0x1000  }
0x11d: {  	[sflag:s23] =	ssyncset.done $0x0  }
0x11e: {  	s26 =	simm.s32 $0x10800;
	s22 =	rddreg [dreg:$0x11];
	[sflag:s23] =	ssyncadd.s32 $0xFFFFF000  }
0x11f: {  	[tilespmem:s26], [sflag:$0x1] =	stream.linear.gather [hbm4b:s22+s3], $0x6000, $0x38;
	[tilespmem:$0x1C800] =	vst v63  }
0x120: {  	s31 =	rddreg [dreg:$0x12]  }
0x121: {  	[tilespmem:s0], [sflag:$0x1] =	stream.linear.gather [hbm4b:s31+s3], $0x1000, $0x38;
	[tilespmem:$0x1C800] =	vst v63  }
0x122: {  	_ =	swait.ge [sflag:s15], $0x6000  }
0x123: {  	[sflag:s15] =	ssyncset.done $0x0  }
0x124: {  	[sflag:s15] =	ssyncadd.s32 $0xFFFFA000  }
0x125: {  	_ =	swait.ge [sflag:s15], $0x1000  }
0x126: {  	[sflag:s15] =	ssyncset.done $0x0  }
0x127: {  	[sflag:s15] =	ssyncadd.s32 $0xFFFFF000  }
0x128: {  	v3 =	vld [tilespmem:$0x200];
	_ =	sdelay $0x4  }
0x129: {  	v40 =	vshrl.u32 v3, $0x3  }
0x12a: {  	v4 =	vmul.u32 $0x30, v40  }
0x12b: {  	v3 =	vand.u32 $0x7, v3  }
0x12c: {  	v3 =	vor.u32 v3, v4  }
0x12d: {  	v4 =	vperm.xlane v3, v0;
	_ =	sdelay $0x1  }
0x12e: {  	v4 =	vadd.s32 v1, v4;
	_ =	sdelay $0x3  }
0x12f: {  	v3 =	vperm.xlane v3, v2  }
0x130: {  	[hbm4b:s4+s3] =	stream.indirect_vreg.scatter [tilespmem:s10], [sflag:$0x2], $0x80, v4, vm0, $0xb8;
	[tilespmem:$0x1C800] =	vst v63  }
0x131: {  	s8 =	simm.s32 $0x5000;
	v3 =	vadd.s32 v1, v3  }
0x132: {  	[hbm4b:s5+s3] =	stream.indirect_vreg.scatter [tilespmem:s8], [sflag:$0x2], $0x80, v4, vm0, $0xb8;
	[tilespmem:$0x1C800] =	vst v63  }
0x133: {  	s9 =	simm.s32 $0x5800  }
0x134: {  	[hbm4b:s6+s3] =	stream.indirect_vreg.scatter [tilespmem:s9], [sflag:$0x2], $0x80, v4, vm0, $0xb8;
	[tilespmem:$0x1C800] =	vst v63  }
0x135: {  	s20 =	simm.s32 $0x6000  }
0x136: {  	[hbm4b:s4+s3] =	stream.indirect_vreg.scatter [tilespmem:s20], [sflag:$0x2], $0x80, v3, vm0, $0xb8;
	[tilespmem:$0x1C800] =	vst v63  }
0x137: {  	s2 =	simm.s32 $0x6800  }
0x138: {  	[hbm4b:s5+s3] =	stream.indirect_vreg.scatter [tilespmem:s2], [sflag:$0x2], $0x80, v3, vm0, $0xb8;
	[tilespmem:$0x1C800] =	vst v63  }
0x139: {  	s24 =	simm.s32 $0x7000  }
0x13a: {  	[hbm4b:s6+s3] =	stream.indirect_vreg.scatter [tilespmem:s24], [sflag:$0x2], $0x80, v3, vm0, $0xb8;
	[tilespmem:$0x1C800] =	vst v63  }
0x13b: {  	v3 =	vld [tilespmem:$0x210];
	_ =	sdelay $0x4  }
0x13c: {  	v41 =	vshrl.u32 v3, $0x3  }
0x13d: {  	v4 =	vmul.u32 $0x30, v41  }
0x13e: {  	v3 =	vand.u32 $0x7, v3  }
0x13f: {  	v3 =	vor.u32 v3, v4  }
0x140: {  	v4 =	vperm.xlane v3, v0;
	_ =	sdelay $0x1  }
0x141: {  	v4 =	vadd.s32 v1, v4;
	_ =	sdelay $0x3  }
0x142: {  	s11 =	simm.s32 $0x7800;
	v3 =	vperm.xlane v3, v2  }
0x143: {  	[hbm4b:s4+s3] =	stream.indirect_vreg.scatter [tilespmem:s11], [sflag:$0x2], $0x80, v4, vm0, $0xb8;
	[tilespmem:$0x1C800] =	vst v63  }
0x144: {  	s24 =	simm.s32 $0x8000;
	v3 =	vadd.s32 v1, v3  }
0x145: {  	[hbm4b:s5+s3] =	stream.indirect_vreg.scatter [tilespmem:s24], [sflag:$0x2], $0x80, v4, vm0, $0xb8;
	[tilespmem:$0x1C800] =	vst v63  }
0x146: {  	s19 =	simm.s32 $0x8800  }
0x147: {  	[hbm4b:s6+s3] =	stream.indirect_vreg.scatter [tilespmem:s19], [sflag:$0x2], $0x80, v4, vm0, $0xb8;
	[tilespmem:$0x1C800] =	vst v63  }
0x148: {  	s26 =	simm.s32 $0x9000  }
0x149: {  	[hbm4b:s4+s3] =	stream.indirect_vreg.scatter [tilespmem:s26], [sflag:$0x2], $0x80, v3, vm0, $0xb8;
	[tilespmem:$0x1C800] =	vst v63  }
0x14a: {  	s31 =	simm.s32 $0x9800  }
0x14b: {  	[hbm4b:s5+s3] =	stream.indirect_vreg.scatter [tilespmem:s31], [sflag:$0x2], $0x80, v3, vm0, $0xb8;
	[tilespmem:$0x1C800] =	vst v63  }
0x14c: {  	s1 =	simm.s32 $0xA000;
	s0 =	sld [smem:$0x7F2]  }
0x14d: {  	[hbm4b:s6+s3] =	stream.indirect_vreg.scatter [tilespmem:s1], [sflag:$0x2], $0x80, v3, vm0, $0xb8;
	[tilespmem:$0x1C800] =	vst v63  }
0x14e: {  	_ = 	snop  }
0x14f: {  	[hbm4b:s25+s28] =	stream.indirect.scatter [tilespmem:s21], [sflag:$0x2], $0x80, s0, s28, $0xb8;
	[tilespmem:$0x1C800] =	vst v63  }
0x150: {  	_ =	swait.ge [sflag:s23], $0x6000  }
0x151: {  	[sflag:s23] =	ssyncset.done $0x0  }
0x152: {  	[sflag:s23] =	ssyncadd.s32 $0xFFFFA000  }
0x153: {  	_ =	swait.ge [sflag:s23], $0x1000  }
0x154: {  	[sflag:s23] =	ssyncset.done $0x0  }
0x155: {  	s13 =	simm.s32 $0x16800;
	s2 =	rddreg [dreg:$0x13];
	[sflag:s23] =	ssyncadd.s32 $0xFFFFF000  }
0x156: {  	[tilespmem:s13], [sflag:$0x1] =	stream.linear.gather [hbm4b:s2+s3], $0x6000, $0x38;
	[tilespmem:$0x1C800] =	vst v63  }
0x157: {  	s8 =	rddreg [dreg:$0x14]  }
0x158: {  	[tilespmem:s12], [sflag:$0x1] =	stream.linear.gather [hbm4b:s8+s3], $0x1000, $0x38;
	[tilespmem:$0x1C800] =	vst v63  }
0x159: {  	_ =	swait.ge [sflag:s15], $0x6000  }
0x15a: {  	[sflag:s15] =	ssyncset.done $0x0  }
0x15b: {  	[sflag:s15] =	ssyncadd.s32 $0xFFFFA000  }
0x15c: {  	_ =	swait.ge [sflag:s15], $0x1000  }
0x15d: {  	[sflag:s15] =	ssyncset.done $0x0  }
0x15e: {  	[sflag:s15] =	ssyncadd.s32 $0xFFFFF000  }
0x15f: {  	v3 =	vld [tilespmem:$0x280];
	_ =	sdelay $0x4  }
0x160: {  	v42 =	vshrl.u32 v3, $0x3  }
0x161: {  	v4 =	vmul.u32 $0x30, v42  }
0x162: {  	v3 =	vand.u32 $0x7, v3  }
0x163: {  	v3 =	vor.u32 v3, v4  }
0x164: {  	v4 =	vperm.xlane v3, v0;
	_ =	sdelay $0x1  }
0x165: {  	v4 =	vadd.s32 v1, v4;
	_ =	sdelay $0x3  }
0x166: {  	s2 =	simm.s32 $0xA800;
	v3 =	vperm.xlane v3, v2  }
0x167: {  	[hbm4b:s4+s3] =	stream.indirect_vreg.scatter [tilespmem:s2], [sflag:$0x2], $0x80, v4, vm0, $0xb8;
	[tilespmem:$0x1C800] =	vst v63  }
0x168: {  	s9 =	simm.s32 $0xB000;
	v3 =	vadd.s32 v1, v3  }
0x169: {  	[hbm4b:s5+s3] =	stream.indirect_vreg.scatter [tilespmem:s9], [sflag:$0x2], $0x80, v4, vm0, $0xb8;
	[tilespmem:$0x1C800] =	vst v63  }
0x16a: {  	s11 =	simm.s32 $0xB800  }
0x16b: {  	[hbm4b:s6+s3] =	stream.indirect_vreg.scatter [tilespmem:s11], [sflag:$0x2], $0x80, v4, vm0, $0xb8;
	[tilespmem:$0x1C800] =	vst v63  }
0x16c: {  	s8 =	simm.s32 $0xC000  }
0x16d: {  	[hbm4b:s4+s3] =	stream.indirect_vreg.scatter [tilespmem:s8], [sflag:$0x2], $0x80, v3, vm0, $0xb8;
	[tilespmem:$0x1C800] =	vst v63  }
0x16e: {  	s12 =	simm.s32 $0xC800  }
0x16f: {  	[hbm4b:s5+s3] =	stream.indirect_vreg.scatter [tilespmem:s12], [sflag:$0x2], $0x80, v3, vm0, $0xb8;
	[tilespmem:$0x1C800] =	vst v63  }
0x170: {  	s16 =	simm.s32 $0xD000  }
0x171: {  	[hbm4b:s6+s3] =	stream.indirect_vreg.scatter [tilespmem:s16], [sflag:$0x2], $0x80, v3, vm0, $0xb8;
	[tilespmem:$0x1C800] =	vst v63  }
0x172: {  	v3 =	vld [tilespmem:$0x290];
	_ =	sdelay $0x4  }
0x173: {  	v43 =	vshrl.u32 v3, $0x3  }
0x174: {  	v4 =	vmul.u32 $0x30, v43  }
0x175: {  	v3 =	vand.u32 $0x7, v3  }
0x176: {  	v3 =	vor.u32 v3, v4  }
0x177: {  	v4 =	vperm.xlane v3, v0;
	_ =	sdelay $0x1  }
0x178: {  	v4 =	vadd.s32 v1, v4;
	_ =	sdelay $0x3  }
0x179: {  	s29 =	simm.s32 $0xD800;
	v3 =	vperm.xlane v3, v2  }
0x17a: {  	[hbm4b:s4+s3] =	stream.indirect_vreg.scatter [tilespmem:s29], [sflag:$0x2], $0x80, v4, vm0, $0xb8;
	[tilespmem:$0x1C800] =	vst v63  }
0x17b: {  	s16 =	simm.s32 $0xE000;
	v3 =	vadd.s32 v1, v3  }
0x17c: {  	[hbm4b:s5+s3] =	stream.indirect_vreg.scatter [tilespmem:s16], [sflag:$0x2], $0x80, v4, vm0, $0xb8;
	[tilespmem:$0x1C800] =	vst v63  }
0x17d: {  	s13 =	simm.s32 $0xE800  }
0x17e: {  	[hbm4b:s6+s3] =	stream.indirect_vreg.scatter [tilespmem:s13], [sflag:$0x2], $0x80, v4, vm0, $0xb8;
	[tilespmem:$0x1C800] =	vst v63  }
0x17f: {  	s17 =	simm.s32 $0xF000  }
0x180: {  	[hbm4b:s4+s3] =	stream.indirect_vreg.scatter [tilespmem:s17], [sflag:$0x2], $0x80, v3, vm0, $0xb8;
	[tilespmem:$0x1C800] =	vst v63  }
0x181: {  	s18 =	simm.s32 $0xF800  }
0x182: {  	[hbm4b:s5+s3] =	stream.indirect_vreg.scatter [tilespmem:s18], [sflag:$0x2], $0x80, v3, vm0, $0xb8;
	[tilespmem:$0x1C800] =	vst v63  }
0x183: {  	s20 =	sld [smem:$0x7F3];
	s29 =	simm.s32 $0x10000  }
0x184: {  	[hbm4b:s6+s3] =	stream.indirect_vreg.scatter [tilespmem:s29], [sflag:$0x2], $0x80, v3, vm0, $0xb8;
	[tilespmem:$0x1C800] =	vst v63  }
0x185: {  	s0 =	simm.s32 $0x1800  }
0x186: {  	[hbm4b:s25+s28] =	stream.indirect.scatter [tilespmem:s0], [sflag:$0x2], $0x80, s20, s28, $0xb8;
	[tilespmem:$0x1C800] =	vst v63  }
0x187: {  	_ =	swait.ge [sflag:s23], $0x6000  }
0x188: {  	[sflag:s23] =	ssyncset.done $0x0  }
0x189: {  	[sflag:s23] =	ssyncadd.s32 $0xFFFFA000  }
0x18a: {  	_ =	swait.ge [sflag:s23], $0x1000  }
0x18b: {  	[sflag:s23] =	ssyncset.done $0x0  }
0x18c: {  	s1 =	rddreg [dreg:$0x15];
	[sflag:s23] =	ssyncadd.s32 $0xFFFFF000  }
0x18d: {  	[tilespmem:s10], [sflag:$0x1] =	stream.linear.gather [hbm4b:s1+s3], $0x6000, $0x38;
	[tilespmem:$0x1C800] =	vst v63  }
0x18e: {  	s9 =	rddreg [dreg:$0x16]  }
0x18f: {  	[tilespmem:s21], [sflag:$0x1] =	stream.linear.gather [hbm4b:s9+s3], $0x1000, $0x38;
	[tilespmem:$0x1C800] =	vst v63  }
0x190: {  	_ =	swait.ge [sflag:s15], $0x6000  }
0x191: {  	[sflag:s15] =	ssyncset.done $0x0  }
0x192: {  	[sflag:s15] =	ssyncadd.s32 $0xFFFFA000  }
0x193: {  	_ =	swait.ge [sflag:s15], $0x1000  }
0x194: {  	[sflag:s15] =	ssyncset.done $0x0  }
0x195: {  	[sflag:s15] =	ssyncadd.s32 $0xFFFFF000  }
0x196: {  	v3 =	vld [tilespmem:$0x300];
	_ =	sdelay $0x4  }
0x197: {  	v44 =	vshrl.u32 v3, $0x3  }
0x198: {  	v4 =	vmul.u32 $0x30, v44  }
0x199: {  	v3 =	vand.u32 $0x7, v3  }
0x19a: {  	v3 =	vor.u32 v3, v4  }
0x19b: {  	v4 =	vperm.xlane v3, v0;
	_ =	sdelay $0x1  }
0x19c: {  	v4 =	vadd.s32 v1, v4;
	_ =	sdelay $0x3  }
0x19d: {  	s14 =	simm.s32 $0x10800;
	v3 =	vperm.xlane v3, v2  }
0x19e: {  	[hbm4b:s4+s3] =	stream.indirect_vreg.scatter [tilespmem:s14], [sflag:$0x2], $0x80, v4, vm0, $0xb8;
	[tilespmem:$0x1C800] =	vst v63  }
0x19f: {  	s29 =	simm.s32 $0x11000;
	v3 =	vadd.s32 v1, v3  }
0x1a0: {  	[hbm4b:s5+s3] =	stream.indirect_vreg.scatter [tilespmem:s29], [sflag:$0x2], $0x80, v4, vm0, $0xb8;
	[tilespmem:$0x1C800] =	vst v63  }
0x1a1: {  	s12 =	simm.s32 $0x11800  }
0x1a2: {  	[hbm4b:s6+s3] =	stream.indirect_vreg.scatter [tilespmem:s12], [sflag:$0x2], $0x80, v4, vm0, $0xb8;
	[tilespmem:$0x1C800] =	vst v63  }
0x1a3: {  	s13 =	simm.s32 $0x12000  }
0x1a4: {  	[hbm4b:s4+s3] =	stream.indirect_vreg.scatter [tilespmem:s13], [sflag:$0x2], $0x80, v3, vm0, $0xb8;
	[tilespmem:$0x1C800] =	vst v63  }
0x1a5: {  	s14 =	simm.s32 $0x12800  }
0x1a6: {  	[hbm4b:s5+s3] =	stream.indirect_vreg.scatter [tilespmem:s14], [sflag:$0x2], $0x80, v3, vm0, $0xb8;
	[tilespmem:$0x1C800] =	vst v63  }
0x1a7: {  	s30 =	simm.s32 $0x13000  }
0x1a8: {  	[hbm4b:s6+s3] =	stream.indirect_vreg.scatter [tilespmem:s30], [sflag:$0x2], $0x80, v3, vm0, $0xb8;
	[tilespmem:$0x1C800] =	vst v63  }
0x1a9: {  	v3 =	vld [tilespmem:$0x310];
	_ =	sdelay $0x4  }
0x1aa: {  	v45 =	vshrl.u32 v3, $0x3  }
0x1ab: {  	v4 =	vmul.u32 $0x30, v45  }
0x1ac: {  	v3 =	vand.u32 $0x7, v3  }
0x1ad: {  	v3 =	vor.u32 v3, v4  }
0x1ae: {  	v4 =	vperm.xlane v3, v0;
	_ =	sdelay $0x1  }
0x1af: {  	v4 =	vadd.s32 v1, v4;
	_ =	sdelay $0x3  }
0x1b0: {  	s11 =	simm.s32 $0x13800;
	v3 =	vperm.xlane v3, v2  }
0x1b1: {  	[hbm4b:s4+s3] =	stream.indirect_vreg.scatter [tilespmem:s11], [sflag:$0x2], $0x80, v4, vm0, $0xb8;
	[tilespmem:$0x1C800] =	vst v63  }
0x1b2: {  	s17 =	simm.s32 $0x14000;
	v3 =	vadd.s32 v1, v3  }
0x1b3: {  	[hbm4b:s5+s3] =	stream.indirect_vreg.scatter [tilespmem:s17], [sflag:$0x2], $0x80, v4, vm0, $0xb8;
	[tilespmem:$0x1C800] =	vst v63  }
0x1b4: {  	s30 =	simm.s32 $0x14800  }
0x1b5: {  	[hbm4b:s6+s3] =	stream.indirect_vreg.scatter [tilespmem:s30], [sflag:$0x2], $0x80, v4, vm0, $0xb8;
	[tilespmem:$0x1C800] =	vst v63  }
0x1b6: {  	s18 =	simm.s32 $0x15000  }
0x1b7: {  	[hbm4b:s4+s3] =	stream.indirect_vreg.scatter [tilespmem:s18], [sflag:$0x2], $0x80, v3, vm0, $0xb8;
	[tilespmem:$0x1C800] =	vst v63  }
0x1b8: {  	s1 =	simm.s32 $0x15800  }
0x1b9: {  	[hbm4b:s5+s3] =	stream.indirect_vreg.scatter [tilespmem:s1], [sflag:$0x2], $0x80, v3, vm0, $0xb8;
	[tilespmem:$0x1C800] =	vst v63  }
0x1ba: {  	s9 =	sld [smem:$0x7F4];
	s11 =	simm.s32 $0x16000  }
0x1bb: {  	[hbm4b:s6+s3] =	stream.indirect_vreg.scatter [tilespmem:s11], [sflag:$0x2], $0x80, v3, vm0, $0xb8;
	[tilespmem:$0x1C800] =	vst v63  }
0x1bc: {  	s1 =	simm.s32 $0x2800  }
0x1bd: {  	[hbm4b:s25+s28] =	stream.indirect.scatter [tilespmem:s1], [sflag:$0x2], $0x80, s9, s28, $0xb8;
	[tilespmem:$0x1C800] =	vst v63  }
0x1be: {  	_ =	swait.ge [sflag:s23], $0x6000  }
0x1bf: {  	[sflag:s23] =	ssyncset.done $0x0  }
0x1c0: {  	[sflag:s23] =	ssyncadd.s32 $0xFFFFA000  }
0x1c1: {  	_ =	swait.ge [sflag:s23], $0x1000  }
0x1c2: {  	[sflag:s23] =	ssyncset.done $0x0  }
0x1c3: {  	s18 =	rddreg [dreg:$0x17];
	[sflag:s23] =	ssyncadd.s32 $0xFFFFF000  }
0x1c4: {  	[tilespmem:s2], [sflag:$0x1] =	stream.linear.gather [hbm4b:s18+s3], $0x6000, $0x38;
	[tilespmem:$0x1C800] =	vst v63  }
0x1c5: {  	s9 =	rddreg [dreg:$0x18]  }
0x1c6: {  	[tilespmem:s0], [sflag:$0x1] =	stream.linear.gather [hbm4b:s9+s3], $0x1000, $0x38;
	[tilespmem:$0x1C800] =	vst v63  }
0x1c7: {  	_ =	swait.ge [sflag:s15], $0x6000  }
0x1c8: {  	[sflag:s15] =	ssyncset.done $0x0  }
0x1c9: {  	[sflag:s15] =	ssyncadd.s32 $0xFFFFA000  }
0x1ca: {  	_ =	swait.ge [sflag:s15], $0x1000  }
0x1cb: {  	[sflag:s15] =	ssyncset.done $0x0  }
0x1cc: {  	[sflag:s15] =	ssyncadd.s32 $0xFFFFF000  }
0x1cd: {  	v3 =	vld [tilespmem:$0x380];
	_ =	sdelay $0x4  }
0x1ce: {  	v46 =	vshrl.u32 v3, $0x3  }
0x1cf: {  	v4 =	vmul.u32 $0x30, v46  }
0x1d0: {  	v3 =	vand.u32 $0x7, v3  }
0x1d1: {  	v3 =	vor.u32 v3, v4  }
0x1d2: {  	v4 =	vperm.xlane v3, v0;
	_ =	sdelay $0x1  }
0x1d3: {  	v4 =	vadd.s32 v1, v4;
	_ =	sdelay $0x3  }
0x1d4: {  	s22 =	simm.s32 $0x16800;
	v3 =	vperm.xlane v3, v2  }
0x1d5: {  	[hbm4b:s4+s3] =	stream.indirect_vreg.scatter [tilespmem:s22], [sflag:$0x2], $0x80, v4, vm0, $0xb8;
	[tilespmem:$0x1C800] =	vst v63  }
0x1d6: {  	s2 =	simm.s32 $0x17000;
	v3 =	vadd.s32 v1, v3  }
0x1d7: {  	[hbm4b:s5+s3] =	stream.indirect_vreg.scatter [tilespmem:s2], [sflag:$0x2], $0x80, v4, vm0, $0xb8;
	[tilespmem:$0x1C800] =	vst v63  }
0x1d8: {  	s18 =	simm.s32 $0x17800  }
0x1d9: {  	[hbm4b:s6+s3] =	stream.indirect_vreg.scatter [tilespmem:s18], [sflag:$0x2], $0x80, v4, vm0, $0xb8;
	[tilespmem:$0x1C800] =	vst v63  }
0x1da: {  	s22 =	simm.s32 $0x18000  }
0x1db: {  	[hbm4b:s4+s3] =	stream.indirect_vreg.scatter [tilespmem:s22], [sflag:$0x2], $0x80, v3, vm0, $0xb8;
	[tilespmem:$0x1C800] =	vst v63  }
0x1dc: {  	s0 =	simm.s32 $0x18800  }
0x1dd: {  	[hbm4b:s5+s3] =	stream.indirect_vreg.scatter [tilespmem:s0], [sflag:$0x2], $0x80, v3, vm0, $0xb8;
	[tilespmem:$0x1C800] =	vst v63  }
0x1de: {  	s2 =	simm.s32 $0x19000  }
0x1df: {  	[hbm4b:s6+s3] =	stream.indirect_vreg.scatter [tilespmem:s2], [sflag:$0x2], $0x80, v3, vm0, $0xb8;
	[tilespmem:$0x1C800] =	vst v63  }
0x1e0: {  	v3 =	vld [tilespmem:$0x390];
	_ =	sdelay $0x4  }
0x1e1: {  	v47 =	vshrl.u32 v3, $0x3  }
0x1e2: {  	v4 =	vmul.u32 $0x30, v47  }
0x1e3: {  	v3 =	vand.u32 $0x7, v3  }
0x1e4: {  	v3 =	vor.u32 v3, v4  }
0x1e5: {  	v4 =	vperm.xlane v3, v0;
	_ =	sdelay $0x1  }
0x1e6: {  	v4 =	vadd.s32 v1, v4;
	_ =	sdelay $0x3  }
0x1e7: {  	s18 =	simm.s32 $0x19800;
	v3 =	vperm.xlane v3, v2  }
0x1e8: {  	[hbm4b:s4+s3] =	stream.indirect_vreg.scatter [tilespmem:s18], [sflag:$0x2], $0x80, v4, vm0, $0xb8;
	[tilespmem:$0x1C800] =	vst v63  }
0x1e9: {  	s22 =	simm.s32 $0x1A000;
	v3 =	vadd.s32 v1, v3  }
0x1ea: {  	[hbm4b:s5+s3] =	stream.indirect_vreg.scatter [tilespmem:s22], [sflag:$0x2], $0x80, v4, vm0, $0xb8;
	[tilespmem:$0x1C800] =	vst v63  }
0x1eb: {  	s0 =	simm.s32 $0x1A800  }
0x1ec: {  	[hbm4b:s6+s3] =	stream.indirect_vreg.scatter [tilespmem:s0], [sflag:$0x2], $0x80, v4, vm0, $0xb8;
	[tilespmem:$0x1C800] =	vst v63  }
0x1ed: {  	s2 =	simm.s32 $0x1B000  }
0x1ee: {  	[hbm4b:s4+s3] =	stream.indirect_vreg.scatter [tilespmem:s2], [sflag:$0x2], $0x80, v3, vm0, $0xb8;
	[tilespmem:$0x1C800] =	vst v63  }
0x1ef: {  	s18 =	simm.s32 $0x1B800  }
0x1f0: {  	[hbm4b:s5+s3] =	stream.indirect_vreg.scatter [tilespmem:s18], [sflag:$0x2], $0x80, v3, vm0, $0xb8;
	[tilespmem:$0x1C800] =	vst v63  }
0x1f1: {  	s22 =	sld [smem:$0x7F5];
	s2 =	simm.s32 $0x1C000  }
0x1f2: {  	[hbm4b:s6+s3] =	stream.indirect_vreg.scatter [tilespmem:s2], [sflag:$0x2], $0x80, v3, vm0, $0xb8;
	[tilespmem:$0x1C800] =	vst v63  }
0x1f3: {  	s0 =	simm.s32 $0x3800  }
0x1f4: {  	[hbm4b:s25+s28] =	stream.indirect.scatter [tilespmem:s0], [sflag:$0x2], $0x80, s22, s28, $0xb8;
	[tilespmem:$0x1C800] =	vst v63  }
0x1f5: {  	_ =	swait.ge [sflag:s23], $0x6000  }
0x1f6: {  	[sflag:s23] =	ssyncset.done $0x0  }
0x1f7: {  	[sflag:s23] =	ssyncadd.s32 $0xFFFFA000  }
0x1f8: {  	_ =	swait.ge [sflag:s23], $0x1000  }
0x1f9: {  	[sflag:s23] =	ssyncset.done $0x0  }
0x1fa: {  	s20 =	simm.s32 $0x10800;
	s18 =	rddreg [dreg:$0x19];
	[sflag:s23] =	ssyncadd.s32 $0xFFFFF000  }
0x1fb: {  	[tilespmem:s20], [sflag:$0x1] =	stream.linear.gather [hbm4b:s18+s3], $0x6000, $0x38;
	[tilespmem:$0x1C800] =	vst v63  }
0x1fc: {  	s22 =	rddreg [dreg:$0x1a]  }
0x1fd: {  	[tilespmem:s1], [sflag:$0x1] =	stream.linear.gather [hbm4b:s22+s3], $0x1000, $0x38;
	[tilespmem:$0x1C800] =	vst v63  }
0x1fe: {  	_ =	swait.ge [sflag:s15], $0x6000  }
0x1ff: {  	[sflag:s15] =	ssyncset.done $0x0  }
0x200: {  	[sflag:s15] =	ssyncadd.s32 $0xFFFFA000  }
0x201: {  	_ =	swait.ge [sflag:s15], $0x1000  }
0x202: {  	[sflag:s15] =	ssyncset.done $0x0  }
0x203: {  	[sflag:s15] =	ssyncadd.s32 $0xFFFFF000  }
0x204: {  	v3 =	vld [tilespmem:$0x400];
	_ =	sdelay $0x4  }
0x205: {  	v48 =	vshrl.u32 v3, $0x3  }
0x206: {  	v4 =	vmul.u32 $0x30, v48  }
0x207: {  	v3 =	vand.u32 $0x7, v3  }
0x208: {  	v3 =	vor.u32 v3, v4  }
0x209: {  	v4 =	vperm.xlane v3, v0;
	_ =	sdelay $0x1  }
0x20a: {  	v4 =	vadd.s32 v1, v4;
	_ =	sdelay $0x3  }
0x20b: {  	v3 =	vperm.xlane v3, v2  }
0x20c: {  	[hbm4b:s4+s3] =	stream.indirect_vreg.scatter [tilespmem:s10], [sflag:$0x2], $0x80, v4, vm0, $0xb8;
	[tilespmem:$0x1C800] =	vst v63  }
0x20d: {  	s17 =	simm.s32 $0x5000;
	v3 =	vadd.s32 v1, v3  }
0x20e: {  	[hbm4b:s5+s3] =	stream.indirect_vreg.scatter [tilespmem:s17], [sflag:$0x2], $0x80, v4, vm0, $0xb8;
	[tilespmem:$0x1C800] =	vst v63  }
0x20f: {  	s18 =	simm.s32 $0x5800  }
0x210: {  	[hbm4b:s6+s3] =	stream.indirect_vreg.scatter [tilespmem:s18], [sflag:$0x2], $0x80, v4, vm0, $0xb8;
	[tilespmem:$0x1C800] =	vst v63  }
0x211: {  	s20 =	simm.s32 $0x6000  }
0x212: {  	[hbm4b:s4+s3] =	stream.indirect_vreg.scatter [tilespmem:s20], [sflag:$0x2], $0x80, v3, vm0, $0xb8;
	[tilespmem:$0x1C800] =	vst v63  }
0x213: {  	s22 =	simm.s32 $0x6800  }
0x214: {  	[hbm4b:s5+s3] =	stream.indirect_vreg.scatter [tilespmem:s22], [sflag:$0x2], $0x80, v3, vm0, $0xb8;
	[tilespmem:$0x1C800] =	vst v63  }
0x215: {  	s17 =	simm.s32 $0x7000  }
0x216: {  	[hbm4b:s6+s3] =	stream.indirect_vreg.scatter [tilespmem:s17], [sflag:$0x2], $0x80, v3, vm0, $0xb8;
	[tilespmem:$0x1C800] =	vst v63  }
0x217: {  	v3 =	vld [tilespmem:$0x410];
	_ =	sdelay $0x4  }
0x218: {  	v49 =	vshrl.u32 v3, $0x3  }
0x219: {  	v4 =	vmul.u32 $0x30, v49  }
0x21a: {  	v3 =	vand.u32 $0x7, v3  }
0x21b: {  	v3 =	vor.u32 v3, v4  }
0x21c: {  	v4 =	vperm.xlane v3, v0;
	_ =	sdelay $0x1  }
0x21d: {  	v4 =	vadd.s32 v1, v4;
	_ =	sdelay $0x3  }
0x21e: {  	s18 =	simm.s32 $0x7800;
	v3 =	vperm.xlane v3, v2  }
0x21f: {  	[hbm4b:s4+s3] =	stream.indirect_vreg.scatter [tilespmem:s18], [sflag:$0x2], $0x80, v4, vm0, $0xb8;
	[tilespmem:$0x1C800] =	vst v63  }
0x220: {  	v3 =	vadd.s32 v1, v3  }
0x221: {  	[hbm4b:s5+s3] =	stream.indirect_vreg.scatter [tilespmem:s24], [sflag:$0x2], $0x80, v4, vm0, $0xb8;
	[tilespmem:$0x1C800] =	vst v63  }
0x222: {  	_ = 	snop  }
0x223: {  	[hbm4b:s6+s3] =	stream.indirect_vreg.scatter [tilespmem:s19], [sflag:$0x2], $0x80, v4, vm0, $0xb8;
	[tilespmem:$0x1C800] =	vst v63  }
0x224: {  	_ = 	snop  }
0x225: {  	[hbm4b:s4+s3] =	stream.indirect_vreg.scatter [tilespmem:s26], [sflag:$0x2], $0x80, v3, vm0, $0xb8;
	[tilespmem:$0x1C800] =	vst v63  }
0x226: {  	_ = 	snop  }
0x227: {  	[hbm4b:s5+s3] =	stream.indirect_vreg.scatter [tilespmem:s31], [sflag:$0x2], $0x80, v3, vm0, $0xb8;
	[tilespmem:$0x1C800] =	vst v63  }
0x228: {  	s20 =	sld [smem:$0x7F6];
	s22 =	simm.s32 $0xA000  }
0x229: {  	[hbm4b:s6+s3] =	stream.indirect_vreg.scatter [tilespmem:s22], [sflag:$0x2], $0x80, v3, vm0, $0xb8;
	[tilespmem:$0x1C800] =	vst v63  }
0x22a: {  	_ = 	snop  }
0x22b: {  	[hbm4b:s25+s28] =	stream.indirect.scatter [tilespmem:s21], [sflag:$0x2], $0x80, s20, s28, $0xb8;
	[tilespmem:$0x1C800] =	vst v63  }
0x22c: {  	_ =	swait.ge [sflag:s23], $0x6000  }
0x22d: {  	[sflag:s23] =	ssyncset.done $0x0  }
0x22e: {  	[sflag:s23] =	ssyncadd.s32 $0xFFFFA000  }
0x22f: {  	_ =	swait.ge [sflag:s23], $0x1000  }
0x230: {  	[sflag:s23] =	ssyncset.done $0x0  }
0x231: {  	s9 =	simm.s32 $0x16800;
	s24 =	rddreg [dreg:$0x1b];
	[sflag:s23] =	ssyncadd.s32 $0xFFFFF000  }
0x232: {  	[tilespmem:s9], [sflag:$0x1] =	stream.linear.gather [hbm4b:s24+s3], $0x6000, $0x38;
	[tilespmem:$0x1C800] =	vst v63  }
0x233: {  	s26 =	rddreg [dreg:$0x1c]  }
0x234: {  	[tilespmem:s0], [sflag:$0x1] =	stream.linear.gather [hbm4b:s26+s3], $0x1000, $0x38;
	[tilespmem:$0x1C800] =	vst v63  }
0x235: {  	_ =	swait.ge [sflag:s15], $0x6000  }
0x236: {  	[sflag:s15] =	ssyncset.done $0x0  }
0x237: {  	[sflag:s15] =	ssyncadd.s32 $0xFFFFA000  }
0x238: {  	_ =	swait.ge [sflag:s15], $0x1000  }
0x239: {  	[sflag:s15] =	ssyncset.done $0x0  }
0x23a: {  	[sflag:s15] =	ssyncadd.s32 $0xFFFFF000  }
0x23b: {  	v3 =	vld [tilespmem:$0x480];
	_ =	sdelay $0x4  }
0x23c: {  	v50 =	vshrl.u32 v3, $0x3  }
0x23d: {  	v4 =	vmul.u32 $0x30, v50  }
0x23e: {  	v3 =	vand.u32 $0x7, v3  }
0x23f: {  	v3 =	vor.u32 v3, v4  }
0x240: {  	v4 =	vperm.xlane v3, v0;
	_ =	sdelay $0x1  }
0x241: {  	v4 =	vadd.s32 v1, v4;
	_ =	sdelay $0x3  }
0x242: {  	s11 =	simm.s32 $0xA800;
	v3 =	vperm.xlane v3, v2  }
0x243: {  	[hbm4b:s4+s3] =	stream.indirect_vreg.scatter [tilespmem:s11], [sflag:$0x2], $0x80, v4, vm0, $0xb8;
	[tilespmem:$0x1C800] =	vst v63  }
0x244: {  	s31 =	simm.s32 $0xB000;
	v3 =	vadd.s32 v1, v3  }
0x245: {  	[hbm4b:s5+s3] =	stream.indirect_vreg.scatter [tilespmem:s31], [sflag:$0x2], $0x80, v4, vm0, $0xb8;
	[tilespmem:$0x1C800] =	vst v63  }
0x246: {  	s1 =	simm.s32 $0xB800  }
0x247: {  	[hbm4b:s6+s3] =	stream.indirect_vreg.scatter [tilespmem:s1], [sflag:$0x2], $0x80, v4, vm0, $0xb8;
	[tilespmem:$0x1C800] =	vst v63  }
0x248: {  	_ = 	snop  }
0x249: {  	[hbm4b:s4+s3] =	stream.indirect_vreg.scatter [tilespmem:s8], [sflag:$0x2], $0x80, v3, vm0, $0xb8;
	[tilespmem:$0x1C800] =	vst v63  }
0x24a: {  	s8 =	simm.s32 $0xC800  }
0x24b: {  	[hbm4b:s5+s3] =	stream.indirect_vreg.scatter [tilespmem:s8], [sflag:$0x2], $0x80, v3, vm0, $0xb8;
	[tilespmem:$0x1C800] =	vst v63  }
0x24c: {  	s24 =	simm.s32 $0xD000  }
0x24d: {  	[hbm4b:s6+s3] =	stream.indirect_vreg.scatter [tilespmem:s24], [sflag:$0x2], $0x80, v3, vm0, $0xb8;
	[tilespmem:$0x1C800] =	vst v63  }
0x24e: {  	v3 =	vld [tilespmem:$0x490];
	_ =	sdelay $0x4  }
0x24f: {  	v51 =	vshrl.u32 v3, $0x3  }
0x250: {  	v4 =	vmul.u32 $0x30, v51  }
0x251: {  	v3 =	vand.u32 $0x7, v3  }
0x252: {  	v3 =	vor.u32 v3, v4  }
0x253: {  	v4 =	vperm.xlane v3, v0;
	_ =	sdelay $0x1  }
0x254: {  	v4 =	vadd.s32 v1, v4;
	_ =	sdelay $0x3  }
0x255: {  	s11 =	simm.s32 $0xD800;
	v3 =	vperm.xlane v3, v2  }
0x256: {  	[hbm4b:s4+s3] =	stream.indirect_vreg.scatter [tilespmem:s11], [sflag:$0x2], $0x80, v4, vm0, $0xb8;
	[tilespmem:$0x1C800] =	vst v63  }
0x257: {  	v3 =	vadd.s32 v1, v3  }
0x258: {  	[hbm4b:s5+s3] =	stream.indirect_vreg.scatter [tilespmem:s16], [sflag:$0x2], $0x80, v4, vm0, $0xb8;
	[tilespmem:$0x1C800] =	vst v63  }
0x259: {  	s17 =	simm.s32 $0xE800  }
0x25a: {  	[hbm4b:s6+s3] =	stream.indirect_vreg.scatter [tilespmem:s17], [sflag:$0x2], $0x80, v4, vm0, $0xb8;
	[tilespmem:$0x1C800] =	vst v63  }
0x25b: {  	s18 =	simm.s32 $0xF000  }
0x25c: {  	[hbm4b:s4+s3] =	stream.indirect_vreg.scatter [tilespmem:s18], [sflag:$0x2], $0x80, v3, vm0, $0xb8;
	[tilespmem:$0x1C800] =	vst v63  }
0x25d: {  	s19 =	simm.s32 $0xF800  }
0x25e: {  	[hbm4b:s5+s3] =	stream.indirect_vreg.scatter [tilespmem:s19], [sflag:$0x2], $0x80, v3, vm0, $0xb8;
	[tilespmem:$0x1C800] =	vst v63  }
0x25f: {  	s20 =	sld [smem:$0x7F7];
	s31 =	simm.s32 $0x10000  }
0x260: {  	[hbm4b:s6+s3] =	stream.indirect_vreg.scatter [tilespmem:s31], [sflag:$0x2], $0x80, v3, vm0, $0xb8;
	[tilespmem:$0x1C800] =	vst v63  }
0x261: {  	s1 =	simm.s32 $0x1800  }
0x262: {  	[hbm4b:s25+s28] =	stream.indirect.scatter [tilespmem:s1], [sflag:$0x2], $0x80, s20, s28, $0xb8;
	[tilespmem:$0x1C800] =	vst v63  }
0x263: {  	_ =	swait.ge [sflag:s23], $0x6000  }
0x264: {  	[sflag:s23] =	ssyncset.done $0x0  }
0x265: {  	[sflag:s23] =	ssyncadd.s32 $0xFFFFA000  }
0x266: {  	_ =	swait.ge [sflag:s23], $0x1000  }
0x267: {  	[sflag:s23] =	ssyncset.done $0x0  }
0x268: {  	s8 =	rddreg [dreg:$0x1d];
	[sflag:s23] =	ssyncadd.s32 $0xFFFFF000  }
0x269: {  	[tilespmem:s10], [sflag:$0x1] =	stream.linear.gather [hbm4b:s8+s3], $0x6000, $0x38;
	[tilespmem:$0x1C800] =	vst v63  }
0x26a: {  	s11 =	rddreg [dreg:$0x1e]  }
0x26b: {  	[tilespmem:s21], [sflag:$0x1] =	stream.linear.gather [hbm4b:s11+s3], $0x1000, $0x38;
	[tilespmem:$0x1C800] =	vst v63  }
0x26c: {  	_ =	swait.ge [sflag:s15], $0x6000  }
0x26d: {  	[sflag:s15] =	ssyncset.done $0x0  }
0x26e: {  	[sflag:s15] =	ssyncadd.s32 $0xFFFFA000  }
0x26f: {  	_ =	swait.ge [sflag:s15], $0x1000  }
0x270: {  	[sflag:s15] =	ssyncset.done $0x0  }
0x271: {  	[sflag:s15] =	ssyncadd.s32 $0xFFFFF000  }
0x272: {  	v3 =	vld [tilespmem:$0x500];
	_ =	sdelay $0x4  }
0x273: {  	v52 =	vshrl.u32 v3, $0x3  }
0x274: {  	v4 =	vmul.u32 $0x30, v52  }
0x275: {  	v3 =	vand.u32 $0x7, v3  }
0x276: {  	v3 =	vor.u32 v3, v4  }
0x277: {  	v4 =	vperm.xlane v3, v0;
	_ =	sdelay $0x1  }
0x278: {  	v4 =	vadd.s32 v1, v4;
	_ =	sdelay $0x3  }
0x279: {  	s2 =	simm.s32 $0x10800;
	v3 =	vperm.xlane v3, v2  }
0x27a: {  	[hbm4b:s4+s3] =	stream.indirect_vreg.scatter [tilespmem:s2], [sflag:$0x2], $0x80, v4, vm0, $0xb8;
	[tilespmem:$0x1C800] =	vst v63  }
0x27b: {  	v3 =	vadd.s32 v1, v3  }
0x27c: {  	[hbm4b:s5+s3] =	stream.indirect_vreg.scatter [tilespmem:s29], [sflag:$0x2], $0x80, v4, vm0, $0xb8;
	[tilespmem:$0x1C800] =	vst v63  }
0x27d: {  	_ = 	snop  }
0x27e: {  	[hbm4b:s6+s3] =	stream.indirect_vreg.scatter [tilespmem:s12], [sflag:$0x2], $0x80, v4, vm0, $0xb8;
	[tilespmem:$0x1C800] =	vst v63  }
0x27f: {  	_ = 	snop  }
0x280: {  	[hbm4b:s4+s3] =	stream.indirect_vreg.scatter [tilespmem:s13], [sflag:$0x2], $0x80, v3, vm0, $0xb8;
	[tilespmem:$0x1C800] =	vst v63  }
0x281: {  	_ = 	snop  }
0x282: {  	[hbm4b:s5+s3] =	stream.indirect_vreg.scatter [tilespmem:s14], [sflag:$0x2], $0x80, v3, vm0, $0xb8;
	[tilespmem:$0x1C800] =	vst v63  }
0x283: {  	s11 =	simm.s32 $0x13000  }
0x284: {  	[hbm4b:s6+s3] =	stream.indirect_vreg.scatter [tilespmem:s11], [sflag:$0x2], $0x80, v3, vm0, $0xb8;
	[tilespmem:$0x1C800] =	vst v63  }
0x285: {  	v3 =	vld [tilespmem:$0x510];
	_ =	sdelay $0x4  }
0x286: {  	v53 =	vshrl.u32 v3, $0x3  }
0x287: {  	v4 =	vmul.u32 $0x30, v53  }
0x288: {  	v3 =	vand.u32 $0x7, v3  }
0x289: {  	v3 =	vor.u32 v3, v4  }
0x28a: {  	v4 =	vperm.xlane v3, v0;
	_ =	sdelay $0x1  }
0x28b: {  	v4 =	vadd.s32 v1, v4;
	_ =	sdelay $0x3  }
0x28c: {  	s16 =	simm.s32 $0x13800;
	v3 =	vperm.xlane v3, v2  }
0x28d: {  	[hbm4b:s4+s3] =	stream.indirect_vreg.scatter [tilespmem:s16], [sflag:$0x2], $0x80, v4, vm0, $0xb8;
	[tilespmem:$0x1C800] =	vst v63  }
0x28e: {  	s17 =	simm.s32 $0x14000;
	v3 =	vadd.s32 v1, v3  }
0x28f: {  	[hbm4b:s5+s3] =	stream.indirect_vreg.scatter [tilespmem:s17], [sflag:$0x2], $0x80, v4, vm0, $0xb8;
	[tilespmem:$0x1C800] =	vst v63  }
0x290: {  	_ = 	snop  }
0x291: {  	[hbm4b:s6+s3] =	stream.indirect_vreg.scatter [tilespmem:s30], [sflag:$0x2], $0x80, v4, vm0, $0xb8;
	[tilespmem:$0x1C800] =	vst v63  }
0x292: {  	s18 =	simm.s32 $0x15000  }
0x293: {  	[hbm4b:s4+s3] =	stream.indirect_vreg.scatter [tilespmem:s18], [sflag:$0x2], $0x80, v3, vm0, $0xb8;
	[tilespmem:$0x1C800] =	vst v63  }
0x294: {  	s19 =	simm.s32 $0x15800  }
0x295: {  	[hbm4b:s5+s3] =	stream.indirect_vreg.scatter [tilespmem:s19], [sflag:$0x2], $0x80, v3, vm0, $0xb8;
	[tilespmem:$0x1C800] =	vst v63  }
0x296: {  	s29 =	sld [smem:$0x7F8];
	s30 =	simm.s32 $0x16000  }
0x297: {  	[hbm4b:s6+s3] =	stream.indirect_vreg.scatter [tilespmem:s30], [sflag:$0x2], $0x80, v3, vm0, $0xb8;
	[tilespmem:$0x1C800] =	vst v63  }
0x298: {  	s31 =	simm.s32 $0x2800  }
0x299: {  	[hbm4b:s25+s28] =	stream.indirect.scatter [tilespmem:s31], [sflag:$0x2], $0x80, s29, s28, $0xb8;
	[tilespmem:$0x1C800] =	vst v63  }
0x29a: {  	_ =	swait.ge [sflag:s23], $0x6000  }
0x29b: {  	[sflag:s23] =	ssyncset.done $0x0  }
0x29c: {  	[sflag:s23] =	ssyncadd.s32 $0xFFFFA000  }
0x29d: {  	_ =	swait.ge [sflag:s23], $0x1000  }
0x29e: {  	s0 =	rddreg [dreg:$0x1f];
	[sflag:s23] =	ssyncset.done $0x0  }
0x29f: {  	s22 =	simm.s32 $0xA800;
	s1 =	sld [smem:$0x7EA];
	[sflag:s23] =	ssyncadd.s32 $0xFFFFF000  }
0x2a0: {  	[tilespmem:s22], [sflag:$0x1] =	stream.linear.gather [hbm4b:s0+s3], $0x6000, $0x38;
	[tilespmem:$0x1C800] =	vst v63  }
0x2a1: {  	s20 =	simm.s32 $0x1800  }
0x2a2: {  	[tilespmem:s20], [sflag:$0x1] =	stream.linear.gather [hbm4b:s1+s3], $0x1000, $0x38;
	[tilespmem:$0x1C800] =	vst v63  }
0x2a3: {  	_ =	swait.ge [sflag:s15], $0x6000  }
0x2a4: {  	[sflag:s15] =	ssyncset.done $0x0  }
0x2a5: {  	[sflag:s15] =	ssyncadd.s32 $0xFFFFA000  }
0x2a6: {  	_ =	swait.ge [sflag:s15], $0x1000  }
0x2a7: {  	[sflag:s15] =	ssyncset.done $0x0  }
0x2a8: {  	[sflag:s15] =	ssyncadd.s32 $0xFFFFF000  }
0x2a9: {  	v3 =	vld [tilespmem:$0x580];
	_ =	sdelay $0x4  }
0x2aa: {  	v54 =	vshrl.u32 v3, $0x3  }
0x2ab: {  	v4 =	vmul.u32 $0x30, v54  }
0x2ac: {  	v3 =	vand.u32 $0x7, v3  }
0x2ad: {  	v3 =	vor.u32 v3, v4  }
0x2ae: {  	v4 =	vperm.xlane v3, v0;
	_ =	sdelay $0x1  }
0x2af: {  	v4 =	vadd.s32 v1, v4;
	_ =	sdelay $0x3  }
0x2b0: {  	v3 =	vperm.xlane v3, v2  }
0x2b1: {  	[hbm4b:s4+s3] =	stream.indirect_vreg.scatter [tilespmem:s9], [sflag:$0x2], $0x80, v4, vm0, $0xb8;
	[tilespmem:$0x1C800] =	vst v63  }
0x2b2: {  	s2 =	simm.s32 $0x17000;
	v3 =	vadd.s32 v1, v3  }
0x2b3: {  	[hbm4b:s5+s3] =	stream.indirect_vreg.scatter [tilespmem:s2], [sflag:$0x2], $0x80, v4, vm0, $0xb8;
	[tilespmem:$0x1C800] =	vst v63  }
0x2b4: {  	s8 =	simm.s32 $0x17800  }
0x2b5: {  	[hbm4b:s6+s3] =	stream.indirect_vreg.scatter [tilespmem:s8], [sflag:$0x2], $0x80, v4, vm0, $0xb8;
	[tilespmem:$0x1C800] =	vst v63  }
0x2b6: {  	s9 =	simm.s32 $0x18000  }
0x2b7: {  	[hbm4b:s4+s3] =	stream.indirect_vreg.scatter [tilespmem:s9], [sflag:$0x2], $0x80, v3, vm0, $0xb8;
	[tilespmem:$0x1C800] =	vst v63  }
0x2b8: {  	s12 =	simm.s32 $0x18800  }
0x2b9: {  	[hbm4b:s5+s3] =	stream.indirect_vreg.scatter [tilespmem:s12], [sflag:$0x2], $0x80, v3, vm0, $0xb8;
	[tilespmem:$0x1C800] =	vst v63  }
0x2ba: {  	s13 =	simm.s32 $0x19000  }
0x2bb: {  	[hbm4b:s6+s3] =	stream.indirect_vreg.scatter [tilespmem:s13], [sflag:$0x2], $0x80, v3, vm0, $0xb8;
	[tilespmem:$0x1C800] =	vst v63  }
0x2bc: {  	v3 =	vld [tilespmem:$0x590];
	_ =	sdelay $0x4  }
0x2bd: {  	v55 =	vshrl.u32 v3, $0x3  }
0x2be: {  	v4 =	vmul.u32 $0x30, v55  }
0x2bf: {  	v3 =	vand.u32 $0x7, v3  }
0x2c0: {  	v3 =	vor.u32 v3, v4  }
0x2c1: {  	v4 =	vperm.xlane v3, v0;
	_ =	sdelay $0x1  }
0x2c2: {  	v4 =	vadd.s32 v1, v4;
	_ =	sdelay $0x3  }
0x2c3: {  	s2 =	simm.s32 $0x19800;
	v3 =	vperm.xlane v3, v2  }
0x2c4: {  	[hbm4b:s4+s3] =	stream.indirect_vreg.scatter [tilespmem:s2], [sflag:$0x2], $0x80, v4, vm0, $0xb8;
	[tilespmem:$0x1C800] =	vst v63  }
0x2c5: {  	s14 =	simm.s32 $0x1A000;
	v3 =	vadd.s32 v1, v3  }
0x2c6: {  	[hbm4b:s5+s3] =	stream.indirect_vreg.scatter [tilespmem:s14], [sflag:$0x2], $0x80, v4, vm0, $0xb8;
	[tilespmem:$0x1C800] =	vst v63  }
0x2c7: {  	s16 =	simm.s32 $0x1A800  }
0x2c8: {  	[hbm4b:s6+s3] =	stream.indirect_vreg.scatter [tilespmem:s16], [sflag:$0x2], $0x80, v4, vm0, $0xb8;
	[tilespmem:$0x1C800] =	vst v63  }
0x2c9: {  	s17 =	simm.s32 $0x1B000  }
0x2ca: {  	[hbm4b:s4+s3] =	stream.indirect_vreg.scatter [tilespmem:s17], [sflag:$0x2], $0x80, v3, vm0, $0xb8;
	[tilespmem:$0x1C800] =	vst v63  }
0x2cb: {  	s1 =	simm.s32 $0x1B800  }
0x2cc: {  	[hbm4b:s5+s3] =	stream.indirect_vreg.scatter [tilespmem:s1], [sflag:$0x2], $0x80, v3, vm0, $0xb8;
	[tilespmem:$0x1C800] =	vst v63  }
0x2cd: {  	s19 =	simm.s32 $0x1C000;
	s18 =	sld [smem:$0x7F9]  }
0x2ce: {  	[hbm4b:s6+s3] =	stream.indirect_vreg.scatter [tilespmem:s19], [sflag:$0x2], $0x80, v3, vm0, $0xb8;
	[tilespmem:$0x1C800] =	vst v63  }
0x2cf: {  	s26 =	simm.s32 $0x3800  }
0x2d0: {  	[hbm4b:s25+s28] =	stream.indirect.scatter [tilespmem:s26], [sflag:$0x2], $0x80, s18, s28, $0xb8;
	[tilespmem:$0x1C800] =	vst v63  }
0x2d1: {  	_ =	swait.ge [sflag:s23], $0x6000  }
0x2d2: {  	[sflag:s23] =	ssyncset.done $0x0  }
0x2d3: {  	[sflag:s23] =	ssyncadd.s32 $0xFFFFA000  }
0x2d4: {  	_ =	swait.ge [sflag:s23], $0x1000  }
0x2d5: {  	s0 =	sld [smem:$0x7EB]  }
0x2d6: {  	[sflag:s23] =	ssyncset.done $0x0  }
0x2d7: {  	s19 =	simm.s32 $0x10800;
	s18 =	sld [smem:$0x7EC];
	[sflag:s23] =	ssyncadd.s32 $0xFFFFF000  }
0x2d8: {  	[tilespmem:s19], [sflag:$0x1] =	stream.linear.gather [hbm4b:s0+s3], $0x6000, $0x38;
	[tilespmem:$0x1C800] =	vst v63  }
0x2d9: {  	s0 =	simm.s32 $0x2800  }
0x2da: {  	[tilespmem:s0], [sflag:$0x1] =	stream.linear.gather [hbm4b:s18+s3], $0x1000, $0x38;
	[tilespmem:$0x1C800] =	vst v63  }
0x2db: {  	_ =	swait.ge [sflag:s15], $0x6000  }
0x2dc: {  	[sflag:s15] =	ssyncset.done $0x0  }
0x2dd: {  	[sflag:s15] =	ssyncadd.s32 $0xFFFFA000  }
0x2de: {  	_ =	swait.ge [sflag:s15], $0x1000  }
0x2df: {  	[sflag:s15] =	ssyncset.done $0x0  }
0x2e0: {  	[sflag:s15] =	ssyncadd.s32 $0xFFFFF000  }
0x2e1: {  	v3 =	vld [tilespmem:$0x600];
	_ =	sdelay $0x4  }
0x2e2: {  	v56 =	vshrl.u32 v3, $0x3  }
0x2e3: {  	v4 =	vmul.u32 $0x30, v56  }
0x2e4: {  	v3 =	vand.u32 $0x7, v3  }
0x2e5: {  	v3 =	vor.u32 v3, v4  }
0x2e6: {  	v4 =	vperm.xlane v3, v0;
	_ =	sdelay $0x1  }
0x2e7: {  	v4 =	vadd.s32 v1, v4;
	_ =	sdelay $0x3  }
0x2e8: {  	v3 =	vperm.xlane v3, v2  }
0x2e9: {  	[hbm4b:s4+s3] =	stream.indirect_vreg.scatter [tilespmem:s10], [sflag:$0x2], $0x80, v4, vm0, $0xb8;
	[tilespmem:$0x1C800] =	vst v63  }
0x2ea: {  	s18 =	simm.s32 $0x5000;
	v3 =	vadd.s32 v1, v3  }
0x2eb: {  	[hbm4b:s5+s3] =	stream.indirect_vreg.scatter [tilespmem:s18], [sflag:$0x2], $0x80, v4, vm0, $0xb8;
	[tilespmem:$0x1C800] =	vst v63  }
0x2ec: {  	s17 =	simm.s32 $0x5800  }
0x2ed: {  	[hbm4b:s6+s3] =	stream.indirect_vreg.scatter [tilespmem:s17], [sflag:$0x2], $0x80, v4, vm0, $0xb8;
	[tilespmem:$0x1C800] =	vst v63  }
0x2ee: {  	s18 =	simm.s32 $0x6000  }
0x2ef: {  	[hbm4b:s4+s3] =	stream.indirect_vreg.scatter [tilespmem:s18], [sflag:$0x2], $0x80, v3, vm0, $0xb8;
	[tilespmem:$0x1C800] =	vst v63  }
0x2f0: {  	s17 =	simm.s32 $0x6800  }
0x2f1: {  	[hbm4b:s5+s3] =	stream.indirect_vreg.scatter [tilespmem:s17], [sflag:$0x2], $0x80, v3, vm0, $0xb8;
	[tilespmem:$0x1C800] =	vst v63  }
0x2f2: {  	s18 =	simm.s32 $0x7000  }
0x2f3: {  	[hbm4b:s6+s3] =	stream.indirect_vreg.scatter [tilespmem:s18], [sflag:$0x2], $0x80, v3, vm0, $0xb8;
	[tilespmem:$0x1C800] =	vst v63  }
0x2f4: {  	v3 =	vld [tilespmem:$0x610];
	_ =	sdelay $0x4  }
0x2f5: {  	v57 =	vshrl.u32 v3, $0x3  }
0x2f6: {  	v4 =	vmul.u32 $0x30, v57  }
0x2f7: {  	v3 =	vand.u32 $0x7, v3  }
0x2f8: {  	v3 =	vor.u32 v3, v4  }
0x2f9: {  	v4 =	vperm.xlane v3, v0;
	_ =	sdelay $0x1  }
0x2fa: {  	v4 =	vadd.s32 v1, v4;
	_ =	sdelay $0x3  }
0x2fb: {  	s17 =	simm.s32 $0x7800;
	v3 =	vperm.xlane v3, v2  }
0x2fc: {  	[hbm4b:s4+s3] =	stream.indirect_vreg.scatter [tilespmem:s17], [sflag:$0x2], $0x80, v4, vm0, $0xb8;
	[tilespmem:$0x1C800] =	vst v63  }
0x2fd: {  	s18 =	simm.s32 $0x8000;
	v3 =	vadd.s32 v1, v3  }
0x2fe: {  	[hbm4b:s5+s3] =	stream.indirect_vreg.scatter [tilespmem:s18], [sflag:$0x2], $0x80, v4, vm0, $0xb8;
	[tilespmem:$0x1C800] =	vst v63  }
0x2ff: {  	s17 =	simm.s32 $0x8800  }
0x300: {  	[hbm4b:s6+s3] =	stream.indirect_vreg.scatter [tilespmem:s17], [sflag:$0x2], $0x80, v4, vm0, $0xb8;
	[tilespmem:$0x1C800] =	vst v63  }
0x301: {  	s18 =	simm.s32 $0x9000  }
0x302: {  	[hbm4b:s4+s3] =	stream.indirect_vreg.scatter [tilespmem:s18], [sflag:$0x2], $0x80, v3, vm0, $0xb8;
	[tilespmem:$0x1C800] =	vst v63  }
0x303: {  	s17 =	simm.s32 $0x9800  }
0x304: {  	[hbm4b:s5+s3] =	stream.indirect_vreg.scatter [tilespmem:s17], [sflag:$0x2], $0x80, v3, vm0, $0xb8;
	[tilespmem:$0x1C800] =	vst v63  }
0x305: {  	s18 =	simm.s32 $0xA000;
	s17 =	sld [smem:$0x7FA]  }
0x306: {  	[hbm4b:s6+s3] =	stream.indirect_vreg.scatter [tilespmem:s18], [sflag:$0x2], $0x80, v3, vm0, $0xb8;
	[tilespmem:$0x1C800] =	vst v63  }
0x307: {  	_ = 	snop  }
0x308: {  	[hbm4b:s25+s28] =	stream.indirect.scatter [tilespmem:s21], [sflag:$0x2], $0x80, s17, s28, $0xb8;
	[tilespmem:$0x1C800] =	vst v63  }
0x309: {  	_ =	swait.ge [sflag:s23], $0x6000  }
0x30a: {  	[sflag:s23] =	ssyncset.done $0x0  }
0x30b: {  	[sflag:s23] =	ssyncadd.s32 $0xFFFFA000  }
0x30c: {  	_ =	swait.ge [sflag:s23], $0x1000  }
0x30d: {  	s17 =	sld [smem:$0x7ED]  }
0x30e: {  	[sflag:s23] =	ssyncset.done $0x0  }
0x30f: {  	s10 =	simm.s32 $0x16800;
	s18 =	sld [smem:$0x7EE];
	[sflag:s23] =	ssyncadd.s32 $0xFFFFF000  }
0x310: {  	[tilespmem:s10], [sflag:$0x1] =	stream.linear.gather [hbm4b:s17+s3], $0x6000, $0x38;
	[tilespmem:$0x1C800] =	vst v63  }
0x311: {  	_ = 	snop  }
0x312: {  	[tilespmem:s26], [sflag:$0x1] =	stream.linear.gather [hbm4b:s18+s3], $0x1000, $0x38;
	[tilespmem:$0x1C800] =	vst v63  }
0x313: {  	_ =	swait.ge [sflag:s15], $0x6000  }
0x314: {  	[sflag:s15] =	ssyncset.done $0x0  }
0x315: {  	[sflag:s15] =	ssyncadd.s32 $0xFFFFA000  }
0x316: {  	_ =	swait.ge [sflag:s15], $0x1000  }
0x317: {  	[sflag:s15] =	ssyncset.done $0x0  }
0x318: {  	[sflag:s15] =	ssyncadd.s32 $0xFFFFF000  }
0x319: {  	v3 =	vld [tilespmem:$0x680];
	_ =	sdelay $0x4  }
0x31a: {  	v58 =	vshrl.u32 v3, $0x3  }
0x31b: {  	v4 =	vmul.u32 $0x30, v58  }
0x31c: {  	v3 =	vand.u32 $0x7, v3  }
0x31d: {  	v3 =	vor.u32 v3, v4  }
0x31e: {  	v4 =	vperm.xlane v3, v0;
	_ =	sdelay $0x1  }
0x31f: {  	v4 =	vadd.s32 v1, v4;
	_ =	sdelay $0x3  }
0x320: {  	v3 =	vperm.xlane v3, v2  }
0x321: {  	[hbm4b:s4+s3] =	stream.indirect_vreg.scatter [tilespmem:s22], [sflag:$0x2], $0x80, v4, vm0, $0xb8;
	[tilespmem:$0x1C800] =	vst v63  }
0x322: {  	s18 =	simm.s32 $0xB000;
	v3 =	vadd.s32 v1, v3  }
0x323: {  	[hbm4b:s5+s3] =	stream.indirect_vreg.scatter [tilespmem:s18], [sflag:$0x2], $0x80, v4, vm0, $0xb8;
	[tilespmem:$0x1C800] =	vst v63  }
0x324: {  	s22 =	simm.s32 $0xB800  }
0x325: {  	[hbm4b:s6+s3] =	stream.indirect_vreg.scatter [tilespmem:s22], [sflag:$0x2], $0x80, v4, vm0, $0xb8;
	[tilespmem:$0x1C800] =	vst v63  }
0x326: {  	s18 =	simm.s32 $0xC000  }
0x327: {  	[hbm4b:s4+s3] =	stream.indirect_vreg.scatter [tilespmem:s18], [sflag:$0x2], $0x80, v3, vm0, $0xb8;
	[tilespmem:$0x1C800] =	vst v63  }
0x328: {  	s22 =	simm.s32 $0xC800  }
0x329: {  	[hbm4b:s5+s3] =	stream.indirect_vreg.scatter [tilespmem:s22], [sflag:$0x2], $0x80, v3, vm0, $0xb8;
	[tilespmem:$0x1C800] =	vst v63  }
0x32a: {  	_ = 	snop  }
0x32b: {  	[hbm4b:s6+s3] =	stream.indirect_vreg.scatter [tilespmem:s24], [sflag:$0x2], $0x80, v3, vm0, $0xb8;
	[tilespmem:$0x1C800] =	vst v63  }
0x32c: {  	v3 =	vld [tilespmem:$0x690];
	_ =	sdelay $0x4  }
0x32d: {  	v59 =	vshrl.u32 v3, $0x3  }
0x32e: {  	v4 =	vmul.u32 $0x30, v59  }
0x32f: {  	v3 =	vand.u32 $0x7, v3  }
0x330: {  	v3 =	vor.u32 v3, v4  }
0x331: {  	v4 =	vperm.xlane v3, v0;
	_ =	sdelay $0x1  }
0x332: {  	v4 =	vadd.s32 v1, v4;
	_ =	sdelay $0x3  }
0x333: {  	s24 =	simm.s32 $0xD800;
	v3 =	vperm.xlane v3, v2  }
0x334: {  	[hbm4b:s4+s3] =	stream.indirect_vreg.scatter [tilespmem:s24], [sflag:$0x2], $0x80, v4, vm0, $0xb8;
	[tilespmem:$0x1C800] =	vst v63  }
0x335: {  	s18 =	simm.s32 $0xE000;
	v3 =	vadd.s32 v1, v3  }
0x336: {  	[hbm4b:s5+s3] =	stream.indirect_vreg.scatter [tilespmem:s18], [sflag:$0x2], $0x80, v4, vm0, $0xb8;
	[tilespmem:$0x1C800] =	vst v63  }
0x337: {  	s22 =	simm.s32 $0xE800  }
0x338: {  	[hbm4b:s6+s3] =	stream.indirect_vreg.scatter [tilespmem:s22], [sflag:$0x2], $0x80, v4, vm0, $0xb8;
	[tilespmem:$0x1C800] =	vst v63  }
0x339: {  	s24 =	simm.s32 $0xF000  }
0x33a: {  	[hbm4b:s4+s3] =	stream.indirect_vreg.scatter [tilespmem:s24], [sflag:$0x2], $0x80, v3, vm0, $0xb8;
	[tilespmem:$0x1C800] =	vst v63  }
0x33b: {  	s18 =	simm.s32 $0xF800  }
0x33c: {  	[hbm4b:s5+s3] =	stream.indirect_vreg.scatter [tilespmem:s18], [sflag:$0x2], $0x80, v3, vm0, $0xb8;
	[tilespmem:$0x1C800] =	vst v63  }
0x33d: {  	s22 =	sld [smem:$0x7FB];
	s24 =	simm.s32 $0x10000  }
0x33e: {  	[hbm4b:s6+s3] =	stream.indirect_vreg.scatter [tilespmem:s24], [sflag:$0x2], $0x80, v3, vm0, $0xb8;
	[tilespmem:$0x1C800] =	vst v63  }
0x33f: {  	_ = 	snop  }
0x340: {  	[hbm4b:s25+s28] =	stream.indirect.scatter [tilespmem:s20], [sflag:$0x2], $0x80, s22, s28, $0xb8;
	[tilespmem:$0x1C800] =	vst v63  }
0x341: {  	_ =	swait.ge [sflag:s15], $0x6000  }
0x342: {  	[sflag:s15] =	ssyncset.done $0x0  }
0x343: {  	[sflag:s15] =	ssyncadd.s32 $0xFFFFA000  }
0x344: {  	_ =	swait.ge [sflag:s15], $0x1000  }
0x345: {  	[sflag:s15] =	ssyncset.done $0x0  }
0x346: {  	[sflag:s15] =	ssyncadd.s32 $0xFFFFF000  }
0x347: {  	v3 =	vld [tilespmem:$0x700];
	_ =	sdelay $0x4  }
0x348: {  	v60 =	vshrl.u32 v3, $0x3  }
0x349: {  	v4 =	vmul.u32 $0x30, v60  }
0x34a: {  	v3 =	vand.u32 $0x7, v3  }
0x34b: {  	v3 =	vor.u32 v3, v4  }
0x34c: {  	v4 =	vperm.xlane v3, v0;
	_ =	sdelay $0x1  }
0x34d: {  	v4 =	vadd.s32 v1, v4;
	_ =	sdelay $0x3  }
0x34e: {  	v3 =	vperm.xlane v3, v2  }
0x34f: {  	[hbm4b:s4+s3] =	stream.indirect_vreg.scatter [tilespmem:s19], [sflag:$0x2], $0x80, v4, vm0, $0xb8;
	[tilespmem:$0x1C800] =	vst v63  }
0x350: {  	s18 =	simm.s32 $0x11000;
	v3 =	vadd.s32 v1, v3  }
0x351: {  	[hbm4b:s5+s3] =	stream.indirect_vreg.scatter [tilespmem:s18], [sflag:$0x2], $0x80, v4, vm0, $0xb8;
	[tilespmem:$0x1C800] =	vst v63  }
0x352: {  	s19 =	simm.s32 $0x11800  }
0x353: {  	[hbm4b:s6+s3] =	stream.indirect_vreg.scatter [tilespmem:s19], [sflag:$0x2], $0x80, v4, vm0, $0xb8;
	[tilespmem:$0x1C800] =	vst v63  }
0x354: {  	s20 =	simm.s32 $0x12000  }
0x355: {  	[hbm4b:s4+s3] =	stream.indirect_vreg.scatter [tilespmem:s20], [sflag:$0x2], $0x80, v3, vm0, $0xb8;
	[tilespmem:$0x1C800] =	vst v63  }
0x356: {  	s22 =	simm.s32 $0x12800  }
0x357: {  	[hbm4b:s5+s3] =	stream.indirect_vreg.scatter [tilespmem:s22], [sflag:$0x2], $0x80, v3, vm0, $0xb8;
	[tilespmem:$0x1C800] =	vst v63  }
0x358: {  	_ = 	snop  }
0x359: {  	[hbm4b:s6+s3] =	stream.indirect_vreg.scatter [tilespmem:s11], [sflag:$0x2], $0x80, v3, vm0, $0xb8;
	[tilespmem:$0x1C800] =	vst v63  }
0x35a: {  	v3 =	vld [tilespmem:$0x710];
	_ =	sdelay $0x4  }
0x35b: {  	v61 =	vshrl.u32 v3, $0x3  }
0x35c: {  	v4 =	vmul.u32 $0x30, v61  }
0x35d: {  	v3 =	vand.u32 $0x7, v3  }
0x35e: {  	v3 =	vor.u32 v3, v4  }
0x35f: {  	v4 =	vperm.xlane v3, v0;
	_ =	sdelay $0x1  }
0x360: {  	v4 =	vadd.s32 v1, v4;
	_ =	sdelay $0x3  }
0x361: {  	s24 =	simm.s32 $0x13800;
	v3 =	vperm.xlane v3, v2  }
0x362: {  	[hbm4b:s4+s3] =	stream.indirect_vreg.scatter [tilespmem:s24], [sflag:$0x2], $0x80, v4, vm0, $0xb8;
	[tilespmem:$0x1C800] =	vst v63  }
0x363: {  	s17 =	simm.s32 $0x14000;
	v3 =	vadd.s32 v1, v3  }
0x364: {  	[hbm4b:s5+s3] =	stream.indirect_vreg.scatter [tilespmem:s17], [sflag:$0x2], $0x80, v4, vm0, $0xb8;
	[tilespmem:$0x1C800] =	vst v63  }
0x365: {  	s18 =	simm.s32 $0x14800  }
0x366: {  	[hbm4b:s6+s3] =	stream.indirect_vreg.scatter [tilespmem:s18], [sflag:$0x2], $0x80, v4, vm0, $0xb8;
	[tilespmem:$0x1C800] =	vst v63  }
0x367: {  	s19 =	simm.s32 $0x15000  }
0x368: {  	[hbm4b:s4+s3] =	stream.indirect_vreg.scatter [tilespmem:s19], [sflag:$0x2], $0x80, v3, vm0, $0xb8;
	[tilespmem:$0x1C800] =	vst v63  }
0x369: {  	s20 =	simm.s32 $0x15800  }
0x36a: {  	[hbm4b:s5+s3] =	stream.indirect_vreg.scatter [tilespmem:s20], [sflag:$0x2], $0x80, v3, vm0, $0xb8;
	[tilespmem:$0x1C800] =	vst v63  }
0x36b: {  	s22 =	sld [smem:$0x7FC];
	s24 =	simm.s32 $0x16000  }
0x36c: {  	[hbm4b:s6+s3] =	stream.indirect_vreg.scatter [tilespmem:s24], [sflag:$0x2], $0x80, v3, vm0, $0xb8;
	[tilespmem:$0x1C800] =	vst v63  }
0x36d: {  	_ = 	snop  }
0x36e: {  	[hbm4b:s25+s28] =	stream.indirect.scatter [tilespmem:s0], [sflag:$0x2], $0x80, s22, s28, $0xb8;
	[tilespmem:$0x1C800] =	vst v63  }
0x36f: {  	_ =	swait.ge [sflag:s15], $0x6000  }
0x370: {  	[sflag:s15] =	ssyncset.done $0x0  }
0x371: {  	[sflag:s15] =	ssyncadd.s32 $0xFFFFA000  }
0x372: {  	_ =	swait.ge [sflag:s15], $0x1000  }
0x373: {  	[sflag:s15] =	ssyncset.done $0x0  }
0x374: {  	[sflag:s15] =	ssyncadd.s32 $0xFFFFF000  }
0x375: {  	v3 =	vld [tilespmem:$0x780];
	_ =	sdelay $0x4  }
0x376: {  	v62 =	vshrl.u32 v3, $0x3  }
0x377: {  	v4 =	vmul.u32 $0x30, v62  }
0x378: {  	v3 =	vand.u32 $0x7, v3  }
0x379: {  	v3 =	vor.u32 v3, v4  }
0x37a: {  	v4 =	vperm.xlane v3, v0;
	_ =	sdelay $0x1  }
0x37b: {  	v4 =	vadd.s32 v1, v4;
	_ =	sdelay $0x3  }
0x37c: {  	v3 =	vperm.xlane v3, v2  }
0x37d: {  	[hbm4b:s4+s3] =	stream.indirect_vreg.scatter [tilespmem:s10], [sflag:$0x2], $0x80, v4, vm0, $0xb8;
	[tilespmem:$0x1C800] =	vst v63  }
0x37e: {  	s30 =	simm.s32 $0x17000;
	v3 =	vadd.s32 v1, v3  }
0x37f: {  	[hbm4b:s5+s3] =	stream.indirect_vreg.scatter [tilespmem:s30], [sflag:$0x2], $0x80, v4, vm0, $0xb8;
	[tilespmem:$0x1C800] =	vst v63  }
0x380: {  	s31 =	simm.s32 $0x17800  }
0x381: {  	[hbm4b:s6+s3] =	stream.indirect_vreg.scatter [tilespmem:s31], [sflag:$0x2], $0x80, v4, vm0, $0xb8;
	[tilespmem:$0x1C800] =	vst v63  }
0x382: {  	s8 =	simm.s32 $0x18000  }
0x383: {  	[hbm4b:s4+s3] =	stream.indirect_vreg.scatter [tilespmem:s8], [sflag:$0x2], $0x80, v3, vm0, $0xb8;
	[tilespmem:$0x1C800] =	vst v63  }
0x384: {  	s9 =	simm.s32 $0x18800  }
0x385: {  	[hbm4b:s5+s3] =	stream.indirect_vreg.scatter [tilespmem:s9], [sflag:$0x2], $0x80, v3, vm0, $0xb8;
	[tilespmem:$0x1C800] =	vst v63  }
0x386: {  	s29 =	simm.s32 $0x19000  }
0x387: {  	[hbm4b:s6+s3] =	stream.indirect_vreg.scatter [tilespmem:s29], [sflag:$0x2], $0x80, v3, vm0, $0xb8;
	[tilespmem:$0x1C800] =	vst v63  }
0x388: {  	v3 =	vld [tilespmem:$0x790];
	_ =	sdelay $0x4  }
0x389: {  	v63 =	vshrl.u32 v3, $0x3  }
0x38a: {  	v4 =	vmul.u32 $0x30, v63  }
0x38b: {  	v3 =	vand.u32 $0x7, v3  }
0x38c: {  	v3 =	vor.u32 v3, v4  }
0x38d: {  	v4 =	vperm.xlane v3, v0;
	_ =	sdelay $0x1  }
0x38e: {  	v4 =	vadd.s32 v1, v4;
	_ =	sdelay $0x3  }
0x38f: {  	v3 =	vperm.xlane v3, v2  }
0x390: {  	[hbm4b:s4+s3] =	stream.indirect_vreg.scatter [tilespmem:s2], [sflag:$0x2], $0x80, v4, vm0, $0xb8;
	[tilespmem:$0x1C800] =	vst v63  }
0x391: {  	s12 =	simm.s32 $0x1A000;
	v3 =	vadd.s32 v1, v3  }
0x392: {  	[hbm4b:s5+s3] =	stream.indirect_vreg.scatter [tilespmem:s12], [sflag:$0x2], $0x80, v4, vm0, $0xb8;
	[tilespmem:$0x1C800] =	vst v63  }
0x393: {  	s13 =	simm.s32 $0x1A800  }
0x394: {  	[hbm4b:s6+s3] =	stream.indirect_vreg.scatter [tilespmem:s13], [sflag:$0x2], $0x80, v4, vm0, $0xb8;
	[tilespmem:$0x1C800] =	vst v63  }
0x395: {  	s14 =	simm.s32 $0x1B000  }
0x396: {  	[hbm4b:s4+s3] =	stream.indirect_vreg.scatter [tilespmem:s14], [sflag:$0x2], $0x80, v3, vm0, $0xb8;
	[tilespmem:$0x1C800] =	vst v63  }
0x397: {  	_ = 	snop  }
0x398: {  	[hbm4b:s5+s3] =	stream.indirect_vreg.scatter [tilespmem:s1], [sflag:$0x2], $0x80, v3, vm0, $0xb8;
	[tilespmem:$0x1C800] =	vst v63  }
0x399: {  	s16 =	simm.s32 $0x1C000;
	s31 =	sld [smem:$0x7FD]  }
0x39a: {  	[hbm4b:s6+s3] =	stream.indirect_vreg.scatter [tilespmem:s16], [sflag:$0x2], $0x80, v3, vm0, $0xb8;
	[tilespmem:$0x1C800] =	vst v63  }
0x39b: {  	_ = 	snop  }
0x39c: {  	[hbm4b:s25+s28] =	stream.indirect.scatter [tilespmem:s26], [sflag:$0x2], $0x80, s31, s28, $0xb8;
	[tilespmem:$0x1C800] =	vst v63  }
0x39d: {  	_ =	swait.ge [sflag:s23], $0x6000  }
0x39e: {  	[sflag:s23] =	ssyncset.done $0x0  }
0x39f: {  	[sflag:s23] =	ssyncadd.s32 $0xFFFFA000  }
0x3a0: {  	_ =	swait.ge [sflag:s23], $0x1000  }
0x3a1: {  	[sflag:s23] =	ssyncset.done $0x0  }
0x3a2: {  	[sflag:s23] =	ssyncadd.s32 $0xFFFFF000  }
0x3a3: {  	_ =	swait.ge [sflag:s23], $0x6000  }
0x3a4: {  	[sflag:s23] =	ssyncset.done $0x0  }
0x3a5: {  	[sflag:s23] =	ssyncadd.s32 $0xFFFFA000  }
0x3a6: {  	_ =	swait.ge [sflag:s23], $0x1000  }
0x3a7: {  	[sflag:s23] =	ssyncset.done $0x0  }
0x3a8: {  	[sflag:s23] =	ssyncadd.s32 $0xFFFFF000  }
0x3a9: {  	_ =	swait.ge [sflag:s23], $0x6000  }
0x3aa: {  	[sflag:s23] =	ssyncset.done $0x0  }
0x3ab: {  	[sflag:s23] =	ssyncadd.s32 $0xFFFFA000  }
0x3ac: {  	_ =	swait.ge [sflag:s23], $0x1000  }
0x3ad: {  	[sflag:s23] =	ssyncset.done $0x0  }
0x3ae: {  	[sflag:s23] =	ssyncadd.s32 $0xFFFFF000  }
0x3af: {  	p0 =	sne.s32 s7, $0x1;
	_ =	swait.ge [sflag:s23], $0x6000  }
.Ltmp0:
0x3b0: {  	[sflag:s23] =	ssyncset.done $0x0;
	(pc) =	sbr.rel @p0 .LBB2_1-.Ltmp0, $4  }
0x3b1: {  	[sflag:s23] =	ssyncadd.s32 $0xFFFFA000  }
0x3b2: {  	_ =	swait.ge [sflag:s23], $0x1000  }
0x3b3: {  	[sflag:s23] =	ssyncset.done $0x0  }
0x3b4: {  	s7 =	sadd.s32 $0xFFFFFFFF, s7;
	[sflag:s23] =	ssyncadd.s32 $0xFFFFF000  }
0x3b5: {  	_ =	sfence.sel $0x180000  }
0x3b6: {  	[bflag:$0x0] =	sbarrier.arrive $0xFFFF  }
0x3b7: {  	_ =	strace $0x90000047  }
0x3b8: {  	s0 =	stileid.u32;
	[bflag:$0x2] =	sbarrier.arrive $0xFFFF  }
0x3b9: {  	p0 =	sne.s32 s0, $0x0;
	s0 =	rddreg [dreg:$0x3]  }
0x3ba: {  	s0 =	sadd.s32 @!p0 $0x100000, s0  }
0x3bb: {  	[sflag:s0] =	ssyncadd.tile.s32 @!p0 $0x1;
	_ =	shalt  }
.Lfunc_end2:
_tile_overlayer_lowered:
.L_overlay_start_2:
0x3bc: {  	(tag) =	ssettag $0x2  }
0x3bd: {  	s0 =	rddreg [dreg:$0x0];
	s2 =	stileid.u32  }
0x3be: {  	s1 =	rddreg [dreg:$0x1];
	p0 =	sne.s32 s2, $0x0  }
0x3bf: {  	s3 =	rddreg [dreg:$0x2];
	[bflag:$0x3] =	sbarrier.arrive $0xFFFF;
	s2 =	simm.s32 @!p0 $0x1C03  }
0x3c0: {  	[timem:s3], [sflag:s2] =	dma.local @!p0 [hbm:s0], s1  }
0x3c1: {  	s0 =	simm.s32 @!p0 $0x3  }
0x3c2: {  	_ =	swait.ge @!p0 [sflag:s0], s1  }
0x3c3: {  	s1 =	ssub.s32 @!p0 $0x0, s1;
	[sflag:s0] =	ssyncset.done @!p0 $0x0  }
0x3c4: {  	[sflag:s0] =	ssyncadd.s32 @!p0 s1  }
0x3c5: {  	[bflag:$0x3] =	sbarrier.arrive $0xFFFF  }
0x3c6: {  	_ =	shalt  }

// kernel: kernel.9.cloned.1.call-start
scs
__scs_entry_jumppad:
0x0: {  	(pc) =	sbr.rel $0x88, $3  }
0x1: {  	(tag) =	ssettag $0x0;
	lr =	simm.s32 $0x1  }
0x2: {  	[smem:$0x3F9B] =	sst lr;
	_ =	strace $0xD0000000  }
0x3: {  	_ = 	snop  }
0x4: {  	_ = 	snop  }
0x5: {  	_ = 	snop  }
0x6: {  	_ = 	snop  }
0x7: {  	_ = 	snop  }
__scs_overlays_trampoline_lowered:
0x8: {  	[smem:$0x3FAA] =	sst s0  }
0x9: {  	[smem:$0x3FAB] =	sst s1  }
0xa: {  	[smem:$0x3FAC] =	sst s2  }
0xb: {  	[smem:$0x3FAD] =	sst s3  }
0xc: {  	[smem:$0x3FAE] =	sst s4  }
0xd: {  	[smem:$0x3FAF] =	sst s5  }
0xe: {  	[smem:$0x3FB0] =	sst s6  }
0xf: {  	[smem:$0x3FB1] =	sst s7  }
0x10: {  	[smem:$0x3FB2] =	sst s8  }
0x11: {  	[smem:$0x3FB3] =	sst s9;
	s0 =	simm.s32 @!p0 $0x0  }
0x12: {  	s1 =	sld [smem:$0x3F99];
	s0 =	simm.s32 @p0 $0x1  }
0x13: {  	[smem:$0x3FB4] =	sst s0;
	s0 =	simm.s32 @!p1 $0x0  }
0x14: {  	s2 =	sld [smem:$0x3F98];
	s0 =	simm.s32 @p1 $0x1  }
0x15: {  	[smem:$0x3FB5] =	sst s0;
	s0 =	simm.s32 @!p2 $0x0  }
0x16: {  	s3 =	sld [smem:$0x3FDB];
	s0 =	simm.s32 @p2 $0x1  }
0x17: {  	s4 =	simm.s32 $0x1BF5;
	[smem:$0x3FB7] =	sst s0  }
0x18: {  	s0 =	sld [smem:$0x3F9A];
	_ =	swait.ge [sflag:s4], $0x0  }
0x19: {  	s7 =	sld [smem:$0x3F9B]  }
0x1a: {  	s8 =	sadd.s32 $0xFFFFE003, lr  }
0x1b: {  	s9 =	sadd.s32 $0xFFFFFEF7, lr;
	s5 =	simm.s32 $0xFFFFFFFF;
	p2 =	slt.u32 s8, $0xFFFFF086  }
0x1c: {  	p1 =	slt.u32 s9, $0xF7A;
	s5 =	simm.s32 @!p2 $0x0  }
0x1d: {  	s5 =	simm.s32 @p1 $0x1;
	p0 =	seq.s32 s7, s2  }
0x1e: {  	s7 =	smul.u32 @!p0 $0xF7A, s2;
	p2 =	seq.s32 @!p0 s5, $0x0  }
0x1f: {  	s9 =	smul.u32 $0xF7A, s1;
	s8 =	simm.s32 @!p0 $0x1BF5;
	p2 =	por !p2, p0  }
0x20: {  	[sflag:s8] =	ssyncset.s32 @!p0 $0xFFFFF086;
	s6 =	sadd.s32 @!p0 s3, s7;
	s7 =	simm.s32 @!p0 $0x108  }
0x21: {  	s3 =	sadd.s32 s3, s9;
	s6 =	sadd.s32 @!p0 $0x88, s6;
	s7 =	simm.s32 @p2 $0x1082  }
0x22: {  	[simem:s7], [sflag:s8] =	dma.local @!p0 [hbm:s6], $0xF7A  }
0x23: {  	s9 =	sor.u32 $0xD0000000, s2;
	s6 =	simm.s32 $0x108;
	_ =	swait.ge @!p0 [sflag:s8], $0x0  }
0x24: {  	s3 =	sadd.s32 $0x88, s3;
	s6 =	simm.s32 @!p1 $0x1082;
	[sflag:s4] =	ssyncset.s32 $0xFFFFF086  }
0x25: {  	[simem:s6], [sflag:s4] =	dma.local [hbm:s3], $0xF7A  }
0x26: {  	[smem:$0x3F9B] =	sst s1;
	(tag) =	ssettag s2;
	_ =	strace s9  }
0x27: {  	s1 =	sld [smem:$0x3FAB]  }
0x28: {  	s2 =	sld [smem:$0x3FAC]  }
0x29: {  	s4 =	sld [smem:$0x3FAE]  }
0x2a: {  	p0 =	seq.s32 s5, $0x0;
	s5 =	sld [smem:$0x3FAF]  }
0x2b: {  	s6 =	sld [smem:$0x3FB0]  }
0x2c: {  	s7 =	sld [smem:$0x3FB1]  }
0x2d: {  	s3 =	simm.s32 $0x108;
	s8 =	sld [smem:$0x3FB2]  }
0x2e: {  	s3 =	simm.s32 @!p0 $0x1082;
	s9 =	sld [smem:$0x3FB3]  }
0x2f: {  	lr =	sadd.s32 s0, s3;
	s0 =	sld [smem:$0x3FAA]  }
0x30: {  	s3 =	sld [smem:$0x3FAD]  }
0x31: {  	[smem:$0x3FB6] =	sst s10  }
0x32: {  	s10 =	sld [smem:$0x3FB4];
	_ =	sdelay $0x3  }
0x33: {  	p0 =	seq.s32 s10, $0x1;
	s10 =	sld [smem:$0x3FB6];
	_ =	sdelay $0x3  }
0x34: {  	[smem:$0x3FB6] =	sst s10  }
0x35: {  	s10 =	sld [smem:$0x3FB5];
	_ =	sdelay $0x3  }
0x36: {  	p1 =	seq.s32 s10, $0x1;
	s10 =	sld [smem:$0x3FB6];
	_ =	sdelay $0x3  }
0x37: {  	[smem:$0x3FB6] =	sst s10  }
0x38: {  	s10 =	sld [smem:$0x3FB7]  }
0x39: {  	_ = 	snop;
	(pc) =	sbr.ind lr, $3  }
0x3a: {  	_ = 	snop  }
0x3b: {  	_ = 	snop  }
0x3c: {  	p2 =	seq.s32 s10, $0x1;
	s10 =	sld [smem:$0x3FB6]  }
0x3d: {  	_ =	shalt  }
0x3e: {  	_ =	shalt  }
0x3f: {  	_ =	shalt  }
0x40: {  	_ =	shalt  }
0x41: {  	_ =	shalt  }
0x42: {  	_ =	shalt  }
0x43: {  	_ =	shalt  }
0x44: {  	_ =	shalt  }
0x45: {  	_ =	shalt  }
0x46: {  	_ =	shalt  }
0x47: {  	_ =	shalt  }
0x48: {  	_ =	shalt  }
0x49: {  	_ =	shalt  }
0x4a: {  	_ =	shalt  }
0x4b: {  	_ =	shalt  }
0x4c: {  	_ =	shalt  }
0x4d: {  	_ =	shalt  }
0x4e: {  	_ =	shalt  }
0x4f: {  	_ =	shalt  }
0x50: {  	_ =	shalt  }
0x51: {  	_ =	shalt  }
0x52: {  	_ =	shalt  }
0x53: {  	_ =	shalt  }
0x54: {  	_ =	shalt  }
0x55: {  	_ =	shalt  }
0x56: {  	_ =	shalt  }
0x57: {  	_ =	shalt  }
0x58: {  	_ =	shalt  }
0x59: {  	_ =	shalt  }
0x5a: {  	_ =	shalt  }
0x5b: {  	_ =	shalt  }
0x5c: {  	_ =	shalt  }
0x5d: {  	_ =	shalt  }
0x5e: {  	_ =	shalt  }
0x5f: {  	_ =	shalt  }
0x60: {  	_ =	shalt  }
0x61: {  	_ =	shalt  }
0x62: {  	_ =	shalt  }
0x63: {  	_ =	shalt  }
0x64: {  	_ =	shalt  }
0x65: {  	_ =	shalt  }
0x66: {  	_ =	shalt  }
0x67: {  	_ =	shalt  }
0x68: {  	_ =	shalt  }
0x69: {  	_ =	shalt  }
0x6a: {  	_ =	shalt  }
0x6b: {  	_ =	shalt  }
0x6c: {  	_ =	shalt  }
0x6d: {  	_ =	shalt  }
0x6e: {  	_ =	shalt  }
0x6f: {  	_ =	shalt  }
0x70: {  	_ =	shalt  }
0x71: {  	_ =	shalt  }
0x72: {  	_ =	shalt  }
0x73: {  	_ =	shalt  }
0x74: {  	_ =	shalt  }
0x75: {  	_ =	shalt  }
0x76: {  	_ =	shalt  }
0x77: {  	_ =	shalt  }
0x78: {  	_ =	shalt  }
0x79: {  	_ =	shalt  }
0x7a: {  	_ =	shalt  }
0x7b: {  	_ =	shalt  }
0x7c: {  	_ =	shalt  }
0x7d: {  	_ =	shalt  }
0x7e: {  	_ =	shalt  }
0x7f: {  	_ =	shalt  }
0x80: {  	_ =	shalt  }
0x81: {  	_ =	shalt  }
0x82: {  	_ =	shalt  }
0x83: {  	_ =	shalt  }
0x84: {  	_ =	shalt  }
0x85: {  	_ =	shalt  }
0x86: {  	_ =	shalt  }
0x87: {  	_ =	shalt  }
.Lfunc_end0:
.L_simem_size_0:
called_computation.1_lowered:
.L_overlay_start_0:
0x88: {  	s2 =	sld [smem:$0x3FD9]  }
0x89: {  	s3 =	sld [smem:$0x3FFE];
	_ =	sdelay $0x1  }
0x8a: {  	s1 =	srdreg.scid  }
0x8b: {  	s0 =	sand.u32 $0x1, s1  }
0x8c: {  	s14 =	sshll.u32 s0, $0xA;
	s2 =	sadd.s32 s3, s2  }
0x8d: {  	s2 =	sadd.s32 s2, s14  }
0x8e: {  	[smem:$0x3FC2] =	sst s2  }
0x8f: {  	_ = 	snop  }
0x90: {  	s2 =	sld [smem:$0x3FD0];
	_ =	sdelay $0x2  }
0x91: {  	s15 =	simm.s32 $0xA;
	s4 =	simm.s32 $0x10  }
0x92: {  	[smem:s4], [sflag:s15] =	dma.local [hbm:s2], $0x1  }
0x93: {  	_ =	swait.eq [sflag:s15], $0x1  }
0x94: {  	[sflag:s15] =	ssyncset.done $0x0  }
0x95: {  	[sflag:s15] =	ssyncadd.s32 $0xFFFFFFFF  }
0x96: {  	s16 =	sld [smem:$0x10];
	(tm) =	ssettm $0x1  }
0x97: {  	s17 =	sld [smem:$0x3FFB];
	_ =	sdelay $0x3  }
0x98: {  	_ =	strace s17  }
0x99: {  	s3 =	sld [smem:$0x3FFC];
	_ =	sdelay $0x3  }
0x9a: {  	_ =	strace s3  }
0x9b: {  	s3 =	sld [smem:$0x3FFD];
	_ =	sdelay $0x3  }
0x9c: {  	_ =	strace s3  }
0x9d: {  	_ =	strace $0x8FFFFFFF  }
0x9e: {  	s18 =	sld [smem:$0x3FDB];
	_ =	sdelay $0x1  }
0x9f: {  	s19 =	simm.s32 $_scs_section_size  }
0xa0: {  	s5 =	simm.s32 $_size__tile_overlayer_lowered;
	s6 =	simm.s32 $_tile_overlayer_lowered  }
0xa1: {  	s22 =	simm.s32 $0x1BFF;
	s21 =	sshll.u32 s6, $0x1;
	s3 =	sadd.s32 s19, s18  }
0xa2: {  	s7 =	simm.s32 $0x0;
	s20 =	sshll.u32 s5, $0x1;
	s5 =	sadd.s32 s21, s3  }
0xa3: {  	[timem:s7], [sflag:s22] =	dma.local [hbm:s5], s20  }
0xa4: {  	_ =	swait.ge [sflag:s22], s20  }
0xa5: {  	s4 =	ssub.s32 $0x0, s20;
	[sflag:s22] =	ssyncset.done $0x0  }
0xa6: {  	[sflag:s22] =	ssyncadd.s32 s4;
	_ =	sdelay $0x1  }
0xa7: {  	s23 =	simm.s32 $0x1B8B  }
0xa8: {  	_ =	swait.ge [sflag:s23], $0x1  }
0xa9: {  	[sflag:s23] =	ssyncset.done $0x0  }
0xaa: {  	s25 =	simm.s32 $0x1B8E;
	s24 =	sld [smem:$0x3FFE];
	[sflag:s23] =	ssyncadd.s32 $0xFFFFFFFF  }
0xab: {  	s26 =	simm.s32 $execute0_lowered;
	[smem:$0x3FD2] =	sst s25  }
0xac: {  	s5 =	sshll.u32 s26, $0x1;
	_ =	strace $0x80000049;
	[dreg:$0x1] =	wrdreg $0xFFFFFFFF  }
0xad: {  	s28 =	simm.s32 $_size_execute0_lowered;
	s3 =	sadd.s32 s3, s5;
	[dreg:$0x0] =	wrdreg $0x0  }
0xae: {  	s5 =	sshll.u32 s28, $0x1;
	[dreg:$0x2] =	wrdreg s3  }
0xaf: {  	[dreg:$0x3] =	wrdreg s5  }
0xb0: {  	[dreg:$0x4] =	wrdreg $0xC0  }
0xb1: {  	_ =	task [dreg:s7], $0x5FFFF  }
0xb2: {  	[dreg:$0x1] =	wrdreg $0xFFFFFFFF  }
0xb3: {  	[dreg:$0x0] =	wrdreg $0x60  }
0xb4: {  	[dreg:$0x2] =	wrdreg s24  }
0xb5: {  	[dreg:$0x3] =	wrdreg s16  }
0xb6: {  	[dreg:$0x4] =	wrdreg $0x9  }
0xb7: {  	_ =	task.clear_ibuf [dreg:s7], $0x5FFFF;
	_ =	strace $0x90000049  }
0xb8: {  	s29 =	simm.s32 $0x9;
	_ =	strace $0x8000004B  }
0xb9: {  	_ =	swait.ge [sflag:s29], $0x1  }
0xba: {  	[sflag:s29] =	ssyncadd.s32 $0xFFFFFFFF  }
0xbb: {  	_ =	strace $0x9000004B  }
0xbc: {  	_ =	sfence  }
0xbd: {  	s30 =	sld [smem:$0x0];
	_ =	sdelay $0x2  }
0xbe: {  	s31 =	sshll.u32 s1, $0xD;
	s1 =	sshrl.u32 s1, $0x2  }
0xbf: {  	s3 =	sand.u32 $0x4000, s31;
	s1 =	sadd.s32 s1, s30  }
0xc0: {  	s0 =	sor.u32 s3, s0;
	s1 =	sshll.u32 s1, $0x11  }
0xc1: {  	s0 =	sor.u32 s1, s0  }
0xc2: {  	s0 =	sadd.s32 $0x8F2B, s0  }
0xc3: {  	[sflag:s0] =	ssyncadd.remote.s32 $0x1  }
0xc4: {  	_ =	sfence.sel $0xFFFF  }
0xc5: {  	[dreg:$0x0] =	wrdreg $0xFFFFFFFF;
	(pc) =	sbr.abs _section_cstart, $3  }
0xc6: {  	[dreg:$0x1] =	wrdreg $0xFFFFFFFF  }
0xc7: {  	_ =	task.clear_ibuf [dreg:s7], $0x2FFFF;
	_ =	strace $0x9FFFFFFF  }
0xc8: {  	(tm) =	ssettm $0x7FFFFFFF  }
0xc9: {  	_ =	shalt  }
tec
execute0_lowered:
.L_overlay_start_1:
0x0: {  	(tag) =	ssettag $0x1  }
0x1: {  	s1 =	srdreg.scid;
	s2 =	stileid.u32  }
0x2: {  	s1 =	sand.u32 $0x1, s1;
	s2 =	sshll.u32 s2, $0x1  }
0x3: {  	s0 =	rddreg [dreg:$0x0];
	s4 =	sor.u32 s1, s2  }
0x4: {  	s3 =	rddreg [dreg:$0x1];
	s5 =	sshll.u32 s4, $0x8  }
0x5: {  	s2 =	simm.s32 $0x0;
	s6 =	smul.u32 $0xC000, s4;
	s5 =	sadd.s32 s5, s0  }
0x6: {  	[smem:$0x7FF] =	sst s2;
	s5 =	sadd.s32 $0x41600, s5  }
0x7: {  	_ =	strace $0x8000004A;
	s6 =	sadd.s32 s3, s6;
	[dreg:$0x3] =	wrdreg s5  }
0x8: {  	s17 =	sadd.s32 $0xC00, s6;
	[dreg:$0x13] =	wrdreg s6  }
0x9: {  	s4 =	smul.u32 $0x60000, s4;
	s18 =	sadd.s32 $0x1800, s6;
	[dreg:$0x4] =	wrdreg s17  }
0xa: {  	s19 =	sadd.s32 $0x2400, s6;
	[dreg:$0x5] =	wrdreg s18  }
0xb: {  	s4 =	sshrl.u32 s4, $0x3;
	s20 =	sadd.s32 $0x3000, s6;
	[dreg:$0x6] =	wrdreg s19  }
0xc: {  	s21 =	sadd.s32 $0x3C00, s6;
	s3 =	sadd.s32 s3, s4;
	[dreg:$0x7] =	wrdreg s20  }
0xd: {  	[dreg:$0x8] =	wrdreg s21;
	s4 =	sadd.s32 $0x4800, s3  }
0xe: {  	s8 =	simm.s32 $0x1;
	s22 =	sadd.s32 $0x5400, s3;
	[dreg:$0x9] =	wrdreg s4  }
0xf: {  	s13 =	simm.s32 $0x6800;
	s23 =	sadd.s32 $0x6000, s3;
	[dreg:$0xa] =	wrdreg s22  }
0x10: {  	s1 =	ssub.s32 $0x2, s1;
	s24 =	sadd.s32 $0x6C00, s3;
	[dreg:$0xb] =	wrdreg s23  }
0x11: {  	s29 =	sshrl.u32 s1, $0x1;
	s25 =	sadd.s32 $0x7800, s3;
	[dreg:$0xc] =	wrdreg s24  }
0x12: {  	s1 =	ssub.s32 s1, s29;
	s26 =	sadd.s32 $0x8400, s3;
	[dreg:$0xd] =	wrdreg s25  }
0x13: {  	s7 =	smax.u32 s1, $0x1;
	s28 =	sadd.s32 $0x9000, s3;
	[dreg:$0xe] =	wrdreg s26  }
0x14: {  	s1 =	simm.s32 $0x800;
	s30 =	sadd.s32 $0x9C00, s3;
	[dreg:$0xf] =	wrdreg s28  }
0x15: {  	v2 =	vlaneseq.u32;
	s5 =	sadd.s32 $0x1CF700, s0;
	s31 =	sadd.s32 $0xA800, s3;
	[dreg:$0x10] =	wrdreg s30  }
0x16: {  	vm0 =	vmmov $0xffff;
	v1 =	vshrl.u32 v2, $0x3;
	s6 =	sadd.s32 $0x1CF800, s0;
	s3 =	sadd.s32 $0xB400, s3;
	[dreg:$0x11] =	wrdreg s31  }
0x17: {  	v0 =	vand.u32 $0x7, v2;
	v2 =	vor.u32 $0x8, v2;
	v1 =	vmul.u32 $0x8, v1;
	s4 =	sadd.s32 $0x1CF600, s0;
	[dreg:$0x12] =	wrdreg s3;
	s25 =	simm.s32 $0x2  }
.LBB2_1:
0x18: {  	s26 =	rddreg [dreg:$0x3];
	s3 =	simm.s32 $0x3  }
0x19: {  	[tilespmem:s2], [sflag:$0x3] =	stream.linear.gather [hbm4b:s26+s2], $0x800, $0x38;
	[tilespmem:$0x1E800] =	vst v63  }
0x1a: {  	_ =	swait.ge [sflag:s3], $0x800  }
0x1b: {  	[sflag:s3] =	ssyncset.done $0x0  }
0x1c: {  	[sflag:s3] =	ssyncadd.s32 $0xFFFFF800  }
0x1d: {  	v3 =	vld [tilespmem:$0x0];
	_ =	sdelay $0x4  }
0x1e: {  	v4 =	vshrl.u32 v3, $0x3  }
0x1f: {  	v4 =	vmul.u32 $0x30, v4  }
0x20: {  	v3 =	vand.u32 $0x7, v3  }
0x21: {  	v3 =	vor.u32 v3, v4  }
0x22: {  	v4 =	vperm.xlane v3, v0;
	_ =	sdelay $0x1  }
0x23: {  	v4 =	vadd.s32 v1, v4;
	_ =	sdelay $0x3  }
0x24: {  	v3 =	vperm.xlane v3, v2  }
0x25: {  	[tilespmem:s1], [sflag:$0x1] =	stream.indirect_vreg.gather [hbm4b:s4+s2], $0x80, v4, vm0, $0xb8;
	[tilespmem:$0x1E800] =	vst v63  }
0x26: {  	s0 =	simm.s32 $0x1000;
	v3 =	vadd.s32 v1, v3  }
0x27: {  	[tilespmem:s0], [sflag:$0x1] =	stream.indirect_vreg.gather [hbm4b:s5+s2], $0x80, v4, vm0, $0xb8;
	[tilespmem:$0x1E800] =	vst v63  }
0x28: {  	s9 =	simm.s32 $0x1800  }
0x29: {  	[tilespmem:s9], [sflag:$0x1] =	stream.indirect_vreg.gather [hbm4b:s6+s2], $0x80, v4, vm0, $0xb8;
	[tilespmem:$0x1E800] =	vst v63  }
0x2a: {  	s10 =	simm.s32 $0x2000  }
0x2b: {  	[tilespmem:s10], [sflag:$0x1] =	stream.indirect_vreg.gather [hbm4b:s4+s2], $0x80, v3, vm0, $0xb8;
	[tilespmem:$0x1E800] =	vst v63  }
0x2c: {  	s11 =	simm.s32 $0x2800  }
0x2d: {  	[tilespmem:s11], [sflag:$0x1] =	stream.indirect_vreg.gather [hbm4b:s5+s2], $0x80, v3, vm0, $0xb8;
	[tilespmem:$0x1E800] =	vst v63  }
0x2e: {  	s12 =	simm.s32 $0x3000  }
0x2f: {  	[tilespmem:s12], [sflag:$0x1] =	stream.indirect_vreg.gather [hbm4b:s6+s2], $0x80, v3, vm0, $0xb8;
	[tilespmem:$0x1E800] =	vst v63  }
0x30: {  	v3 =	vld [tilespmem:$0x10];
	_ =	sdelay $0x4  }
0x31: {  	v33 =	vshrl.u32 v3, $0x3  }
0x32: {  	v4 =	vmul.u32 $0x30, v33  }
0x33: {  	v3 =	vand.u32 $0x7, v3  }
0x34: {  	v3 =	vor.u32 v3, v4  }
0x35: {  	v4 =	vperm.xlane v3, v0;
	_ =	sdelay $0x1  }
0x36: {  	v4 =	vadd.s32 v1, v4;
	_ =	sdelay $0x3  }
0x37: {  	s14 =	simm.s32 $0x3800;
	v3 =	vperm.xlane v3, v2  }
0x38: {  	[tilespmem:s14], [sflag:$0x1] =	stream.indirect_vreg.gather [hbm4b:s4+s2], $0x80, v4, vm0, $0xb8;
	[tilespmem:$0x1E800] =	vst v63  }
0x39: {  	s15 =	simm.s32 $0x4000;
	v3 =	vadd.s32 v1, v3  }
0x3a: {  	[tilespmem:s15], [sflag:$0x1] =	stream.indirect_vreg.gather [hbm4b:s5+s2], $0x80, v4, vm0, $0xb8;
	[tilespmem:$0x1E800] =	vst v63  }
0x3b: {  	s16 =	simm.s32 $0x4800  }
0x3c: {  	[tilespmem:s16], [sflag:$0x1] =	stream.indirect_vreg.gather [hbm4b:s6+s2], $0x80, v4, vm0, $0xb8;
	[tilespmem:$0x1E800] =	vst v63  }
0x3d: {  	s17 =	simm.s32 $0x5000  }
0x3e: {  	[tilespmem:s17], [sflag:$0x1] =	stream.indirect_vreg.gather [hbm4b:s4+s2], $0x80, v3, vm0, $0xb8;
	[tilespmem:$0x1E800] =	vst v63  }
0x3f: {  	s18 =	simm.s32 $0x5800  }
0x40: {  	[tilespmem:s18], [sflag:$0x1] =	stream.indirect_vreg.gather [hbm4b:s5+s2], $0x80, v3, vm0, $0xb8;
	[tilespmem:$0x1E800] =	vst v63  }
0x41: {  	s21 =	simm.s32 $0x6000  }
0x42: {  	[tilespmem:s21], [sflag:$0x1] =	stream.indirect_vreg.gather [hbm4b:s6+s2], $0x80, v3, vm0, $0xb8;
	[tilespmem:$0x1E800] =	vst v63  }
0x43: {  	v3 =	vld [tilespmem:$0x80];
	_ =	sdelay $0x4  }
0x44: {  	v34 =	vshrl.u32 v3, $0x3  }
0x45: {  	v4 =	vmul.u32 $0x30, v34  }
0x46: {  	v3 =	vand.u32 $0x7, v3  }
0x47: {  	v3 =	vor.u32 v3, v4  }
0x48: {  	v4 =	vperm.xlane v3, v0;
	_ =	sdelay $0x1  }
0x49: {  	v4 =	vadd.s32 v1, v4;
	_ =	sdelay $0x3  }
0x4a: {  	v3 =	vperm.xlane v3, v2  }
0x4b: {  	[tilespmem:s13], [sflag:$0x1] =	stream.indirect_vreg.gather [hbm4b:s4+s2], $0x80, v4, vm0, $0xb8;
	[tilespmem:$0x1E800] =	vst v63  }
0x4c: {  	s22 =	simm.s32 $0x7000;
	v3 =	vadd.s32 v1, v3  }
0x4d: {  	[tilespmem:s22], [sflag:$0x1] =	stream.indirect_vreg.gather [hbm4b:s5+s2], $0x80, v4, vm0, $0xb8;
	[tilespmem:$0x1E800] =	vst v63  }
0x4e: {  	s23 =	simm.s32 $0x7800  }
0x4f: {  	[tilespmem:s23], [sflag:$0x1] =	stream.indirect_vreg.gather [hbm4b:s6+s2], $0x80, v4, vm0, $0xb8;
	[tilespmem:$0x1E800] =	vst v63  }
0x50: {  	s24 =	simm.s32 $0x8000  }
0x51: {  	[tilespmem:s24], [sflag:$0x1] =	stream.indirect_vreg.gather [hbm4b:s4+s2], $0x80, v3, vm0, $0xb8;
	[tilespmem:$0x1E800] =	vst v63  }
0x52: {  	s26 =	simm.s32 $0x8800  }
0x53: {  	[tilespmem:s26], [sflag:$0x1] =	stream.indirect_vreg.gather [hbm4b:s5+s2], $0x80, v3, vm0, $0xb8;
	[tilespmem:$0x1E800] =	vst v63  }
0x54: {  	s28 =	simm.s32 $0x9000  }
0x55: {  	[tilespmem:s28], [sflag:$0x1] =	stream.indirect_vreg.gather [hbm4b:s6+s2], $0x80, v3, vm0, $0xb8;
	[tilespmem:$0x1E800] =	vst v63  }
0x56: {  	v3 =	vld [tilespmem:$0x90];
	_ =	sdelay $0x4  }
0x57: {  	v35 =	vshrl.u32 v3, $0x3  }
0x58: {  	v4 =	vmul.u32 $0x30, v35  }
0x59: {  	v3 =	vand.u32 $0x7, v3  }
0x5a: {  	v3 =	vor.u32 v3, v4  }
0x5b: {  	v4 =	vperm.xlane v3, v0;
	_ =	sdelay $0x1  }
0x5c: {  	v4 =	vadd.s32 v1, v4;
	_ =	sdelay $0x3  }
0x5d: {  	s29 =	simm.s32 $0x9800;
	v3 =	vperm.xlane v3, v2  }
0x5e: {  	[tilespmem:s29], [sflag:$0x1] =	stream.indirect_vreg.gather [hbm4b:s4+s2], $0x80, v4, vm0, $0xb8;
	[tilespmem:$0x1E800] =	vst v63  }
0x5f: {  	s30 =	simm.s32 $0xA000;
	v3 =	vadd.s32 v1, v3  }
0x60: {  	[tilespmem:s30], [sflag:$0x1] =	stream.indirect_vreg.gather [hbm4b:s5+s2], $0x80, v4, vm0, $0xb8;
	[tilespmem:$0x1E800] =	vst v63  }
0x61: {  	s3 =	simm.s32 $0xA800  }
0x62: {  	[tilespmem:s3], [sflag:$0x1] =	stream.indirect_vreg.gather [hbm4b:s6+s2], $0x80, v4, vm0, $0xb8;
	[tilespmem:$0x1E800] =	vst v63  }
0x63: {  	s9 =	simm.s32 $0xB000  }
0x64: {  	[tilespmem:s9], [sflag:$0x1] =	stream.indirect_vreg.gather [hbm4b:s4+s2], $0x80, v3, vm0, $0xb8;
	[tilespmem:$0x1E800] =	vst v63  }
0x65: {  	s14 =	simm.s32 $0xB800  }
0x66: {  	[tilespmem:s14], [sflag:$0x1] =	stream.indirect_vreg.gather [hbm4b:s5+s2], $0x80, v3, vm0, $0xb8;
	[tilespmem:$0x1E800] =	vst v63  }
0x67: {  	s15 =	simm.s32 $0xC000  }
0x68: {  	[tilespmem:s15], [sflag:$0x1] =	stream.indirect_vreg.gather [hbm4b:s6+s2], $0x80, v3, vm0, $0xb8;
	[tilespmem:$0x1E800] =	vst v63  }
0x69: {  	v3 =	vld [tilespmem:$0x100];
	_ =	sdelay $0x4  }
0x6a: {  	v36 =	vshrl.u32 v3, $0x3  }
0x6b: {  	v4 =	vmul.u32 $0x30, v36  }
0x6c: {  	v3 =	vand.u32 $0x7, v3  }
0x6d: {  	v3 =	vor.u32 v3, v4  }
0x6e: {  	v4 =	vperm.xlane v3, v0;
	_ =	sdelay $0x1  }
0x6f: {  	v4 =	vadd.s32 v1, v4;
	_ =	sdelay $0x3  }
0x70: {  	s16 =	simm.s32 $0xC800;
	v3 =	vperm.xlane v3, v2  }
0x71: {  	[tilespmem:s16], [sflag:$0x1] =	stream.indirect_vreg.gather [hbm4b:s4+s2], $0x80, v4, vm0, $0xb8;
	[tilespmem:$0x1E800] =	vst v63  }
0x72: {  	s3 =	simm.s32 $0xD000;
	v3 =	vadd.s32 v1, v3  }
0x73: {  	[tilespmem:s3], [sflag:$0x1] =	stream.indirect_vreg.gather [hbm4b:s5+s2], $0x80, v4, vm0, $0xb8;
	[tilespmem:$0x1E800] =	vst v63  }
0x74: {  	s17 =	simm.s32 $0xD800  }
0x75: {  	[tilespmem:s17], [sflag:$0x1] =	stream.indirect_vreg.gather [hbm4b:s6+s2], $0x80, v4, vm0, $0xb8;
	[tilespmem:$0x1E800] =	vst v63  }
0x76: {  	s18 =	simm.s32 $0xE000  }
0x77: {  	[tilespmem:s18], [sflag:$0x1] =	stream.indirect_vreg.gather [hbm4b:s4+s2], $0x80, v3, vm0, $0xb8;
	[tilespmem:$0x1E800] =	vst v63  }
0x78: {  	s21 =	simm.s32 $0xE800  }
0x79: {  	[tilespmem:s21], [sflag:$0x1] =	stream.indirect_vreg.gather [hbm4b:s5+s2], $0x80, v3, vm0, $0xb8;
	[tilespmem:$0x1E800] =	vst v63  }
0x7a: {  	s22 =	simm.s32 $0xF000  }
0x7b: {  	[tilespmem:s22], [sflag:$0x1] =	stream.indirect_vreg.gather [hbm4b:s6+s2], $0x80, v3, vm0, $0xb8;
	[tilespmem:$0x1E800] =	vst v63  }
0x7c: {  	v3 =	vld [tilespmem:$0x110];
	_ =	sdelay $0x4  }
0x7d: {  	v37 =	vshrl.u32 v3, $0x3  }
0x7e: {  	v4 =	vmul.u32 $0x30, v37  }
0x7f: {  	v3 =	vand.u32 $0x7, v3  }
0x80: {  	v3 =	vor.u32 v3, v4  }
0x81: {  	v4 =	vperm.xlane v3, v0;
	_ =	sdelay $0x1  }
0x82: {  	v4 =	vadd.s32 v1, v4;
	_ =	sdelay $0x3  }
0x83: {  	s26 =	simm.s32 $0xF800;
	v3 =	vperm.xlane v3, v2  }
0x84: {  	[tilespmem:s26], [sflag:$0x1] =	stream.indirect_vreg.gather [hbm4b:s4+s2], $0x80, v4, vm0, $0xb8;
	[tilespmem:$0x1E800] =	vst v63  }
0x85: {  	s9 =	simm.s32 $0x10000;
	v3 =	vadd.s32 v1, v3  }
0x86: {  	[tilespmem:s9], [sflag:$0x1] =	stream.indirect_vreg.gather [hbm4b:s5+s2], $0x80, v4, vm0, $0xb8;
	[tilespmem:$0x1E800] =	vst v63  }
0x87: {  	s15 =	simm.s32 $0x10800  }
0x88: {  	[tilespmem:s15], [sflag:$0x1] =	stream.indirect_vreg.gather [hbm4b:s6+s2], $0x80, v4, vm0, $0xb8;
	[tilespmem:$0x1E800] =	vst v63  }
0x89: {  	s16 =	simm.s32 $0x11000  }
0x8a: {  	[tilespmem:s16], [sflag:$0x1] =	stream.indirect_vreg.gather [hbm4b:s4+s2], $0x80, v3, vm0, $0xb8;
	[tilespmem:$0x1E800] =	vst v63  }
0x8b: {  	s17 =	simm.s32 $0x11800  }
0x8c: {  	[tilespmem:s17], [sflag:$0x1] =	stream.indirect_vreg.gather [hbm4b:s5+s2], $0x80, v3, vm0, $0xb8;
	[tilespmem:$0x1E800] =	vst v63  }
0x8d: {  	s18 =	simm.s32 $0x12000  }
0x8e: {  	[tilespmem:s18], [sflag:$0x1] =	stream.indirect_vreg.gather [hbm4b:s6+s2], $0x80, v3, vm0, $0xb8;
	[tilespmem:$0x1E800] =	vst v63  }
0x8f: {  	v3 =	vld [tilespmem:$0x180];
	_ =	sdelay $0x4  }
0x90: {  	v38 =	vshrl.u32 v3, $0x3  }
0x91: {  	v4 =	vmul.u32 $0x30, v38  }
0x92: {  	v3 =	vand.u32 $0x7, v3  }
0x93: {  	v3 =	vor.u32 v3, v4  }
0x94: {  	v4 =	vperm.xlane v3, v0;
	_ =	sdelay $0x1  }
0x95: {  	v4 =	vadd.s32 v1, v4;
	_ =	sdelay $0x3  }
0x96: {  	s3 =	simm.s32 $0x12800;
	v3 =	vperm.xlane v3, v2  }
0x97: {  	[tilespmem:s3], [sflag:$0x1] =	stream.indirect_vreg.gather [hbm4b:s4+s2], $0x80, v4, vm0, $0xb8;
	[tilespmem:$0x1E800] =	vst v63  }
0x98: {  	s9 =	simm.s32 $0x13000;
	v3 =	vadd.s32 v1, v3  }
0x99: {  	[tilespmem:s9], [sflag:$0x1] =	stream.indirect_vreg.gather [hbm4b:s5+s2], $0x80, v4, vm0, $0xb8;
	[tilespmem:$0x1E800] =	vst v63  }
0x9a: {  	s21 =	simm.s32 $0x13800  }
0x9b: {  	[tilespmem:s21], [sflag:$0x1] =	stream.indirect_vreg.gather [hbm4b:s6+s2], $0x80, v4, vm0, $0xb8;
	[tilespmem:$0x1E800] =	vst v63  }
0x9c: {  	s22 =	simm.s32 $0x14000  }
0x9d: {  	[tilespmem:s22], [sflag:$0x1] =	stream.indirect_vreg.gather [hbm4b:s4+s2], $0x80, v3, vm0, $0xb8;
	[tilespmem:$0x1E800] =	vst v63  }
0x9e: {  	s26 =	simm.s32 $0x14800  }
0x9f: {  	[tilespmem:s26], [sflag:$0x1] =	stream.indirect_vreg.gather [hbm4b:s5+s2], $0x80, v3, vm0, $0xb8;
	[tilespmem:$0x1E800] =	vst v63  }
0xa0: {  	s15 =	simm.s32 $0x15000  }
0xa1: {  	[tilespmem:s15], [sflag:$0x1] =	stream.indirect_vreg.gather [hbm4b:s6+s2], $0x80, v3, vm0, $0xb8;
	[tilespmem:$0x1E800] =	vst v63  }
0xa2: {  	v3 =	vld [tilespmem:$0x190];
	_ =	sdelay $0x4  }
0xa3: {  	v39 =	vshrl.u32 v3, $0x3  }
0xa4: {  	v4 =	vmul.u32 $0x30, v39  }
0xa5: {  	v3 =	vand.u32 $0x7, v3  }
0xa6: {  	v3 =	vor.u32 v3, v4  }
0xa7: {  	v4 =	vperm.xlane v3, v0;
	_ =	sdelay $0x1  }
0xa8: {  	v4 =	vadd.s32 v1, v4;
	_ =	sdelay $0x3  }
0xa9: {  	s16 =	simm.s32 $0x15800;
	v3 =	vperm.xlane v3, v2  }
0xaa: {  	[tilespmem:s16], [sflag:$0x1] =	stream.indirect_vreg.gather [hbm4b:s4+s2], $0x80, v4, vm0, $0xb8;
	[tilespmem:$0x1E800] =	vst v63  }
0xab: {  	s17 =	simm.s32 $0x16000;
	v3 =	vadd.s32 v1, v3  }
0xac: {  	[tilespmem:s17], [sflag:$0x1] =	stream.indirect_vreg.gather [hbm4b:s5+s2], $0x80, v4, vm0, $0xb8;
	[tilespmem:$0x1E800] =	vst v63  }
0xad: {  	s18 =	simm.s32 $0x16800  }
0xae: {  	[tilespmem:s18], [sflag:$0x1] =	stream.indirect_vreg.gather [hbm4b:s6+s2], $0x80, v4, vm0, $0xb8;
	[tilespmem:$0x1E800] =	vst v63  }
0xaf: {  	s21 =	simm.s32 $0x17000  }
0xb0: {  	[tilespmem:s21], [sflag:$0x1] =	stream.indirect_vreg.gather [hbm4b:s4+s2], $0x80, v3, vm0, $0xb8;
	[tilespmem:$0x1E800] =	vst v63  }
0xb1: {  	s22 =	simm.s32 $0x17800  }
0xb2: {  	[tilespmem:s22], [sflag:$0x1] =	stream.indirect_vreg.gather [hbm4b:s5+s2], $0x80, v3, vm0, $0xb8;
	[tilespmem:$0x1E800] =	vst v63  }
0xb3: {  	s26 =	simm.s32 $0x18000  }
0xb4: {  	[tilespmem:s26], [sflag:$0x1] =	stream.indirect_vreg.gather [hbm4b:s6+s2], $0x80, v3, vm0, $0xb8;
	[tilespmem:$0x1E800] =	vst v63  }
0xb5: {  	_ =	swait.ge [sflag:s8], $0x6000  }
0xb6: {  	[sflag:s8] =	ssyncset.done $0x0  }
0xb7: {  	s15 =	rddreg [dreg:$0x13];
	[sflag:s8] =	ssyncadd.s32 $0xFFFFA000  }
0xb8: {  	[hbm4b:s15+s2] =	stream.linear.scatter [tilespmem:s1], [sflag:$0x2], $0x6000, $0x38;
	[tilespmem:$0x1E800] =	vst v63  }
0xb9: {  	v3 =	vld [tilespmem:$0x200];
	_ =	sdelay $0x4  }
0xba: {  	v40 =	vshrl.u32 v3, $0x3  }
0xbb: {  	v4 =	vmul.u32 $0x30, v40  }
0xbc: {  	v3 =	vand.u32 $0x7, v3  }
0xbd: {  	v3 =	vor.u32 v3, v4  }
0xbe: {  	v4 =	vperm.xlane v3, v0;
	_ =	sdelay $0x1  }
0xbf: {  	v4 =	vadd.s32 v1, v4;
	_ =	sdelay $0x3  }
0xc0: {  	s9 =	simm.s32 $0x18800;
	v3 =	vperm.xlane v3, v2  }
0xc1: {  	[tilespmem:s9], [sflag:$0x1] =	stream.indirect_vreg.gather [hbm4b:s4+s2], $0x80, v4, vm0, $0xb8;
	[tilespmem:$0x1E800] =	vst v63  }
0xc2: {  	s15 =	simm.s32 $0x19000;
	v3 =	vadd.s32 v1, v3  }
0xc3: {  	[tilespmem:s15], [sflag:$0x1] =	stream.indirect_vreg.gather [hbm4b:s5+s2], $0x80, v4, vm0, $0xb8;
	[tilespmem:$0x1E800] =	vst v63  }
0xc4: {  	s16 =	simm.s32 $0x19800  }
0xc5: {  	[tilespmem:s16], [sflag:$0x1] =	stream.indirect_vreg.gather [hbm4b:s6+s2], $0x80, v4, vm0, $0xb8;
	[tilespmem:$0x1E800] =	vst v63  }
0xc6: {  	s17 =	simm.s32 $0x1A000  }
0xc7: {  	[tilespmem:s17], [sflag:$0x1] =	stream.indirect_vreg.gather [hbm4b:s4+s2], $0x80, v3, vm0, $0xb8;
	[tilespmem:$0x1E800] =	vst v63  }
0xc8: {  	s18 =	simm.s32 $0x1A800  }
0xc9: {  	[tilespmem:s18], [sflag:$0x1] =	stream.indirect_vreg.gather [hbm4b:s5+s2], $0x80, v3, vm0, $0xb8;
	[tilespmem:$0x1E800] =	vst v63  }
0xca: {  	s21 =	simm.s32 $0x1B000  }
0xcb: {  	[tilespmem:s21], [sflag:$0x1] =	stream.indirect_vreg.gather [hbm4b:s6+s2], $0x80, v3, vm0, $0xb8;
	[tilespmem:$0x1E800] =	vst v63  }
0xcc: {  	v3 =	vld [tilespmem:$0x210];
	_ =	sdelay $0x4  }
0xcd: {  	v41 =	vshrl.u32 v3, $0x3  }
0xce: {  	v4 =	vmul.u32 $0x30, v41  }
0xcf: {  	v3 =	vand.u32 $0x7, v3  }
0xd0: {  	v3 =	vor.u32 v3, v4  }
0xd1: {  	v4 =	vperm.xlane v3, v0;
	_ =	sdelay $0x1  }
0xd2: {  	v4 =	vadd.s32 v1, v4;
	_ =	sdelay $0x3  }
0xd3: {  	s22 =	simm.s32 $0x1B800;
	v3 =	vperm.xlane v3, v2  }
0xd4: {  	[tilespmem:s22], [sflag:$0x1] =	stream.indirect_vreg.gather [hbm4b:s4+s2], $0x80, v4, vm0, $0xb8;
	[tilespmem:$0x1E800] =	vst v63  }
0xd5: {  	s26 =	simm.s32 $0x1C000;
	v3 =	vadd.s32 v1, v3  }
0xd6: {  	[tilespmem:s26], [sflag:$0x1] =	stream.indirect_vreg.gather [hbm4b:s5+s2], $0x80, v4, vm0, $0xb8;
	[tilespmem:$0x1E800] =	vst v63  }
0xd7: {  	s16 =	simm.s32 $0x1C800  }
0xd8: {  	[tilespmem:s16], [sflag:$0x1] =	stream.indirect_vreg.gather [hbm4b:s6+s2], $0x80, v4, vm0, $0xb8;
	[tilespmem:$0x1E800] =	vst v63  }
0xd9: {  	s17 =	simm.s32 $0x1D000  }
0xda: {  	[tilespmem:s17], [sflag:$0x1] =	stream.indirect_vreg.gather [hbm4b:s4+s2], $0x80, v3, vm0, $0xb8;
	[tilespmem:$0x1E800] =	vst v63  }
0xdb: {  	s18 =	simm.s32 $0x1D800  }
0xdc: {  	[tilespmem:s18], [sflag:$0x1] =	stream.indirect_vreg.gather [hbm4b:s5+s2], $0x80, v3, vm0, $0xb8;
	[tilespmem:$0x1E800] =	vst v63  }
0xdd: {  	s21 =	simm.s32 $0x1E000  }
0xde: {  	[tilespmem:s21], [sflag:$0x1] =	stream.indirect_vreg.gather [hbm4b:s6+s2], $0x80, v3, vm0, $0xb8;
	[tilespmem:$0x1E800] =	vst v63  }
0xdf: {  	_ =	swait.ge [sflag:s8], $0x6000  }
0xe0: {  	[sflag:s8] =	ssyncset.done $0x0  }
0xe1: {  	s22 =	rddreg [dreg:$0x4];
	[sflag:s8] =	ssyncadd.s32 $0xFFFFA000  }
0xe2: {  	[hbm4b:s22+s2] =	stream.linear.scatter [tilespmem:s13], [sflag:$0x2], $0x6000, $0x38;
	[tilespmem:$0x1E800] =	vst v63  }
0xe3: {  	_ =	swait.ge [sflag:s25], $0x6000  }
0xe4: {  	[sflag:s25] =	ssyncset.done $0x0  }
0xe5: {  	[sflag:s25] =	ssyncadd.s32 $0xFFFFA000  }
0xe6: {  	v3 =	vld [tilespmem:$0x280];
	_ =	sdelay $0x4  }
0xe7: {  	v42 =	vshrl.u32 v3, $0x3  }
0xe8: {  	v4 =	vmul.u32 $0x30, v42  }
0xe9: {  	v3 =	vand.u32 $0x7, v3  }
0xea: {  	v3 =	vor.u32 v3, v4  }
0xeb: {  	v4 =	vperm.xlane v3, v0;
	_ =	sdelay $0x1  }
0xec: {  	v4 =	vadd.s32 v1, v4;
	_ =	sdelay $0x3  }
0xed: {  	v3 =	vperm.xlane v3, v2  }
0xee: {  	[tilespmem:s1], [sflag:$0x1] =	stream.indirect_vreg.gather [hbm4b:s4+s2], $0x80, v4, vm0, $0xb8;
	[tilespmem:$0x1E800] =	vst v63  }
0xef: {  	s15 =	simm.s32 $0x1000;
	v3 =	vadd.s32 v1, v3  }
0xf0: {  	[tilespmem:s15], [sflag:$0x1] =	stream.indirect_vreg.gather [hbm4b:s5+s2], $0x80, v4, vm0, $0xb8;
	[tilespmem:$0x1E800] =	vst v63  }
0xf1: {  	s16 =	simm.s32 $0x1800  }
0xf2: {  	[tilespmem:s16], [sflag:$0x1] =	stream.indirect_vreg.gather [hbm4b:s6+s2], $0x80, v4, vm0, $0xb8;
	[tilespmem:$0x1E800] =	vst v63  }
0xf3: {  	s17 =	simm.s32 $0x2000  }
0xf4: {  	[tilespmem:s17], [sflag:$0x1] =	stream.indirect_vreg.gather [hbm4b:s4+s2], $0x80, v3, vm0, $0xb8;
	[tilespmem:$0x1E800] =	vst v63  }
0xf5: {  	s18 =	simm.s32 $0x2800  }
0xf6: {  	[tilespmem:s18], [sflag:$0x1] =	stream.indirect_vreg.gather [hbm4b:s5+s2], $0x80, v3, vm0, $0xb8;
	[tilespmem:$0x1E800] =	vst v63  }
0xf7: {  	s19 =	simm.s32 $0x3000  }
0xf8: {  	[tilespmem:s19], [sflag:$0x1] =	stream.indirect_vreg.gather [hbm4b:s6+s2], $0x80, v3, vm0, $0xb8;
	[tilespmem:$0x1E800] =	vst v63  }
0xf9: {  	v3 =	vld [tilespmem:$0x290];
	_ =	sdelay $0x4  }
0xfa: {  	v43 =	vshrl.u32 v3, $0x3  }
0xfb: {  	v4 =	vmul.u32 $0x30, v43  }
0xfc: {  	v3 =	vand.u32 $0x7, v3  }
0xfd: {  	v3 =	vor.u32 v3, v4  }
0xfe: {  	v4 =	vperm.xlane v3, v0;
	_ =	sdelay $0x1  }
0xff: {  	v4 =	vadd.s32 v1, v4;
	_ =	sdelay $0x3  }
0x100: {  	s20 =	simm.s32 $0x3800;
	v3 =	vperm.xlane v3, v2  }
0x101: {  	[tilespmem:s20], [sflag:$0x1] =	stream.indirect_vreg.gather [hbm4b:s4+s2], $0x80, v4, vm0, $0xb8;
	[tilespmem:$0x1E800] =	vst v63  }
0x102: {  	s19 =	simm.s32 $0x4000;
	v3 =	vadd.s32 v1, v3  }
0x103: {  	[tilespmem:s19], [sflag:$0x1] =	stream.indirect_vreg.gather [hbm4b:s5+s2], $0x80, v4, vm0, $0xb8;
	[tilespmem:$0x1E800] =	vst v63  }
0x104: {  	s20 =	simm.s32 $0x4800  }
0x105: {  	[tilespmem:s20], [sflag:$0x1] =	stream.indirect_vreg.gather [hbm4b:s6+s2], $0x80, v4, vm0, $0xb8;
	[tilespmem:$0x1E800] =	vst v63  }
0x106: {  	s21 =	simm.s32 $0x5000  }
0x107: {  	[tilespmem:s21], [sflag:$0x1] =	stream.indirect_vreg.gather [hbm4b:s4+s2], $0x80, v3, vm0, $0xb8;
	[tilespmem:$0x1E800] =	vst v63  }
0x108: {  	s22 =	simm.s32 $0x5800  }
0x109: {  	[tilespmem:s22], [sflag:$0x1] =	stream.indirect_vreg.gather [hbm4b:s5+s2], $0x80, v3, vm0, $0xb8;
	[tilespmem:$0x1E800] =	vst v63  }
0x10a: {  	s10 =	simm.s32 $0x6000  }
0x10b: {  	[tilespmem:s10], [sflag:$0x1] =	stream.indirect_vreg.gather [hbm4b:s6+s2], $0x80, v3, vm0, $0xb8;
	[tilespmem:$0x1E800] =	vst v63  }
0x10c: {  	_ =	swait.ge [sflag:s8], $0x6000  }
0x10d: {  	[sflag:s8] =	ssyncset.done $0x0  }
0x10e: {  	s0 =	simm.s32 $0xC800;
	s10 =	rddreg [dreg:$0x5];
	[sflag:s8] =	ssyncadd.s32 $0xFFFFA000  }
0x10f: {  	[hbm4b:s10+s2] =	stream.linear.scatter [tilespmem:s0], [sflag:$0x2], $0x6000, $0x38;
	[tilespmem:$0x1E800] =	vst v63  }
0x110: {  	_ =	swait.ge [sflag:s25], $0x6000  }
0x111: {  	[sflag:s25] =	ssyncset.done $0x0  }
0x112: {  	[sflag:s25] =	ssyncadd.s32 $0xFFFFA000  }
0x113: {  	v3 =	vld [tilespmem:$0x300];
	_ =	sdelay $0x4  }
0x114: {  	v44 =	vshrl.u32 v3, $0x3  }
0x115: {  	v4 =	vmul.u32 $0x30, v44  }
0x116: {  	v3 =	vand.u32 $0x7, v3  }
0x117: {  	v3 =	vor.u32 v3, v4  }
0x118: {  	v4 =	vperm.xlane v3, v0;
	_ =	sdelay $0x1  }
0x119: {  	v4 =	vadd.s32 v1, v4;
	_ =	sdelay $0x3  }
0x11a: {  	v3 =	vperm.xlane v3, v2  }
0x11b: {  	[tilespmem:s13], [sflag:$0x1] =	stream.indirect_vreg.gather [hbm4b:s4+s2], $0x80, v4, vm0, $0xb8;
	[tilespmem:$0x1E800] =	vst v63  }
0x11c: {  	s31 =	simm.s32 $0x7000;
	v3 =	vadd.s32 v1, v3  }
0x11d: {  	[tilespmem:s31], [sflag:$0x1] =	stream.indirect_vreg.gather [hbm4b:s5+s2], $0x80, v4, vm0, $0xb8;
	[tilespmem:$0x1E800] =	vst v63  }
0x11e: {  	s26 =	simm.s32 $0x7800  }
0x11f: {  	[tilespmem:s26], [sflag:$0x1] =	stream.indirect_vreg.gather [hbm4b:s6+s2], $0x80, v4, vm0, $0xb8;
	[tilespmem:$0x1E800] =	vst v63  }
0x120: {  	s31 =	simm.s32 $0x8000  }
0x121: {  	[tilespmem:s31], [sflag:$0x1] =	stream.indirect_vreg.gather [hbm4b:s4+s2], $0x80, v3, vm0, $0xb8;
	[tilespmem:$0x1E800] =	vst v63  }
0x122: {  	s23 =	simm.s32 $0x8800  }
0x123: {  	[tilespmem:s23], [sflag:$0x1] =	stream.indirect_vreg.gather [hbm4b:s5+s2], $0x80, v3, vm0, $0xb8;
	[tilespmem:$0x1E800] =	vst v63  }
0x124: {  	s11 =	simm.s32 $0x9000  }
0x125: {  	[tilespmem:s11], [sflag:$0x1] =	stream.indirect_vreg.gather [hbm4b:s6+s2], $0x80, v3, vm0, $0xb8;
	[tilespmem:$0x1E800] =	vst v63  }
0x126: {  	v3 =	vld [tilespmem:$0x310];
	_ =	sdelay $0x4  }
0x127: {  	v45 =	vshrl.u32 v3, $0x3  }
0x128: {  	v4 =	vmul.u32 $0x30, v45  }
0x129: {  	v3 =	vand.u32 $0x7, v3  }
0x12a: {  	v3 =	vor.u32 v3, v4  }
0x12b: {  	v4 =	vperm.xlane v3, v0;
	_ =	sdelay $0x1  }
0x12c: {  	v4 =	vadd.s32 v1, v4;
	_ =	sdelay $0x3  }
0x12d: {  	s12 =	simm.s32 $0x9800;
	v3 =	vperm.xlane v3, v2  }
0x12e: {  	[tilespmem:s12], [sflag:$0x1] =	stream.indirect_vreg.gather [hbm4b:s4+s2], $0x80, v4, vm0, $0xb8;
	[tilespmem:$0x1E800] =	vst v63  }
0x12f: {  	s24 =	simm.s32 $0xA000;
	v3 =	vadd.s32 v1, v3  }
0x130: {  	[tilespmem:s24], [sflag:$0x1] =	stream.indirect_vreg.gather [hbm4b:s5+s2], $0x80, v4, vm0, $0xb8;
	[tilespmem:$0x1E800] =	vst v63  }
0x131: {  	s28 =	simm.s32 $0xA800  }
0x132: {  	[tilespmem:s28], [sflag:$0x1] =	stream.indirect_vreg.gather [hbm4b:s6+s2], $0x80, v4, vm0, $0xb8;
	[tilespmem:$0x1E800] =	vst v63  }
0x133: {  	s29 =	simm.s32 $0xB000  }
0x134: {  	[tilespmem:s29], [sflag:$0x1] =	stream.indirect_vreg.gather [hbm4b:s4+s2], $0x80, v3, vm0, $0xb8;
	[tilespmem:$0x1E800] =	vst v63  }
0x135: {  	s30 =	simm.s32 $0xB800  }
0x136: {  	[tilespmem:s30], [sflag:$0x1] =	stream.indirect_vreg.gather [hbm4b:s5+s2], $0x80, v3, vm0, $0xb8;
	[tilespmem:$0x1E800] =	vst v63  }
0x137: {  	s14 =	simm.s32 $0xC000  }
0x138: {  	[tilespmem:s14], [sflag:$0x1] =	stream.indirect_vreg.gather [hbm4b:s6+s2], $0x80, v3, vm0, $0xb8;
	[tilespmem:$0x1E800] =	vst v63  }
0x139: {  	_ =	swait.ge [sflag:s8], $0x6000  }
0x13a: {  	[sflag:s8] =	ssyncset.done $0x0  }
0x13b: {  	s14 =	rddreg [dreg:$0x6];
	[sflag:s8] =	ssyncadd.s32 $0xFFFFA000  }
0x13c: {  	[hbm4b:s14+s2] =	stream.linear.scatter [tilespmem:s3], [sflag:$0x2], $0x6000, $0x38;
	[tilespmem:$0x1E800] =	vst v63  }
0x13d: {  	_ =	swait.ge [sflag:s25], $0x6000  }
0x13e: {  	[sflag:s25] =	ssyncset.done $0x0  }
0x13f: {  	[sflag:s25] =	ssyncadd.s32 $0xFFFFA000  }
0x140: {  	v3 =	vld [tilespmem:$0x380];
	_ =	sdelay $0x4  }
0x141: {  	v46 =	vshrl.u32 v3, $0x3  }
0x142: {  	v4 =	vmul.u32 $0x30, v46  }
0x143: {  	v3 =	vand.u32 $0x7, v3  }
0x144: {  	v3 =	vor.u32 v3, v4  }
0x145: {  	v4 =	vperm.xlane v3, v0;
	_ =	sdelay $0x1  }
0x146: {  	v4 =	vadd.s32 v1, v4;
	_ =	sdelay $0x3  }
0x147: {  	v3 =	vperm.xlane v3, v2  }
0x148: {  	[tilespmem:s0], [sflag:$0x1] =	stream.indirect_vreg.gather [hbm4b:s4+s2], $0x80, v4, vm0, $0xb8;
	[tilespmem:$0x1E800] =	vst v63  }
0x149: {  	s23 =	simm.s32 $0xD000;
	v3 =	vadd.s32 v1, v3  }
0x14a: {  	[tilespmem:s23], [sflag:$0x1] =	stream.indirect_vreg.gather [hbm4b:s5+s2], $0x80, v4, vm0, $0xb8;
	[tilespmem:$0x1E800] =	vst v63  }
0x14b: {  	s24 =	simm.s32 $0xD800  }
0x14c: {  	[tilespmem:s24], [sflag:$0x1] =	stream.indirect_vreg.gather [hbm4b:s6+s2], $0x80, v4, vm0, $0xb8;
	[tilespmem:$0x1E800] =	vst v63  }
0x14d: {  	s26 =	simm.s32 $0xE000  }
0x14e: {  	[tilespmem:s26], [sflag:$0x1] =	stream.indirect_vreg.gather [hbm4b:s4+s2], $0x80, v3, vm0, $0xb8;
	[tilespmem:$0x1E800] =	vst v63  }
0x14f: {  	s28 =	simm.s32 $0xE800  }
0x150: {  	[tilespmem:s28], [sflag:$0x1] =	stream.indirect_vreg.gather [hbm4b:s5+s2], $0x80, v3, vm0, $0xb8;
	[tilespmem:$0x1E800] =	vst v63  }
0x151: {  	s29 =	simm.s32 $0xF000  }
0x152: {  	[tilespmem:s29], [sflag:$0x1] =	stream.indirect_vreg.gather [hbm4b:s6+s2], $0x80, v3, vm0, $0xb8;
	[tilespmem:$0x1E800] =	vst v63  }
0x153: {  	v3 =	vld [tilespmem:$0x390];
	_ =	sdelay $0x4  }
0x154: {  	v47 =	vshrl.u32 v3, $0x3  }
0x155: {  	v4 =	vmul.u32 $0x30, v47  }
0x156: {  	v3 =	vand.u32 $0x7, v3  }
0x157: {  	v3 =	vor.u32 v3, v4  }
0x158: {  	v4 =	vperm.xlane v3, v0;
	_ =	sdelay $0x1  }
0x159: {  	v4 =	vadd.s32 v1, v4;
	_ =	sdelay $0x3  }
0x15a: {  	s30 =	simm.s32 $0xF800;
	v3 =	vperm.xlane v3, v2  }
0x15b: {  	[tilespmem:s30], [sflag:$0x1] =	stream.indirect_vreg.gather [hbm4b:s4+s2], $0x80, v4, vm0, $0xb8;
	[tilespmem:$0x1E800] =	vst v63  }
0x15c: {  	s31 =	simm.s32 $0x10000;
	v3 =	vadd.s32 v1, v3  }
0x15d: {  	[tilespmem:s31], [sflag:$0x1] =	stream.indirect_vreg.gather [hbm4b:s5+s2], $0x80, v4, vm0, $0xb8;
	[tilespmem:$0x1E800] =	vst v63  }
0x15e: {  	s10 =	simm.s32 $0x10800  }
0x15f: {  	[tilespmem:s10], [sflag:$0x1] =	stream.indirect_vreg.gather [hbm4b:s6+s2], $0x80, v4, vm0, $0xb8;
	[tilespmem:$0x1E800] =	vst v63  }
0x160: {  	s11 =	simm.s32 $0x11000  }
0x161: {  	[tilespmem:s11], [sflag:$0x1] =	stream.indirect_vreg.gather [hbm4b:s4+s2], $0x80, v3, vm0, $0xb8;
	[tilespmem:$0x1E800] =	vst v63  }
0x162: {  	s12 =	simm.s32 $0x11800  }
0x163: {  	[tilespmem:s12], [sflag:$0x1] =	stream.indirect_vreg.gather [hbm4b:s5+s2], $0x80, v3, vm0, $0xb8;
	[tilespmem:$0x1E800] =	vst v63  }
0x164: {  	s14 =	simm.s32 $0x12000  }
0x165: {  	[tilespmem:s14], [sflag:$0x1] =	stream.indirect_vreg.gather [hbm4b:s6+s2], $0x80, v3, vm0, $0xb8;
	[tilespmem:$0x1E800] =	vst v63  }
0x166: {  	_ =	swait.ge [sflag:s8], $0x6000  }
0x167: {  	[sflag:s8] =	ssyncset.done $0x0  }
0x168: {  	s23 =	rddreg [dreg:$0x7];
	[sflag:s8] =	ssyncadd.s32 $0xFFFFA000  }
0x169: {  	[hbm4b:s23+s2] =	stream.linear.scatter [tilespmem:s9], [sflag:$0x2], $0x6000, $0x38;
	[tilespmem:$0x1E800] =	vst v63  }
0x16a: {  	_ =	swait.ge [sflag:s25], $0x6000  }
0x16b: {  	[sflag:s25] =	ssyncset.done $0x0  }
0x16c: {  	[sflag:s25] =	ssyncadd.s32 $0xFFFFA000  }
0x16d: {  	v3 =	vld [tilespmem:$0x400];
	_ =	sdelay $0x4  }
0x16e: {  	v48 =	vshrl.u32 v3, $0x3  }
0x16f: {  	v4 =	vmul.u32 $0x30, v48  }
0x170: {  	v3 =	vand.u32 $0x7, v3  }
0x171: {  	v3 =	vor.u32 v3, v4  }
0x172: {  	v4 =	vperm.xlane v3, v0;
	_ =	sdelay $0x1  }
0x173: {  	v4 =	vadd.s32 v1, v4;
	_ =	sdelay $0x3  }
0x174: {  	v3 =	vperm.xlane v3, v2  }
0x175: {  	[tilespmem:s3], [sflag:$0x1] =	stream.indirect_vreg.gather [hbm4b:s4+s2], $0x80, v4, vm0, $0xb8;
	[tilespmem:$0x1E800] =	vst v63  }
0x176: {  	s24 =	simm.s32 $0x13000;
	v3 =	vadd.s32 v1, v3  }
0x177: {  	[tilespmem:s24], [sflag:$0x1] =	stream.indirect_vreg.gather [hbm4b:s5+s2], $0x80, v4, vm0, $0xb8;
	[tilespmem:$0x1E800] =	vst v63  }
0x178: {  	s26 =	simm.s32 $0x13800  }
0x179: {  	[tilespmem:s26], [sflag:$0x1] =	stream.indirect_vreg.gather [hbm4b:s6+s2], $0x80, v4, vm0, $0xb8;
	[tilespmem:$0x1E800] =	vst v63  }
0x17a: {  	s28 =	simm.s32 $0x14000  }
0x17b: {  	[tilespmem:s28], [sflag:$0x1] =	stream.indirect_vreg.gather [hbm4b:s4+s2], $0x80, v3, vm0, $0xb8;
	[tilespmem:$0x1E800] =	vst v63  }
0x17c: {  	s29 =	simm.s32 $0x14800  }
0x17d: {  	[tilespmem:s29], [sflag:$0x1] =	stream.indirect_vreg.gather [hbm4b:s5+s2], $0x80, v3, vm0, $0xb8;
	[tilespmem:$0x1E800] =	vst v63  }
0x17e: {  	s30 =	simm.s32 $0x15000  }
0x17f: {  	[tilespmem:s30], [sflag:$0x1] =	stream.indirect_vreg.gather [hbm4b:s6+s2], $0x80, v3, vm0, $0xb8;
	[tilespmem:$0x1E800] =	vst v63  }
0x180: {  	v3 =	vld [tilespmem:$0x410];
	_ =	sdelay $0x4  }
0x181: {  	v49 =	vshrl.u32 v3, $0x3  }
0x182: {  	v4 =	vmul.u32 $0x30, v49  }
0x183: {  	v3 =	vand.u32 $0x7, v3  }
0x184: {  	v3 =	vor.u32 v3, v4  }
0x185: {  	v4 =	vperm.xlane v3, v0;
	_ =	sdelay $0x1  }
0x186: {  	v4 =	vadd.s32 v1, v4;
	_ =	sdelay $0x3  }
0x187: {  	s31 =	simm.s32 $0x15800;
	v3 =	vperm.xlane v3, v2  }
0x188: {  	[tilespmem:s31], [sflag:$0x1] =	stream.indirect_vreg.gather [hbm4b:s4+s2], $0x80, v4, vm0, $0xb8;
	[tilespmem:$0x1E800] =	vst v63  }
0x189: {  	s10 =	simm.s32 $0x16000;
	v3 =	vadd.s32 v1, v3  }
0x18a: {  	[tilespmem:s10], [sflag:$0x1] =	stream.indirect_vreg.gather [hbm4b:s5+s2], $0x80, v4, vm0, $0xb8;
	[tilespmem:$0x1E800] =	vst v63  }
0x18b: {  	s11 =	simm.s32 $0x16800  }
0x18c: {  	[tilespmem:s11], [sflag:$0x1] =	stream.indirect_vreg.gather [hbm4b:s6+s2], $0x80, v4, vm0, $0xb8;
	[tilespmem:$0x1E800] =	vst v63  }
0x18d: {  	s12 =	simm.s32 $0x17000  }
0x18e: {  	[tilespmem:s12], [sflag:$0x1] =	stream.indirect_vreg.gather [hbm4b:s4+s2], $0x80, v3, vm0, $0xb8;
	[tilespmem:$0x1E800] =	vst v63  }
0x18f: {  	s14 =	simm.s32 $0x17800  }
0x190: {  	[tilespmem:s14], [sflag:$0x1] =	stream.indirect_vreg.gather [hbm4b:s5+s2], $0x80, v3, vm0, $0xb8;
	[tilespmem:$0x1E800] =	vst v63  }
0x191: {  	s23 =	simm.s32 $0x18000  }
0x192: {  	[tilespmem:s23], [sflag:$0x1] =	stream.indirect_vreg.gather [hbm4b:s6+s2], $0x80, v3, vm0, $0xb8;
	[tilespmem:$0x1E800] =	vst v63  }
0x193: {  	_ =	swait.ge [sflag:s8], $0x6000  }
0x194: {  	[sflag:s8] =	ssyncset.done $0x0  }
0x195: {  	s24 =	rddreg [dreg:$0x8];
	[sflag:s8] =	ssyncadd.s32 $0xFFFFA000  }
0x196: {  	[hbm4b:s24+s2] =	stream.linear.scatter [tilespmem:s1], [sflag:$0x2], $0x6000, $0x38;
	[tilespmem:$0x1E800] =	vst v63  }
0x197: {  	_ =	swait.ge [sflag:s25], $0x6000  }
0x198: {  	[sflag:s25] =	ssyncset.done $0x0  }
0x199: {  	[sflag:s25] =	ssyncadd.s32 $0xFFFFA000  }
0x19a: {  	v3 =	vld [tilespmem:$0x480];
	_ =	sdelay $0x4  }
0x19b: {  	v50 =	vshrl.u32 v3, $0x3  }
0x19c: {  	v4 =	vmul.u32 $0x30, v50  }
0x19d: {  	v3 =	vand.u32 $0x7, v3  }
0x19e: {  	v3 =	vor.u32 v3, v4  }
0x19f: {  	v4 =	vperm.xlane v3, v0;
	_ =	sdelay $0x1  }
0x1a0: {  	v4 =	vadd.s32 v1, v4;
	_ =	sdelay $0x3  }
0x1a1: {  	v3 =	vperm.xlane v3, v2  }
0x1a2: {  	[tilespmem:s9], [sflag:$0x1] =	stream.indirect_vreg.gather [hbm4b:s4+s2], $0x80, v4, vm0, $0xb8;
	[tilespmem:$0x1E800] =	vst v63  }
0x1a3: {  	s28 =	simm.s32 $0x19000;
	v3 =	vadd.s32 v1, v3  }
0x1a4: {  	[tilespmem:s28], [sflag:$0x1] =	stream.indirect_vreg.gather [hbm4b:s5+s2], $0x80, v4, vm0, $0xb8;
	[tilespmem:$0x1E800] =	vst v63  }
0x1a5: {  	s0 =	simm.s32 $0x19800  }
0x1a6: {  	[tilespmem:s0], [sflag:$0x1] =	stream.indirect_vreg.gather [hbm4b:s6+s2], $0x80, v4, vm0, $0xb8;
	[tilespmem:$0x1E800] =	vst v63  }
0x1a7: {  	s11 =	simm.s32 $0x1A000  }
0x1a8: {  	[tilespmem:s11], [sflag:$0x1] =	stream.indirect_vreg.gather [hbm4b:s4+s2], $0x80, v3, vm0, $0xb8;
	[tilespmem:$0x1E800] =	vst v63  }
0x1a9: {  	s12 =	simm.s32 $0x1A800  }
0x1aa: {  	[tilespmem:s12], [sflag:$0x1] =	stream.indirect_vreg.gather [hbm4b:s5+s2], $0x80, v3, vm0, $0xb8;
	[tilespmem:$0x1E800] =	vst v63  }
0x1ab: {  	s29 =	simm.s32 $0x1B000  }
0x1ac: {  	[tilespmem:s29], [sflag:$0x1] =	stream.indirect_vreg.gather [hbm4b:s6+s2], $0x80, v3, vm0, $0xb8;
	[tilespmem:$0x1E800] =	vst v63  }
0x1ad: {  	v3 =	vld [tilespmem:$0x490];
	_ =	sdelay $0x4  }
0x1ae: {  	v51 =	vshrl.u32 v3, $0x3  }
0x1af: {  	v4 =	vmul.u32 $0x30, v51  }
0x1b0: {  	v3 =	vand.u32 $0x7, v3  }
0x1b1: {  	v3 =	vor.u32 v3, v4  }
0x1b2: {  	v4 =	vperm.xlane v3, v0;
	_ =	sdelay $0x1  }
0x1b3: {  	v4 =	vadd.s32 v1, v4;
	_ =	sdelay $0x3  }
0x1b4: {  	s30 =	simm.s32 $0x1B800;
	v3 =	vperm.xlane v3, v2  }
0x1b5: {  	[tilespmem:s30], [sflag:$0x1] =	stream.indirect_vreg.gather [hbm4b:s4+s2], $0x80, v4, vm0, $0xb8;
	[tilespmem:$0x1E800] =	vst v63  }
0x1b6: {  	s14 =	simm.s32 $0x1C000;
	v3 =	vadd.s32 v1, v3  }
0x1b7: {  	[tilespmem:s14], [sflag:$0x1] =	stream.indirect_vreg.gather [hbm4b:s5+s2], $0x80, v4, vm0, $0xb8;
	[tilespmem:$0x1E800] =	vst v63  }
0x1b8: {  	s23 =	simm.s32 $0x1C800  }
0x1b9: {  	[tilespmem:s23], [sflag:$0x1] =	stream.indirect_vreg.gather [hbm4b:s6+s2], $0x80, v4, vm0, $0xb8;
	[tilespmem:$0x1E800] =	vst v63  }
0x1ba: {  	s24 =	simm.s32 $0x1D000  }
0x1bb: {  	[tilespmem:s24], [sflag:$0x1] =	stream.indirect_vreg.gather [hbm4b:s4+s2], $0x80, v3, vm0, $0xb8;
	[tilespmem:$0x1E800] =	vst v63  }
0x1bc: {  	s28 =	simm.s32 $0x1D800  }
0x1bd: {  	[tilespmem:s28], [sflag:$0x1] =	stream.indirect_vreg.gather [hbm4b:s5+s2], $0x80, v3, vm0, $0xb8;
	[tilespmem:$0x1E800] =	vst v63  }
0x1be: {  	s31 =	simm.s32 $0x1E000  }
0x1bf: {  	[tilespmem:s31], [sflag:$0x1] =	stream.indirect_vreg.gather [hbm4b:s6+s2], $0x80, v3, vm0, $0xb8;
	[tilespmem:$0x1E800] =	vst v63  }
0x1c0: {  	_ =	swait.ge [sflag:s8], $0x6000  }
0x1c1: {  	[sflag:s8] =	ssyncset.done $0x0  }
0x1c2: {  	s10 =	rddreg [dreg:$0x9];
	[sflag:s8] =	ssyncadd.s32 $0xFFFFA000  }
0x1c3: {  	[hbm4b:s10+s2] =	stream.linear.scatter [tilespmem:s13], [sflag:$0x2], $0x6000, $0x38;
	[tilespmem:$0x1E800] =	vst v63  }
0x1c4: {  	_ =	swait.ge [sflag:s25], $0x6000  }
0x1c5: {  	[sflag:s25] =	ssyncset.done $0x0  }
0x1c6: {  	[sflag:s25] =	ssyncadd.s32 $0xFFFFA000  }
0x1c7: {  	v3 =	vld [tilespmem:$0x500];
	_ =	sdelay $0x4  }
0x1c8: {  	v52 =	vshrl.u32 v3, $0x3  }
0x1c9: {  	v4 =	vmul.u32 $0x30, v52  }
0x1ca: {  	v3 =	vand.u32 $0x7, v3  }
0x1cb: {  	v3 =	vor.u32 v3, v4  }
0x1cc: {  	v4 =	vperm.xlane v3, v0;
	_ =	sdelay $0x1  }
0x1cd: {  	v4 =	vadd.s32 v1, v4;
	_ =	sdelay $0x3  }
0x1ce: {  	v3 =	vperm.xlane v3, v2  }
0x1cf: {  	[tilespmem:s1], [sflag:$0x1] =	stream.indirect_vreg.gather [hbm4b:s4+s2], $0x80, v4, vm0, $0xb8;
	[tilespmem:$0x1E800] =	vst v63  }
0x1d0: {  	v3 =	vadd.s32 v1, v3  }
0x1d1: {  	[tilespmem:s15], [sflag:$0x1] =	stream.indirect_vreg.gather [hbm4b:s5+s2], $0x80, v4, vm0, $0xb8;
	[tilespmem:$0x1E800] =	vst v63  }
0x1d2: {  	_ = 	snop  }
0x1d3: {  	[tilespmem:s16], [sflag:$0x1] =	stream.indirect_vreg.gather [hbm4b:s6+s2], $0x80, v4, vm0, $0xb8;
	[tilespmem:$0x1E800] =	vst v63  }
0x1d4: {  	_ = 	snop  }
0x1d5: {  	[tilespmem:s17], [sflag:$0x1] =	stream.indirect_vreg.gather [hbm4b:s4+s2], $0x80, v3, vm0, $0xb8;
	[tilespmem:$0x1E800] =	vst v63  }
0x1d6: {  	_ = 	snop  }
0x1d7: {  	[tilespmem:s18], [sflag:$0x1] =	stream.indirect_vreg.gather [hbm4b:s5+s2], $0x80, v3, vm0, $0xb8;
	[tilespmem:$0x1E800] =	vst v63  }
0x1d8: {  	s29 =	simm.s32 $0x3000  }
0x1d9: {  	[tilespmem:s29], [sflag:$0x1] =	stream.indirect_vreg.gather [hbm4b:s6+s2], $0x80, v3, vm0, $0xb8;
	[tilespmem:$0x1E800] =	vst v63  }
0x1da: {  	v3 =	vld [tilespmem:$0x510];
	_ =	sdelay $0x4  }
0x1db: {  	v53 =	vshrl.u32 v3, $0x3  }
0x1dc: {  	v4 =	vmul.u32 $0x30, v53  }
0x1dd: {  	v3 =	vand.u32 $0x7, v3  }
0x1de: {  	v3 =	vor.u32 v3, v4  }
0x1df: {  	v4 =	vperm.xlane v3, v0;
	_ =	sdelay $0x1  }
0x1e0: {  	v4 =	vadd.s32 v1, v4;
	_ =	sdelay $0x3  }
0x1e1: {  	s30 =	simm.s32 $0x3800;
	v3 =	vperm.xlane v3, v2  }
0x1e2: {  	[tilespmem:s30], [sflag:$0x1] =	stream.indirect_vreg.gather [hbm4b:s4+s2], $0x80, v4, vm0, $0xb8;
	[tilespmem:$0x1E800] =	vst v63  }
0x1e3: {  	v3 =	vadd.s32 v1, v3  }
0x1e4: {  	[tilespmem:s19], [sflag:$0x1] =	stream.indirect_vreg.gather [hbm4b:s5+s2], $0x80, v4, vm0, $0xb8;
	[tilespmem:$0x1E800] =	vst v63  }
0x1e5: {  	_ = 	snop  }
0x1e6: {  	[tilespmem:s20], [sflag:$0x1] =	stream.indirect_vreg.gather [hbm4b:s6+s2], $0x80, v4, vm0, $0xb8;
	[tilespmem:$0x1E800] =	vst v63  }
0x1e7: {  	_ = 	snop  }
0x1e8: {  	[tilespmem:s21], [sflag:$0x1] =	stream.indirect_vreg.gather [hbm4b:s4+s2], $0x80, v3, vm0, $0xb8;
	[tilespmem:$0x1E800] =	vst v63  }
0x1e9: {  	_ = 	snop  }
0x1ea: {  	[tilespmem:s22], [sflag:$0x1] =	stream.indirect_vreg.gather [hbm4b:s5+s2], $0x80, v3, vm0, $0xb8;
	[tilespmem:$0x1E800] =	vst v63  }
0x1eb: {  	s31 =	simm.s32 $0x6000  }
0x1ec: {  	[tilespmem:s31], [sflag:$0x1] =	stream.indirect_vreg.gather [hbm4b:s6+s2], $0x80, v3, vm0, $0xb8;
	[tilespmem:$0x1E800] =	vst v63  }
0x1ed: {  	_ =	swait.ge [sflag:s8], $0x6000  }
0x1ee: {  	[sflag:s8] =	ssyncset.done $0x0  }
0x1ef: {  	s10 =	simm.s32 $0xC800;
	s26 =	rddreg [dreg:$0xa];
	[sflag:s8] =	ssyncadd.s32 $0xFFFFA000  }
0x1f0: {  	[hbm4b:s26+s2] =	stream.linear.scatter [tilespmem:s10], [sflag:$0x2], $0x6000, $0x38;
	[tilespmem:$0x1E800] =	vst v63  }
0x1f1: {  	_ =	swait.ge [sflag:s25], $0x6000  }
0x1f2: {  	[sflag:s25] =	ssyncset.done $0x0  }
0x1f3: {  	[sflag:s25] =	ssyncadd.s32 $0xFFFFA000  }
0x1f4: {  	v3 =	vld [tilespmem:$0x580];
	_ =	sdelay $0x4  }
0x1f5: {  	v54 =	vshrl.u32 v3, $0x3  }
0x1f6: {  	v4 =	vmul.u32 $0x30, v54  }
0x1f7: {  	v3 =	vand.u32 $0x7, v3  }
0x1f8: {  	v3 =	vor.u32 v3, v4  }
0x1f9: {  	v4 =	vperm.xlane v3, v0;
	_ =	sdelay $0x1  }
0x1fa: {  	v4 =	vadd.s32 v1, v4;
	_ =	sdelay $0x3  }
0x1fb: {  	v3 =	vperm.xlane v3, v2  }
0x1fc: {  	[tilespmem:s13], [sflag:$0x1] =	stream.indirect_vreg.gather [hbm4b:s4+s2], $0x80, v4, vm0, $0xb8;
	[tilespmem:$0x1E800] =	vst v63  }
0x1fd: {  	s26 =	simm.s32 $0x7000;
	v3 =	vadd.s32 v1, v3  }
0x1fe: {  	[tilespmem:s26], [sflag:$0x1] =	stream.indirect_vreg.gather [hbm4b:s5+s2], $0x80, v4, vm0, $0xb8;
	[tilespmem:$0x1E800] =	vst v63  }
0x1ff: {  	s26 =	simm.s32 $0x7800  }
0x200: {  	[tilespmem:s26], [sflag:$0x1] =	stream.indirect_vreg.gather [hbm4b:s6+s2], $0x80, v4, vm0, $0xb8;
	[tilespmem:$0x1E800] =	vst v63  }
0x201: {  	s26 =	simm.s32 $0x8000  }
0x202: {  	[tilespmem:s26], [sflag:$0x1] =	stream.indirect_vreg.gather [hbm4b:s4+s2], $0x80, v3, vm0, $0xb8;
	[tilespmem:$0x1E800] =	vst v63  }
0x203: {  	s26 =	simm.s32 $0x8800  }
0x204: {  	[tilespmem:s26], [sflag:$0x1] =	stream.indirect_vreg.gather [hbm4b:s5+s2], $0x80, v3, vm0, $0xb8;
	[tilespmem:$0x1E800] =	vst v63  }
0x205: {  	s26 =	simm.s32 $0x9000  }
0x206: {  	[tilespmem:s26], [sflag:$0x1] =	stream.indirect_vreg.gather [hbm4b:s6+s2], $0x80, v3, vm0, $0xb8;
	[tilespmem:$0x1E800] =	vst v63  }
0x207: {  	v3 =	vld [tilespmem:$0x590];
	_ =	sdelay $0x4  }
0x208: {  	v55 =	vshrl.u32 v3, $0x3  }
0x209: {  	v4 =	vmul.u32 $0x30, v55  }
0x20a: {  	v3 =	vand.u32 $0x7, v3  }
0x20b: {  	v3 =	vor.u32 v3, v4  }
0x20c: {  	v4 =	vperm.xlane v3, v0;
	_ =	sdelay $0x1  }
0x20d: {  	v4 =	vadd.s32 v1, v4;
	_ =	sdelay $0x3  }
0x20e: {  	s26 =	simm.s32 $0x9800;
	v3 =	vperm.xlane v3, v2  }
0x20f: {  	[tilespmem:s26], [sflag:$0x1] =	stream.indirect_vreg.gather [hbm4b:s4+s2], $0x80, v4, vm0, $0xb8;
	[tilespmem:$0x1E800] =	vst v63  }
0x210: {  	v3 =	vadd.s32 v1, v3;
	s26 =	simm.s32 $0xA000  }
0x211: {  	[tilespmem:s26], [sflag:$0x1] =	stream.indirect_vreg.gather [hbm4b:s5+s2], $0x80, v4, vm0, $0xb8;
	[tilespmem:$0x1E800] =	vst v63  }
0x212: {  	s26 =	simm.s32 $0xA800  }
0x213: {  	[tilespmem:s26], [sflag:$0x1] =	stream.indirect_vreg.gather [hbm4b:s6+s2], $0x80, v4, vm0, $0xb8;
	[tilespmem:$0x1E800] =	vst v63  }
0x214: {  	s26 =	simm.s32 $0xB000  }
0x215: {  	[tilespmem:s26], [sflag:$0x1] =	stream.indirect_vreg.gather [hbm4b:s4+s2], $0x80, v3, vm0, $0xb8;
	[tilespmem:$0x1E800] =	vst v63  }
0x216: {  	s26 =	simm.s32 $0xB800  }
0x217: {  	[tilespmem:s26], [sflag:$0x1] =	stream.indirect_vreg.gather [hbm4b:s5+s2], $0x80, v3, vm0, $0xb8;
	[tilespmem:$0x1E800] =	vst v63  }
0x218: {  	s26 =	simm.s32 $0xC000  }
0x219: {  	[tilespmem:s26], [sflag:$0x1] =	stream.indirect_vreg.gather [hbm4b:s6+s2], $0x80, v3, vm0, $0xb8;
	[tilespmem:$0x1E800] =	vst v63  }
0x21a: {  	_ =	swait.ge [sflag:s8], $0x6000  }
0x21b: {  	[sflag:s8] =	ssyncset.done $0x0  }
0x21c: {  	s26 =	rddreg [dreg:$0xb];
	[sflag:s8] =	ssyncadd.s32 $0xFFFFA000  }
0x21d: {  	[hbm4b:s26+s2] =	stream.linear.scatter [tilespmem:s3], [sflag:$0x2], $0x6000, $0x38;
	[tilespmem:$0x1E800] =	vst v63  }
0x21e: {  	_ =	swait.ge [sflag:s25], $0x6000  }
0x21f: {  	[sflag:s25] =	ssyncset.done $0x0  }
0x220: {  	[sflag:s25] =	ssyncadd.s32 $0xFFFFA000  }
0x221: {  	v3 =	vld [tilespmem:$0x600];
	_ =	sdelay $0x4  }
0x222: {  	v56 =	vshrl.u32 v3, $0x3  }
0x223: {  	v4 =	vmul.u32 $0x30, v56  }
0x224: {  	v3 =	vand.u32 $0x7, v3  }
0x225: {  	v3 =	vor.u32 v3, v4  }
0x226: {  	v4 =	vperm.xlane v3, v0;
	_ =	sdelay $0x1  }
0x227: {  	v4 =	vadd.s32 v1, v4;
	_ =	sdelay $0x3  }
0x228: {  	v3 =	vperm.xlane v3, v2  }
0x229: {  	[tilespmem:s10], [sflag:$0x1] =	stream.indirect_vreg.gather [hbm4b:s4+s2], $0x80, v4, vm0, $0xb8;
	[tilespmem:$0x1E800] =	vst v63  }
0x22a: {  	s26 =	simm.s32 $0xD000;
	v3 =	vadd.s32 v1, v3  }
0x22b: {  	[tilespmem:s26], [sflag:$0x1] =	stream.indirect_vreg.gather [hbm4b:s5+s2], $0x80, v4, vm0, $0xb8;
	[tilespmem:$0x1E800] =	vst v63  }
0x22c: {  	s26 =	simm.s32 $0xD800  }
0x22d: {  	[tilespmem:s26], [sflag:$0x1] =	stream.indirect_vreg.gather [hbm4b:s6+s2], $0x80, v4, vm0, $0xb8;
	[tilespmem:$0x1E800] =	vst v63  }
0x22e: {  	s26 =	simm.s32 $0xE000  }
0x22f: {  	[tilespmem:s26], [sflag:$0x1] =	stream.indirect_vreg.gather [hbm4b:s4+s2], $0x80, v3, vm0, $0xb8;
	[tilespmem:$0x1E800] =	vst v63  }
0x230: {  	s26 =	simm.s32 $0xE800  }
0x231: {  	[tilespmem:s26], [sflag:$0x1] =	stream.indirect_vreg.gather [hbm4b:s5+s2], $0x80, v3, vm0, $0xb8;
	[tilespmem:$0x1E800] =	vst v63  }
0x232: {  	s26 =	simm.s32 $0xF000  }
0x233: {  	[tilespmem:s26], [sflag:$0x1] =	stream.indirect_vreg.gather [hbm4b:s6+s2], $0x80, v3, vm0, $0xb8;
	[tilespmem:$0x1E800] =	vst v63  }
0x234: {  	v3 =	vld [tilespmem:$0x610];
	_ =	sdelay $0x4  }
0x235: {  	v57 =	vshrl.u32 v3, $0x3  }
0x236: {  	v4 =	vmul.u32 $0x30, v57  }
0x237: {  	v3 =	vand.u32 $0x7, v3  }
0x238: {  	v3 =	vor.u32 v3, v4  }
0x239: {  	v4 =	vperm.xlane v3, v0;
	_ =	sdelay $0x1  }
0x23a: {  	v4 =	vadd.s32 v1, v4;
	_ =	sdelay $0x3  }
0x23b: {  	s26 =	simm.s32 $0xF800;
	v3 =	vperm.xlane v3, v2  }
0x23c: {  	[tilespmem:s26], [sflag:$0x1] =	stream.indirect_vreg.gather [hbm4b:s4+s2], $0x80, v4, vm0, $0xb8;
	[tilespmem:$0x1E800] =	vst v63  }
0x23d: {  	v3 =	vadd.s32 v1, v3;
	s26 =	simm.s32 $0x10000  }
0x23e: {  	[tilespmem:s26], [sflag:$0x1] =	stream.indirect_vreg.gather [hbm4b:s5+s2], $0x80, v4, vm0, $0xb8;
	[tilespmem:$0x1E800] =	vst v63  }
0x23f: {  	s26 =	simm.s32 $0x10800  }
0x240: {  	[tilespmem:s26], [sflag:$0x1] =	stream.indirect_vreg.gather [hbm4b:s6+s2], $0x80, v4, vm0, $0xb8;
	[tilespmem:$0x1E800] =	vst v63  }
0x241: {  	s26 =	simm.s32 $0x11000  }
0x242: {  	[tilespmem:s26], [sflag:$0x1] =	stream.indirect_vreg.gather [hbm4b:s4+s2], $0x80, v3, vm0, $0xb8;
	[tilespmem:$0x1E800] =	vst v63  }
0x243: {  	s26 =	simm.s32 $0x11800  }
0x244: {  	[tilespmem:s26], [sflag:$0x1] =	stream.indirect_vreg.gather [hbm4b:s5+s2], $0x80, v3, vm0, $0xb8;
	[tilespmem:$0x1E800] =	vst v63  }
0x245: {  	s26 =	simm.s32 $0x12000  }
0x246: {  	[tilespmem:s26], [sflag:$0x1] =	stream.indirect_vreg.gather [hbm4b:s6+s2], $0x80, v3, vm0, $0xb8;
	[tilespmem:$0x1E800] =	vst v63  }
0x247: {  	_ =	swait.ge [sflag:s8], $0x6000  }
0x248: {  	[sflag:s8] =	ssyncset.done $0x0  }
0x249: {  	s26 =	rddreg [dreg:$0xc];
	[sflag:s8] =	ssyncadd.s32 $0xFFFFA000  }
0x24a: {  	[hbm4b:s26+s2] =	stream.linear.scatter [tilespmem:s9], [sflag:$0x2], $0x6000, $0x38;
	[tilespmem:$0x1E800] =	vst v63  }
0x24b: {  	_ =	swait.ge [sflag:s25], $0x6000  }
0x24c: {  	[sflag:s25] =	ssyncset.done $0x0  }
0x24d: {  	[sflag:s25] =	ssyncadd.s32 $0xFFFFA000  }
0x24e: {  	v3 =	vld [tilespmem:$0x680];
	_ =	sdelay $0x4  }
0x24f: {  	v58 =	vshrl.u32 v3, $0x3  }
0x250: {  	v4 =	vmul.u32 $0x30, v58  }
0x251: {  	v3 =	vand.u32 $0x7, v3  }
0x252: {  	v3 =	vor.u32 v3, v4  }
0x253: {  	v4 =	vperm.xlane v3, v0;
	_ =	sdelay $0x1  }
0x254: {  	v4 =	vadd.s32 v1, v4;
	_ =	sdelay $0x3  }
0x255: {  	v3 =	vperm.xlane v3, v2  }
0x256: {  	[tilespmem:s3], [sflag:$0x1] =	stream.indirect_vreg.gather [hbm4b:s4+s2], $0x80, v4, vm0, $0xb8;
	[tilespmem:$0x1E800] =	vst v63  }
0x257: {  	s26 =	simm.s32 $0x13000;
	v3 =	vadd.s32 v1, v3  }
0x258: {  	[tilespmem:s26], [sflag:$0x1] =	stream.indirect_vreg.gather [hbm4b:s5+s2], $0x80, v4, vm0, $0xb8;
	[tilespmem:$0x1E800] =	vst v63  }
0x259: {  	s26 =	simm.s32 $0x13800  }
0x25a: {  	[tilespmem:s26], [sflag:$0x1] =	stream.indirect_vreg.gather [hbm4b:s6+s2], $0x80, v4, vm0, $0xb8;
	[tilespmem:$0x1E800] =	vst v63  }
0x25b: {  	s26 =	simm.s32 $0x14000  }
0x25c: {  	[tilespmem:s26], [sflag:$0x1] =	stream.indirect_vreg.gather [hbm4b:s4+s2], $0x80, v3, vm0, $0xb8;
	[tilespmem:$0x1E800] =	vst v63  }
0x25d: {  	s26 =	simm.s32 $0x14800  }
0x25e: {  	[tilespmem:s26], [sflag:$0x1] =	stream.indirect_vreg.gather [hbm4b:s5+s2], $0x80, v3, vm0, $0xb8;
	[tilespmem:$0x1E800] =	vst v63  }
0x25f: {  	s26 =	simm.s32 $0x15000  }
0x260: {  	[tilespmem:s26], [sflag:$0x1] =	stream.indirect_vreg.gather [hbm4b:s6+s2], $0x80, v3, vm0, $0xb8;
	[tilespmem:$0x1E800] =	vst v63  }
0x261: {  	v3 =	vld [tilespmem:$0x690];
	_ =	sdelay $0x4  }
0x262: {  	v59 =	vshrl.u32 v3, $0x3  }
0x263: {  	v4 =	vmul.u32 $0x30, v59  }
0x264: {  	v3 =	vand.u32 $0x7, v3  }
0x265: {  	v3 =	vor.u32 v3, v4  }
0x266: {  	v4 =	vperm.xlane v3, v0;
	_ =	sdelay $0x1  }
0x267: {  	v4 =	vadd.s32 v1, v4;
	_ =	sdelay $0x3  }
0x268: {  	s26 =	simm.s32 $0x15800;
	v3 =	vperm.xlane v3, v2  }
0x269: {  	[tilespmem:s26], [sflag:$0x1] =	stream.indirect_vreg.gather [hbm4b:s4+s2], $0x80, v4, vm0, $0xb8;
	[tilespmem:$0x1E800] =	vst v63  }
0x26a: {  	v3 =	vadd.s32 v1, v3;
	s26 =	simm.s32 $0x16000  }
0x26b: {  	[tilespmem:s26], [sflag:$0x1] =	stream.indirect_vreg.gather [hbm4b:s5+s2], $0x80, v4, vm0, $0xb8;
	[tilespmem:$0x1E800] =	vst v63  }
0x26c: {  	s26 =	simm.s32 $0x16800  }
0x26d: {  	[tilespmem:s26], [sflag:$0x1] =	stream.indirect_vreg.gather [hbm4b:s6+s2], $0x80, v4, vm0, $0xb8;
	[tilespmem:$0x1E800] =	vst v63  }
0x26e: {  	s26 =	simm.s32 $0x17000  }
0x26f: {  	[tilespmem:s26], [sflag:$0x1] =	stream.indirect_vreg.gather [hbm4b:s4+s2], $0x80, v3, vm0, $0xb8;
	[tilespmem:$0x1E800] =	vst v63  }
0x270: {  	s26 =	simm.s32 $0x17800  }
0x271: {  	[tilespmem:s26], [sflag:$0x1] =	stream.indirect_vreg.gather [hbm4b:s5+s2], $0x80, v3, vm0, $0xb8;
	[tilespmem:$0x1E800] =	vst v63  }
0x272: {  	s26 =	simm.s32 $0x18000  }
0x273: {  	[tilespmem:s26], [sflag:$0x1] =	stream.indirect_vreg.gather [hbm4b:s6+s2], $0x80, v3, vm0, $0xb8;
	[tilespmem:$0x1E800] =	vst v63  }
0x274: {  	_ =	swait.ge [sflag:s8], $0x6000  }
0x275: {  	[sflag:s8] =	ssyncset.done $0x0  }
0x276: {  	s26 =	rddreg [dreg:$0xd];
	[sflag:s8] =	ssyncadd.s32 $0xFFFFA000  }
0x277: {  	[hbm4b:s26+s2] =	stream.linear.scatter [tilespmem:s1], [sflag:$0x2], $0x6000, $0x38;
	[tilespmem:$0x1E800] =	vst v63  }
0x278: {  	_ =	swait.ge [sflag:s25], $0x6000  }
0x279: {  	[sflag:s25] =	ssyncset.done $0x0  }
0x27a: {  	[sflag:s25] =	ssyncadd.s32 $0xFFFFA000  }
0x27b: {  	v3 =	vld [tilespmem:$0x700];
	_ =	sdelay $0x4  }
0x27c: {  	v60 =	vshrl.u32 v3, $0x3  }
0x27d: {  	v4 =	vmul.u32 $0x30, v60  }
0x27e: {  	v3 =	vand.u32 $0x7, v3  }
0x27f: {  	v3 =	vor.u32 v3, v4  }
0x280: {  	v4 =	vperm.xlane v3, v0;
	_ =	sdelay $0x1  }
0x281: {  	v4 =	vadd.s32 v1, v4;
	_ =	sdelay $0x3  }
0x282: {  	v3 =	vperm.xlane v3, v2  }
0x283: {  	[tilespmem:s9], [sflag:$0x1] =	stream.indirect_vreg.gather [hbm4b:s4+s2], $0x80, v4, vm0, $0xb8;
	[tilespmem:$0x1E800] =	vst v63  }
0x284: {  	s26 =	simm.s32 $0x19000;
	v3 =	vadd.s32 v1, v3  }
0x285: {  	[tilespmem:s26], [sflag:$0x1] =	stream.indirect_vreg.gather [hbm4b:s5+s2], $0x80, v4, vm0, $0xb8;
	[tilespmem:$0x1E800] =	vst v63  }
0x286: {  	_ = 	snop  }
0x287: {  	[tilespmem:s0], [sflag:$0x1] =	stream.indirect_vreg.gather [hbm4b:s6+s2], $0x80, v4, vm0, $0xb8;
	[tilespmem:$0x1E800] =	vst v63  }
0x288: {  	_ = 	snop  }
0x289: {  	[tilespmem:s11], [sflag:$0x1] =	stream.indirect_vreg.gather [hbm4b:s4+s2], $0x80, v3, vm0, $0xb8;
	[tilespmem:$0x1E800] =	vst v63  }
0x28a: {  	_ = 	snop  }
0x28b: {  	[tilespmem:s12], [sflag:$0x1] =	stream.indirect_vreg.gather [hbm4b:s5+s2], $0x80, v3, vm0, $0xb8;
	[tilespmem:$0x1E800] =	vst v63  }
0x28c: {  	s11 =	simm.s32 $0x1B000  }
0x28d: {  	[tilespmem:s11], [sflag:$0x1] =	stream.indirect_vreg.gather [hbm4b:s6+s2], $0x80, v3, vm0, $0xb8;
	[tilespmem:$0x1E800] =	vst v63  }
0x28e: {  	v3 =	vld [tilespmem:$0x710];
	_ =	sdelay $0x4  }
0x28f: {  	v61 =	vshrl.u32 v3, $0x3  }
0x290: {  	v4 =	vmul.u32 $0x30, v61  }
0x291: {  	v3 =	vand.u32 $0x7, v3  }
0x292: {  	v3 =	vor.u32 v3, v4  }
0x293: {  	v4 =	vperm.xlane v3, v0;
	_ =	sdelay $0x1  }
0x294: {  	v4 =	vadd.s32 v1, v4;
	_ =	sdelay $0x3  }
0x295: {  	s12 =	simm.s32 $0x1B800;
	v3 =	vperm.xlane v3, v2  }
0x296: {  	[tilespmem:s12], [sflag:$0x1] =	stream.indirect_vreg.gather [hbm4b:s4+s2], $0x80, v4, vm0, $0xb8;
	[tilespmem:$0x1E800] =	vst v63  }
0x297: {  	v3 =	vadd.s32 v1, v3  }
0x298: {  	[tilespmem:s14], [sflag:$0x1] =	stream.indirect_vreg.gather [hbm4b:s5+s2], $0x80, v4, vm0, $0xb8;
	[tilespmem:$0x1E800] =	vst v63  }
0x299: {  	_ = 	snop  }
0x29a: {  	[tilespmem:s23], [sflag:$0x1] =	stream.indirect_vreg.gather [hbm4b:s6+s2], $0x80, v4, vm0, $0xb8;
	[tilespmem:$0x1E800] =	vst v63  }
0x29b: {  	_ = 	snop  }
0x29c: {  	[tilespmem:s24], [sflag:$0x1] =	stream.indirect_vreg.gather [hbm4b:s4+s2], $0x80, v3, vm0, $0xb8;
	[tilespmem:$0x1E800] =	vst v63  }
0x29d: {  	_ = 	snop  }
0x29e: {  	[tilespmem:s28], [sflag:$0x1] =	stream.indirect_vreg.gather [hbm4b:s5+s2], $0x80, v3, vm0, $0xb8;
	[tilespmem:$0x1E800] =	vst v63  }
0x29f: {  	s23 =	simm.s32 $0x1E000  }
0x2a0: {  	[tilespmem:s23], [sflag:$0x1] =	stream.indirect_vreg.gather [hbm4b:s6+s2], $0x80, v3, vm0, $0xb8;
	[tilespmem:$0x1E800] =	vst v63  }
0x2a1: {  	_ =	swait.ge [sflag:s8], $0x6000  }
0x2a2: {  	[sflag:s8] =	ssyncset.done $0x0  }
0x2a3: {  	s24 =	rddreg [dreg:$0xe];
	[sflag:s8] =	ssyncadd.s32 $0xFFFFA000  }
0x2a4: {  	[hbm4b:s24+s2] =	stream.linear.scatter [tilespmem:s13], [sflag:$0x2], $0x6000, $0x38;
	[tilespmem:$0x1E800] =	vst v63  }
0x2a5: {  	_ =	swait.ge [sflag:s25], $0x6000  }
0x2a6: {  	[sflag:s25] =	ssyncset.done $0x0  }
0x2a7: {  	[sflag:s25] =	ssyncadd.s32 $0xFFFFA000  }
0x2a8: {  	v3 =	vld [tilespmem:$0x780];
	_ =	sdelay $0x4  }
0x2a9: {  	v62 =	vshrl.u32 v3, $0x3  }
0x2aa: {  	v4 =	vmul.u32 $0x30, v62  }
0x2ab: {  	v3 =	vand.u32 $0x7, v3  }
0x2ac: {  	v3 =	vor.u32 v3, v4  }
0x2ad: {  	v4 =	vperm.xlane v3, v0;
	_ =	sdelay $0x1  }
0x2ae: {  	v4 =	vadd.s32 v1, v4;
	_ =	sdelay $0x3  }
0x2af: {  	v3 =	vperm.xlane v3, v2  }
0x2b0: {  	[tilespmem:s1], [sflag:$0x1] =	stream.indirect_vreg.gather [hbm4b:s4+s2], $0x80, v4, vm0, $0xb8;
	[tilespmem:$0x1E800] =	vst v63  }
0x2b1: {  	s15 =	simm.s32 $0x1000;
	v3 =	vadd.s32 v1, v3  }
0x2b2: {  	[tilespmem:s15], [sflag:$0x1] =	stream.indirect_vreg.gather [hbm4b:s5+s2], $0x80, v4, vm0, $0xb8;
	[tilespmem:$0x1E800] =	vst v63  }
0x2b3: {  	s16 =	simm.s32 $0x1800  }
0x2b4: {  	[tilespmem:s16], [sflag:$0x1] =	stream.indirect_vreg.gather [hbm4b:s6+s2], $0x80, v4, vm0, $0xb8;
	[tilespmem:$0x1E800] =	vst v63  }
0x2b5: {  	s17 =	simm.s32 $0x2000  }
0x2b6: {  	[tilespmem:s17], [sflag:$0x1] =	stream.indirect_vreg.gather [hbm4b:s4+s2], $0x80, v3, vm0, $0xb8;
	[tilespmem:$0x1E800] =	vst v63  }
0x2b7: {  	s18 =	simm.s32 $0x2800  }
0x2b8: {  	[tilespmem:s18], [sflag:$0x1] =	stream.indirect_vreg.gather [hbm4b:s5+s2], $0x80, v3, vm0, $0xb8;
	[tilespmem:$0x1E800] =	vst v63  }
0x2b9: {  	_ = 	snop  }
0x2ba: {  	[tilespmem:s29], [sflag:$0x1] =	stream.indirect_vreg.gather [hbm4b:s6+s2], $0x80, v3, vm0, $0xb8;
	[tilespmem:$0x1E800] =	vst v63  }
0x2bb: {  	v3 =	vld [tilespmem:$0x790];
	_ =	sdelay $0x4  }
0x2bc: {  	v63 =	vshrl.u32 v3, $0x3  }
0x2bd: {  	v4 =	vmul.u32 $0x30, v63  }
0x2be: {  	v3 =	vand.u32 $0x7, v3  }
0x2bf: {  	v3 =	vor.u32 v3, v4  }
0x2c0: {  	v4 =	vperm.xlane v3, v0;
	_ =	sdelay $0x1  }
0x2c1: {  	v4 =	vadd.s32 v1, v4;
	_ =	sdelay $0x3  }
0x2c2: {  	v3 =	vperm.xlane v3, v2  }
0x2c3: {  	[tilespmem:s30], [sflag:$0x1] =	stream.indirect_vreg.gather [hbm4b:s4+s2], $0x80, v4, vm0, $0xb8;
	[tilespmem:$0x1E800] =	vst v63  }
0x2c4: {  	s19 =	simm.s32 $0x4000;
	v3 =	vadd.s32 v1, v3  }
0x2c5: {  	[tilespmem:s19], [sflag:$0x1] =	stream.indirect_vreg.gather [hbm4b:s5+s2], $0x80, v4, vm0, $0xb8;
	[tilespmem:$0x1E800] =	vst v63  }
0x2c6: {  	s20 =	simm.s32 $0x4800  }
0x2c7: {  	[tilespmem:s20], [sflag:$0x1] =	stream.indirect_vreg.gather [hbm4b:s6+s2], $0x80, v4, vm0, $0xb8;
	[tilespmem:$0x1E800] =	vst v63  }
0x2c8: {  	s21 =	simm.s32 $0x5000  }
0x2c9: {  	[tilespmem:s21], [sflag:$0x1] =	stream.indirect_vreg.gather [hbm4b:s4+s2], $0x80, v3, vm0, $0xb8;
	[tilespmem:$0x1E800] =	vst v63  }
0x2ca: {  	s22 =	simm.s32 $0x5800  }
0x2cb: {  	[tilespmem:s22], [sflag:$0x1] =	stream.indirect_vreg.gather [hbm4b:s5+s2], $0x80, v3, vm0, $0xb8;
	[tilespmem:$0x1E800] =	vst v63  }
0x2cc: {  	_ = 	snop  }
0x2cd: {  	[tilespmem:s31], [sflag:$0x1] =	stream.indirect_vreg.gather [hbm4b:s6+s2], $0x80, v3, vm0, $0xb8;
	[tilespmem:$0x1E800] =	vst v63  }
0x2ce: {  	_ =	swait.ge [sflag:s8], $0x6000  }
0x2cf: {  	[sflag:s8] =	ssyncset.done $0x0  }
0x2d0: {  	s10 =	simm.s32 $0xC800;
	s28 =	rddreg [dreg:$0xf];
	[sflag:s8] =	ssyncadd.s32 $0xFFFFA000  }
0x2d1: {  	[hbm4b:s28+s2] =	stream.linear.scatter [tilespmem:s10], [sflag:$0x2], $0x6000, $0x38;
	[tilespmem:$0x1E800] =	vst v63  }
0x2d2: {  	_ =	swait.ge [sflag:s8], $0x6000  }
0x2d3: {  	[sflag:s8] =	ssyncset.done $0x0  }
0x2d4: {  	s29 =	rddreg [dreg:$0x10];
	[sflag:s8] =	ssyncadd.s32 $0xFFFFA000  }
0x2d5: {  	[hbm4b:s29+s2] =	stream.linear.scatter [tilespmem:s3], [sflag:$0x2], $0x6000, $0x38;
	[tilespmem:$0x1E800] =	vst v63  }
0x2d6: {  	_ =	swait.ge [sflag:s8], $0x6000  }
0x2d7: {  	[sflag:s8] =	ssyncset.done $0x0  }
0x2d8: {  	s30 =	rddreg [dreg:$0x11];
	[sflag:s8] =	ssyncadd.s32 $0xFFFFA000  }
0x2d9: {  	[hbm4b:s30+s2] =	stream.linear.scatter [tilespmem:s9], [sflag:$0x2], $0x6000, $0x38;
	[tilespmem:$0x1E800] =	vst v63  }
0x2da: {  	_ =	swait.ge [sflag:s8], $0x6000  }
0x2db: {  	[sflag:s8] =	ssyncset.done $0x0  }
0x2dc: {  	s31 =	rddreg [dreg:$0x12];
	[sflag:s8] =	ssyncadd.s32 $0xFFFFA000  }
0x2dd: {  	[hbm4b:s31+s2] =	stream.linear.scatter [tilespmem:s1], [sflag:$0x2], $0x6000, $0x38;
	[tilespmem:$0x1E800] =	vst v63  }
0x2de: {  	_ =	swait.ge [sflag:s25], $0x6000  }
0x2df: {  	[sflag:s25] =	ssyncset.done $0x0  }
0x2e0: {  	[sflag:s25] =	ssyncadd.s32 $0xFFFFA000  }
0x2e1: {  	_ =	swait.ge [sflag:s25], $0x6000  }
0x2e2: {  	[sflag:s25] =	ssyncset.done $0x0  }
0x2e3: {  	[sflag:s25] =	ssyncadd.s32 $0xFFFFA000  }
0x2e4: {  	_ =	swait.ge [sflag:s25], $0x6000  }
0x2e5: {  	[sflag:s25] =	ssyncset.done $0x0  }
0x2e6: {  	[sflag:s25] =	ssyncadd.s32 $0xFFFFA000  }
0x2e7: {  	p0 =	sne.s32 s7, $0x1;
	_ =	swait.ge [sflag:s25], $0x6000  }
.Ltmp0:
0x2e8: {  	[sflag:s25] =	ssyncset.done $0x0;
	(pc) =	sbr.rel @p0 .LBB2_1-.Ltmp0, $4  }
0x2e9: {  	[sflag:s25] =	ssyncadd.s32 $0xFFFFA000  }
0x2ea: {  	_ =	swait.ge [sflag:s25], $0x6000  }
0x2eb: {  	[sflag:s25] =	ssyncset.done $0x0  }
0x2ec: {  	s7 =	sadd.s32 $0xFFFFFFFF, s7;
	[sflag:s25] =	ssyncadd.s32 $0xFFFFA000  }
0x2ed: {  	_ =	sfence.sel $0x180000  }
0x2ee: {  	[bflag:$0x0] =	sbarrier.arrive $0xFFFF  }
0x2ef: {  	_ =	strace $0x9000004A  }
0x2f0: {  	s0 =	stileid.u32;
	[bflag:$0x2] =	sbarrier.arrive $0xFFFF  }
0x2f1: {  	p0 =	sne.s32 s0, $0x0;
	s0 =	rddreg [dreg:$0x2]  }
0x2f2: {  	s0 =	sadd.s32 @!p0 $0x100000, s0  }
0x2f3: {  	[sflag:s0] =	ssyncadd.tile.s32 @!p0 $0x1;
	_ =	shalt  }
.Lfunc_end2:
_tile_overlayer_lowered:
.L_overlay_start_2:
0x2f4: {  	(tag) =	ssettag $0x2  }
0x2f5: {  	s0 =	rddreg [dreg:$0x0];
	s2 =	stileid.u32  }
0x2f6: {  	s1 =	rddreg [dreg:$0x1];
	p0 =	sne.s32 s2, $0x0  }
0x2f7: {  	s3 =	rddreg [dreg:$0x2];
	[bflag:$0x3] =	sbarrier.arrive $0xFFFF;
	s2 =	simm.s32 @!p0 $0x1C03  }
0x2f8: {  	[timem:s3], [sflag:s2] =	dma.local @!p0 [hbm:s0], s1  }
0x2f9: {  	s0 =	simm.s32 @!p0 $0x3  }
0x2fa: {  	_ =	swait.ge @!p0 [sflag:s0], s1  }
0x2fb: {  	s1 =	ssub.s32 @!p0 $0x0, s1;
	[sflag:s0] =	ssyncset.done @!p0 $0x0  }
0x2fc: {  	[sflag:s0] =	ssyncadd.s32 @!p0 s1  }
0x2fd: {  	[bflag:$0x3] =	sbarrier.arrive $0xFFFF  }
0x2fe: {  	_ =	shalt  }

</sc_bundles>
